<compile_context>
chip_gen: v7x
topology: tpu7x:2x2x1
jax: 0.10.2.dev20260603
libtpu: 0.0.44.dev20260713+nightly
codegen_flags: <defaults>
</compile_context>

<pallas_src>
import functools

import jax
import jax.numpy as jnp
from jax import lax
from jax.experimental import pallas as pl
from jax.experimental.pallas import tpu as pltpu
from jax.experimental.pallas import tpu_sc as plsc

K = 16
C = 896
RK = 128
RS = 256
RM = 128
PAD_B = 1 << 20
IBIG = 1 << 30
BIGV = 3.0e38

_PC = pl.pallas_call
_HIGH = lax.Precision.DEFAULT


def _dot(a, b):
    return lax.dot_general(a, b, (((1,), (0,)), ((), ())),
                           precision=_HIGH,
                           preferred_element_type=jnp.float32)



def _mm_body(x_ref, w_ref, o1_ref, o2_ref):
    d = o2_ref.shape[-1]
    y = _dot(x_ref[...], w_ref[...])
    o1_ref[...] = y[:, :2 * d]
    o2_ref[...] = y[:, 2 * d:]


def _stage1(xp, wct):
    np_, d = xp.shape
    return _PC(
        _mm_body,
        grid=(np_ // RS,),
        in_specs=[
            pl.BlockSpec((RS, d), lambda i: (i, 0)),
            pl.BlockSpec(wct.shape, lambda i: (0, 0)),
        ],
        out_specs=[
            pl.BlockSpec((RS, 2 * d), lambda i: (i, 0)),
            pl.BlockSpec((RS, d), lambda i: (i, 0)),
        ],
        out_shape=[
            jax.ShapeDtypeStruct((np_, 2 * d), jnp.float32),
            jax.ShapeDtypeStruct((np_, d), jnp.float32),
        ],
    )(xp, wct)



def _knn_body(c, i0, lo_ref, nt_ref, posr_ref, prow_ref, batr_ref, brow_ref,
              nbrT_ref, vbuf, ibuf):
    i = i0 + pl.program_id(0)
    np_ = posr_ref.shape[0]
    lo = lo_ref[pl.program_id(0)]
    nt = nt_ref[pl.program_id(0)]
    vbuf[0:K, :] = jnp.full((K, RK), jnp.inf, jnp.float32)
    ibuf[...] = jnp.full((K, RK), IBIG, jnp.int32)
    brow = brow_ref[...]
    row_gid = i * RK + lax.broadcasted_iota(jnp.int32, (1, RK), 1)

    def tile_body(j, _):
        start = pl.multiple_of(jnp.minimum(lo + j * c, np_ - c), 8)
        bc = batr_ref[pl.ds(start, c), 0:1]
        d2 = jnp.zeros((c, RK), jnp.float32)
        for d in range(3):
            diff = posr_ref[pl.ds(start, c), d:d + 1] - prow_ref[d:d + 1, :]
            d2 = d2 + diff * diff
        cand_gid = start + lax.broadcasted_iota(jnp.int32, (c, 1), 0)
        bad = (bc != brow) | (cand_gid == row_gid)
        vt = jnp.where(bad, BIGV, d2)
        vb = vbuf[0:K, :]
        ib = ibuf[...]
        ms, sels = [], []
        for _t in range(K):
            m = jnp.minimum(jnp.min(vt, axis=0, keepdims=True),
                            jnp.min(vb, axis=0, keepdims=True))
            selt = jnp.min(jnp.where(vt == m, cand_gid, IBIG), axis=0,
                           keepdims=True)
            selb = jnp.min(jnp.where(vb == m, ib, IBIG), axis=0,
                           keepdims=True)
            sel = jnp.minimum(selb, selt)
            vt = jnp.where((vt == m) & (cand_gid == sel), jnp.inf, vt)
            vb = jnp.where((vb == m) & (ib == sel), jnp.inf, vb)
            ms.append(m)
            sels.append(sel)
        vbuf[0:K, :] = jnp.concatenate(ms, axis=0)
        ibuf[...] = jnp.concatenate(sels, axis=0)
        return 0

    lax.fori_loop(0, nt, tile_body, 0)
    nbrT_ref[...] = ibuf[...]


def _knn(posr, posc, batr, batc, lo_a, nt, i0, nbh):
    np_ = posr.shape[0]
    c = min(C, np_)
    return _PC(
        functools.partial(_knn_body, c, i0),
        grid=(nbh,),
        in_specs=[
            pl.BlockSpec(memory_space=pltpu.SMEM),
            pl.BlockSpec(memory_space=pltpu.SMEM),
            pl.BlockSpec((np_, 4), lambda i: (0, 0)),
            pl.BlockSpec((4, RK), lambda i: (0, i0 + i)),
            pl.BlockSpec((np_, 1), lambda i: (0, 0)),
            pl.BlockSpec((1, RK), lambda i: (0, i0 + i)),
        ],
        out_specs=pl.BlockSpec((K, RK), lambda i: (0, i)),
        out_shape=jax.ShapeDtypeStruct((K, nbh * RK), jnp.int32),
        scratch_shapes=[
            pltpu.VMEM((K, RK), jnp.float32),
            pltpu.VMEM((K, RK), jnp.int32),
        ],
    )(lo_a, nt, posr, posc, batr, batc)



def _gather(b_arr, idx_flat):
    ne = idx_flat.shape[0]
    d = b_arr.shape[1]
    nw = 32
    epw = ne // nw
    ch = min(256, epw)
    mesh = plsc.VectorSubcoreMesh(core_axis_name="c", subcore_axis_name="s")

    @functools.partial(
        pl.kernel,
        mesh=mesh,
        out_type=jax.ShapeDtypeStruct((ne, d), jnp.float32),
        scratch_types=[
            pltpu.VMEM((ch,), jnp.int32),
            pltpu.VMEM((ch, d), jnp.float32),
            pltpu.SemaphoreType.DMA,
        ],
    )
    def k(b_hbm, idx_hbm, out_hbm, idx_v, rows_v, sem):
        wid = lax.axis_index("s") * 2 + lax.axis_index("c")
        base = wid * epw

        @pl.loop(0, epw // ch)
        def _(c):
            off = base + c * ch
            pltpu.sync_copy(idx_hbm.at[pl.ds(off, ch)], idx_v)
            pltpu.async_copy(b_hbm.at[idx_v], rows_v, sem).wait()
            pltpu.sync_copy(rows_v, out_hbm.at[pl.ds(off, ch)])

    return k(b_arr, idx_flat)



def _mlp_body(y_ref, e_ref, w2t_ref, b1_ref, b2_ref, bn_ref, o_ref):
    d = o_ref.shape[-1]
    nk = e_ref.shape[0]
    a = y_ref[:, :d] + b1_ref[...]
    acc = jnp.full((RM, d), -jnp.inf, jnp.float32)
    for k in range(nk):
        h = jnp.maximum(a + e_ref[k], 0.0)
        acc = jnp.maximum(acc, _dot(h, w2t_ref[...]))
    o_ref[...] = acc + b2_ref[...] + y_ref[:, d:] + bn_ref[...]


def _mlp(y1h, e_km, w2t, b1, b2, bn):
    nph, d2w = y1h.shape
    d = d2w // 2
    nk = e_km.shape[0]
    full = lambda *s: pl.BlockSpec(s, lambda i: (0,) * len(s))
    return _PC(
        _mlp_body,
        grid=(nph // RM,),
        in_specs=[
            pl.BlockSpec((RM, 2 * d), lambda i: (i, 0)),
            pl.BlockSpec((nk, RM, d), lambda i: (0, i, 0)),
            full(d, d), full(1, d), full(1, d), full(1, d),
        ],
        out_specs=pl.BlockSpec((RM, d), lambda i: (i, 0)),
        out_shape=jax.ShapeDtypeStruct((nph, d), jnp.float32),
    )(y1h, e_km, w2t, b1, b2, bn)



def kernel(x, pos, batch, W1, b1, W2, b2, Wn, bn):
    n, d = x.shape
    np_ = -(-n // RS) * RS
    pad = np_ - n

    xp = jnp.pad(x, ((0, pad), (0, 0)))
    posr = jnp.pad(pos, ((0, pad), (0, 1)))
    posc = posr.T
    batp = jnp.pad(batch.astype(jnp.int32), (0, pad), constant_values=PAD_B)
    batr = batp[:, None]
    batc = batp[None, :]

    iota = jnp.arange(np_, dtype=jnp.int32)
    first = jnp.concatenate([jnp.ones((1,), bool), batp[1:] != batp[:-1]])
    last = jnp.concatenate([batp[1:] != batp[:-1], jnp.ones((1,), bool)])
    ss = lax.cummax(jnp.where(first, iota, 0))
    le = lax.cummin(jnp.where(last, iota, np_)[::-1])[::-1]
    se = le + 1
    sizes = (se - ss).reshape(np_ // RK, RK)
    widen = jnp.min(sizes, axis=1) < (K + 1)
    lo = ss.reshape(np_ // RK, RK)[:, 0]
    hi = se.reshape(np_ // RK, RK)[:, -1]
    c_eff = min(C, np_)
    lo_a = jnp.where(widen, 0, (lo // 8) * 8).astype(jnp.int32)
    hi_w = jnp.where(widen, np_, hi)
    nt = ((hi_w - lo_a + c_eff - 1) // c_eff).astype(jnp.int32)

    w1a = W1[:, :d]
    w1b = W1[:, d:]
    wct = jnp.concatenate([(w1a - w1b).T, Wn.T, w1b.T], axis=1)

    y1, b_arr = _stage1(xp, wct)

    nhalves = 2
    nbh = np_ // RK // nhalves
    nph = nbh * RK
    w2t = W2.T
    b1r, b2r, bnr = b1[None, :], b2[None, :], bn[None, :]
    outs = []
    for h in range(nhalves):
        sl = slice(h * nbh, (h + 1) * nbh)
        nbrT_h = _knn(posr, posc, batr, batc, lo_a[sl], nt[sl],
                      h * nbh, nbh)
        e_h = _gather(b_arr, nbrT_h.reshape(-1)).reshape(K, nph, d)
        outs.append(_mlp(y1[h * nph:(h + 1) * nph], e_h, w2t, b1r, b2r, bnr))
    out = jnp.concatenate(outs, axis=0)
    return out[:n]

# --- scband reference (transcript-rebuilt; emitter-appended) ---
"""Pipeline reference for scband-dynamic-edge-conv-pn-6038724018830 (READ-ONLY COPY).

The authoritative reference and input builder live on the scoring server;
editing this copy changes nothing except your own understanding.
"""

import jax, jax.numpy as jnp
import numpy as np

K = 16
N = 10000
D = 256
NB = 16


def knn_idx(pos, batch, k):
    n = pos.shape[0]
    chunk = 1000
    outs = []
    for s in range(0, n, chunk):
        p = pos[s:s + chunk]
        b = batch[s:s + chunk]
        d2 = jnp.sum((p[:, None, :] - pos[None, :, :]) ** 2, axis=-1)
        cross = b[:, None] != batch[None, :]
        selfm = (jnp.arange(s, s + p.shape[0])[:, None] == jnp.arange(n)[None, :])
        d2 = jnp.where(cross | selfm, jnp.inf, d2)
        _, nbr = jax.lax.top_k(-d2, k)
        outs.append(nbr)
    return jnp.concatenate(outs, axis=0)


def setup_inputs(seed: int = 0) -> dict:
    key = jax.random.key(seed)
    ks = jax.random.split(key, 10)
    x = jax.random.normal(ks[0], (N, D), dtype=jnp.float32)
    pos = jax.random.normal(ks[1], (N, 3), dtype=jnp.float32)
    batch = jnp.sort(jax.random.randint(ks[2], (N,), 0, NB)).astype(jnp.int64)
    W1 = jax.random.normal(ks[3], (256, 2 * D), dtype=jnp.float32) * 0.02
    b1 = jnp.zeros((256,), dtype=jnp.float32)
    W2 = jax.random.normal(ks[4], (256, 256), dtype=jnp.float32) * 0.02
    b2 = jnp.zeros((256,), dtype=jnp.float32)
    Wn = jax.random.normal(ks[5], (256, D), dtype=jnp.float32) * 0.02
    bn = jnp.zeros((256,), dtype=jnp.float32)
    return {"x": x, "pos": pos, "batch": batch, "W1": W1, "b1": b1, "W2": W2, "b2": b2, "Wn": Wn, "bn": bn}


def reference(x, pos, batch, W1, b1, W2, b2, Wn, bn):
    # knn_graph on pos, flow='source_to_target': neighbors j are sources, node i is target
    nbr = knn_idx(pos, batch, K)  # [N, K]
    x_i = x[:, None, :]                      # target features [N,1,D]
    x_j = jnp.take(x, nbr, axis=0)           # source (neighbor) features [N,K,D]
    feat = jnp.concatenate([jnp.broadcast_to(x_i, x_j.shape), x_j - x_i], axis=-1)  # [N,K,2D]
    h = jax.nn.relu(feat @ W1.T + b1)        # edge_nn layer 1
    msg = h @ W2.T + b2                      # edge_nn layer 2
    edge_out = jnp.max(msg, axis=1)          # aggr='max' over incoming edges
    x_out = x @ Wn.T + bn                    # self nn
    return edge_out + x_out

if __name__ == "__main__":
    import jax
    _d = setup_inputs()
    print(jax.jit(kernel)(*tuple(_d.values())))

</pallas_src>

<mosaic_0001>
#map = affine_map<(d0, d1) -> (0, 0)>
#map1 = affine_map<(d0, d1) -> (0)>
module attributes {stable_mosaic.version = 14 : i64} {
  func.func @k(%arg0: i32, %arg1: i32, %arg2: memref<10240x256xf32, #tpu.memory_space<hbm>>, %arg3: memref<81920xi32, #tpu.memory_space<hbm>>, %arg4: memref<81920x256xf32, #tpu.memory_space<hbm>>, %arg5: memref<256xi32, #tpu.memory_space<vmem>>, %arg6: memref<256x256xf32, #tpu.memory_space<vmem>>, %arg7: memref<!tpu.dma_semaphore, #tpu.memory_space<semaphore_mem>>) attributes {dimension_semantics = [#tpu.dimension_semantics<core_parallel>, #tpu.dimension_semantics<subcore_parallel>], iteration_bounds = array<i64: 2, 16>, scalar_prefetch = 0 : i64, scratch_operands = 3 : i64, tpu.core_type = #tpu.core_type<sc_vector_subcore>, window_params = [{transform_indices = #map}, {transform_indices = #map1}, {transform_indices = #map}]} {
    %mul3A = arith.constant 2 : i32
    %mul3A_0 = arith.muli %arg1, %mul3A : i32
    %add3A = arith.addi %mul3A_0, %arg0 : i32
    %mul3A_1 = arith.constant 2560 : i32
    %mul3A_2 = arith.muli %add3A, %mul3A_1 : i32
    %scan3A = arith.constant 0 : i32
    %scan3A_3 = arith.constant 10 : i32
    %scan3A_4 = arith.addi %scan3A, %scan3A_3 : i32
    %scan3A_5 = arith.constant 1 : i32
    scf.for %scan3A_7 = %scan3A to %scan3A_4 step %scan3A_5  : i32 {
      %mul3A_8 = arith.constant 1 : i32
      %mul3A_9 = arith.muli %scan3A_7, %mul3A_8 : i32
      %add3A_10 = arith.constant 0 : i32
      %add3A_11 = arith.addi %add3A_10, %mul3A_9 : i32
      %mul3A_12 = arith.constant 256 : i32
      %mul3A_13 = arith.muli %add3A_11, %mul3A_12 : i32
      %add3A_14 = arith.addi %mul3A_2, %mul3A_13 : i32
      "tpu.region"() ({
        %run_scoped3A = tpu.sem_alloc : memref<!tpu.dma_semaphore, #tpu.memory_space<semaphore_mem>>
        %dma_start3A_19 = tpu.memref_slice %arg3[%add3A_14] : memref<81920xi32, #tpu.memory_space<hbm>> -> memref<256xi32, #tpu.memory_space<hbm>>
        %dma_start3A_20 = tpu.memref_slice %arg3[%add3A_14] : memref<81920xi32, #tpu.memory_space<hbm>> -> memref<256xi32, #tpu.memory_space<hbm>>
        tpu.enqueue_dma source(%dma_start3A_20 : memref<256xi32, #tpu.memory_space<hbm>>) target(%arg5 : memref<256xi32, #tpu.memory_space<vmem>>) target_semaphore(%run_scoped3A : memref<!tpu.dma_semaphore, #tpu.memory_space<semaphore_mem>>)
        %dma_wait3A_21 = tpu.memref_slice %arg3[%add3A_14] : memref<81920xi32, #tpu.memory_space<hbm>> -> memref<256xi32, #tpu.memory_space<hbm>>
        %dma_wait3A_22 = tpu.memref_slice %arg3[%add3A_14] : memref<81920xi32, #tpu.memory_space<hbm>> -> memref<256xi32, #tpu.memory_space<hbm>>
        tpu.wait_dma2 semaphore(%run_scoped3A : memref<!tpu.dma_semaphore, #tpu.memory_space<semaphore_mem>>) src(%dma_wait3A_22 : memref<256xi32, #tpu.memory_space<hbm>>) dst(%arg5 : memref<256xi32, #tpu.memory_space<vmem>>)
        tpu.yield
      }) : () -> ()
      %dma_start3A = arith.constant 0 : i32
      %dma_start3A_15 = arith.constant 0 : i32
      %dma_start3A_16 = tpu.memref_slice %arg2[%dma_start3A, %dma_start3A_15] : memref<10240x256xf32, #tpu.memory_space<hbm>> -> memref<10240x256xf32, #tpu.memory_space<hbm>>
      tpu.enqueue_indirect_dma source(%dma_start3A_16 : memref<10240x256xf32, #tpu.memory_space<hbm>>) target(%arg6 : memref<256x256xf32, #tpu.memory_space<vmem>>) offsets(%arg5 : memref<256xi32, #tpu.memory_space<vmem>>) semaphore(%arg7 : memref<!tpu.dma_semaphore, #tpu.memory_space<semaphore_mem>>)
      %dma_wait3A = arith.constant 0 : i32
      %dma_wait3A_17 = arith.constant 0 : i32
      %dma_wait3A_18 = tpu.memref_slice %arg2[%dma_wait3A, %dma_wait3A_17] : memref<10240x256xf32, #tpu.memory_space<hbm>> -> memref<10240x256xf32, #tpu.memory_space<hbm>>
      tpu.wait_indirect_dma semaphore(%arg7 : memref<!tpu.dma_semaphore, #tpu.memory_space<semaphore_mem>>) src(%dma_wait3A_18 : memref<10240x256xf32, #tpu.memory_space<hbm>>) dst(%arg6 : memref<256x256xf32, #tpu.memory_space<vmem>>)
      "tpu.region"() ({
        %run_scoped3A = tpu.sem_alloc : memref<!tpu.dma_semaphore, #tpu.memory_space<semaphore_mem>>
        %dma_start3A_19 = arith.constant 0 : i32
        %dma_start3A_20 = tpu.memref_slice %arg4[%add3A_14, %dma_start3A_19] : memref<81920x256xf32, #tpu.memory_space<hbm>> -> memref<256x256xf32, #tpu.memory_space<hbm>>
        %dma_start3A_21 = arith.constant 0 : i32
        %dma_start3A_22 = tpu.memref_slice %arg4[%add3A_14, %dma_start3A_21] : memref<81920x256xf32, #tpu.memory_space<hbm>> -> memref<256x256xf32, #tpu.memory_space<hbm>>
        tpu.enqueue_dma source(%arg6 : memref<256x256xf32, #tpu.memory_space<vmem>>) target(%dma_start3A_22 : memref<256x256xf32, #tpu.memory_space<hbm>>) target_semaphore(%run_scoped3A : memref<!tpu.dma_semaphore, #tpu.memory_space<semaphore_mem>>)
        %dma_wait3A_23 = arith.constant 0 : i32
        %dma_wait3A_24 = tpu.memref_slice %arg4[%add3A_14, %dma_wait3A_23] : memref<81920x256xf32, #tpu.memory_space<hbm>> -> memref<256x256xf32, #tpu.memory_space<hbm>>
        %dma_wait3A_25 = arith.constant 0 : i32
        %dma_wait3A_26 = tpu.memref_slice %arg4[%add3A_14, %dma_wait3A_25] : memref<81920x256xf32, #tpu.memory_space<hbm>> -> memref<256x256xf32, #tpu.memory_space<hbm>>
        tpu.wait_dma2 semaphore(%run_scoped3A : memref<!tpu.dma_semaphore, #tpu.memory_space<semaphore_mem>>) src(%arg6 : memref<256x256xf32, #tpu.memory_space<vmem>>) dst(%dma_wait3A_26 : memref<256x256xf32, #tpu.memory_space<hbm>>)
        tpu.yield
      }) : () -> ()
    }
    %scan3A_6 = arith.constant 10 : i32
    return
  }
}

#map = affine_map<(d0, d1) -> (0, 0)>
#map1 = affine_map<(d0, d1) -> (0)>
module attributes {stable_mosaic.version = 14 : i64} {
  func.func @k(%arg0: i32, %arg1: i32, %arg2: memref<10240x256xf32, #tpu.memory_space<hbm>>, %arg3: memref<81920xi32, #tpu.memory_space<hbm>>, %arg4: memref<81920x256xf32, #tpu.memory_space<hbm>>, %arg5: memref<256xi32, #tpu.memory_space<vmem>>, %arg6: memref<256x256xf32, #tpu.memory_space<vmem>>, %arg7: memref<!tpu.dma_semaphore, #tpu.memory_space<semaphore_mem>>) attributes {dimension_semantics = [#tpu.dimension_semantics<core_parallel>, #tpu.dimension_semantics<subcore_parallel>], iteration_bounds = array<i64: 2, 16>, scalar_prefetch = 0 : i64, scratch_operands = 3 : i64, tpu.core_type = #tpu.core_type<sc_vector_subcore>, window_params = [{transform_indices = #map}, {transform_indices = #map1}, {transform_indices = #map}]} {
    %mul3A = arith.constant 2 : i32
    %mul3A_0 = arith.muli %arg1, %mul3A : i32
    %add3A = arith.addi %mul3A_0, %arg0 : i32
    %mul3A_1 = arith.constant 2560 : i32
    %mul3A_2 = arith.muli %add3A, %mul3A_1 : i32
    %scan3A = arith.constant 0 : i32
    %scan3A_3 = arith.constant 10 : i32
    %scan3A_4 = arith.addi %scan3A, %scan3A_3 : i32
    %scan3A_5 = arith.constant 1 : i32
    scf.for %scan3A_7 = %scan3A to %scan3A_4 step %scan3A_5  : i32 {
      %mul3A_8 = arith.constant 1 : i32
      %mul3A_9 = arith.muli %scan3A_7, %mul3A_8 : i32
      %add3A_10 = arith.constant 0 : i32
      %add3A_11 = arith.addi %add3A_10, %mul3A_9 : i32
      %mul3A_12 = arith.constant 256 : i32
      %mul3A_13 = arith.muli %add3A_11, %mul3A_12 : i32
      %add3A_14 = arith.addi %mul3A_2, %mul3A_13 : i32
      "tpu.region"() ({
        %run_scoped3A = tpu.sem_alloc : memref<!tpu.dma_semaphore, #tpu.memory_space<semaphore_mem>>
        %dma_start3A_19 = tpu.memref_slice %arg3[%add3A_14] : memref<81920xi32, #tpu.memory_space<hbm>> -> memref<256xi32, #tpu.memory_space<hbm>>
        %dma_start3A_20 = tpu.memref_slice %arg3[%add3A_14] : memref<81920xi32, #tpu.memory_space<hbm>> -> memref<256xi32, #tpu.memory_space<hbm>>
        tpu.enqueue_dma source(%dma_start3A_20 : memref<256xi32, #tpu.memory_space<hbm>>) target(%arg5 : memref<256xi32, #tpu.memory_space<vmem>>) target_semaphore(%run_scoped3A : memref<!tpu.dma_semaphore, #tpu.memory_space<semaphore_mem>>)
        %dma_wait3A_21 = tpu.memref_slice %arg3[%add3A_14] : memref<81920xi32, #tpu.memory_space<hbm>> -> memref<256xi32, #tpu.memory_space<hbm>>
        %dma_wait3A_22 = tpu.memref_slice %arg3[%add3A_14] : memref<81920xi32, #tpu.memory_space<hbm>> -> memref<256xi32, #tpu.memory_space<hbm>>
        tpu.wait_dma2 semaphore(%run_scoped3A : memref<!tpu.dma_semaphore, #tpu.memory_space<semaphore_mem>>) src(%dma_wait3A_22 : memref<256xi32, #tpu.memory_space<hbm>>) dst(%arg5 : memref<256xi32, #tpu.memory_space<vmem>>)
        tpu.yield
      }) : () -> ()
      %dma_start3A = arith.constant 0 : i32
      %dma_start3A_15 = arith.constant 0 : i32
      %dma_start3A_16 = tpu.memref_slice %arg2[%dma_start3A, %dma_start3A_15] : memref<10240x256xf32, #tpu.memory_space<hbm>> -> memref<10240x256xf32, #tpu.memory_space<hbm>>
      tpu.enqueue_indirect_dma source(%dma_start3A_16 : memref<10240x256xf32, #tpu.memory_space<hbm>>) target(%arg6 : memref<256x256xf32, #tpu.memory_space<vmem>>) offsets(%arg5 : memref<256xi32, #tpu.memory_space<vmem>>) semaphore(%arg7 : memref<!tpu.dma_semaphore, #tpu.memory_space<semaphore_mem>>)
      %dma_wait3A = arith.constant 0 : i32
      %dma_wait3A_17 = arith.constant 0 : i32
      %dma_wait3A_18 = tpu.memref_slice %arg2[%dma_wait3A, %dma_wait3A_17] : memref<10240x256xf32, #tpu.memory_space<hbm>> -> memref<10240x256xf32, #tpu.memory_space<hbm>>
      tpu.wait_indirect_dma semaphore(%arg7 : memref<!tpu.dma_semaphore, #tpu.memory_space<semaphore_mem>>) src(%dma_wait3A_18 : memref<10240x256xf32, #tpu.memory_space<hbm>>) dst(%arg6 : memref<256x256xf32, #tpu.memory_space<vmem>>)
      "tpu.region"() ({
        %run_scoped3A = tpu.sem_alloc : memref<!tpu.dma_semaphore, #tpu.memory_space<semaphore_mem>>
        %dma_start3A_19 = arith.constant 0 : i32
        %dma_start3A_20 = tpu.memref_slice %arg4[%add3A_14, %dma_start3A_19] : memref<81920x256xf32, #tpu.memory_space<hbm>> -> memref<256x256xf32, #tpu.memory_space<hbm>>
        %dma_start3A_21 = arith.constant 0 : i32
        %dma_start3A_22 = tpu.memref_slice %arg4[%add3A_14, %dma_start3A_21] : memref<81920x256xf32, #tpu.memory_space<hbm>> -> memref<256x256xf32, #tpu.memory_space<hbm>>
        tpu.enqueue_dma source(%arg6 : memref<256x256xf32, #tpu.memory_space<vmem>>) target(%dma_start3A_22 : memref<256x256xf32, #tpu.memory_space<hbm>>) target_semaphore(%run_scoped3A : memref<!tpu.dma_semaphore, #tpu.memory_space<semaphore_mem>>)
        %dma_wait3A_23 = arith.constant 0 : i32
        %dma_wait3A_24 = tpu.memref_slice %arg4[%add3A_14, %dma_wait3A_23] : memref<81920x256xf32, #tpu.memory_space<hbm>> -> memref<256x256xf32, #tpu.memory_space<hbm>>
        %dma_wait3A_25 = arith.constant 0 : i32
        %dma_wait3A_26 = tpu.memref_slice %arg4[%add3A_14, %dma_wait3A_25] : memref<81920x256xf32, #tpu.memory_space<hbm>> -> memref<256x256xf32, #tpu.memory_space<hbm>>
        tpu.wait_dma2 semaphore(%run_scoped3A : memref<!tpu.dma_semaphore, #tpu.memory_space<semaphore_mem>>) src(%arg6 : memref<256x256xf32, #tpu.memory_space<vmem>>) dst(%dma_wait3A_26 : memref<256x256xf32, #tpu.memory_space<hbm>>)
        tpu.yield
      }) : () -> ()
    }
    %scan3A_6 = arith.constant 10 : i32
    return
  }
}

module attributes {stable_mosaic.version = 14 : i64} {
  func.func @_knn_body(%arg0: i32, %arg1: memref<40xi32, #tpu.memory_space<smem>>, %arg2: memref<40xi32, #tpu.memory_space<smem>>, %arg3: memref<10240x4xf32, #tpu.memory_space<vmem>>, %arg4: memref<4x128xf32, #tpu.memory_space<vmem>>, %arg5: memref<10240x1xi32, #tpu.memory_space<vmem>>, %arg6: memref<1x128xi32, #tpu.memory_space<vmem>>, %arg7: memref<16x128xi32, #tpu.memory_space<vmem>>, %arg8: memref<16x128xf32, #tpu.memory_space<vmem>>, %arg9: memref<16x128xi32, #tpu.memory_space<vmem>>) attributes {dimension_semantics = [#tpu.dimension_semantics<arbitrary>], iteration_bounds = array<i64: 40>, scalar_prefetch = 0 : i64, scratch_operands = 2 : i64, tpu.core_type = #tpu.core_type<tc>, window_params = [{transform_indices = @transform_0, window_bounds = array<i64: 40>}, {transform_indices = @transform_1, window_bounds = array<i64: 40>}, {pipeline_mode = #tpu.pipeline_mode<synchronous>, transform_indices = @transform_2, window_bounds = array<i64: 10240, 4>}, {transform_indices = @transform_3, window_bounds = array<i64: 4, 128>}, {pipeline_mode = #tpu.pipeline_mode<synchronous>, transform_indices = @transform_4, window_bounds = array<i64: 10240, 1>}, {transform_indices = @transform_5, window_bounds = array<i64: 1, 128>}, {transform_indices = @transform_6, window_bounds = array<i64: 16, 128>}]} {
    %add3A = arith.constant 40 : i32
    %add3A_0 = arith.addi %add3A, %arg0 : i32
    %get3A = arith.index_cast %arg0 : i32 to index
    %get3A_1 = memref.load %arg1[%get3A] : memref<40xi32, #tpu.memory_space<smem>>
    %get3A_2 = arith.index_cast %arg0 : i32 to index
    %get3A_3 = memref.load %arg2[%get3A_2] : memref<40xi32, #tpu.memory_space<smem>>
    %broadcast_in_dim3A = arith.constant 0x7F800000 : f32
    %broadcast_in_dim3A_4 = vector.broadcast %broadcast_in_dim3A : f32 to vector<16x128xf32>
    %swap3A = arith.constant 0 : index
    %swap3A_5 = arith.constant 0 : index
    %swap3A_6 = vector.load %arg8[%swap3A, %swap3A_5] : memref<16x128xf32, #tpu.memory_space<vmem>>, vector<16x128xf32>
    tpu.vector_store %arg8[%swap3A, %swap3A_5], %broadcast_in_dim3A_4 {strides = array<i32>} : memref<16x128xf32, #tpu.memory_space<vmem>>, vector<16x128xf32>,
    %broadcast_in_dim3A_7 = arith.constant 1073741824 : i32
    %broadcast_in_dim3A_8 = vector.broadcast %broadcast_in_dim3A_7 : i32 to vector<16x128xi32>
    %swap3A_9 = arith.constant 0 : index
    %swap3A_10 = arith.constant 0 : index
    %swap3A_11 = vector.load %arg9[%swap3A_9, %swap3A_10] : memref<16x128xi32, #tpu.memory_space<vmem>>, vector<16x128xi32>
    tpu.vector_store %arg9[%swap3A_9, %swap3A_10], %broadcast_in_dim3A_8 {strides = array<i32>} : memref<16x128xi32, #tpu.memory_space<vmem>>, vector<16x128xi32>,
    %get3A_12 = arith.constant 0 : index
    %get3A_13 = arith.constant 0 : index
    %get3A_14 = vector.load %arg6[%get3A_12, %get3A_13] : memref<1x128xi32, #tpu.memory_space<vmem>>, vector<1x128xi32>
    %mul3A = arith.constant 128 : i32
    %mul3A_15 = arith.muli %add3A_0, %mul3A : i32
    %iota3A = tpu.iota {dimensions = array<i32: 1>} : vector<1x128xi32>
    %add3A_16 = vector.broadcast %mul3A_15 : i32 to vector<1x128xi32>
    %add3A_17 = arith.addi %add3A_16, %iota3A : vector<1x128xi32>
    %while3A = arith.constant 0 : i32
    %while3A_18 = arith.constant 0 : i32
    %while3A_19 = arith.subi %get3A_3, %while3A : i32
    %while3A_20 = arith.addi %while3A, %while3A_19 : i32
    %while3A_21 = arith.constant 1 : i32
    %while3A_22 = arith.divsi %while3A_19, %while3A_21 : i32
    %while3A_23 = arith.muli %while3A_22, %while3A_21 : i32
    %while3A_24 = arith.addi %while3A, %while3A_23 : i32
    %while3A_25 = arith.constant 1 : i32
    %while3A_26 = scf.for %while3A_35 = %while3A to %while3A_24 step %while3A_25 iter_args(%while3A_36 = %while3A_18) -> (i32)  : i32 {
      %mul3A_37 = arith.constant 896 : i32
      %mul3A_38 = arith.muli %while3A_35, %mul3A_37 : i32
      %add3A_39 = arith.addi %get3A_1, %mul3A_38 : i32
      %min3A = arith.constant 9344 : i32
      %min3A_40 = arith.minsi %add3A_39, %min3A : i32
      %multiple_of3A = tpu.assume_multiple %min3A_40, 8 : i32
      %get3A_41 = arith.index_cast %multiple_of3A : i32 to index
      %get3A_42 = arith.constant 0 : index
      %get3A_43 = vector.load %arg5[%get3A_41, %get3A_42] : memref<10240x1xi32, #tpu.memory_space<vmem>>, vector<896x1xi32>
      %broadcast_in_dim3A_44 = arith.constant 0.000000e+00 : f32
      %broadcast_in_dim3A_45 = vector.broadcast %broadcast_in_dim3A_44 : f32 to vector<896x128xf32>
      %get3A_46 = arith.index_cast %multiple_of3A : i32 to index
      %get3A_47 = arith.constant 0 : index
      %get3A_48 = vector.load %arg3[%get3A_46, %get3A_47] : memref<10240x4xf32, #tpu.memory_space<vmem>>, vector<896x1xf32>
      %get3A_49 = arith.constant 0 : index
      %get3A_50 = arith.constant 0 : index
      %get3A_51 = vector.load %arg4[%get3A_49, %get3A_50] : memref<4x128xf32, #tpu.memory_space<vmem>>, vector<1x128xf32>
      %sub3A = vector.broadcast %get3A_48 : vector<896x1xf32> to vector<896x128xf32>
      %sub3A_52 = vector.broadcast %get3A_51 : vector<1x128xf32> to vector<896x128xf32>
      %sub3A_53 = arith.subf %sub3A, %sub3A_52 : vector<896x128xf32>
      %mul3A_54 = arith.mulf %sub3A_53, %sub3A_53 : vector<896x128xf32>
      %add3A_55 = arith.addf %broadcast_in_dim3A_45, %mul3A_54 : vector<896x128xf32>
      %get3A_56 = arith.index_cast %multiple_of3A : i32 to index
      %get3A_57 = arith.constant 1 : index
      %get3A_58 = vector.load %arg3[%get3A_56, %get3A_57] : memref<10240x4xf32, #tpu.memory_space<vmem>>, vector<896x1xf32>
      %get3A_59 = arith.constant 1 : index
      %get3A_60 = arith.constant 0 : index
      %get3A_61 = vector.load %arg4[%get3A_59, %get3A_60] : memref<4x128xf32, #tpu.memory_space<vmem>>, vector<1x128xf32>
      %sub3A_62 = vector.broadcast %get3A_58 : vector<896x1xf32> to vector<896x128xf32>
      %sub3A_63 = vector.broadcast %get3A_61 : vector<1x128xf32> to vector<896x128xf32>
      %sub3A_64 = arith.subf %sub3A_62, %sub3A_63 : vector<896x128xf32>
      %mul3A_65 = arith.mulf %sub3A_64, %sub3A_64 : vector<896x128xf32>
      %add3A_66 = arith.addf %add3A_55, %mul3A_65 : vector<896x128xf32>
      %get3A_67 = arith.index_cast %multiple_of3A : i32 to index
      %get3A_68 = arith.constant 2 : index
      %get3A_69 = vector.load %arg3[%get3A_67, %get3A_68] : memref<10240x4xf32, #tpu.memory_space<vmem>>, vector<896x1xf32>
      %get3A_70 = arith.constant 2 : index
      %get3A_71 = arith.constant 0 : index
      %get3A_72 = vector.load %arg4[%get3A_70, %get3A_71] : memref<4x128xf32, #tpu.memory_space<vmem>>, vector<1x128xf32>
      %sub3A_73 = vector.broadcast %get3A_69 : vector<896x1xf32> to vector<896x128xf32>
      %sub3A_74 = vector.broadcast %get3A_72 : vector<1x128xf32> to vector<896x128xf32>
      %sub3A_75 = arith.subf %sub3A_73, %sub3A_74 : vector<896x128xf32>
      %mul3A_76 = arith.mulf %sub3A_75, %sub3A_75 : vector<896x128xf32>
      %add3A_77 = arith.addf %add3A_66, %mul3A_76 : vector<896x128xf32>
      %iota3A_78 = tpu.iota {dimensions = array<i32: 0>} : vector<896x1xi32>
      %add3A_79 = vector.broadcast %multiple_of3A : i32 to vector<896x1xi32>
      %add3A_80 = arith.addi %add3A_79, %iota3A_78 : vector<896x1xi32>
      %ne3A = vector.broadcast %get3A_43 : vector<896x1xi32> to vector<896x128xi32>
      %ne3A_81 = vector.broadcast %get3A_14 : vector<1x128xi32> to vector<896x128xi32>
      %ne3A_82 = arith.cmpi ne, %ne3A, %ne3A_81 : vector<896x128xi32>
      %eq3A = vector.broadcast %add3A_80 : vector<896x1xi32> to vector<896x128xi32>
      %eq3A_83 = vector.broadcast %add3A_17 : vector<1x128xi32> to vector<896x128xi32>
      %eq3A_84 = arith.cmpi eq, %eq3A, %eq3A_83 : vector<896x128xi32>
      %or3A = arith.ori %ne3A_82, %eq3A_84 : vector<896x128xi1>
      %jit3A = arith.constant 3.000000e+38 : f32
      %broadcast_in_dim3A_85 = vector.broadcast %jit3A : f32 to vector<896x128xf32>
      %select_n3A = arith.select %or3A, %broadcast_in_dim3A_85, %add3A_77 : vector<896x128xi1>, vector<896x128xf32>
      %get3A_86 = arith.constant 0 : index
      %get3A_87 = arith.constant 0 : index
      %get3A_88 = vector.load %arg8[%get3A_86, %get3A_87] : memref<16x128xf32, #tpu.memory_space<vmem>>, vector<16x128xf32>
      %get3A_89 = arith.constant 0 : index
      %get3A_90 = arith.constant 0 : index
      %get3A_91 = vector.load %arg9[%get3A_89, %get3A_90] : memref<16x128xi32, #tpu.memory_space<vmem>>, vector<16x128xi32>
      %reduce_min3A = arith.constant dense<0x7F800000> : vector<128xf32>
      %reduce_min3A_92 = vector.multi_reduction <minimumf>, %select_n3A, %reduce_min3A [0] : vector<896x128xf32> to vector<128xf32>
      %broadcast_in_dim3A_93 = vector.shape_cast %reduce_min3A_92 : vector<128xf32> to vector<1x128xf32>
      %reduce_min3A_94 = arith.constant dense<0x7F800000> : vector<128xf32>
      %reduce_min3A_95 = vector.multi_reduction <minimumf>, %get3A_88, %reduce_min3A_94 [0] : vector<16x128xf32> to vector<128xf32>
      %broadcast_in_dim3A_96 = vector.shape_cast %reduce_min3A_95 : vector<128xf32> to vector<1x128xf32>
      %min3A_97 = arith.minimumf %broadcast_in_dim3A_93, %broadcast_in_dim3A_96 : vector<1x128xf32>
      %eq3A_98 = vector.broadcast %min3A_97 : vector<1x128xf32> to vector<896x128xf32>
      %eq3A_99 = arith.cmpf oeq, %select_n3A, %eq3A_98 : vector<896x128xf32>
      %jit3A_100 = arith.constant 1073741824 : i32
      %broadcast_in_dim3A_101 = vector.shape_cast %add3A_80 : vector<896x1xi32> to vector<896x1xi32>
      %broadcast_in_dim3A_102 = vector.broadcast %broadcast_in_dim3A_101 : vector<896x1xi32> to vector<896x128xi32>
      %broadcast_in_dim3A_103 = vector.broadcast %jit3A_100 : i32 to vector<896x128xi32>
      %select_n3A_104 = arith.select %eq3A_99, %broadcast_in_dim3A_102, %broadcast_in_dim3A_103 : vector<896x128xi1>, vector<896x128xi32>
      %reduce_min3A_105 = arith.constant dense<2147483647> : vector<128xi32>
      %reduce_min3A_106 = vector.multi_reduction <minsi>, %select_n3A_104, %reduce_min3A_105 [0] : vector<896x128xi32> to vector<128xi32>
      %broadcast_in_dim3A_107 = vector.shape_cast %reduce_min3A_106 : vector<128xi32> to vector<1x128xi32>
      %eq3A_108 = vector.broadcast %min3A_97 : vector<1x128xf32> to vector<16x128xf32>
      %eq3A_109 = arith.cmpf oeq, %get3A_88, %eq3A_108 : vector<16x128xf32>
      %jit3A_110 = arith.constant 1073741824 : i32
      %broadcast_in_dim3A_111 = vector.broadcast %jit3A_110 : i32 to vector<16x128xi32>
      %select_n3A_112 = arith.select %eq3A_109, %get3A_91, %broadcast_in_dim3A_111 : vector<16x128xi1>, vector<16x128xi32>
      %reduce_min3A_113 = arith.constant dense<2147483647> : vector<128xi32>
      %reduce_min3A_114 = vector.multi_reduction <minsi>, %select_n3A_112, %reduce_min3A_113 [0] : vector<16x128xi32> to vector<128xi32>
      %broadcast_in_dim3A_115 = vector.shape_cast %reduce_min3A_114 : vector<128xi32> to vector<1x128xi32>
      %min3A_116 = arith.minsi %broadcast_in_dim3A_115, %broadcast_in_dim3A_107 : vector<1x128xi32>
      %eq3A_117 = vector.broadcast %min3A_97 : vector<1x128xf32> to vector<896x128xf32>
      %eq3A_118 = arith.cmpf oeq, %select_n3A, %eq3A_117 : vector<896x128xf32>
      %eq3A_119 = vector.broadcast %add3A_80 : vector<896x1xi32> to vector<896x128xi32>
      %eq3A_120 = vector.broadcast %min3A_116 : vector<1x128xi32> to vector<896x128xi32>
      %eq3A_121 = arith.cmpi eq, %eq3A_119, %eq3A_120 : vector<896x128xi32>
      %and3A = arith.andi %eq3A_118, %eq3A_121 : vector<896x128xi1>
      %jit3A_122 = arith.constant 0x7F800000 : f32
      %broadcast_in_dim3A_123 = vector.broadcast %jit3A_122 : f32 to vector<896x128xf32>
      %select_n3A_124 = arith.select %and3A, %broadcast_in_dim3A_123, %select_n3A : vector<896x128xi1>, vector<896x128xf32>
      %eq3A_125 = vector.broadcast %min3A_97 : vector<1x128xf32> to vector<16x128xf32>
      %eq3A_126 = arith.cmpf oeq, %get3A_88, %eq3A_125 : vector<16x128xf32>
      %eq3A_127 = vector.broadcast %min3A_116 : vector<1x128xi32> to vector<16x128xi32>
      %eq3A_128 = arith.cmpi eq, %get3A_91, %eq3A_127 : vector<16x128xi32>
      %and3A_129 = arith.andi %eq3A_126, %eq3A_128 : vector<16x128xi1>
      %jit3A_130 = arith.constant 0x7F800000 : f32
      %broadcast_in_dim3A_131 = vector.broadcast %jit3A_130 : f32 to vector<16x128xf32>
      %select_n3A_132 = arith.select %and3A_129, %broadcast_in_dim3A_131, %get3A_88 : vector<16x128xi1>, vector<16x128xf32>
      %reduce_min3A_133 = arith.constant dense<0x7F800000> : vector<128xf32>
      %reduce_min3A_134 = vector.multi_reduction <minimumf>, %select_n3A_124, %reduce_min3A_133 [0] : vector<896x128xf32> to vector<128xf32>
      %broadcast_in_dim3A_135 = vector.shape_cast %reduce_min3A_134 : vector<128xf32> to vector<1x128xf32>
      %reduce_min3A_136 = arith.constant dense<0x7F800000> : vector<128xf32>
      %reduce_min3A_137 = vector.multi_reduction <minimumf>, %select_n3A_132, %reduce_min3A_136 [0] : vector<16x128xf32> to vector<128xf32>
      %broadcast_in_dim3A_138 = vector.shape_cast %reduce_min3A_137 : vector<128xf32> to vector<1x128xf32>
      %min3A_139 = arith.minimumf %broadcast_in_dim3A_135, %broadcast_in_dim3A_138 : vector<1x128xf32>
      %eq3A_140 = vector.broadcast %min3A_139 : vector<1x128xf32> to vector<896x128xf32>
      %eq3A_141 = arith.cmpf oeq, %select_n3A_124, %eq3A_140 : vector<896x128xf32>
      %jit3A_142 = arith.constant 1073741824 : i32
      %broadcast_in_dim3A_143 = vector.shape_cast %add3A_80 : vector<896x1xi32> to vector<896x1xi32>
      %broadcast_in_dim3A_144 = vector.broadcast %broadcast_in_dim3A_143 : vector<896x1xi32> to vector<896x128xi32>
      %broadcast_in_dim3A_145 = vector.broadcast %jit3A_142 : i32 to vector<896x128xi32>
      %select_n3A_146 = arith.select %eq3A_141, %broadcast_in_dim3A_144, %broadcast_in_dim3A_145 : vector<896x128xi1>, vector<896x128xi32>
      %reduce_min3A_147 = arith.constant dense<2147483647> : vector<128xi32>
      %reduce_min3A_148 = vector.multi_reduction <minsi>, %select_n3A_146, %reduce_min3A_147 [0] : vector<896x128xi32> to vector<128xi32>
      %broadcast_in_dim3A_149 = vector.shape_cast %reduce_min3A_148 : vector<128xi32> to vector<1x128xi32>
      %eq3A_150 = vector.broadcast %min3A_139 : vector<1x128xf32> to vector<16x128xf32>
      %eq3A_151 = arith.cmpf oeq, %select_n3A_132, %eq3A_150 : vector<16x128xf32>
      %jit3A_152 = arith.constant 1073741824 : i32
      %broadcast_in_dim3A_153 = vector.broadcast %jit3A_152 : i32 to vector<16x128xi32>
      %select_n3A_154 = arith.select %eq3A_151, %get3A_91, %broadcast_in_dim3A_153 : vector<16x128xi1>, vector<16x128xi32>
      %reduce_min3A_155 = arith.constant dense<2147483647> : vector<128xi32>
      %reduce_min3A_156 = vector.multi_reduction <minsi>, %select_n3A_154, %reduce_min3A_155 [0] : vector<16x128xi32> to vector<128xi32>
      %broadcast_in_dim3A_157 = vector.shape_cast %reduce_min3A_156 : vector<128xi32> to vector<1x128xi32>
      %min3A_158 = arith.minsi %broadcast_in_dim3A_157, %broadcast_in_dim3A_149 : vector<1x128xi32>
      %eq3A_159 = vector.broadcast %min3A_139 : vector<1x128xf32> to vector<896x128xf32>
      %eq3A_160 = arith.cmpf oeq, %select_n3A_124, %eq3A_159 : vector<896x128xf32>
      %eq3A_161 = vector.broadcast %add3A_80 : vector<896x1xi32> to vector<896x128xi32>
      %eq3A_162 = vector.broadcast %min3A_158 : vector<1x128xi32> to vector<896x128xi32>
      %eq3A_163 = arith.cmpi eq, %eq3A_161, %eq3A_162 : vector<896x128xi32>
      %and3A_164 = arith.andi %eq3A_160, %eq3A_163 : vector<896x128xi1>
      %jit3A_165 = arith.constant 0x7F800000 : f32
      %broadcast_in_dim3A_166 = vector.broadcast %jit3A_165 : f32 to vector<896x128xf32>
      %select_n3A_167 = arith.select %and3A_164, %broadcast_in_dim3A_166, %select_n3A_124 : vector<896x128xi1>, vector<896x128xf32>
      %eq3A_168 = vector.broadcast %min3A_139 : vector<1x128xf32> to vector<16x128xf32>
      %eq3A_169 = arith.cmpf oeq, %select_n3A_132, %eq3A_168 : vector<16x128xf32>
      %eq3A_170 = vector.broadcast %min3A_158 : vector<1x128xi32> to vector<16x128xi32>
      %eq3A_171 = arith.cmpi eq, %get3A_91, %eq3A_170 : vector<16x128xi32>
      %and3A_172 = arith.andi %eq3A_169, %eq3A_171 : vector<16x128xi1>
      %jit3A_173 = arith.constant 0x7F800000 : f32
      %broadcast_in_dim3A_174 = vector.broadcast %jit3A_173 : f32 to vector<16x128xf32>
      %select_n3A_175 = arith.select %and3A_172, %broadcast_in_dim3A_174, %select_n3A_132 : vector<16x128xi1>, vector<16x128xf32>
      %reduce_min3A_176 = arith.constant dense<0x7F800000> : vector<128xf32>
      %reduce_min3A_177 = vector.multi_reduction <minimumf>, %select_n3A_167, %reduce_min3A_176 [0] : vector<896x128xf32> to vector<128xf32>
      %broadcast_in_dim3A_178 = vector.shape_cast %reduce_min3A_177 : vector<128xf32> to vector<1x128xf32>
      %reduce_min3A_179 = arith.constant dense<0x7F800000> : vector<128xf32>
      %reduce_min3A_180 = vector.multi_reduction <minimumf>, %select_n3A_175, %reduce_min3A_179 [0] : vector<16x128xf32> to vector<128xf32>
      %broadcast_in_dim3A_181 = vector.shape_cast %reduce_min3A_180 : vector<128xf32> to vector<1x128xf32>
      %min3A_182 = arith.minimumf %broadcast_in_dim3A_178, %broadcast_in_dim3A_181 : vector<1x128xf32>
      %eq3A_183 = vector.broadcast %min3A_182 : vector<1x128xf32> to vector<896x128xf32>
      %eq3A_184 = arith.cmpf oeq, %select_n3A_167, %eq3A_183 : vector<896x128xf32>
      %jit3A_185 = arith.constant 1073741824 : i32
      %broadcast_in_dim3A_186 = vector.shape_cast %add3A_80 : vector<896x1xi32> to vector<896x1xi32>
      %broadcast_in_dim3A_187 = vector.broadcast %broadcast_in_dim3A_186 : vector<896x1xi32> to vector<896x128xi32>
      %broadcast_in_dim3A_188 = vector.broadcast %jit3A_185 : i32 to vector<896x128xi32>
      %select_n3A_189 = arith.select %eq3A_184, %broadcast_in_dim3A_187, %broadcast_in_dim3A_188 : vector<896x128xi1>, vector<896x128xi32>
      %reduce_min3A_190 = arith.constant dense<2147483647> : vector<128xi32>
      %reduce_min3A_191 = vector.multi_reduction <minsi>, %select_n3A_189, %reduce_min3A_190 [0] : vector<896x128xi32> to vector<128xi32>
      %broadcast_in_dim3A_192 = vector.shape_cast %reduce_min3A_191 : vector<128xi32> to vector<1x128xi32>
      %eq3A_193 = vector.broadcast %min3A_182 : vector<1x128xf32> to vector<16x128xf32>
      %eq3A_194 = arith.cmpf oeq, %select_n3A_175, %eq3A_193 : vector<16x128xf32>
      %jit3A_195 = arith.constant 1073741824 : i32
      %broadcast_in_dim3A_196 = vector.broadcast %jit3A_195 : i32 to vector<16x128xi32>
      %select_n3A_197 = arith.select %eq3A_194, %get3A_91, %broadcast_in_dim3A_196 : vector<16x128xi1>, vector<16x128xi32>
      %reduce_min3A_198 = arith.constant dense<2147483647> : vector<128xi32>
      %reduce_min3A_199 = vector.multi_reduction <minsi>, %select_n3A_197, %reduce_min3A_198 [0] : vector<16x128xi32> to vector<128xi32>
      %broadcast_in_dim3A_200 = vector.shape_cast %reduce_min3A_199 : vector<128xi32> to vector<1x128xi32>
      %min3A_201 = arith.minsi %broadcast_in_dim3A_200, %broadcast_in_dim3A_192 : vector<1x128xi32>
      %eq3A_202 = vector.broadcast %min3A_182 : vector<1x128xf32> to vector<896x128xf32>
      %eq3A_203 = arith.cmpf oeq, %select_n3A_167, %eq3A_202 : vector<896x128xf32>
      %eq3A_204 = vector.broadcast %add3A_80 : vector<896x1xi32> to vector<896x128xi32>
      %eq3A_205 = vector.broadcast %min3A_201 : vector<1x128xi32> to vector<896x128xi32>
      %eq3A_206 = arith.cmpi eq, %eq3A_204, %eq3A_205 : vector<896x128xi32>
      %and3A_207 = arith.andi %eq3A_203, %eq3A_206 : vector<896x128xi1>
      %jit3A_208 = arith.constant 0x7F800000 : f32
      %broadcast_in_dim3A_209 = vector.broadcast %jit3A_208 : f32 to vector<896x128xf32>
      %select_n3A_210 = arith.select %and3A_207, %broadcast_in_dim3A_209, %select_n3A_167 : vector<896x128xi1>, vector<896x128xf32>
      %eq3A_211 = vector.broadcast %min3A_182 : vector<1x128xf32> to vector<16x128xf32>
      %eq3A_212 = arith.cmpf oeq, %select_n3A_175, %eq3A_211 : vector<16x128xf32>
      %eq3A_213 = vector.broadcast %min3A_201 : vector<1x128xi32> to vector<16x128xi32>
      %eq3A_214 = arith.cmpi eq, %get3A_91, %eq3A_213 : vector<16x128xi32>
      %and3A_215 = arith.andi %eq3A_212, %eq3A_214 : vector<16x128xi1>
      %jit3A_216 = arith.constant 0x7F800000 : f32
      %broadcast_in_dim3A_217 = vector.broadcast %jit3A_216 : f32 to vector<16x128xf32>
      %select_n3A_218 = arith.select %and3A_215, %broadcast_in_dim3A_217, %select_n3A_175 : vector<16x128xi1>, vector<16x128xf32>
      %reduce_min3A_219 = arith.constant dense<0x7F800000> : vector<128xf32>
      %reduce_min3A_220 = vector.multi_reduction <minimumf>, %select_n3A_210, %reduce_min3A_219 [0] : vector<896x128xf32> to vector<128xf32>
      %broadcast_in_dim3A_221 = vector.shape_cast %reduce_min3A_220 : vector<128xf32> to vector<1x128xf32>
      %reduce_min3A_222 = arith.constant dense<0x7F800000> : vector<128xf32>
      %reduce_min3A_223 = vector.multi_reduction <minimumf>, %select_n3A_218, %reduce_min3A_222 [0] : vector<16x128xf32> to vector<128xf32>
      %broadcast_in_dim3A_224 = vector.shape_cast %reduce_min3A_223 : vector<128xf32> to vector<1x128xf32>
      %min3A_225 = arith.minimumf %broadcast_in_dim3A_221, %broadcast_in_dim3A_224 : vector<1x128xf32>
      %eq3A_226 = vector.broadcast %min3A_225 : vector<1x128xf32> to vector<896x128xf32>
      %eq3A_227 = arith.cmpf oeq, %select_n3A_210, %eq3A_226 : vector<896x128xf32>
      %jit3A_228 = arith.constant 1073741824 : i32
      %broadcast_in_dim3A_229 = vector.shape_cast %add3A_80 : vector<896x1xi32> to vector<896x1xi32>
      %broadcast_in_dim3A_230 = vector.broadcast %broadcast_in_dim3A_229 : vector<896x1xi32> to vector<896x128xi32>
      %broadcast_in_dim3A_231 = vector.broadcast %jit3A_228 : i32 to vector<896x128xi32>
      %select_n3A_232 = arith.select %eq3A_227, %broadcast_in_dim3A_230, %broadcast_in_dim3A_231 : vector<896x128xi1>, vector<896x128xi32>
      %reduce_min3A_233 = arith.constant dense<2147483647> : vector<128xi32>
      %reduce_min3A_234 = vector.multi_reduction <minsi>, %select_n3A_232, %reduce_min3A_233 [0] : vector<896x128xi32> to vector<128xi32>
      %broadcast_in_dim3A_235 = vector.shape_cast %reduce_min3A_234 : vector<128xi32> to vector<1x128xi32>
      %eq3A_236 = vector.broadcast %min3A_225 : vector<1x128xf32> to vector<16x128xf32>
      %eq3A_237 = arith.cmpf oeq, %select_n3A_218, %eq3A_236 : vector<16x128xf32>
      %jit3A_238 = arith.constant 1073741824 : i32
      %broadcast_in_dim3A_239 = vector.broadcast %jit3A_238 : i32 to vector<16x128xi32>
      %select_n3A_240 = arith.select %eq3A_237, %get3A_91, %broadcast_in_dim3A_239 : vector<16x128xi1>, vector<16x128xi32>
      %reduce_min3A_241 = arith.constant dense<2147483647> : vector<128xi32>
      %reduce_min3A_242 = vector.multi_reduction <minsi>, %select_n3A_240, %reduce_min3A_241 [0] : vector<16x128xi32> to vector<128xi32>
      %broadcast_in_dim3A_243 = vector.shape_cast %reduce_min3A_242 : vector<128xi32> to vector<1x128xi32>
      %min3A_244 = arith.minsi %broadcast_in_dim3A_243, %broadcast_in_dim3A_235 : vector<1x128xi32>
      %eq3A_245 = vector.broadcast %min3A_225 : vector<1x128xf32> to vector<896x128xf32>
      %eq3A_246 = arith.cmpf oeq, %select_n3A_210, %eq3A_245 : vector<896x128xf32>
      %eq3A_247 = vector.broadcast %add3A_80 : vector<896x1xi32> to vector<896x128xi32>
      %eq3A_248 = vector.broadcast %min3A_244 : vector<1x128xi32> to vector<896x128xi32>
      %eq3A_249 = arith.cmpi eq, %eq3A_247, %eq3A_248 : vector<896x128xi32>
      %and3A_250 = arith.andi %eq3A_246, %eq3A_249 : vector<896x128xi1>
      %jit3A_251 = arith.constant 0x7F800000 : f32
      %broadcast_in_dim3A_252 = vector.broadcast %jit3A_251 : f32 to vector<896x128xf32>
      %select_n3A_253 = arith.select %and3A_250, %broadcast_in_dim3A_252, %select_n3A_210 : vector<896x128xi1>, vector<896x128xf32>
      %eq3A_254 = vector.broadcast %min3A_225 : vector<1x128xf32> to vector<16x128xf32>
      %eq3A_255 = arith.cmpf oeq, %select_n3A_218, %eq3A_254 : vector<16x128xf32>
      %eq3A_256 = vector.broadcast %min3A_244 : vector<1x128xi32> to vector<16x128xi32>
      %eq3A_257 = arith.cmpi eq, %get3A_91, %eq3A_256 : vector<16x128xi32>
      %and3A_258 = arith.andi %eq3A_255, %eq3A_257 : vector<16x128xi1>
      %jit3A_259 = arith.constant 0x7F800000 : f32
      %broadcast_in_dim3A_260 = vector.broadcast %jit3A_259 : f32 to vector<16x128xf32>
      %select_n3A_261 = arith.select %and3A_258, %broadcast_in_dim3A_260, %select_n3A_218 : vector<16x128xi1>, vector<16x128xf32>
      %reduce_min3A_262 = arith.constant dense<0x7F800000> : vector<128xf32>
      %reduce_min3A_263 = vector.multi_reduction <minimumf>, %select_n3A_253, %reduce_min3A_262 [0] : vector<896x128xf32> to vector<128xf32>
      %broadcast_in_dim3A_264 = vector.shape_cast %reduce_min3A_263 : vector<128xf32> to vector<1x128xf32>
      %reduce_min3A_265 = arith.constant dense<0x7F800000> : vector<128xf32>
      %reduce_min3A_266 = vector.multi_reduction <minimumf>, %select_n3A_261, %reduce_min3A_265 [0] : vector<16x128xf32> to vector<128xf32>
      %broadcast_in_dim3A_267 = vector.shape_cast %reduce_min3A_266 : vector<128xf32> to vector<1x128xf32>
      %min3A_268 = arith.minimumf %broadcast_in_dim3A_264, %broadcast_in_dim3A_267 : vector<1x128xf32>
      %eq3A_269 = vector.broadcast %min3A_268 : vector<1x128xf32> to vector<896x128xf32>
      %eq3A_270 = arith.cmpf oeq, %select_n3A_253, %eq3A_269 : vector<896x128xf32>
      %jit3A_271 = arith.constant 1073741824 : i32
      %broadcast_in_dim3A_272 = vector.shape_cast %add3A_80 : vector<896x1xi32> to vector<896x1xi32>
      %broadcast_in_dim3A_273 = vector.broadcast %broadcast_in_dim3A_272 : vector<896x1xi32> to vector<896x128xi32>
      %broadcast_in_dim3A_274 = vector.broadcast %jit3A_271 : i32 to vector<896x128xi32>
      %select_n3A_275 = arith.select %eq3A_270, %broadcast_in_dim3A_273, %broadcast_in_dim3A_274 : vector<896x128xi1>, vector<896x128xi32>
      %reduce_min3A_276 = arith.constant dense<2147483647> : vector<128xi32>
      %reduce_min3A_277 = vector.multi_reduction <minsi>, %select_n3A_275, %reduce_min3A_276 [0] : vector<896x128xi32> to vector<128xi32>
      %broadcast_in_dim3A_278 = vector.shape_cast %reduce_min3A_277 : vector<128xi32> to vector<1x128xi32>
      %eq3A_279 = vector.broadcast %min3A_268 : vector<1x128xf32> to vector<16x128xf32>
      %eq3A_280 = arith.cmpf oeq, %select_n3A_261, %eq3A_279 : vector<16x128xf32>
      %jit3A_281 = arith.constant 1073741824 : i32
      %broadcast_in_dim3A_282 = vector.broadcast %jit3A_281 : i32 to vector<16x128xi32>
      %select_n3A_283 = arith.select %eq3A_280, %get3A_91, %broadcast_in_dim3A_282 : vector<16x128xi1>, vector<16x128xi32>
      %reduce_min3A_284 = arith.constant dense<2147483647> : vector<128xi32>
      %reduce_min3A_285 = vector.multi_reduction <minsi>, %select_n3A_283, %reduce_min3A_284 [0] : vector<16x128xi32> to vector<128xi32>
      %broadcast_in_dim3A_286 = vector.shape_cast %reduce_min3A_285 : vector<128xi32> to vector<1x128xi32>
      %min3A_287 = arith.minsi %broadcast_in_dim3A_286, %broadcast_in_dim3A_278 : vector<1x128xi32>
      %eq3A_288 = vector.broadcast %min3A_268 : vector<1x128xf32> to vector<896x128xf32>
      %eq3A_289 = arith.cmpf oeq, %select_n3A_253, %eq3A_288 : vector<896x128xf32>
      %eq3A_290 = vector.broadcast %add3A_80 : vector<896x1xi32> to vector<896x128xi32>
      %eq3A_291 = vector.broadcast %min3A_287 : vector<1x128xi32> to vector<896x128xi32>
      %eq3A_292 = arith.cmpi eq, %eq3A_290, %eq3A_291 : vector<896x128xi32>
      %and3A_293 = arith.andi %eq3A_289, %eq3A_292 : vector<896x128xi1>
      %jit3A_294 = arith.constant 0x7F800000 : f32
      %broadcast_in_dim3A_295 = vector.broadcast %jit3A_294 : f32 to vector<896x128xf32>
      %select_n3A_296 = arith.select %and3A_293, %broadcast_in_dim3A_295, %select_n3A_253 : vector<896x128xi1>, vector<896x128xf32>
      %eq3A_297 = vector.broadcast %min3A_268 : vector<1x128xf32> to vector<16x128xf32>
      %eq3A_298 = arith.cmpf oeq, %select_n3A_261, %eq3A_297 : vector<16x128xf32>
      %eq3A_299 = vector.broadcast %min3A_287 : vector<1x128xi32> to vector<16x128xi32>
      %eq3A_300 = arith.cmpi eq, %get3A_91, %eq3A_299 : vector<16x128xi32>
      %and3A_301 = arith.andi %eq3A_298, %eq3A_300 : vector<16x128xi1>
      %jit3A_302 = arith.constant 0x7F800000 : f32
      %broadcast_in_dim3A_303 = vector.broadcast %jit3A_302 : f32 to vector<16x128xf32>
      %select_n3A_304 = arith.select %and3A_301, %broadcast_in_dim3A_303, %select_n3A_261 : vector<16x128xi1>, vector<16x128xf32>
      %reduce_min3A_305 = arith.constant dense<0x7F800000> : vector<128xf32>
      %reduce_min3A_306 = vector.multi_reduction <minimumf>, %select_n3A_296, %reduce_min3A_305 [0] : vector<896x128xf32> to vector<128xf32>
      %broadcast_in_dim3A_307 = vector.shape_cast %reduce_min3A_306 : vector<128xf32> to vector<1x128xf32>
      %reduce_min3A_308 = arith.constant dense<0x7F800000> : vector<128xf32>
      %reduce_min3A_309 = vector.multi_reduction <minimumf>, %select_n3A_304, %reduce_min3A_308 [0] : vector<16x128xf32> to vector<128xf32>
      %broadcast_in_dim3A_310 = vector.shape_cast %reduce_min3A_309 : vector<128xf32> to vector<1x128xf32>
      %min3A_311 = arith.minimumf %broadcast_in_dim3A_307, %broadcast_in_dim3A_310 : vector<1x128xf32>
      %eq3A_312 = vector.broadcast %min3A_311 : vector<1x128xf32> to vector<896x128xf32>
      %eq3A_313 = arith.cmpf oeq, %select_n3A_296, %eq3A_312 : vector<896x128xf32>
      %jit3A_314 = arith.constant 1073741824 : i32
      %broadcast_in_dim3A_315 = vector.shape_cast %add3A_80 : vector<896x1xi32> to vector<896x1xi32>
      %broadcast_in_dim3A_316 = vector.broadcast %broadcast_in_dim3A_315 : vector<896x1xi32> to vector<896x128xi32>
      %broadcast_in_dim3A_317 = vector.broadcast %jit3A_314 : i32 to vector<896x128xi32>
      %select_n3A_318 = arith.select %eq3A_313, %broadcast_in_dim3A_316, %broadcast_in_dim3A_317 : vector<896x128xi1>, vector<896x128xi32>
      %reduce_min3A_319 = arith.constant dense<2147483647> : vector<128xi32>
      %reduce_min3A_320 = vector.multi_reduction <minsi>, %select_n3A_318, %reduce_min3A_319 [0] : vector<896x128xi32> to vector<128xi32>
      %broadcast_in_dim3A_321 = vector.shape_cast %reduce_min3A_320 : vector<128xi32> to vector<1x128xi32>
      %eq3A_322 = vector.broadcast %min3A_311 : vector<1x128xf32> to vector<16x128xf32>
      %eq3A_323 = arith.cmpf oeq, %select_n3A_304, %eq3A_322 : vector<16x128xf32>
      %jit3A_324 = arith.constant 1073741824 : i32
      %broadcast_in_dim3A_325 = vector.broadcast %jit3A_324 : i32 to vector<16x128xi32>
      %select_n3A_326 = arith.select %eq3A_323, %get3A_91, %broadcast_in_dim3A_325 : vector<16x128xi1>, vector<16x128xi32>
      %reduce_min3A_327 = arith.constant dense<2147483647> : vector<128xi32>
      %reduce_min3A_328 = vector.multi_reduction <minsi>, %select_n3A_326, %reduce_min3A_327 [0] : vector<16x128xi32> to vector<128xi32>
      %broadcast_in_dim3A_329 = vector.shape_cast %reduce_min3A_328 : vector<128xi32> to vector<1x128xi32>
      %min3A_330 = arith.minsi %broadcast_in_dim3A_329, %broadcast_in_dim3A_321 : vector<1x128xi32>
      %eq3A_331 = vector.broadcast %min3A_311 : vector<1x128xf32> to vector<896x128xf32>
      %eq3A_332 = arith.cmpf oeq, %select_n3A_296, %eq3A_331 : vector<896x128xf32>
      %eq3A_333 = vector.broadcast %add3A_80 : vector<896x1xi32> to vector<896x128xi32>
      %eq3A_334 = vector.broadcast %min3A_330 : vector<1x128xi32> to vector<896x128xi32>
      %eq3A_335 = arith.cmpi eq, %eq3A_333, %eq3A_334 : vector<896x128xi32>
      %and3A_336 = arith.andi %eq3A_332, %eq3A_335 : vector<896x128xi1>
      %jit3A_337 = arith.constant 0x7F800000 : f32
      %broadcast_in_dim3A_338 = vector.broadcast %jit3A_337 : f32 to vector<896x128xf32>
      %select_n3A_339 = arith.select %and3A_336, %broadcast_in_dim3A_338, %select_n3A_296 : vector<896x128xi1>, vector<896x128xf32>
      %eq3A_340 = vector.broadcast %min3A_311 : vector<1x128xf32> to vector<16x128xf32>
      %eq3A_341 = arith.cmpf oeq, %select_n3A_304, %eq3A_340 : vector<16x128xf32>
      %eq3A_342 = vector.broadcast %min3A_330 : vector<1x128xi32> to vector<16x128xi32>
      %eq3A_343 = arith.cmpi eq, %get3A_91, %eq3A_342 : vector<16x128xi32>
      %and3A_344 = arith.andi %eq3A_341, %eq3A_343 : vector<16x128xi1>
      %jit3A_345 = arith.constant 0x7F800000 : f32
      %broadcast_in_dim3A_346 = vector.broadcast %jit3A_345 : f32 to vector<16x128xf32>
      %select_n3A_347 = arith.select %and3A_344, %broadcast_in_dim3A_346, %select_n3A_304 : vector<16x128xi1>, vector<16x128xf32>
      %reduce_min3A_348 = arith.constant dense<0x7F800000> : vector<128xf32>
      %reduce_min3A_349 = vector.multi_reduction <minimumf>, %select_n3A_339, %reduce_min3A_348 [0] : vector<896x128xf32> to vector<128xf32>
      %broadcast_in_dim3A_350 = vector.shape_cast %reduce_min3A_349 : vector<128xf32> to vector<1x128xf32>
      %reduce_min3A_351 = arith.constant dense<0x7F800000> : vector<128xf32>
      %reduce_min3A_352 = vector.multi_reduction <minimumf>, %select_n3A_347, %reduce_min3A_351 [0] : vector<16x128xf32> to vector<128xf32>
      %broadcast_in_dim3A_353 = vector.shape_cast %reduce_min3A_352 : vector<128xf32> to vector<1x128xf32>
      %min3A_354 = arith.minimumf %broadcast_in_dim3A_350, %broadcast_in_dim3A_353 : vector<1x128xf32>
      %eq3A_355 = vector.broadcast %min3A_354 : vector<1x128xf32> to vector<896x128xf32>
      %eq3A_356 = arith.cmpf oeq, %select_n3A_339, %eq3A_355 : vector<896x128xf32>
      %jit3A_357 = arith.constant 1073741824 : i32
      %broadcast_in_dim3A_358 = vector.shape_cast %add3A_80 : vector<896x1xi32> to vector<896x1xi32>
      %broadcast_in_dim3A_359 = vector.broadcast %broadcast_in_dim3A_358 : vector<896x1xi32> to vector<896x128xi32>
      %broadcast_in_dim3A_360 = vector.broadcast %jit3A_357 : i32 to vector<896x128xi32>
      %select_n3A_361 = arith.select %eq3A_356, %broadcast_in_dim3A_359, %broadcast_in_dim3A_360 : vector<896x128xi1>, vector<896x128xi32>
      %reduce_min3A_362 = arith.constant dense<2147483647> : vector<128xi32>
      %reduce_min3A_363 = vector.multi_reduction <minsi>, %select_n3A_361, %reduce_min3A_362 [0] : vector<896x128xi32> to vector<128xi32>
      %broadcast_in_dim3A_364 = vector.shape_cast %reduce_min3A_363 : vector<128xi32> to vector<1x128xi32>
      %eq3A_365 = vector.broadcast %min3A_354 : vector<1x128xf32> to vector<16x128xf32>
      %eq3A_366 = arith.cmpf oeq, %select_n3A_347, %eq3A_365 : vector<16x128xf32>
      %jit3A_367 = arith.constant 1073741824 : i32
      %broadcast_in_dim3A_368 = vector.broadcast %jit3A_367 : i32 to vector<16x128xi32>
      %select_n3A_369 = arith.select %eq3A_366, %get3A_91, %broadcast_in_dim3A_368 : vector<16x128xi1>, vector<16x128xi32>
      %reduce_min3A_370 = arith.constant dense<2147483647> : vector<128xi32>
      %reduce_min3A_371 = vector.multi_reduction <minsi>, %select_n3A_369, %reduce_min3A_370 [0] : vector<16x128xi32> to vector<128xi32>
      %broadcast_in_dim3A_372 = vector.shape_cast %reduce_min3A_371 : vector<128xi32> to vector<1x128xi32>
      %min3A_373 = arith.minsi %broadcast_in_dim3A_372, %broadcast_in_dim3A_364 : vector<1x128xi32>
      %eq3A_374 = vector.broadcast %min3A_354 : vector<1x128xf32> to vector<896x128xf32>
      %eq3A_375 = arith.cmpf oeq, %select_n3A_339, %eq3A_374 : vector<896x128xf32>
      %eq3A_376 = vector.broadcast %add3A_80 : vector<896x1xi32> to vector<896x128xi32>
      %eq3A_377 = vector.broadcast %min3A_373 : vector<1x128xi32> to vector<896x128xi32>
      %eq3A_378 = arith.cmpi eq, %eq3A_376, %eq3A_377 : vector<896x128xi32>
      %and3A_379 = arith.andi %eq3A_375, %eq3A_378 : vector<896x128xi1>
      %jit3A_380 = arith.constant 0x7F800000 : f32
      %broadcast_in_dim3A_381 = vector.broadcast %jit3A_380 : f32 to vector<896x128xf32>
      %select_n3A_382 = arith.select %and3A_379, %broadcast_in_dim3A_381, %select_n3A_339 : vector<896x128xi1>, vector<896x128xf32>
      %eq3A_383 = vector.broadcast %min3A_354 : vector<1x128xf32> to vector<16x128xf32>
      %eq3A_384 = arith.cmpf oeq, %select_n3A_347, %eq3A_383 : vector<16x128xf32>
      %eq3A_385 = vector.broadcast %min3A_373 : vector<1x128xi32> to vector<16x128xi32>
      %eq3A_386 = arith.cmpi eq, %get3A_91, %eq3A_385 : vector<16x128xi32>
      %and3A_387 = arith.andi %eq3A_384, %eq3A_386 : vector<16x128xi1>
      %jit3A_388 = arith.constant 0x7F800000 : f32
      %broadcast_in_dim3A_389 = vector.broadcast %jit3A_388 : f32 to vector<16x128xf32>
      %select_n3A_390 = arith.select %and3A_387, %broadcast_in_dim3A_389, %select_n3A_347 : vector<16x128xi1>, vector<16x128xf32>
      %reduce_min3A_391 = arith.constant dense<0x7F800000> : vector<128xf32>
      %reduce_min3A_392 = vector.multi_reduction <minimumf>, %select_n3A_382, %reduce_min3A_391 [0] : vector<896x128xf32> to vector<128xf32>
      %broadcast_in_dim3A_393 = vector.shape_cast %reduce_min3A_392 : vector<128xf32> to vector<1x128xf32>
      %reduce_min3A_394 = arith.constant dense<0x7F800000> : vector<128xf32>
      %reduce_min3A_395 = vector.multi_reduction <minimumf>, %select_n3A_390, %reduce_min3A_394 [0] : vector<16x128xf32> to vector<128xf32>
      %broadcast_in_dim3A_396 = vector.shape_cast %reduce_min3A_395 : vector<128xf32> to vector<1x128xf32>
      %min3A_397 = arith.minimumf %broadcast_in_dim3A_393, %broadcast_in_dim3A_396 : vector<1x128xf32>
      %eq3A_398 = vector.broadcast %min3A_397 : vector<1x128xf32> to vector<896x128xf32>
      %eq3A_399 = arith.cmpf oeq, %select_n3A_382, %eq3A_398 : vector<896x128xf32>
      %jit3A_400 = arith.constant 1073741824 : i32
      %broadcast_in_dim3A_401 = vector.shape_cast %add3A_80 : vector<896x1xi32> to vector<896x1xi32>
      %broadcast_in_dim3A_402 = vector.broadcast %broadcast_in_dim3A_401 : vector<896x1xi32> to vector<896x128xi32>
      %broadcast_in_dim3A_403 = vector.broadcast %jit3A_400 : i32 to vector<896x128xi32>
      %select_n3A_404 = arith.select %eq3A_399, %broadcast_in_dim3A_402, %broadcast_in_dim3A_403 : vector<896x128xi1>, vector<896x128xi32>
      %reduce_min3A_405 = arith.constant dense<2147483647> : vector<128xi32>
      %reduce_min3A_406 = vector.multi_reduction <minsi>, %select_n3A_404, %reduce_min3A_405 [0] : vector<896x128xi32> to vector<128xi32>
      %broadcast_in_dim3A_407 = vector.shape_cast %reduce_min3A_406 : vector<128xi32> to vector<1x128xi32>
      %eq3A_408 = vector.broadcast %min3A_397 : vector<1x128xf32> to vector<16x128xf32>
      %eq3A_409 = arith.cmpf oeq, %select_n3A_390, %eq3A_408 : vector<16x128xf32>
      %jit3A_410 = arith.constant 1073741824 : i32
      %broadcast_in_dim3A_411 = vector.broadcast %jit3A_410 : i32 to vector<16x128xi32>
      %select_n3A_412 = arith.select %eq3A_409, %get3A_91, %broadcast_in_dim3A_411 : vector<16x128xi1>, vector<16x128xi32>
      %reduce_min3A_413 = arith.constant dense<2147483647> : vector<128xi32>
      %reduce_min3A_414 = vector.multi_reduction <minsi>, %select_n3A_412, %reduce_min3A_413 [0] : vector<16x128xi32> to vector<128xi32>
      %broadcast_in_dim3A_415 = vector.shape_cast %reduce_min3A_414 : vector<128xi32> to vector<1x128xi32>
      %min3A_416 = arith.minsi %broadcast_in_dim3A_415, %broadcast_in_dim3A_407 : vector<1x128xi32>
      %eq3A_417 = vector.broadcast %min3A_397 : vector<1x128xf32> to vector<896x128xf32>
      %eq3A_418 = arith.cmpf oeq, %select_n3A_382, %eq3A_417 : vector<896x128xf32>
      %eq3A_419 = vector.broadcast %add3A_80 : vector<896x1xi32> to vector<896x128xi32>
      %eq3A_420 = vector.broadcast %min3A_416 : vector<1x128xi32> to vector<896x128xi32>
      %eq3A_421 = arith.cmpi eq, %eq3A_419, %eq3A_420 : vector<896x128xi32>
      %and3A_422 = arith.andi %eq3A_418, %eq3A_421 : vector<896x128xi1>
      %jit3A_423 = arith.constant 0x7F800000 : f32
      %broadcast_in_dim3A_424 = vector.broadcast %jit3A_423 : f32 to vector<896x128xf32>
      %select_n3A_425 = arith.select %and3A_422, %broadcast_in_dim3A_424, %select_n3A_382 : vector<896x128xi1>, vector<896x128xf32>
      %eq3A_426 = vector.broadcast %min3A_397 : vector<1x128xf32> to vector<16x128xf32>
      %eq3A_427 = arith.cmpf oeq, %select_n3A_390, %eq3A_426 : vector<16x128xf32>
      %eq3A_428 = vector.broadcast %min3A_416 : vector<1x128xi32> to vector<16x128xi32>
      %eq3A_429 = arith.cmpi eq, %get3A_91, %eq3A_428 : vector<16x128xi32>
      %and3A_430 = arith.andi %eq3A_427, %eq3A_429 : vector<16x128xi1>
      %jit3A_431 = arith.constant 0x7F800000 : f32
      %broadcast_in_dim3A_432 = vector.broadcast %jit3A_431 : f32 to vector<16x128xf32>
      %select_n3A_433 = arith.select %and3A_430, %broadcast_in_dim3A_432, %select_n3A_390 : vector<16x128xi1>, vector<16x128xf32>
      %reduce_min3A_434 = arith.constant dense<0x7F800000> : vector<128xf32>
      %reduce_min3A_435 = vector.multi_reduction <minimumf>, %select_n3A_425, %reduce_min3A_434 [0] : vector<896x128xf32> to vector<128xf32>
      %broadcast_in_dim3A_436 = vector.shape_cast %reduce_min3A_435 : vector<128xf32> to vector<1x128xf32>
      %reduce_min3A_437 = arith.constant dense<0x7F800000> : vector<128xf32>
      %reduce_min3A_438 = vector.multi_reduction <minimumf>, %select_n3A_433, %reduce_min3A_437 [0] : vector<16x128xf32> to vector<128xf32>
      %broadcast_in_dim3A_439 = vector.shape_cast %reduce_min3A_438 : vector<128xf32> to vector<1x128xf32>
      %min3A_440 = arith.minimumf %broadcast_in_dim3A_436, %broadcast_in_dim3A_439 : vector<1x128xf32>
      %eq3A_441 = vector.broadcast %min3A_440 : vector<1x128xf32> to vector<896x128xf32>
      %eq3A_442 = arith.cmpf oeq, %select_n3A_425, %eq3A_441 : vector<896x128xf32>
      %jit3A_443 = arith.constant 1073741824 : i32
      %broadcast_in_dim3A_444 = vector.shape_cast %add3A_80 : vector<896x1xi32> to vector<896x1xi32>
      %broadcast_in_dim3A_445 = vector.broadcast %broadcast_in_dim3A_444 : vector<896x1xi32> to vector<896x128xi32>
      %broadcast_in_dim3A_446 = vector.broadcast %jit3A_443 : i32 to vector<896x128xi32>
      %select_n3A_447 = arith.select %eq3A_442, %broadcast_in_dim3A_445, %broadcast_in_dim3A_446 : vector<896x128xi1>, vector<896x128xi32>
      %reduce_min3A_448 = arith.constant dense<2147483647> : vector<128xi32>
      %reduce_min3A_449 = vector.multi_reduction <minsi>, %select_n3A_447, %reduce_min3A_448 [0] : vector<896x128xi32> to vector<128xi32>
      %broadcast_in_dim3A_450 = vector.shape_cast %reduce_min3A_449 : vector<128xi32> to vector<1x128xi32>
      %eq3A_451 = vector.broadcast %min3A_440 : vector<1x128xf32> to vector<16x128xf32>
      %eq3A_452 = arith.cmpf oeq, %select_n3A_433, %eq3A_451 : vector<16x128xf32>
      %jit3A_453 = arith.constant 1073741824 : i32
      %broadcast_in_dim3A_454 = vector.broadcast %jit3A_453 : i32 to vector<16x128xi32>
      %select_n3A_455 = arith.select %eq3A_452, %get3A_91, %broadcast_in_dim3A_454 : vector<16x128xi1>, vector<16x128xi32>
      %reduce_min3A_456 = arith.constant dense<2147483647> : vector<128xi32>
      %reduce_min3A_457 = vector.multi_reduction <minsi>, %select_n3A_455, %reduce_min3A_456 [0] : vector<16x128xi32> to vector<128xi32>
      %broadcast_in_dim3A_458 = vector.shape_cast %reduce_min3A_457 : vector<128xi32> to vector<1x128xi32>
      %min3A_459 = arith.minsi %broadcast_in_dim3A_458, %broadcast_in_dim3A_450 : vector<1x128xi32>
      %eq3A_460 = vector.broadcast %min3A_440 : vector<1x128xf32> to vector<896x128xf32>
      %eq3A_461 = arith.cmpf oeq, %select_n3A_425, %eq3A_460 : vector<896x128xf32>
      %eq3A_462 = vector.broadcast %add3A_80 : vector<896x1xi32> to vector<896x128xi32>
      %eq3A_463 = vector.broadcast %min3A_459 : vector<1x128xi32> to vector<896x128xi32>
      %eq3A_464 = arith.cmpi eq, %eq3A_462, %eq3A_463 : vector<896x128xi32>
      %and3A_465 = arith.andi %eq3A_461, %eq3A_464 : vector<896x128xi1>
      %jit3A_466 = arith.constant 0x7F800000 : f32
      %broadcast_in_dim3A_467 = vector.broadcast %jit3A_466 : f32 to vector<896x128xf32>
      %select_n3A_468 = arith.select %and3A_465, %broadcast_in_dim3A_467, %select_n3A_425 : vector<896x128xi1>, vector<896x128xf32>
      %eq3A_469 = vector.broadcast %min3A_440 : vector<1x128xf32> to vector<16x128xf32>
      %eq3A_470 = arith.cmpf oeq, %select_n3A_433, %eq3A_469 : vector<16x128xf32>
      %eq3A_471 = vector.broadcast %min3A_459 : vector<1x128xi32> to vector<16x128xi32>
      %eq3A_472 = arith.cmpi eq, %get3A_91, %eq3A_471 : vector<16x128xi32>
      %and3A_473 = arith.andi %eq3A_470, %eq3A_472 : vector<16x128xi1>
      %jit3A_474 = arith.constant 0x7F800000 : f32
      %broadcast_in_dim3A_475 = vector.broadcast %jit3A_474 : f32 to vector<16x128xf32>
      %select_n3A_476 = arith.select %and3A_473, %broadcast_in_dim3A_475, %select_n3A_433 : vector<16x128xi1>, vector<16x128xf32>
      %reduce_min3A_477 = arith.constant dense<0x7F800000> : vector<128xf32>
      %reduce_min3A_478 = vector.multi_reduction <minimumf>, %select_n3A_468, %reduce_min3A_477 [0] : vector<896x128xf32> to vector<128xf32>
      %broadcast_in_dim3A_479 = vector.shape_cast %reduce_min3A_478 : vector<128xf32> to vector<1x128xf32>
      %reduce_min3A_480 = arith.constant dense<0x7F800000> : vector<128xf32>
      %reduce_min3A_481 = vector.multi_reduction <minimumf>, %select_n3A_476, %reduce_min3A_480 [0] : vector<16x128xf32> to vector<128xf32>
      %broadcast_in_dim3A_482 = vector.shape_cast %reduce_min3A_481 : vector<128xf32> to vector<1x128xf32>
      %min3A_483 = arith.minimumf %broadcast_in_dim3A_479, %broadcast_in_dim3A_482 : vector<1x128xf32>
      %eq3A_484 = vector.broadcast %min3A_483 : vector<1x128xf32> to vector<896x128xf32>
      %eq3A_485 = arith.cmpf oeq, %select_n3A_468, %eq3A_484 : vector<896x128xf32>
      %jit3A_486 = arith.constant 1073741824 : i32
      %broadcast_in_dim3A_487 = vector.shape_cast %add3A_80 : vector<896x1xi32> to vector<896x1xi32>
      %broadcast_in_dim3A_488 = vector.broadcast %broadcast_in_dim3A_487 : vector<896x1xi32> to vector<896x128xi32>
      %broadcast_in_dim3A_489 = vector.broadcast %jit3A_486 : i32 to vector<896x128xi32>
      %select_n3A_490 = arith.select %eq3A_485, %broadcast_in_dim3A_488, %broadcast_in_dim3A_489 : vector<896x128xi1>, vector<896x128xi32>
      %reduce_min3A_491 = arith.constant dense<2147483647> : vector<128xi32>
      %reduce_min3A_492 = vector.multi_reduction <minsi>, %select_n3A_490, %reduce_min3A_491 [0] : vector<896x128xi32> to vector<128xi32>
      %broadcast_in_dim3A_493 = vector.shape_cast %reduce_min3A_492 : vector<128xi32> to vector<1x128xi32>
      %eq3A_494 = vector.broadcast %min3A_483 : vector<1x128xf32> to vector<16x128xf32>
      %eq3A_495 = arith.cmpf oeq, %select_n3A_476, %eq3A_494 : vector<16x128xf32>
      %jit3A_496 = arith.constant 1073741824 : i32
      %broadcast_in_dim3A_497 = vector.broadcast %jit3A_496 : i32 to vector<16x128xi32>
      %select_n3A_498 = arith.select %eq3A_495, %get3A_91, %broadcast_in_dim3A_497 : vector<16x128xi1>, vector<16x128xi32>
      %reduce_min3A_499 = arith.constant dense<2147483647> : vector<128xi32>
      %reduce_min3A_500 = vector.multi_reduction <minsi>, %select_n3A_498, %reduce_min3A_499 [0] : vector<16x128xi32> to vector<128xi32>
      %broadcast_in_dim3A_501 = vector.shape_cast %reduce_min3A_500 : vector<128xi32> to vector<1x128xi32>
      %min3A_502 = arith.minsi %broadcast_in_dim3A_501, %broadcast_in_dim3A_493 : vector<1x128xi32>
      %eq3A_503 = vector.broadcast %min3A_483 : vector<1x128xf32> to vector<896x128xf32>
      %eq3A_504 = arith.cmpf oeq, %select_n3A_468, %eq3A_503 : vector<896x128xf32>
      %eq3A_505 = vector.broadcast %add3A_80 : vector<896x1xi32> to vector<896x128xi32>
      %eq3A_506 = vector.broadcast %min3A_502 : vector<1x128xi32> to vector<896x128xi32>
      %eq3A_507 = arith.cmpi eq, %eq3A_505, %eq3A_506 : vector<896x128xi32>
      %and3A_508 = arith.andi %eq3A_504, %eq3A_507 : vector<896x128xi1>
      %jit3A_509 = arith.constant 0x7F800000 : f32
      %broadcast_in_dim3A_510 = vector.broadcast %jit3A_509 : f32 to vector<896x128xf32>
      %select_n3A_511 = arith.select %and3A_508, %broadcast_in_dim3A_510, %select_n3A_468 : vector<896x128xi1>, vector<896x128xf32>
      %eq3A_512 = vector.broadcast %min3A_483 : vector<1x128xf32> to vector<16x128xf32>
      %eq3A_513 = arith.cmpf oeq, %select_n3A_476, %eq3A_512 : vector<16x128xf32>
      %eq3A_514 = vector.broadcast %min3A_502 : vector<1x128xi32> to vector<16x128xi32>
      %eq3A_515 = arith.cmpi eq, %get3A_91, %eq3A_514 : vector<16x128xi32>
      %and3A_516 = arith.andi %eq3A_513, %eq3A_515 : vector<16x128xi1>
      %jit3A_517 = arith.constant 0x7F800000 : f32
      %broadcast_in_dim3A_518 = vector.broadcast %jit3A_517 : f32 to vector<16x128xf32>
      %select_n3A_519 = arith.select %and3A_516, %broadcast_in_dim3A_518, %select_n3A_476 : vector<16x128xi1>, vector<16x128xf32>
      %reduce_min3A_520 = arith.constant dense<0x7F800000> : vector<128xf32>
      %reduce_min3A_521 = vector.multi_reduction <minimumf>, %select_n3A_511, %reduce_min3A_520 [0] : vector<896x128xf32> to vector<128xf32>
      %broadcast_in_dim3A_522 = vector.shape_cast %reduce_min3A_521 : vector<128xf32> to vector<1x128xf32>
      %reduce_min3A_523 = arith.constant dense<0x7F800000> : vector<128xf32>
      %reduce_min3A_524 = vector.multi_reduction <minimumf>, %select_n3A_519, %reduce_min3A_523 [0] : vector<16x128xf32> to vector<128xf32>
      %broadcast_in_dim3A_525 = vector.shape_cast %reduce_min3A_524 : vector<128xf32> to vector<1x128xf32>
      %min3A_526 = arith.minimumf %broadcast_in_dim3A_522, %broadcast_in_dim3A_525 : vector<1x128xf32>
      %eq3A_527 = vector.broadcast %min3A_526 : vector<1x128xf32> to vector<896x128xf32>
      %eq3A_528 = arith.cmpf oeq, %select_n3A_511, %eq3A_527 : vector<896x128xf32>
      %jit3A_529 = arith.constant 1073741824 : i32
      %broadcast_in_dim3A_530 = vector.shape_cast %add3A_80 : vector<896x1xi32> to vector<896x1xi32>
      %broadcast_in_dim3A_531 = vector.broadcast %broadcast_in_dim3A_530 : vector<896x1xi32> to vector<896x128xi32>
      %broadcast_in_dim3A_532 = vector.broadcast %jit3A_529 : i32 to vector<896x128xi32>
      %select_n3A_533 = arith.select %eq3A_528, %broadcast_in_dim3A_531, %broadcast_in_dim3A_532 : vector<896x128xi1>, vector<896x128xi32>
      %reduce_min3A_534 = arith.constant dense<2147483647> : vector<128xi32>
      %reduce_min3A_535 = vector.multi_reduction <minsi>, %select_n3A_533, %reduce_min3A_534 [0] : vector<896x128xi32> to vector<128xi32>
      %broadcast_in_dim3A_536 = vector.shape_cast %reduce_min3A_535 : vector<128xi32> to vector<1x128xi32>
      %eq3A_537 = vector.broadcast %min3A_526 : vector<1x128xf32> to vector<16x128xf32>
      %eq3A_538 = arith.cmpf oeq, %select_n3A_519, %eq3A_537 : vector<16x128xf32>
      %jit3A_539 = arith.constant 1073741824 : i32
      %broadcast_in_dim3A_540 = vector.broadcast %jit3A_539 : i32 to vector<16x128xi32>
      %select_n3A_541 = arith.select %eq3A_538, %get3A_91, %broadcast_in_dim3A_540 : vector<16x128xi1>, vector<16x128xi32>
      %reduce_min3A_542 = arith.constant dense<2147483647> : vector<128xi32>
      %reduce_min3A_543 = vector.multi_reduction <minsi>, %select_n3A_541, %reduce_min3A_542 [0] : vector<16x128xi32> to vector<128xi32>
      %broadcast_in_dim3A_544 = vector.shape_cast %reduce_min3A_543 : vector<128xi32> to vector<1x128xi32>
      %min3A_545 = arith.minsi %broadcast_in_dim3A_544, %broadcast_in_dim3A_536 : vector<1x128xi32>
      %eq3A_546 = vector.broadcast %min3A_526 : vector<1x128xf32> to vector<896x128xf32>
      %eq3A_547 = arith.cmpf oeq, %select_n3A_511, %eq3A_546 : vector<896x128xf32>
      %eq3A_548 = vector.broadcast %add3A_80 : vector<896x1xi32> to vector<896x128xi32>
      %eq3A_549 = vector.broadcast %min3A_545 : vector<1x128xi32> to vector<896x128xi32>
      %eq3A_550 = arith.cmpi eq, %eq3A_548, %eq3A_549 : vector<896x128xi32>
      %and3A_551 = arith.andi %eq3A_547, %eq3A_550 : vector<896x128xi1>
      %jit3A_552 = arith.constant 0x7F800000 : f32
      %broadcast_in_dim3A_553 = vector.broadcast %jit3A_552 : f32 to vector<896x128xf32>
      %select_n3A_554 = arith.select %and3A_551, %broadcast_in_dim3A_553, %select_n3A_511 : vector<896x128xi1>, vector<896x128xf32>
      %eq3A_555 = vector.broadcast %min3A_526 : vector<1x128xf32> to vector<16x128xf32>
      %eq3A_556 = arith.cmpf oeq, %select_n3A_519, %eq3A_555 : vector<16x128xf32>
      %eq3A_557 = vector.broadcast %min3A_545 : vector<1x128xi32> to vector<16x128xi32>
      %eq3A_558 = arith.cmpi eq, %get3A_91, %eq3A_557 : vector<16x128xi32>
      %and3A_559 = arith.andi %eq3A_556, %eq3A_558 : vector<16x128xi1>
      %jit3A_560 = arith.constant 0x7F800000 : f32
      %broadcast_in_dim3A_561 = vector.broadcast %jit3A_560 : f32 to vector<16x128xf32>
      %select_n3A_562 = arith.select %and3A_559, %broadcast_in_dim3A_561, %select_n3A_519 : vector<16x128xi1>, vector<16x128xf32>
      %reduce_min3A_563 = arith.constant dense<0x7F800000> : vector<128xf32>
      %reduce_min3A_564 = vector.multi_reduction <minimumf>, %select_n3A_554, %reduce_min3A_563 [0] : vector<896x128xf32> to vector<128xf32>
      %broadcast_in_dim3A_565 = vector.shape_cast %reduce_min3A_564 : vector<128xf32> to vector<1x128xf32>
      %reduce_min3A_566 = arith.constant dense<0x7F800000> : vector<128xf32>
      %reduce_min3A_567 = vector.multi_reduction <minimumf>, %select_n3A_562, %reduce_min3A_566 [0] : vector<16x128xf32> to vector<128xf32>
      %broadcast_in_dim3A_568 = vector.shape_cast %reduce_min3A_567 : vector<128xf32> to vector<1x128xf32>
      %min3A_569 = arith.minimumf %broadcast_in_dim3A_565, %broadcast_in_dim3A_568 : vector<1x128xf32>
      %eq3A_570 = vector.broadcast %min3A_569 : vector<1x128xf32> to vector<896x128xf32>
      %eq3A_571 = arith.cmpf oeq, %select_n3A_554, %eq3A_570 : vector<896x128xf32>
      %jit3A_572 = arith.constant 1073741824 : i32
      %broadcast_in_dim3A_573 = vector.shape_cast %add3A_80 : vector<896x1xi32> to vector<896x1xi32>
      %broadcast_in_dim3A_574 = vector.broadcast %broadcast_in_dim3A_573 : vector<896x1xi32> to vector<896x128xi32>
      %broadcast_in_dim3A_575 = vector.broadcast %jit3A_572 : i32 to vector<896x128xi32>
      %select_n3A_576 = arith.select %eq3A_571, %broadcast_in_dim3A_574, %broadcast_in_dim3A_575 : vector<896x128xi1>, vector<896x128xi32>
      %reduce_min3A_577 = arith.constant dense<2147483647> : vector<128xi32>
      %reduce_min3A_578 = vector.multi_reduction <minsi>, %select_n3A_576, %reduce_min3A_577 [0] : vector<896x128xi32> to vector<128xi32>
      %broadcast_in_dim3A_579 = vector.shape_cast %reduce_min3A_578 : vector<128xi32> to vector<1x128xi32>
      %eq3A_580 = vector.broadcast %min3A_569 : vector<1x128xf32> to vector<16x128xf32>
      %eq3A_581 = arith.cmpf oeq, %select_n3A_562, %eq3A_580 : vector<16x128xf32>
      %jit3A_582 = arith.constant 1073741824 : i32
      %broadcast_in_dim3A_583 = vector.broadcast %jit3A_582 : i32 to vector<16x128xi32>
      %select_n3A_584 = arith.select %eq3A_581, %get3A_91, %broadcast_in_dim3A_583 : vector<16x128xi1>, vector<16x128xi32>
      %reduce_min3A_585 = arith.constant dense<2147483647> : vector<128xi32>
      %reduce_min3A_586 = vector.multi_reduction <minsi>, %select_n3A_584, %reduce_min3A_585 [0] : vector<16x128xi32> to vector<128xi32>
      %broadcast_in_dim3A_587 = vector.shape_cast %reduce_min3A_586 : vector<128xi32> to vector<1x128xi32>
      %min3A_588 = arith.minsi %broadcast_in_dim3A_587, %broadcast_in_dim3A_579 : vector<1x128xi32>
      %eq3A_589 = vector.broadcast %min3A_569 : vector<1x128xf32> to vector<896x128xf32>
      %eq3A_590 = arith.cmpf oeq, %select_n3A_554, %eq3A_589 : vector<896x128xf32>
      %eq3A_591 = vector.broadcast %add3A_80 : vector<896x1xi32> to vector<896x128xi32>
      %eq3A_592 = vector.broadcast %min3A_588 : vector<1x128xi32> to vector<896x128xi32>
      %eq3A_593 = arith.cmpi eq, %eq3A_591, %eq3A_592 : vector<896x128xi32>
      %and3A_594 = arith.andi %eq3A_590, %eq3A_593 : vector<896x128xi1>
      %jit3A_595 = arith.constant 0x7F800000 : f32
      %broadcast_in_dim3A_596 = vector.broadcast %jit3A_595 : f32 to vector<896x128xf32>
      %select_n3A_597 = arith.select %and3A_594, %broadcast_in_dim3A_596, %select_n3A_554 : vector<896x128xi1>, vector<896x128xf32>
      %eq3A_598 = vector.broadcast %min3A_569 : vector<1x128xf32> to vector<16x128xf32>
      %eq3A_599 = arith.cmpf oeq, %select_n3A_562, %eq3A_598 : vector<16x128xf32>
      %eq3A_600 = vector.broadcast %min3A_588 : vector<1x128xi32> to vector<16x128xi32>
      %eq3A_601 = arith.cmpi eq, %get3A_91, %eq3A_600 : vector<16x128xi32>
      %and3A_602 = arith.andi %eq3A_599, %eq3A_601 : vector<16x128xi1>
      %jit3A_603 = arith.constant 0x7F800000 : f32
      %broadcast_in_dim3A_604 = vector.broadcast %jit3A_603 : f32 to vector<16x128xf32>
      %select_n3A_605 = arith.select %and3A_602, %broadcast_in_dim3A_604, %select_n3A_562 : vector<16x128xi1>, vector<16x128xf32>
      %reduce_min3A_606 = arith.constant dense<0x7F800000> : vector<128xf32>
      %reduce_min3A_607 = vector.multi_reduction <minimumf>, %select_n3A_597, %reduce_min3A_606 [0] : vector<896x128xf32> to vector<128xf32>
      %broadcast_in_dim3A_608 = vector.shape_cast %reduce_min3A_607 : vector<128xf32> to vector<1x128xf32>
      %reduce_min3A_609 = arith.constant dense<0x7F800000> : vector<128xf32>
      %reduce_min3A_610 = vector.multi_reduction <minimumf>, %select_n3A_605, %reduce_min3A_609 [0] : vector<16x128xf32> to vector<128xf32>
      %broadcast_in_dim3A_611 = vector.shape_cast %reduce_min3A_610 : vector<128xf32> to vector<1x128xf32>
      %min3A_612 = arith.minimumf %broadcast_in_dim3A_608, %broadcast_in_dim3A_611 : vector<1x128xf32>
      %eq3A_613 = vector.broadcast %min3A_612 : vector<1x128xf32> to vector<896x128xf32>
      %eq3A_614 = arith.cmpf oeq, %select_n3A_597, %eq3A_613 : vector<896x128xf32>
      %jit3A_615 = arith.constant 1073741824 : i32
      %broadcast_in_dim3A_616 = vector.shape_cast %add3A_80 : vector<896x1xi32> to vector<896x1xi32>
      %broadcast_in_dim3A_617 = vector.broadcast %broadcast_in_dim3A_616 : vector<896x1xi32> to vector<896x128xi32>
      %broadcast_in_dim3A_618 = vector.broadcast %jit3A_615 : i32 to vector<896x128xi32>
      %select_n3A_619 = arith.select %eq3A_614, %broadcast_in_dim3A_617, %broadcast_in_dim3A_618 : vector<896x128xi1>, vector<896x128xi32>
      %reduce_min3A_620 = arith.constant dense<2147483647> : vector<128xi32>
      %reduce_min3A_621 = vector.multi_reduction <minsi>, %select_n3A_619, %reduce_min3A_620 [0] : vector<896x128xi32> to vector<128xi32>
      %broadcast_in_dim3A_622 = vector.shape_cast %reduce_min3A_621 : vector<128xi32> to vector<1x128xi32>
      %eq3A_623 = vector.broadcast %min3A_612 : vector<1x128xf32> to vector<16x128xf32>
      %eq3A_624 = arith.cmpf oeq, %select_n3A_605, %eq3A_623 : vector<16x128xf32>
      %jit3A_625 = arith.constant 1073741824 : i32
      %broadcast_in_dim3A_626 = vector.broadcast %jit3A_625 : i32 to vector<16x128xi32>
      %select_n3A_627 = arith.select %eq3A_624, %get3A_91, %broadcast_in_dim3A_626 : vector<16x128xi1>, vector<16x128xi32>
      %reduce_min3A_628 = arith.constant dense<2147483647> : vector<128xi32>
      %reduce_min3A_629 = vector.multi_reduction <minsi>, %select_n3A_627, %reduce_min3A_628 [0] : vector<16x128xi32> to vector<128xi32>
      %broadcast_in_dim3A_630 = vector.shape_cast %reduce_min3A_629 : vector<128xi32> to vector<1x128xi32>
      %min3A_631 = arith.minsi %broadcast_in_dim3A_630, %broadcast_in_dim3A_622 : vector<1x128xi32>
      %eq3A_632 = vector.broadcast %min3A_612 : vector<1x128xf32> to vector<896x128xf32>
      %eq3A_633 = arith.cmpf oeq, %select_n3A_597, %eq3A_632 : vector<896x128xf32>
      %eq3A_634 = vector.broadcast %add3A_80 : vector<896x1xi32> to vector<896x128xi32>
      %eq3A_635 = vector.broadcast %min3A_631 : vector<1x128xi32> to vector<896x128xi32>
      %eq3A_636 = arith.cmpi eq, %eq3A_634, %eq3A_635 : vector<896x128xi32>
      %and3A_637 = arith.andi %eq3A_633, %eq3A_636 : vector<896x128xi1>
      %jit3A_638 = arith.constant 0x7F800000 : f32
      %broadcast_in_dim3A_639 = vector.broadcast %jit3A_638 : f32 to vector<896x128xf32>
      %select_n3A_640 = arith.select %and3A_637, %broadcast_in_dim3A_639, %select_n3A_597 : vector<896x128xi1>, vector<896x128xf32>
      %eq3A_641 = vector.broadcast %min3A_612 : vector<1x128xf32> to vector<16x128xf32>
      %eq3A_642 = arith.cmpf oeq, %select_n3A_605, %eq3A_641 : vector<16x128xf32>
      %eq3A_643 = vector.broadcast %min3A_631 : vector<1x128xi32> to vector<16x128xi32>
      %eq3A_644 = arith.cmpi eq, %get3A_91, %eq3A_643 : vector<16x128xi32>
      %and3A_645 = arith.andi %eq3A_642, %eq3A_644 : vector<16x128xi1>
      %jit3A_646 = arith.constant 0x7F800000 : f32
      %broadcast_in_dim3A_647 = vector.broadcast %jit3A_646 : f32 to vector<16x128xf32>
      %select_n3A_648 = arith.select %and3A_645, %broadcast_in_dim3A_647, %select_n3A_605 : vector<16x128xi1>, vector<16x128xf32>
      %reduce_min3A_649 = arith.constant dense<0x7F800000> : vector<128xf32>
      %reduce_min3A_650 = vector.multi_reduction <minimumf>, %select_n3A_640, %reduce_min3A_649 [0] : vector<896x128xf32> to vector<128xf32>
      %broadcast_in_dim3A_651 = vector.shape_cast %reduce_min3A_650 : vector<128xf32> to vector<1x128xf32>
      %reduce_min3A_652 = arith.constant dense<0x7F800000> : vector<128xf32>
      %reduce_min3A_653 = vector.multi_reduction <minimumf>, %select_n3A_648, %reduce_min3A_652 [0] : vector<16x128xf32> to vector<128xf32>
      %broadcast_in_dim3A_654 = vector.shape_cast %reduce_min3A_653 : vector<128xf32> to vector<1x128xf32>
      %min3A_655 = arith.minimumf %broadcast_in_dim3A_651, %broadcast_in_dim3A_654 : vector<1x128xf32>
      %eq3A_656 = vector.broadcast %min3A_655 : vector<1x128xf32> to vector<896x128xf32>
      %eq3A_657 = arith.cmpf oeq, %select_n3A_640, %eq3A_656 : vector<896x128xf32>
      %jit3A_658 = arith.constant 1073741824 : i32
      %broadcast_in_dim3A_659 = vector.shape_cast %add3A_80 : vector<896x1xi32> to vector<896x1xi32>
      %broadcast_in_dim3A_660 = vector.broadcast %broadcast_in_dim3A_659 : vector<896x1xi32> to vector<896x128xi32>
      %broadcast_in_dim3A_661 = vector.broadcast %jit3A_658 : i32 to vector<896x128xi32>
      %select_n3A_662 = arith.select %eq3A_657, %broadcast_in_dim3A_660, %broadcast_in_dim3A_661 : vector<896x128xi1>, vector<896x128xi32>
      %reduce_min3A_663 = arith.constant dense<2147483647> : vector<128xi32>
      %reduce_min3A_664 = vector.multi_reduction <minsi>, %select_n3A_662, %reduce_min3A_663 [0] : vector<896x128xi32> to vector<128xi32>
      %broadcast_in_dim3A_665 = vector.shape_cast %reduce_min3A_664 : vector<128xi32> to vector<1x128xi32>
      %eq3A_666 = vector.broadcast %min3A_655 : vector<1x128xf32> to vector<16x128xf32>
      %eq3A_667 = arith.cmpf oeq, %select_n3A_648, %eq3A_666 : vector<16x128xf32>
      %jit3A_668 = arith.constant 1073741824 : i32
      %broadcast_in_dim3A_669 = vector.broadcast %jit3A_668 : i32 to vector<16x128xi32>
      %select_n3A_670 = arith.select %eq3A_667, %get3A_91, %broadcast_in_dim3A_669 : vector<16x128xi1>, vector<16x128xi32>
      %reduce_min3A_671 = arith.constant dense<2147483647> : vector<128xi32>
      %reduce_min3A_672 = vector.multi_reduction <minsi>, %select_n3A_670, %reduce_min3A_671 [0] : vector<16x128xi32> to vector<128xi32>
      %broadcast_in_dim3A_673 = vector.shape_cast %reduce_min3A_672 : vector<128xi32> to vector<1x128xi32>
      %min3A_674 = arith.minsi %broadcast_in_dim3A_673, %broadcast_in_dim3A_665 : vector<1x128xi32>
      %eq3A_675 = vector.broadcast %min3A_655 : vector<1x128xf32> to vector<896x128xf32>
      %eq3A_676 = arith.cmpf oeq, %select_n3A_640, %eq3A_675 : vector<896x128xf32>
      %eq3A_677 = vector.broadcast %add3A_80 : vector<896x1xi32> to vector<896x128xi32>
      %eq3A_678 = vector.broadcast %min3A_674 : vector<1x128xi32> to vector<896x128xi32>
      %eq3A_679 = arith.cmpi eq, %eq3A_677, %eq3A_678 : vector<896x128xi32>
      %and3A_680 = arith.andi %eq3A_676, %eq3A_679 : vector<896x128xi1>
      %jit3A_681 = arith.constant 0x7F800000 : f32
      %broadcast_in_dim3A_682 = vector.broadcast %jit3A_681 : f32 to vector<896x128xf32>
      %select_n3A_683 = arith.select %and3A_680, %broadcast_in_dim3A_682, %select_n3A_640 : vector<896x128xi1>, vector<896x128xf32>
      %eq3A_684 = vector.broadcast %min3A_655 : vector<1x128xf32> to vector<16x128xf32>
      %eq3A_685 = arith.cmpf oeq, %select_n3A_648, %eq3A_684 : vector<16x128xf32>
      %eq3A_686 = vector.broadcast %min3A_674 : vector<1x128xi32> to vector<16x128xi32>
      %eq3A_687 = arith.cmpi eq, %get3A_91, %eq3A_686 : vector<16x128xi32>
      %and3A_688 = arith.andi %eq3A_685, %eq3A_687 : vector<16x128xi1>
      %jit3A_689 = arith.constant 0x7F800000 : f32
      %broadcast_in_dim3A_690 = vector.broadcast %jit3A_689 : f32 to vector<16x128xf32>
      %select_n3A_691 = arith.select %and3A_688, %broadcast_in_dim3A_690, %select_n3A_648 : vector<16x128xi1>, vector<16x128xf32>
      %reduce_min3A_692 = arith.constant dense<0x7F800000> : vector<128xf32>
      %reduce_min3A_693 = vector.multi_reduction <minimumf>, %select_n3A_683, %reduce_min3A_692 [0] : vector<896x128xf32> to vector<128xf32>
      %broadcast_in_dim3A_694 = vector.shape_cast %reduce_min3A_693 : vector<128xf32> to vector<1x128xf32>
      %reduce_min3A_695 = arith.constant dense<0x7F800000> : vector<128xf32>
      %reduce_min3A_696 = vector.multi_reduction <minimumf>, %select_n3A_691, %reduce_min3A_695 [0] : vector<16x128xf32> to vector<128xf32>
      %broadcast_in_dim3A_697 = vector.shape_cast %reduce_min3A_696 : vector<128xf32> to vector<1x128xf32>
      %min3A_698 = arith.minimumf %broadcast_in_dim3A_694, %broadcast_in_dim3A_697 : vector<1x128xf32>
      %eq3A_699 = vector.broadcast %min3A_698 : vector<1x128xf32> to vector<896x128xf32>
      %eq3A_700 = arith.cmpf oeq, %select_n3A_683, %eq3A_699 : vector<896x128xf32>
      %jit3A_701 = arith.constant 1073741824 : i32
      %broadcast_in_dim3A_702 = vector.shape_cast %add3A_80 : vector<896x1xi32> to vector<896x1xi32>
      %broadcast_in_dim3A_703 = vector.broadcast %broadcast_in_dim3A_702 : vector<896x1xi32> to vector<896x128xi32>
      %broadcast_in_dim3A_704 = vector.broadcast %jit3A_701 : i32 to vector<896x128xi32>
      %select_n3A_705 = arith.select %eq3A_700, %broadcast_in_dim3A_703, %broadcast_in_dim3A_704 : vector<896x128xi1>, vector<896x128xi32>
      %reduce_min3A_706 = arith.constant dense<2147483647> : vector<128xi32>
      %reduce_min3A_707 = vector.multi_reduction <minsi>, %select_n3A_705, %reduce_min3A_706 [0] : vector<896x128xi32> to vector<128xi32>
      %broadcast_in_dim3A_708 = vector.shape_cast %reduce_min3A_707 : vector<128xi32> to vector<1x128xi32>
      %eq3A_709 = vector.broadcast %min3A_698 : vector<1x128xf32> to vector<16x128xf32>
      %eq3A_710 = arith.cmpf oeq, %select_n3A_691, %eq3A_709 : vector<16x128xf32>
      %jit3A_711 = arith.constant 1073741824 : i32
      %broadcast_in_dim3A_712 = vector.broadcast %jit3A_711 : i32 to vector<16x128xi32>
      %select_n3A_713 = arith.select %eq3A_710, %get3A_91, %broadcast_in_dim3A_712 : vector<16x128xi1>, vector<16x128xi32>
      %reduce_min3A_714 = arith.constant dense<2147483647> : vector<128xi32>
      %reduce_min3A_715 = vector.multi_reduction <minsi>, %select_n3A_713, %reduce_min3A_714 [0] : vector<16x128xi32> to vector<128xi32>
      %broadcast_in_dim3A_716 = vector.shape_cast %reduce_min3A_715 : vector<128xi32> to vector<1x128xi32>
      %min3A_717 = arith.minsi %broadcast_in_dim3A_716, %broadcast_in_dim3A_708 : vector<1x128xi32>
      %eq3A_718 = vector.broadcast %min3A_698 : vector<1x128xf32> to vector<896x128xf32>
      %eq3A_719 = arith.cmpf oeq, %select_n3A_683, %eq3A_718 : vector<896x128xf32>
      %eq3A_720 = vector.broadcast %add3A_80 : vector<896x1xi32> to vector<896x128xi32>
      %eq3A_721 = vector.broadcast %min3A_717 : vector<1x128xi32> to vector<896x128xi32>
      %eq3A_722 = arith.cmpi eq, %eq3A_720, %eq3A_721 : vector<896x128xi32>
      %and3A_723 = arith.andi %eq3A_719, %eq3A_722 : vector<896x128xi1>
      %jit3A_724 = arith.constant 0x7F800000 : f32
      %broadcast_in_dim3A_725 = vector.broadcast %jit3A_724 : f32 to vector<896x128xf32>
      %select_n3A_726 = arith.select %and3A_723, %broadcast_in_dim3A_725, %select_n3A_683 : vector<896x128xi1>, vector<896x128xf32>
      %eq3A_727 = vector.broadcast %min3A_698 : vector<1x128xf32> to vector<16x128xf32>
      %eq3A_728 = arith.cmpf oeq, %select_n3A_691, %eq3A_727 : vector<16x128xf32>
      %eq3A_729 = vector.broadcast %min3A_717 : vector<1x128xi32> to vector<16x128xi32>
      %eq3A_730 = arith.cmpi eq, %get3A_91, %eq3A_729 : vector<16x128xi32>
      %and3A_731 = arith.andi %eq3A_728, %eq3A_730 : vector<16x128xi1>
      %jit3A_732 = arith.constant 0x7F800000 : f32
      %broadcast_in_dim3A_733 = vector.broadcast %jit3A_732 : f32 to vector<16x128xf32>
      %select_n3A_734 = arith.select %and3A_731, %broadcast_in_dim3A_733, %select_n3A_691 : vector<16x128xi1>, vector<16x128xf32>
      %reduce_min3A_735 = arith.constant dense<0x7F800000> : vector<128xf32>
      %reduce_min3A_736 = vector.multi_reduction <minimumf>, %select_n3A_726, %reduce_min3A_735 [0] : vector<896x128xf32> to vector<128xf32>
      %broadcast_in_dim3A_737 = vector.shape_cast %reduce_min3A_736 : vector<128xf32> to vector<1x128xf32>
      %reduce_min3A_738 = arith.constant dense<0x7F800000> : vector<128xf32>
      %reduce_min3A_739 = vector.multi_reduction <minimumf>, %select_n3A_734, %reduce_min3A_738 [0] : vector<16x128xf32> to vector<128xf32>
      %broadcast_in_dim3A_740 = vector.shape_cast %reduce_min3A_739 : vector<128xf32> to vector<1x128xf32>
      %min3A_741 = arith.minimumf %broadcast_in_dim3A_737, %broadcast_in_dim3A_740 : vector<1x128xf32>
      %eq3A_742 = vector.broadcast %min3A_741 : vector<1x128xf32> to vector<896x128xf32>
      %eq3A_743 = arith.cmpf oeq, %select_n3A_726, %eq3A_742 : vector<896x128xf32>
      %jit3A_744 = arith.constant 1073741824 : i32
      %broadcast_in_dim3A_745 = vector.shape_cast %add3A_80 : vector<896x1xi32> to vector<896x1xi32>
      %broadcast_in_dim3A_746 = vector.broadcast %broadcast_in_dim3A_745 : vector<896x1xi32> to vector<896x128xi32>
      %broadcast_in_dim3A_747 = vector.broadcast %jit3A_744 : i32 to vector<896x128xi32>
      %select_n3A_748 = arith.select %eq3A_743, %broadcast_in_dim3A_746, %broadcast_in_dim3A_747 : vector<896x128xi1>, vector<896x128xi32>
      %reduce_min3A_749 = arith.constant dense<2147483647> : vector<128xi32>
      %reduce_min3A_750 = vector.multi_reduction <minsi>, %select_n3A_748, %reduce_min3A_749 [0] : vector<896x128xi32> to vector<128xi32>
      %broadcast_in_dim3A_751 = vector.shape_cast %reduce_min3A_750 : vector<128xi32> to vector<1x128xi32>
      %eq3A_752 = vector.broadcast %min3A_741 : vector<1x128xf32> to vector<16x128xf32>
      %eq3A_753 = arith.cmpf oeq, %select_n3A_734, %eq3A_752 : vector<16x128xf32>
      %jit3A_754 = arith.constant 1073741824 : i32
      %broadcast_in_dim3A_755 = vector.broadcast %jit3A_754 : i32 to vector<16x128xi32>
      %select_n3A_756 = arith.select %eq3A_753, %get3A_91, %broadcast_in_dim3A_755 : vector<16x128xi1>, vector<16x128xi32>
      %reduce_min3A_757 = arith.constant dense<2147483647> : vector<128xi32>
      %reduce_min3A_758 = vector.multi_reduction <minsi>, %select_n3A_756, %reduce_min3A_757 [0] : vector<16x128xi32> to vector<128xi32>
      %broadcast_in_dim3A_759 = vector.shape_cast %reduce_min3A_758 : vector<128xi32> to vector<1x128xi32>
      %min3A_760 = arith.minsi %broadcast_in_dim3A_759, %broadcast_in_dim3A_751 : vector<1x128xi32>
      %eq3A_761 = vector.broadcast %min3A_741 : vector<1x128xf32> to vector<896x128xf32>
      %eq3A_762 = arith.cmpf oeq, %select_n3A_726, %eq3A_761 : vector<896x128xf32>
      %eq3A_763 = vector.broadcast %add3A_80 : vector<896x1xi32> to vector<896x128xi32>
      %eq3A_764 = vector.broadcast %min3A_760 : vector<1x128xi32> to vector<896x128xi32>
      %eq3A_765 = arith.cmpi eq, %eq3A_763, %eq3A_764 : vector<896x128xi32>
      %and3A_766 = arith.andi %eq3A_762, %eq3A_765 : vector<896x128xi1>
      %jit3A_767 = arith.constant 0x7F800000 : f32
      %broadcast_in_dim3A_768 = vector.broadcast %jit3A_767 : f32 to vector<896x128xf32>
      %select_n3A_769 = arith.select %and3A_766, %broadcast_in_dim3A_768, %select_n3A_726 : vector<896x128xi1>, vector<896x128xf32>
      %eq3A_770 = vector.broadcast %min3A_741 : vector<1x128xf32> to vector<16x128xf32>
      %eq3A_771 = arith.cmpf oeq, %select_n3A_734, %eq3A_770 : vector<16x128xf32>
      %eq3A_772 = vector.broadcast %min3A_760 : vector<1x128xi32> to vector<16x128xi32>
      %eq3A_773 = arith.cmpi eq, %get3A_91, %eq3A_772 : vector<16x128xi32>
      %and3A_774 = arith.andi %eq3A_771, %eq3A_773 : vector<16x128xi1>
      %jit3A_775 = arith.constant 0x7F800000 : f32
      %broadcast_in_dim3A_776 = vector.broadcast %jit3A_775 : f32 to vector<16x128xf32>
      %select_n3A_777 = arith.select %and3A_774, %broadcast_in_dim3A_776, %select_n3A_734 : vector<16x128xi1>, vector<16x128xf32>
      %concatenate3A = tpu.concatenate %min3A_97, %min3A_139, %min3A_182, %min3A_225, %min3A_268, %min3A_311, %min3A_354, %min3A_397, %min3A_440, %min3A_483, %min3A_526, %min3A_569, %min3A_612, %min3A_655, %min3A_698, %min3A_741 in 0 : vector<1x128xf32>, vector<1x128xf32>, vector<1x128xf32>, vector<1x128xf32>, vector<1x128xf32>, vector<1x128xf32>, vector<1x128xf32>, vector<1x128xf32>, vector<1x128xf32>, vector<1x128xf32>, vector<1x128xf32>, vector<1x128xf32>, vector<1x128xf32>, vector<1x128xf32>, vector<1x128xf32>, vector<1x128xf32> -> vector<16x128xf32>
      %swap3A_778 = arith.constant 0 : index
      %swap3A_779 = arith.constant 0 : index
      %swap3A_780 = vector.load %arg8[%swap3A_778, %swap3A_779] : memref<16x128xf32, #tpu.memory_space<vmem>>, vector<16x128xf32>
      tpu.vector_store %arg8[%swap3A_778, %swap3A_779], %concatenate3A {strides = array<i32>} : memref<16x128xf32, #tpu.memory_space<vmem>>, vector<16x128xf32>,
      %concatenate3A_781 = tpu.concatenate %min3A_116, %min3A_158, %min3A_201, %min3A_244, %min3A_287, %min3A_330, %min3A_373, %min3A_416, %min3A_459, %min3A_502, %min3A_545, %min3A_588, %min3A_631, %min3A_674, %min3A_717, %min3A_760 in 0 : vector<1x128xi32>, vector<1x128xi32>, vector<1x128xi32>, vector<1x128xi32>, vector<1x128xi32>, vector<1x128xi32>, vector<1x128xi32>, vector<1x128xi32>, vector<1x128xi32>, vector<1x128xi32>, vector<1x128xi32>, vector<1x128xi32>, vector<1x128xi32>, vector<1x128xi32>, vector<1x128xi32>, vector<1x128xi32> -> vector<16x128xi32>
      %swap3A_782 = arith.constant 0 : index
      %swap3A_783 = arith.constant 0 : index
      %swap3A_784 = vector.load %arg9[%swap3A_782, %swap3A_783] : memref<16x128xi32, #tpu.memory_space<vmem>>, vector<16x128xi32>
      tpu.vector_store %arg9[%swap3A_782, %swap3A_783], %concatenate3A_781 {strides = array<i32>} : memref<16x128xi32, #tpu.memory_space<vmem>>, vector<16x128xi32>,
      %while3A_785 = arith.constant 0 : i32
      scf.yield %while3A_785 : i32
    }
    %while3A_27 = arith.constant 1 : i32
    %while3A_28 = scf.for %while3A_35 = %while3A_24 to %while3A_20 step %while3A_27 iter_args(%while3A_36 = %while3A_26) -> (i32)  : i32 {
      %mul3A_37 = arith.constant 896 : i32
      %mul3A_38 = arith.muli %while3A_35, %mul3A_37 : i32
      %add3A_39 = arith.addi %get3A_1, %mul3A_38 : i32
      %min3A = arith.constant 9344 : i32
      %min3A_40 = arith.minsi %add3A_39, %min3A : i32
      %multiple_of3A = tpu.assume_multiple %min3A_40, 8 : i32
      %get3A_41 = arith.index_cast %multiple_of3A : i32 to index
      %get3A_42 = arith.constant 0 : index
      %get3A_43 = vector.load %arg5[%get3A_41, %get3A_42] : memref<10240x1xi32, #tpu.memory_space<vmem>>, vector<896x1xi32>
      %broadcast_in_dim3A_44 = arith.constant 0.000000e+00 : f32
      %broadcast_in_dim3A_45 = vector.broadcast %broadcast_in_dim3A_44 : f32 to vector<896x128xf32>
      %get3A_46 = arith.index_cast %multiple_of3A : i32 to index
      %get3A_47 = arith.constant 0 : index
      %get3A_48 = vector.load %arg3[%get3A_46, %get3A_47] : memref<10240x4xf32, #tpu.memory_space<vmem>>, vector<896x1xf32>
      %get3A_49 = arith.constant 0 : index
      %get3A_50 = arith.constant 0 : index
      %get3A_51 = vector.load %arg4[%get3A_49, %get3A_50] : memref<4x128xf32, #tpu.memory_space<vmem>>, vector<1x128xf32>
      %sub3A = vector.broadcast %get3A_48 : vector<896x1xf32> to vector<896x128xf32>
      %sub3A_52 = vector.broadcast %get3A_51 : vector<1x128xf32> to vector<896x128xf32>
      %sub3A_53 = arith.subf %sub3A, %sub3A_52 : vector<896x128xf32>
      %mul3A_54 = arith.mulf %sub3A_53, %sub3A_53 : vector<896x128xf32>
      %add3A_55 = arith.addf %broadcast_in_dim3A_45, %mul3A_54 : vector<896x128xf32>
      %get3A_56 = arith.index_cast %multiple_of3A : i32 to index
      %get3A_57 = arith.constant 1 : index
      %get3A_58 = vector.load %arg3[%get3A_56, %get3A_57] : memref<10240x4xf32, #tpu.memory_space<vmem>>, vector<896x1xf32>
      %get3A_59 = arith.constant 1 : index
      %get3A_60 = arith.constant 0 : index
      %get3A_61 = vector.load %arg4[%get3A_59, %get3A_60] : memref<4x128xf32, #tpu.memory_space<vmem>>, vector<1x128xf32>
      %sub3A_62 = vector.broadcast %get3A_58 : vector<896x1xf32> to vector<896x128xf32>
      %sub3A_63 = vector.broadcast %get3A_61 : vector<1x128xf32> to vector<896x128xf32>
      %sub3A_64 = arith.subf %sub3A_62, %sub3A_63 : vector<896x128xf32>
      %mul3A_65 = arith.mulf %sub3A_64, %sub3A_64 : vector<896x128xf32>
      %add3A_66 = arith.addf %add3A_55, %mul3A_65 : vector<896x128xf32>
      %get3A_67 = arith.index_cast %multiple_of3A : i32 to index
      %get3A_68 = arith.constant 2 : index
      %get3A_69 = vector.load %arg3[%get3A_67, %get3A_68] : memref<10240x4xf32, #tpu.memory_space<vmem>>, vector<896x1xf32>
      %get3A_70 = arith.constant 2 : index
      %get3A_71 = arith.constant 0 : index
      %get3A_72 = vector.load %arg4[%get3A_70, %get3A_71] : memref<4x128xf32, #tpu.memory_space<vmem>>, vector<1x128xf32>
      %sub3A_73 = vector.broadcast %get3A_69 : vector<896x1xf32> to vector<896x128xf32>
      %sub3A_74 = vector.broadcast %get3A_72 : vector<1x128xf32> to vector<896x128xf32>
      %sub3A_75 = arith.subf %sub3A_73, %sub3A_74 : vector<896x128xf32>
      %mul3A_76 = arith.mulf %sub3A_75, %sub3A_75 : vector<896x128xf32>
      %add3A_77 = arith.addf %add3A_66, %mul3A_76 : vector<896x128xf32>
      %iota3A_78 = tpu.iota {dimensions = array<i32: 0>} : vector<896x1xi32>
      %add3A_79 = vector.broadcast %multiple_of3A : i32 to vector<896x1xi32>
      %add3A_80 = arith.addi %add3A_79, %iota3A_78 : vector<896x1xi32>
      %ne3A = vector.broadcast %get3A_43 : vector<896x1xi32> to vector<896x128xi32>
      %ne3A_81 = vector.broadcast %get3A_14 : vector<1x128xi32> to vector<896x128xi32>
      %ne3A_82 = arith.cmpi ne, %ne3A, %ne3A_81 : vector<896x128xi32>
      %eq3A = vector.broadcast %add3A_80 : vector<896x1xi32> to vector<896x128xi32>
      %eq3A_83 = vector.broadcast %add3A_17 : vector<1x128xi32> to vector<896x128xi32>
      %eq3A_84 = arith.cmpi eq, %eq3A, %eq3A_83 : vector<896x128xi32>
      %or3A = arith.ori %ne3A_82, %eq3A_84 : vector<896x128xi1>
      %jit3A = arith.constant 3.000000e+38 : f32
      %broadcast_in_dim3A_85 = vector.broadcast %jit3A : f32 to vector<896x128xf32>
      %select_n3A = arith.select %or3A, %broadcast_in_dim3A_85, %add3A_77 : vector<896x128xi1>, vector<896x128xf32>
      %get3A_86 = arith.constant 0 : index
      %get3A_87 = arith.constant 0 : index
      %get3A_88 = vector.load %arg8[%get3A_86, %get3A_87] : memref<16x128xf32, #tpu.memory_space<vmem>>, vector<16x128xf32>
      %get3A_89 = arith.constant 0 : index
      %get3A_90 = arith.constant 0 : index
      %get3A_91 = vector.load %arg9[%get3A_89, %get3A_90] : memref<16x128xi32, #tpu.memory_space<vmem>>, vector<16x128xi32>
      %reduce_min3A = arith.constant dense<0x7F800000> : vector<128xf32>
      %reduce_min3A_92 = vector.multi_reduction <minimumf>, %select_n3A, %reduce_min3A [0] : vector<896x128xf32> to vector<128xf32>
      %broadcast_in_dim3A_93 = vector.shape_cast %reduce_min3A_92 : vector<128xf32> to vector<1x128xf32>
      %reduce_min3A_94 = arith.constant dense<0x7F800000> : vector<128xf32>
      %reduce_min3A_95 = vector.multi_reduction <minimumf>, %get3A_88, %reduce_min3A_94 [0] : vector<16x128xf32> to vector<128xf32>
      %broadcast_in_dim3A_96 = vector.shape_cast %reduce_min3A_95 : vector<128xf32> to vector<1x128xf32>
      %min3A_97 = arith.minimumf %broadcast_in_dim3A_93, %broadcast_in_dim3A_96 : vector<1x128xf32>
      %eq3A_98 = vector.broadcast %min3A_97 : vector<1x128xf32> to vector<896x128xf32>
      %eq3A_99 = arith.cmpf oeq, %select_n3A, %eq3A_98 : vector<896x128xf32>
      %jit3A_100 = arith.constant 1073741824 : i32
      %broadcast_in_dim3A_101 = vector.shape_cast %add3A_80 : vector<896x1xi32> to vector<896x1xi32>
      %broadcast_in_dim3A_102 = vector.broadcast %broadcast_in_dim3A_101 : vector<896x1xi32> to vector<896x128xi32>
      %broadcast_in_dim3A_103 = vector.broadcast %jit3A_100 : i32 to vector<896x128xi32>
      %select_n3A_104 = arith.select %eq3A_99, %broadcast_in_dim3A_102, %broadcast_in_dim3A_103 : vector<896x128xi1>, vector<896x128xi32>
      %reduce_min3A_105 = arith.constant dense<2147483647> : vector<128xi32>
      %reduce_min3A_106 = vector.multi_reduction <minsi>, %select_n3A_104, %reduce_min3A_105 [0] : vector<896x128xi32> to vector<128xi32>
      %broadcast_in_dim3A_107 = vector.shape_cast %reduce_min3A_106 : vector<128xi32> to vector<1x128xi32>
      %eq3A_108 = vector.broadcast %min3A_97 : vector<1x128xf32> to vector<16x128xf32>
      %eq3A_109 = arith.cmpf oeq, %get3A_88, %eq3A_108 : vector<16x128xf32>
      %jit3A_110 = arith.constant 1073741824 : i32
      %broadcast_in_dim3A_111 = vector.broadcast %jit3A_110 : i32 to vector<16x128xi32>
      %select_n3A_112 = arith.select %eq3A_109, %get3A_91, %broadcast_in_dim3A_111 : vector<16x128xi1>, vector<16x128xi32>
      %reduce_min3A_113 = arith.constant dense<2147483647> : vector<128xi32>
      %reduce_min3A_114 = vector.multi_reduction <minsi>, %select_n3A_112, %reduce_min3A_113 [0] : vector<16x128xi32> to vector<128xi32>
      %broadcast_in_dim3A_115 = vector.shape_cast %reduce_min3A_114 : vector<128xi32> to vector<1x128xi32>
      %min3A_116 = arith.minsi %broadcast_in_dim3A_115, %broadcast_in_dim3A_107 : vector<1x128xi32>
      %eq3A_117 = vector.broadcast %min3A_97 : vector<1x128xf32> to vector<896x128xf32>
      %eq3A_118 = arith.cmpf oeq, %select_n3A, %eq3A_117 : vector<896x128xf32>
      %eq3A_119 = vector.broadcast %add3A_80 : vector<896x1xi32> to vector<896x128xi32>
      %eq3A_120 = vector.broadcast %min3A_116 : vector<1x128xi32> to vector<896x128xi32>
      %eq3A_121 = arith.cmpi eq, %eq3A_119, %eq3A_120 : vector<896x128xi32>
      %and3A = arith.andi %eq3A_118, %eq3A_121 : vector<896x128xi1>
      %jit3A_122 = arith.constant 0x7F800000 : f32
      %broadcast_in_dim3A_123 = vector.broadcast %jit3A_122 : f32 to vector<896x128xf32>
      %select_n3A_124 = arith.select %and3A, %broadcast_in_dim3A_123, %select_n3A : vector<896x128xi1>, vector<896x128xf32>
      %eq3A_125 = vector.broadcast %min3A_97 : vector<1x128xf32> to vector<16x128xf32>
      %eq3A_126 = arith.cmpf oeq, %get3A_88, %eq3A_125 : vector<16x128xf32>
      %eq3A_127 = vector.broadcast %min3A_116 : vector<1x128xi32> to vector<16x128xi32>
      %eq3A_128 = arith.cmpi eq, %get3A_91, %eq3A_127 : vector<16x128xi32>
      %and3A_129 = arith.andi %eq3A_126, %eq3A_128 : vector<16x128xi1>
      %jit3A_130 = arith.constant 0x7F800000 : f32
      %broadcast_in_dim3A_131 = vector.broadcast %jit3A_130 : f32 to vector<16x128xf32>
      %select_n3A_132 = arith.select %and3A_129, %broadcast_in_dim3A_131, %get3A_88 : vector<16x128xi1>, vector<16x128xf32>
      %reduce_min3A_133 = arith.constant dense<0x7F800000> : vector<128xf32>
      %reduce_min3A_134 = vector.multi_reduction <minimumf>, %select_n3A_124, %reduce_min3A_133 [0] : vector<896x128xf32> to vector<128xf32>
      %broadcast_in_dim3A_135 = vector.shape_cast %reduce_min3A_134 : vector<128xf32> to vector<1x128xf32>
      %reduce_min3A_136 = arith.constant dense<0x7F800000> : vector<128xf32>
      %reduce_min3A_137 = vector.multi_reduction <minimumf>, %select_n3A_132, %reduce_min3A_136 [0] : vector<16x128xf32> to vector<128xf32>
      %broadcast_in_dim3A_138 = vector.shape_cast %reduce_min3A_137 : vector<128xf32> to vector<1x128xf32>
      %min3A_139 = arith.minimumf %broadcast_in_dim3A_135, %broadcast_in_dim3A_138 : vector<1x128xf32>
      %eq3A_140 = vector.broadcast %min3A_139 : vector<1x128xf32> to vector<896x128xf32>
      %eq3A_141 = arith.cmpf oeq, %select_n3A_124, %eq3A_140 : vector<896x128xf32>
      %jit3A_142 = arith.constant 1073741824 : i32
      %broadcast_in_dim3A_143 = vector.shape_cast %add3A_80 : vector<896x1xi32> to vector<896x1xi32>
      %broadcast_in_dim3A_144 = vector.broadcast %broadcast_in_dim3A_143 : vector<896x1xi32> to vector<896x128xi32>
      %broadcast_in_dim3A_145 = vector.broadcast %jit3A_142 : i32 to vector<896x128xi32>
      %select_n3A_146 = arith.select %eq3A_141, %broadcast_in_dim3A_144, %broadcast_in_dim3A_145 : vector<896x128xi1>, vector<896x128xi32>
      %reduce_min3A_147 = arith.constant dense<2147483647> : vector<128xi32>
      %reduce_min3A_148 = vector.multi_reduction <minsi>, %select_n3A_146, %reduce_min3A_147 [0] : vector<896x128xi32> to vector<128xi32>
      %broadcast_in_dim3A_149 = vector.shape_cast %reduce_min3A_148 : vector<128xi32> to vector<1x128xi32>
      %eq3A_150 = vector.broadcast %min3A_139 : vector<1x128xf32> to vector<16x128xf32>
      %eq3A_151 = arith.cmpf oeq, %select_n3A_132, %eq3A_150 : vector<16x128xf32>
      %jit3A_152 = arith.constant 1073741824 : i32
      %broadcast_in_dim3A_153 = vector.broadcast %jit3A_152 : i32 to vector<16x128xi32>
      %select_n3A_154 = arith.select %eq3A_151, %get3A_91, %broadcast_in_dim3A_153 : vector<16x128xi1>, vector<16x128xi32>
      %reduce_min3A_155 = arith.constant dense<2147483647> : vector<128xi32>
      %reduce_min3A_156 = vector.multi_reduction <minsi>, %select_n3A_154, %reduce_min3A_155 [0] : vector<16x128xi32> to vector<128xi32>
      %broadcast_in_dim3A_157 = vector.shape_cast %reduce_min3A_156 : vector<128xi32> to vector<1x128xi32>
      %min3A_158 = arith.minsi %broadcast_in_dim3A_157, %broadcast_in_dim3A_149 : vector<1x128xi32>
      %eq3A_159 = vector.broadcast %min3A_139 : vector<1x128xf32> to vector<896x128xf32>
      %eq3A_160 = arith.cmpf oeq, %select_n3A_124, %eq3A_159 : vector<896x128xf32>
      %eq3A_161 = vector.broadcast %add3A_80 : vector<896x1xi32> to vector<896x128xi32>
      %eq3A_162 = vector.broadcast %min3A_158 : vector<1x128xi32> to vector<896x128xi32>
      %eq3A_163 = arith.cmpi eq, %eq3A_161, %eq3A_162 : vector<896x128xi32>
      %and3A_164 = arith.andi %eq3A_160, %eq3A_163 : vector<896x128xi1>
      %jit3A_165 = arith.constant 0x7F800000 : f32
      %broadcast_in_dim3A_166 = vector.broadcast %jit3A_165 : f32 to vector<896x128xf32>
      %select_n3A_167 = arith.select %and3A_164, %broadcast_in_dim3A_166, %select_n3A_124 : vector<896x128xi1>, vector<896x128xf32>
      %eq3A_168 = vector.broadcast %min3A_139 : vector<1x128xf32> to vector<16x128xf32>
      %eq3A_169 = arith.cmpf oeq, %select_n3A_132, %eq3A_168 : vector<16x128xf32>
      %eq3A_170 = vector.broadcast %min3A_158 : vector<1x128xi32> to vector<16x128xi32>
      %eq3A_171 = arith.cmpi eq, %get3A_91, %eq3A_170 : vector<16x128xi32>
      %and3A_172 = arith.andi %eq3A_169, %eq3A_171 : vector<16x128xi1>
      %jit3A_173 = arith.constant 0x7F800000 : f32
      %broadcast_in_dim3A_174 = vector.broadcast %jit3A_173 : f32 to vector<16x128xf32>
      %select_n3A_175 = arith.select %and3A_172, %broadcast_in_dim3A_174, %select_n3A_132 : vector<16x128xi1>, vector<16x128xf32>
      %reduce_min3A_176 = arith.constant dense<0x7F800000> : vector<128xf32>
      %reduce_min3A_177 = vector.multi_reduction <minimumf>, %select_n3A_167, %reduce_min3A_176 [0] : vector<896x128xf32> to vector<128xf32>
      %broadcast_in_dim3A_178 = vector.shape_cast %reduce_min3A_177 : vector<128xf32> to vector<1x128xf32>
      %reduce_min3A_179 = arith.constant dense<0x7F800000> : vector<128xf32>
      %reduce_min3A_180 = vector.multi_reduction <minimumf>, %select_n3A_175, %reduce_min3A_179 [0] : vector<16x128xf32> to vector<128xf32>
      %broadcast_in_dim3A_181 = vector.shape_cast %reduce_min3A_180 : vector<128xf32> to vector<1x128xf32>
      %min3A_182 = arith.minimumf %broadcast_in_dim3A_178, %broadcast_in_dim3A_181 : vector<1x128xf32>
      %eq3A_183 = vector.broadcast %min3A_182 : vector<1x128xf32> to vector<896x128xf32>
      %eq3A_184 = arith.cmpf oeq, %select_n3A_167, %eq3A_183 : vector<896x128xf32>
      %jit3A_185 = arith.constant 1073741824 : i32
      %broadcast_in_dim3A_186 = vector.shape_cast %add3A_80 : vector<896x1xi32> to vector<896x1xi32>
      %broadcast_in_dim3A_187 = vector.broadcast %broadcast_in_dim3A_186 : vector<896x1xi32> to vector<896x128xi32>
      %broadcast_in_dim3A_188 = vector.broadcast %jit3A_185 : i32 to vector<896x128xi32>
      %select_n3A_189 = arith.select %eq3A_184, %broadcast_in_dim3A_187, %broadcast_in_dim3A_188 : vector<896x128xi1>, vector<896x128xi32>
      %reduce_min3A_190 = arith.constant dense<2147483647> : vector<128xi32>
      %reduce_min3A_191 = vector.multi_reduction <minsi>, %select_n3A_189, %reduce_min3A_190 [0] : vector<896x128xi32> to vector<128xi32>
      %broadcast_in_dim3A_192 = vector.shape_cast %reduce_min3A_191 : vector<128xi32> to vector<1x128xi32>
      %eq3A_193 = vector.broadcast %min3A_182 : vector<1x128xf32> to vector<16x128xf32>
      %eq3A_194 = arith.cmpf oeq, %select_n3A_175, %eq3A_193 : vector<16x128xf32>
      %jit3A_195 = arith.constant 1073741824 : i32
      %broadcast_in_dim3A_196 = vector.broadcast %jit3A_195 : i32 to vector<16x128xi32>
      %select_n3A_197 = arith.select %eq3A_194, %get3A_91, %broadcast_in_dim3A_196 : vector<16x128xi1>, vector<16x128xi32>
      %reduce_min3A_198 = arith.constant dense<2147483647> : vector<128xi32>
      %reduce_min3A_199 = vector.multi_reduction <minsi>, %select_n3A_197, %reduce_min3A_198 [0] : vector<16x128xi32> to vector<128xi32>
      %broadcast_in_dim3A_200 = vector.shape_cast %reduce_min3A_199 : vector<128xi32> to vector<1x128xi32>
      %min3A_201 = arith.minsi %broadcast_in_dim3A_200, %broadcast_in_dim3A_192 : vector<1x128xi32>
      %eq3A_202 = vector.broadcast %min3A_182 : vector<1x128xf32> to vector<896x128xf32>
      %eq3A_203 = arith.cmpf oeq, %select_n3A_167, %eq3A_202 : vector<896x128xf32>
      %eq3A_204 = vector.broadcast %add3A_80 : vector<896x1xi32> to vector<896x128xi32>
      %eq3A_205 = vector.broadcast %min3A_201 : vector<1x128xi32> to vector<896x128xi32>
      %eq3A_206 = arith.cmpi eq, %eq3A_204, %eq3A_205 : vector<896x128xi32>
      %and3A_207 = arith.andi %eq3A_203, %eq3A_206 : vector<896x128xi1>
      %jit3A_208 = arith.constant 0x7F800000 : f32
      %broadcast_in_dim3A_209 = vector.broadcast %jit3A_208 : f32 to vector<896x128xf32>
      %select_n3A_210 = arith.select %and3A_207, %broadcast_in_dim3A_209, %select_n3A_167 : vector<896x128xi1>, vector<896x128xf32>
      %eq3A_211 = vector.broadcast %min3A_182 : vector<1x128xf32> to vector<16x128xf32>
      %eq3A_212 = arith.cmpf oeq, %select_n3A_175, %eq3A_211 : vector<16x128xf32>
      %eq3A_213 = vector.broadcast %min3A_201 : vector<1x128xi32> to vector<16x128xi32>
      %eq3A_214 = arith.cmpi eq, %get3A_91, %eq3A_213 : vector<16x128xi32>
      %and3A_215 = arith.andi %eq3A_212, %eq3A_214 : vector<16x128xi1>
      %jit3A_216 = arith.constant 0x7F800000 : f32
      %broadcast_in_dim3A_217 = vector.broadcast %jit3A_216 : f32 to vector<16x128xf32>
      %select_n3A_218 = arith.select %and3A_215, %broadcast_in_dim3A_217, %select_n3A_175 : vector<16x128xi1>, vector<16x128xf32>
      %reduce_min3A_219 = arith.constant dense<0x7F800000> : vector<128xf32>
      %reduce_min3A_220 = vector.multi_reduction <minimumf>, %select_n3A_210, %reduce_min3A_219 [0] : vector<896x128xf32> to vector<128xf32>
      %broadcast_in_dim3A_221 = vector.shape_cast %reduce_min3A_220 : vector<128xf32> to vector<1x128xf32>
      %reduce_min3A_222 = arith.constant dense<0x7F800000> : vector<128xf32>
      %reduce_min3A_223 = vector.multi_reduction <minimumf>, %select_n3A_218, %reduce_min3A_222 [0] : vector<16x128xf32> to vector<128xf32>
      %broadcast_in_dim3A_224 = vector.shape_cast %reduce_min3A_223 : vector<128xf32> to vector<1x128xf32>
      %min3A_225 = arith.minimumf %broadcast_in_dim3A_221, %broadcast_in_dim3A_224 : vector<1x128xf32>
      %eq3A_226 = vector.broadcast %min3A_225 : vector<1x128xf32> to vector<896x128xf32>
      %eq3A_227 = arith.cmpf oeq, %select_n3A_210, %eq3A_226 : vector<896x128xf32>
      %jit3A_228 = arith.constant 1073741824 : i32
      %broadcast_in_dim3A_229 = vector.shape_cast %add3A_80 : vector<896x1xi32> to vector<896x1xi32>
      %broadcast_in_dim3A_230 = vector.broadcast %broadcast_in_dim3A_229 : vector<896x1xi32> to vector<896x128xi32>
      %broadcast_in_dim3A_231 = vector.broadcast %jit3A_228 : i32 to vector<896x128xi32>
      %select_n3A_232 = arith.select %eq3A_227, %broadcast_in_dim3A_230, %broadcast_in_dim3A_231 : vector<896x128xi1>, vector<896x128xi32>
      %reduce_min3A_233 = arith.constant dense<2147483647> : vector<128xi32>
      %reduce_min3A_234 = vector.multi_reduction <minsi>, %select_n3A_232, %reduce_min3A_233 [0] : vector<896x128xi32> to vector<128xi32>
      %broadcast_in_dim3A_235 = vector.shape_cast %reduce_min3A_234 : vector<128xi32> to vector<1x128xi32>
      %eq3A_236 = vector.broadcast %min3A_225 : vector<1x128xf32> to vector<16x128xf32>
      %eq3A_237 = arith.cmpf oeq, %select_n3A_218, %eq3A_236 : vector<16x128xf32>
      %jit3A_238 = arith.constant 1073741824 : i32
      %broadcast_in_dim3A_239 = vector.broadcast %jit3A_238 : i32 to vector<16x128xi32>
      %select_n3A_240 = arith.select %eq3A_237, %get3A_91, %broadcast_in_dim3A_239 : vector<16x128xi1>, vector<16x128xi32>
      %reduce_min3A_241 = arith.constant dense<2147483647> : vector<128xi32>
      %reduce_min3A_242 = vector.multi_reduction <minsi>, %select_n3A_240, %reduce_min3A_241 [0] : vector<16x128xi32> to vector<128xi32>
      %broadcast_in_dim3A_243 = vector.shape_cast %reduce_min3A_242 : vector<128xi32> to vector<1x128xi32>
      %min3A_244 = arith.minsi %broadcast_in_dim3A_243, %broadcast_in_dim3A_235 : vector<1x128xi32>
      %eq3A_245 = vector.broadcast %min3A_225 : vector<1x128xf32> to vector<896x128xf32>
      %eq3A_246 = arith.cmpf oeq, %select_n3A_210, %eq3A_245 : vector<896x128xf32>
      %eq3A_247 = vector.broadcast %add3A_80 : vector<896x1xi32> to vector<896x128xi32>
      %eq3A_248 = vector.broadcast %min3A_244 : vector<1x128xi32> to vector<896x128xi32>
      %eq3A_249 = arith.cmpi eq, %eq3A_247, %eq3A_248 : vector<896x128xi32>
      %and3A_250 = arith.andi %eq3A_246, %eq3A_249 : vector<896x128xi1>
      %jit3A_251 = arith.constant 0x7F800000 : f32
      %broadcast_in_dim3A_252 = vector.broadcast %jit3A_251 : f32 to vector<896x128xf32>
      %select_n3A_253 = arith.select %and3A_250, %broadcast_in_dim3A_252, %select_n3A_210 : vector<896x128xi1>, vector<896x128xf32>
      %eq3A_254 = vector.broadcast %min3A_225 : vector<1x128xf32> to vector<16x128xf32>
      %eq3A_255 = arith.cmpf oeq, %select_n3A_218, %eq3A_254 : vector<16x128xf32>
      %eq3A_256 = vector.broadcast %min3A_244 : vector<1x128xi32> to vector<16x128xi32>
      %eq3A_257 = arith.cmpi eq, %get3A_91, %eq3A_256 : vector<16x128xi32>
      %and3A_258 = arith.andi %eq3A_255, %eq3A_257 : vector<16x128xi1>
      %jit3A_259 = arith.constant 0x7F800000 : f32
      %broadcast_in_dim3A_260 = vector.broadcast %jit3A_259 : f32 to vector<16x128xf32>
      %select_n3A_261 = arith.select %and3A_258, %broadcast_in_dim3A_260, %select_n3A_218 : vector<16x128xi1>, vector<16x128xf32>
      %reduce_min3A_262 = arith.constant dense<0x7F800000> : vector<128xf32>
      %reduce_min3A_263 = vector.multi_reduction <minimumf>, %select_n3A_253, %reduce_min3A_262 [0] : vector<896x128xf32> to vector<128xf32>
      %broadcast_in_dim3A_264 = vector.shape_cast %reduce_min3A_263 : vector<128xf32> to vector<1x128xf32>
      %reduce_min3A_265 = arith.constant dense<0x7F800000> : vector<128xf32>
      %reduce_min3A_266 = vector.multi_reduction <minimumf>, %select_n3A_261, %reduce_min3A_265 [0] : vector<16x128xf32> to vector<128xf32>
      %broadcast_in_dim3A_267 = vector.shape_cast %reduce_min3A_266 : vector<128xf32> to vector<1x128xf32>
      %min3A_268 = arith.minimumf %broadcast_in_dim3A_264, %broadcast_in_dim3A_267 : vector<1x128xf32>
      %eq3A_269 = vector.broadcast %min3A_268 : vector<1x128xf32> to vector<896x128xf32>
      %eq3A_270 = arith.cmpf oeq, %select_n3A_253, %eq3A_269 : vector<896x128xf32>
      %jit3A_271 = arith.constant 1073741824 : i32
      %broadcast_in_dim3A_272 = vector.shape_cast %add3A_80 : vector<896x1xi32> to vector<896x1xi32>
      %broadcast_in_dim3A_273 = vector.broadcast %broadcast_in_dim3A_272 : vector<896x1xi32> to vector<896x128xi32>
      %broadcast_in_dim3A_274 = vector.broadcast %jit3A_271 : i32 to vector<896x128xi32>
      %select_n3A_275 = arith.select %eq3A_270, %broadcast_in_dim3A_273, %broadcast_in_dim3A_274 : vector<896x128xi1>, vector<896x128xi32>
      %reduce_min3A_276 = arith.constant dense<2147483647> : vector<128xi32>
      %reduce_min3A_277 = vector.multi_reduction <minsi>, %select_n3A_275, %reduce_min3A_276 [0] : vector<896x128xi32> to vector<128xi32>
      %broadcast_in_dim3A_278 = vector.shape_cast %reduce_min3A_277 : vector<128xi32> to vector<1x128xi32>
      %eq3A_279 = vector.broadcast %min3A_268 : vector<1x128xf32> to vector<16x128xf32>
      %eq3A_280 = arith.cmpf oeq, %select_n3A_261, %eq3A_279 : vector<16x128xf32>
      %jit3A_281 = arith.constant 1073741824 : i32
      %broadcast_in_dim3A_282 = vector.broadcast %jit3A_281 : i32 to vector<16x128xi32>
      %select_n3A_283 = arith.select %eq3A_280, %get3A_91, %broadcast_in_dim3A_282 : vector<16x128xi1>, vector<16x128xi32>
      %reduce_min3A_284 = arith.constant dense<2147483647> : vector<128xi32>
      %reduce_min3A_285 = vector.multi_reduction <minsi>, %select_n3A_283, %reduce_min3A_284 [0] : vector<16x128xi32> to vector<128xi32>
      %broadcast_in_dim3A_286 = vector.shape_cast %reduce_min3A_285 : vector<128xi32> to vector<1x128xi32>
      %min3A_287 = arith.minsi %broadcast_in_dim3A_286, %broadcast_in_dim3A_278 : vector<1x128xi32>
      %eq3A_288 = vector.broadcast %min3A_268 : vector<1x128xf32> to vector<896x128xf32>
      %eq3A_289 = arith.cmpf oeq, %select_n3A_253, %eq3A_288 : vector<896x128xf32>
      %eq3A_290 = vector.broadcast %add3A_80 : vector<896x1xi32> to vector<896x128xi32>
      %eq3A_291 = vector.broadcast %min3A_287 : vector<1x128xi32> to vector<896x128xi32>
      %eq3A_292 = arith.cmpi eq, %eq3A_290, %eq3A_291 : vector<896x128xi32>
      %and3A_293 = arith.andi %eq3A_289, %eq3A_292 : vector<896x128xi1>
      %jit3A_294 = arith.constant 0x7F800000 : f32
      %broadcast_in_dim3A_295 = vector.broadcast %jit3A_294 : f32 to vector<896x128xf32>
      %select_n3A_296 = arith.select %and3A_293, %broadcast_in_dim3A_295, %select_n3A_253 : vector<896x128xi1>, vector<896x128xf32>
      %eq3A_297 = vector.broadcast %min3A_268 : vector<1x128xf32> to vector<16x128xf32>
      %eq3A_298 = arith.cmpf oeq, %select_n3A_261, %eq3A_297 : vector<16x128xf32>
      %eq3A_299 = vector.broadcast %min3A_287 : vector<1x128xi32> to vector<16x128xi32>
      %eq3A_300 = arith.cmpi eq, %get3A_91, %eq3A_299 : vector<16x128xi32>
      %and3A_301 = arith.andi %eq3A_298, %eq3A_300 : vector<16x128xi1>
      %jit3A_302 = arith.constant 0x7F800000 : f32
      %broadcast_in_dim3A_303 = vector.broadcast %jit3A_302 : f32 to vector<16x128xf32>
      %select_n3A_304 = arith.select %and3A_301, %broadcast_in_dim3A_303, %select_n3A_261 : vector<16x128xi1>, vector<16x128xf32>
      %reduce_min3A_305 = arith.constant dense<0x7F800000> : vector<128xf32>
      %reduce_min3A_306 = vector.multi_reduction <minimumf>, %select_n3A_296, %reduce_min3A_305 [0] : vector<896x128xf32> to vector<128xf32>
      %broadcast_in_dim3A_307 = vector.shape_cast %reduce_min3A_306 : vector<128xf32> to vector<1x128xf32>
      %reduce_min3A_308 = arith.constant dense<0x7F800000> : vector<128xf32>
      %reduce_min3A_309 = vector.multi_reduction <minimumf>, %select_n3A_304, %reduce_min3A_308 [0] : vector<16x128xf32> to vector<128xf32>
      %broadcast_in_dim3A_310 = vector.shape_cast %reduce_min3A_309 : vector<128xf32> to vector<1x128xf32>
      %min3A_311 = arith.minimumf %broadcast_in_dim3A_307, %broadcast_in_dim3A_310 : vector<1x128xf32>
      %eq3A_312 = vector.broadcast %min3A_311 : vector<1x128xf32> to vector<896x128xf32>
      %eq3A_313 = arith.cmpf oeq, %select_n3A_296, %eq3A_312 : vector<896x128xf32>
      %jit3A_314 = arith.constant 1073741824 : i32
      %broadcast_in_dim3A_315 = vector.shape_cast %add3A_80 : vector<896x1xi32> to vector<896x1xi32>
      %broadcast_in_dim3A_316 = vector.broadcast %broadcast_in_dim3A_315 : vector<896x1xi32> to vector<896x128xi32>
      %broadcast_in_dim3A_317 = vector.broadcast %jit3A_314 : i32 to vector<896x128xi32>
      %select_n3A_318 = arith.select %eq3A_313, %broadcast_in_dim3A_316, %broadcast_in_dim3A_317 : vector<896x128xi1>, vector<896x128xi32>
      %reduce_min3A_319 = arith.constant dense<2147483647> : vector<128xi32>
      %reduce_min3A_320 = vector.multi_reduction <minsi>, %select_n3A_318, %reduce_min3A_319 [0] : vector<896x128xi32> to vector<128xi32>
      %broadcast_in_dim3A_321 = vector.shape_cast %reduce_min3A_320 : vector<128xi32> to vector<1x128xi32>
      %eq3A_322 = vector.broadcast %min3A_311 : vector<1x128xf32> to vector<16x128xf32>
      %eq3A_323 = arith.cmpf oeq, %select_n3A_304, %eq3A_322 : vector<16x128xf32>
      %jit3A_324 = arith.constant 1073741824 : i32
      %broadcast_in_dim3A_325 = vector.broadcast %jit3A_324 : i32 to vector<16x128xi32>
      %select_n3A_326 = arith.select %eq3A_323, %get3A_91, %broadcast_in_dim3A_325 : vector<16x128xi1>, vector<16x128xi32>
      %reduce_min3A_327 = arith.constant dense<2147483647> : vector<128xi32>
      %reduce_min3A_328 = vector.multi_reduction <minsi>, %select_n3A_326, %reduce_min3A_327 [0] : vector<16x128xi32> to vector<128xi32>
      %broadcast_in_dim3A_329 = vector.shape_cast %reduce_min3A_328 : vector<128xi32> to vector<1x128xi32>
      %min3A_330 = arith.minsi %broadcast_in_dim3A_329, %broadcast_in_dim3A_321 : vector<1x128xi32>
      %eq3A_331 = vector.broadcast %min3A_311 : vector<1x128xf32> to vector<896x128xf32>
      %eq3A_332 = arith.cmpf oeq, %select_n3A_296, %eq3A_331 : vector<896x128xf32>
      %eq3A_333 = vector.broadcast %add3A_80 : vector<896x1xi32> to vector<896x128xi32>
      %eq3A_334 = vector.broadcast %min3A_330 : vector<1x128xi32> to vector<896x128xi32>
      %eq3A_335 = arith.cmpi eq, %eq3A_333, %eq3A_334 : vector<896x128xi32>
      %and3A_336 = arith.andi %eq3A_332, %eq3A_335 : vector<896x128xi1>
      %jit3A_337 = arith.constant 0x7F800000 : f32
      %broadcast_in_dim3A_338 = vector.broadcast %jit3A_337 : f32 to vector<896x128xf32>
      %select_n3A_339 = arith.select %and3A_336, %broadcast_in_dim3A_338, %select_n3A_296 : vector<896x128xi1>, vector<896x128xf32>
      %eq3A_340 = vector.broadcast %min3A_311 : vector<1x128xf32> to vector<16x128xf32>
      %eq3A_341 = arith.cmpf oeq, %select_n3A_304, %eq3A_340 : vector<16x128xf32>
      %eq3A_342 = vector.broadcast %min3A_330 : vector<1x128xi32> to vector<16x128xi32>
      %eq3A_343 = arith.cmpi eq, %get3A_91, %eq3A_342 : vector<16x128xi32>
      %and3A_344 = arith.andi %eq3A_341, %eq3A_343 : vector<16x128xi1>
      %jit3A_345 = arith.constant 0x7F800000 : f32
      %broadcast_in_dim3A_346 = vector.broadcast %jit3A_345 : f32 to vector<16x128xf32>
      %select_n3A_347 = arith.select %and3A_344, %broadcast_in_dim3A_346, %select_n3A_304 : vector<16x128xi1>, vector<16x128xf32>
      %reduce_min3A_348 = arith.constant dense<0x7F800000> : vector<128xf32>
      %reduce_min3A_349 = vector.multi_reduction <minimumf>, %select_n3A_339, %reduce_min3A_348 [0] : vector<896x128xf32> to vector<128xf32>
      %broadcast_in_dim3A_350 = vector.shape_cast %reduce_min3A_349 : vector<128xf32> to vector<1x128xf32>
      %reduce_min3A_351 = arith.constant dense<0x7F800000> : vector<128xf32>
      %reduce_min3A_352 = vector.multi_reduction <minimumf>, %select_n3A_347, %reduce_min3A_351 [0] : vector<16x128xf32> to vector<128xf32>
      %broadcast_in_dim3A_353 = vector.shape_cast %reduce_min3A_352 : vector<128xf32> to vector<1x128xf32>
      %min3A_354 = arith.minimumf %broadcast_in_dim3A_350, %broadcast_in_dim3A_353 : vector<1x128xf32>
      %eq3A_355 = vector.broadcast %min3A_354 : vector<1x128xf32> to vector<896x128xf32>
      %eq3A_356 = arith.cmpf oeq, %select_n3A_339, %eq3A_355 : vector<896x128xf32>
      %jit3A_357 = arith.constant 1073741824 : i32
      %broadcast_in_dim3A_358 = vector.shape_cast %add3A_80 : vector<896x1xi32> to vector<896x1xi32>
      %broadcast_in_dim3A_359 = vector.broadcast %broadcast_in_dim3A_358 : vector<896x1xi32> to vector<896x128xi32>
      %broadcast_in_dim3A_360 = vector.broadcast %jit3A_357 : i32 to vector<896x128xi32>
      %select_n3A_361 = arith.select %eq3A_356, %broadcast_in_dim3A_359, %broadcast_in_dim3A_360 : vector<896x128xi1>, vector<896x128xi32>
      %reduce_min3A_362 = arith.constant dense<2147483647> : vector<128xi32>
      %reduce_min3A_363 = vector.multi_reduction <minsi>, %select_n3A_361, %reduce_min3A_362 [0] : vector<896x128xi32> to vector<128xi32>
      %broadcast_in_dim3A_364 = vector.shape_cast %reduce_min3A_363 : vector<128xi32> to vector<1x128xi32>
      %eq3A_365 = vector.broadcast %min3A_354 : vector<1x128xf32> to vector<16x128xf32>
      %eq3A_366 = arith.cmpf oeq, %select_n3A_347, %eq3A_365 : vector<16x128xf32>
      %jit3A_367 = arith.constant 1073741824 : i32
      %broadcast_in_dim3A_368 = vector.broadcast %jit3A_367 : i32 to vector<16x128xi32>
      %select_n3A_369 = arith.select %eq3A_366, %get3A_91, %broadcast_in_dim3A_368 : vector<16x128xi1>, vector<16x128xi32>
      %reduce_min3A_370 = arith.constant dense<2147483647> : vector<128xi32>
      %reduce_min3A_371 = vector.multi_reduction <minsi>, %select_n3A_369, %reduce_min3A_370 [0] : vector<16x128xi32> to vector<128xi32>
      %broadcast_in_dim3A_372 = vector.shape_cast %reduce_min3A_371 : vector<128xi32> to vector<1x128xi32>
      %min3A_373 = arith.minsi %broadcast_in_dim3A_372, %broadcast_in_dim3A_364 : vector<1x128xi32>
      %eq3A_374 = vector.broadcast %min3A_354 : vector<1x128xf32> to vector<896x128xf32>
      %eq3A_375 = arith.cmpf oeq, %select_n3A_339, %eq3A_374 : vector<896x128xf32>
      %eq3A_376 = vector.broadcast %add3A_80 : vector<896x1xi32> to vector<896x128xi32>
      %eq3A_377 = vector.broadcast %min3A_373 : vector<1x128xi32> to vector<896x128xi32>
      %eq3A_378 = arith.cmpi eq, %eq3A_376, %eq3A_377 : vector<896x128xi32>
      %and3A_379 = arith.andi %eq3A_375, %eq3A_378 : vector<896x128xi1>
      %jit3A_380 = arith.constant 0x7F800000 : f32
      %broadcast_in_dim3A_381 = vector.broadcast %jit3A_380 : f32 to vector<896x128xf32>
      %select_n3A_382 = arith.select %and3A_379, %broadcast_in_dim3A_381, %select_n3A_339 : vector<896x128xi1>, vector<896x128xf32>
      %eq3A_383 = vector.broadcast %min3A_354 : vector<1x128xf32> to vector<16x128xf32>
      %eq3A_384 = arith.cmpf oeq, %select_n3A_347, %eq3A_383 : vector<16x128xf32>
      %eq3A_385 = vector.broadcast %min3A_373 : vector<1x128xi32> to vector<16x128xi32>
      %eq3A_386 = arith.cmpi eq, %get3A_91, %eq3A_385 : vector<16x128xi32>
      %and3A_387 = arith.andi %eq3A_384, %eq3A_386 : vector<16x128xi1>
      %jit3A_388 = arith.constant 0x7F800000 : f32
      %broadcast_in_dim3A_389 = vector.broadcast %jit3A_388 : f32 to vector<16x128xf32>
      %select_n3A_390 = arith.select %and3A_387, %broadcast_in_dim3A_389, %select_n3A_347 : vector<16x128xi1>, vector<16x128xf32>
      %reduce_min3A_391 = arith.constant dense<0x7F800000> : vector<128xf32>
      %reduce_min3A_392 = vector.multi_reduction <minimumf>, %select_n3A_382, %reduce_min3A_391 [0] : vector<896x128xf32> to vector<128xf32>
      %broadcast_in_dim3A_393 = vector.shape_cast %reduce_min3A_392 : vector<128xf32> to vector<1x128xf32>
      %reduce_min3A_394 = arith.constant dense<0x7F800000> : vector<128xf32>
      %reduce_min3A_395 = vector.multi_reduction <minimumf>, %select_n3A_390, %reduce_min3A_394 [0] : vector<16x128xf32> to vector<128xf32>
      %broadcast_in_dim3A_396 = vector.shape_cast %reduce_min3A_395 : vector<128xf32> to vector<1x128xf32>
      %min3A_397 = arith.minimumf %broadcast_in_dim3A_393, %broadcast_in_dim3A_396 : vector<1x128xf32>
      %eq3A_398 = vector.broadcast %min3A_397 : vector<1x128xf32> to vector<896x128xf32>
      %eq3A_399 = arith.cmpf oeq, %select_n3A_382, %eq3A_398 : vector<896x128xf32>
      %jit3A_400 = arith.constant 1073741824 : i32
      %broadcast_in_dim3A_401 = vector.shape_cast %add3A_80 : vector<896x1xi32> to vector<896x1xi32>
      %broadcast_in_dim3A_402 = vector.broadcast %broadcast_in_dim3A_401 : vector<896x1xi32> to vector<896x128xi32>
      %broadcast_in_dim3A_403 = vector.broadcast %jit3A_400 : i32 to vector<896x128xi32>
      %select_n3A_404 = arith.select %eq3A_399, %broadcast_in_dim3A_402, %broadcast_in_dim3A_403 : vector<896x128xi1>, vector<896x128xi32>
      %reduce_min3A_405 = arith.constant dense<2147483647> : vector<128xi32>
      %reduce_min3A_406 = vector.multi_reduction <minsi>, %select_n3A_404, %reduce_min3A_405 [0] : vector<896x128xi32> to vector<128xi32>
      %broadcast_in_dim3A_407 = vector.shape_cast %reduce_min3A_406 : vector<128xi32> to vector<1x128xi32>
      %eq3A_408 = vector.broadcast %min3A_397 : vector<1x128xf32> to vector<16x128xf32>
      %eq3A_409 = arith.cmpf oeq, %select_n3A_390, %eq3A_408 : vector<16x128xf32>
      %jit3A_410 = arith.constant 1073741824 : i32
      %broadcast_in_dim3A_411 = vector.broadcast %jit3A_410 : i32 to vector<16x128xi32>
      %select_n3A_412 = arith.select %eq3A_409, %get3A_91, %broadcast_in_dim3A_411 : vector<16x128xi1>, vector<16x128xi32>
      %reduce_min3A_413 = arith.constant dense<2147483647> : vector<128xi32>
      %reduce_min3A_414 = vector.multi_reduction <minsi>, %select_n3A_412, %reduce_min3A_413 [0] : vector<16x128xi32> to vector<128xi32>
      %broadcast_in_dim3A_415 = vector.shape_cast %reduce_min3A_414 : vector<128xi32> to vector<1x128xi32>
      %min3A_416 = arith.minsi %broadcast_in_dim3A_415, %broadcast_in_dim3A_407 : vector<1x128xi32>
      %eq3A_417 = vector.broadcast %min3A_397 : vector<1x128xf32> to vector<896x128xf32>
      %eq3A_418 = arith.cmpf oeq, %select_n3A_382, %eq3A_417 : vector<896x128xf32>
      %eq3A_419 = vector.broadcast %add3A_80 : vector<896x1xi32> to vector<896x128xi32>
      %eq3A_420 = vector.broadcast %min3A_416 : vector<1x128xi32> to vector<896x128xi32>
      %eq3A_421 = arith.cmpi eq, %eq3A_419, %eq3A_420 : vector<896x128xi32>
      %and3A_422 = arith.andi %eq3A_418, %eq3A_421 : vector<896x128xi1>
      %jit3A_423 = arith.constant 0x7F800000 : f32
      %broadcast_in_dim3A_424 = vector.broadcast %jit3A_423 : f32 to vector<896x128xf32>
      %select_n3A_425 = arith.select %and3A_422, %broadcast_in_dim3A_424, %select_n3A_382 : vector<896x128xi1>, vector<896x128xf32>
      %eq3A_426 = vector.broadcast %min3A_397 : vector<1x128xf32> to vector<16x128xf32>
      %eq3A_427 = arith.cmpf oeq, %select_n3A_390, %eq3A_426 : vector<16x128xf32>
      %eq3A_428 = vector.broadcast %min3A_416 : vector<1x128xi32> to vector<16x128xi32>
      %eq3A_429 = arith.cmpi eq, %get3A_91, %eq3A_428 : vector<16x128xi32>
      %and3A_430 = arith.andi %eq3A_427, %eq3A_429 : vector<16x128xi1>
      %jit3A_431 = arith.constant 0x7F800000 : f32
      %broadcast_in_dim3A_432 = vector.broadcast %jit3A_431 : f32 to vector<16x128xf32>
      %select_n3A_433 = arith.select %and3A_430, %broadcast_in_dim3A_432, %select_n3A_390 : vector<16x128xi1>, vector<16x128xf32>
      %reduce_min3A_434 = arith.constant dense<0x7F800000> : vector<128xf32>
      %reduce_min3A_435 = vector.multi_reduction <minimumf>, %select_n3A_425, %reduce_min3A_434 [0] : vector<896x128xf32> to vector<128xf32>
      %broadcast_in_dim3A_436 = vector.shape_cast %reduce_min3A_435 : vector<128xf32> to vector<1x128xf32>
      %reduce_min3A_437 = arith.constant dense<0x7F800000> : vector<128xf32>
      %reduce_min3A_438 = vector.multi_reduction <minimumf>, %select_n3A_433, %reduce_min3A_437 [0] : vector<16x128xf32> to vector<128xf32>
      %broadcast_in_dim3A_439 = vector.shape_cast %reduce_min3A_438 : vector<128xf32> to vector<1x128xf32>
      %min3A_440 = arith.minimumf %broadcast_in_dim3A_436, %broadcast_in_dim3A_439 : vector<1x128xf32>
      %eq3A_441 = vector.broadcast %min3A_440 : vector<1x128xf32> to vector<896x128xf32>
      %eq3A_442 = arith.cmpf oeq, %select_n3A_425, %eq3A_441 : vector<896x128xf32>
      %jit3A_443 = arith.constant 1073741824 : i32
      %broadcast_in_dim3A_444 = vector.shape_cast %add3A_80 : vector<896x1xi32> to vector<896x1xi32>
      %broadcast_in_dim3A_445 = vector.broadcast %broadcast_in_dim3A_444 : vector<896x1xi32> to vector<896x128xi32>
      %broadcast_in_dim3A_446 = vector.broadcast %jit3A_443 : i32 to vector<896x128xi32>
      %select_n3A_447 = arith.select %eq3A_442, %broadcast_in_dim3A_445, %broadcast_in_dim3A_446 : vector<896x128xi1>, vector<896x128xi32>
      %reduce_min3A_448 = arith.constant dense<2147483647> : vector<128xi32>
      %reduce_min3A_449 = vector.multi_reduction <minsi>, %select_n3A_447, %reduce_min3A_448 [0] : vector<896x128xi32> to vector<128xi32>
      %broadcast_in_dim3A_450 = vector.shape_cast %reduce_min3A_449 : vector<128xi32> to vector<1x128xi32>
      %eq3A_451 = vector.broadcast %min3A_440 : vector<1x128xf32> to vector<16x128xf32>
      %eq3A_452 = arith.cmpf oeq, %select_n3A_433, %eq3A_451 : vector<16x128xf32>
      %jit3A_453 = arith.constant 1073741824 : i32
      %broadcast_in_dim3A_454 = vector.broadcast %jit3A_453 : i32 to vector<16x128xi32>
      %select_n3A_455 = arith.select %eq3A_452, %get3A_91, %broadcast_in_dim3A_454 : vector<16x128xi1>, vector<16x128xi32>
      %reduce_min3A_456 = arith.constant dense<2147483647> : vector<128xi32>
      %reduce_min3A_457 = vector.multi_reduction <minsi>, %select_n3A_455, %reduce_min3A_456 [0] : vector<16x128xi32> to vector<128xi32>
      %broadcast_in_dim3A_458 = vector.shape_cast %reduce_min3A_457 : vector<128xi32> to vector<1x128xi32>
      %min3A_459 = arith.minsi %broadcast_in_dim3A_458, %broadcast_in_dim3A_450 : vector<1x128xi32>
      %eq3A_460 = vector.broadcast %min3A_440 : vector<1x128xf32> to vector<896x128xf32>
      %eq3A_461 = arith.cmpf oeq, %select_n3A_425, %eq3A_460 : vector<896x128xf32>
      %eq3A_462 = vector.broadcast %add3A_80 : vector<896x1xi32> to vector<896x128xi32>
      %eq3A_463 = vector.broadcast %min3A_459 : vector<1x128xi32> to vector<896x128xi32>
      %eq3A_464 = arith.cmpi eq, %eq3A_462, %eq3A_463 : vector<896x128xi32>
      %and3A_465 = arith.andi %eq3A_461, %eq3A_464 : vector<896x128xi1>
      %jit3A_466 = arith.constant 0x7F800000 : f32
      %broadcast_in_dim3A_467 = vector.broadcast %jit3A_466 : f32 to vector<896x128xf32>
      %select_n3A_468 = arith.select %and3A_465, %broadcast_in_dim3A_467, %select_n3A_425 : vector<896x128xi1>, vector<896x128xf32>
      %eq3A_469 = vector.broadcast %min3A_440 : vector<1x128xf32> to vector<16x128xf32>
      %eq3A_470 = arith.cmpf oeq, %select_n3A_433, %eq3A_469 : vector<16x128xf32>
      %eq3A_471 = vector.broadcast %min3A_459 : vector<1x128xi32> to vector<16x128xi32>
      %eq3A_472 = arith.cmpi eq, %get3A_91, %eq3A_471 : vector<16x128xi32>
      %and3A_473 = arith.andi %eq3A_470, %eq3A_472 : vector<16x128xi1>
      %jit3A_474 = arith.constant 0x7F800000 : f32
      %broadcast_in_dim3A_475 = vector.broadcast %jit3A_474 : f32 to vector<16x128xf32>
      %select_n3A_476 = arith.select %and3A_473, %broadcast_in_dim3A_475, %select_n3A_433 : vector<16x128xi1>, vector<16x128xf32>
      %reduce_min3A_477 = arith.constant dense<0x7F800000> : vector<128xf32>
      %reduce_min3A_478 = vector.multi_reduction <minimumf>, %select_n3A_468, %reduce_min3A_477 [0] : vector<896x128xf32> to vector<128xf32>
      %broadcast_in_dim3A_479 = vector.shape_cast %reduce_min3A_478 : vector<128xf32> to vector<1x128xf32>
      %reduce_min3A_480 = arith.constant dense<0x7F800000> : vector<128xf32>
      %reduce_min3A_481 = vector.multi_reduction <minimumf>, %select_n3A_476, %reduce_min3A_480 [0] : vector<16x128xf32> to vector<128xf32>
      %broadcast_in_dim3A_482 = vector.shape_cast %reduce_min3A_481 : vector<128xf32> to vector<1x128xf32>
      %min3A_483 = arith.minimumf %broadcast_in_dim3A_479, %broadcast_in_dim3A_482 : vector<1x128xf32>
      %eq3A_484 = vector.broadcast %min3A_483 : vector<1x128xf32> to vector<896x128xf32>
      %eq3A_485 = arith.cmpf oeq, %select_n3A_468, %eq3A_484 : vector<896x128xf32>
      %jit3A_486 = arith.constant 1073741824 : i32
      %broadcast_in_dim3A_487 = vector.shape_cast %add3A_80 : vector<896x1xi32> to vector<896x1xi32>
      %broadcast_in_dim3A_488 = vector.broadcast %broadcast_in_dim3A_487 : vector<896x1xi32> to vector<896x128xi32>
      %broadcast_in_dim3A_489 = vector.broadcast %jit3A_486 : i32 to vector<896x128xi32>
      %select_n3A_490 = arith.select %eq3A_485, %broadcast_in_dim3A_488, %broadcast_in_dim3A_489 : vector<896x128xi1>, vector<896x128xi32>
      %reduce_min3A_491 = arith.constant dense<2147483647> : vector<128xi32>
      %reduce_min3A_492 = vector.multi_reduction <minsi>, %select_n3A_490, %reduce_min3A_491 [0] : vector<896x128xi32> to vector<128xi32>
      %broadcast_in_dim3A_493 = vector.shape_cast %reduce_min3A_492 : vector<128xi32> to vector<1x128xi32>
      %eq3A_494 = vector.broadcast %min3A_483 : vector<1x128xf32> to vector<16x128xf32>
      %eq3A_495 = arith.cmpf oeq, %select_n3A_476, %eq3A_494 : vector<16x128xf32>
      %jit3A_496 = arith.constant 1073741824 : i32
      %broadcast_in_dim3A_497 = vector.broadcast %jit3A_496 : i32 to vector<16x128xi32>
      %select_n3A_498 = arith.select %eq3A_495, %get3A_91, %broadcast_in_dim3A_497 : vector<16x128xi1>, vector<16x128xi32>
      %reduce_min3A_499 = arith.constant dense<2147483647> : vector<128xi32>
      %reduce_min3A_500 = vector.multi_reduction <minsi>, %select_n3A_498, %reduce_min3A_499 [0] : vector<16x128xi32> to vector<128xi32>
      %broadcast_in_dim3A_501 = vector.shape_cast %reduce_min3A_500 : vector<128xi32> to vector<1x128xi32>
      %min3A_502 = arith.minsi %broadcast_in_dim3A_501, %broadcast_in_dim3A_493 : vector<1x128xi32>
      %eq3A_503 = vector.broadcast %min3A_483 : vector<1x128xf32> to vector<896x128xf32>
      %eq3A_504 = arith.cmpf oeq, %select_n3A_468, %eq3A_503 : vector<896x128xf32>
      %eq3A_505 = vector.broadcast %add3A_80 : vector<896x1xi32> to vector<896x128xi32>
      %eq3A_506 = vector.broadcast %min3A_502 : vector<1x128xi32> to vector<896x128xi32>
      %eq3A_507 = arith.cmpi eq, %eq3A_505, %eq3A_506 : vector<896x128xi32>
      %and3A_508 = arith.andi %eq3A_504, %eq3A_507 : vector<896x128xi1>
      %jit3A_509 = arith.constant 0x7F800000 : f32
      %broadcast_in_dim3A_510 = vector.broadcast %jit3A_509 : f32 to vector<896x128xf32>
      %select_n3A_511 = arith.select %and3A_508, %broadcast_in_dim3A_510, %select_n3A_468 : vector<896x128xi1>, vector<896x128xf32>
      %eq3A_512 = vector.broadcast %min3A_483 : vector<1x128xf32> to vector<16x128xf32>
      %eq3A_513 = arith.cmpf oeq, %select_n3A_476, %eq3A_512 : vector<16x128xf32>
      %eq3A_514 = vector.broadcast %min3A_502 : vector<1x128xi32> to vector<16x128xi32>
      %eq3A_515 = arith.cmpi eq, %get3A_91, %eq3A_514 : vector<16x128xi32>
      %and3A_516 = arith.andi %eq3A_513, %eq3A_515 : vector<16x128xi1>
      %jit3A_517 = arith.constant 0x7F800000 : f32
      %broadcast_in_dim3A_518 = vector.broadcast %jit3A_517 : f32 to vector<16x128xf32>
      %select_n3A_519 = arith.select %and3A_516, %broadcast_in_dim3A_518, %select_n3A_476 : vector<16x128xi1>, vector<16x128xf32>
      %reduce_min3A_520 = arith.constant dense<0x7F800000> : vector<128xf32>
      %reduce_min3A_521 = vector.multi_reduction <minimumf>, %select_n3A_511, %reduce_min3A_520 [0] : vector<896x128xf32> to vector<128xf32>
      %broadcast_in_dim3A_522 = vector.shape_cast %reduce_min3A_521 : vector<128xf32> to vector<1x128xf32>
      %reduce_min3A_523 = arith.constant dense<0x7F800000> : vector<128xf32>
      %reduce_min3A_524 = vector.multi_reduction <minimumf>, %select_n3A_519, %reduce_min3A_523 [0] : vector<16x128xf32> to vector<128xf32>
      %broadcast_in_dim3A_525 = vector.shape_cast %reduce_min3A_524 : vector<128xf32> to vector<1x128xf32>
      %min3A_526 = arith.minimumf %broadcast_in_dim3A_522, %broadcast_in_dim3A_525 : vector<1x128xf32>
      %eq3A_527 = vector.broadcast %min3A_526 : vector<1x128xf32> to vector<896x128xf32>
      %eq3A_528 = arith.cmpf oeq, %select_n3A_511, %eq3A_527 : vector<896x128xf32>
      %jit3A_529 = arith.constant 1073741824 : i32
      %broadcast_in_dim3A_530 = vector.shape_cast %add3A_80 : vector<896x1xi32> to vector<896x1xi32>
      %broadcast_in_dim3A_531 = vector.broadcast %broadcast_in_dim3A_530 : vector<896x1xi32> to vector<896x128xi32>
      %broadcast_in_dim3A_532 = vector.broadcast %jit3A_529 : i32 to vector<896x128xi32>
      %select_n3A_533 = arith.select %eq3A_528, %broadcast_in_dim3A_531, %broadcast_in_dim3A_532 : vector<896x128xi1>, vector<896x128xi32>
      %reduce_min3A_534 = arith.constant dense<2147483647> : vector<128xi32>
      %reduce_min3A_535 = vector.multi_reduction <minsi>, %select_n3A_533, %reduce_min3A_534 [0] : vector<896x128xi32> to vector<128xi32>
      %broadcast_in_dim3A_536 = vector.shape_cast %reduce_min3A_535 : vector<128xi32> to vector<1x128xi32>
      %eq3A_537 = vector.broadcast %min3A_526 : vector<1x128xf32> to vector<16x128xf32>
      %eq3A_538 = arith.cmpf oeq, %select_n3A_519, %eq3A_537 : vector<16x128xf32>
      %jit3A_539 = arith.constant 1073741824 : i32
      %broadcast_in_dim3A_540 = vector.broadcast %jit3A_539 : i32 to vector<16x128xi32>
      %select_n3A_541 = arith.select %eq3A_538, %get3A_91, %broadcast_in_dim3A_540 : vector<16x128xi1>, vector<16x128xi32>
      %reduce_min3A_542 = arith.constant dense<2147483647> : vector<128xi32>
      %reduce_min3A_543 = vector.multi_reduction <minsi>, %select_n3A_541, %reduce_min3A_542 [0] : vector<16x128xi32> to vector<128xi32>
      %broadcast_in_dim3A_544 = vector.shape_cast %reduce_min3A_543 : vector<128xi32> to vector<1x128xi32>
      %min3A_545 = arith.minsi %broadcast_in_dim3A_544, %broadcast_in_dim3A_536 : vector<1x128xi32>
      %eq3A_546 = vector.broadcast %min3A_526 : vector<1x128xf32> to vector<896x128xf32>
      %eq3A_547 = arith.cmpf oeq, %select_n3A_511, %eq3A_546 : vector<896x128xf32>
      %eq3A_548 = vector.broadcast %add3A_80 : vector<896x1xi32> to vector<896x128xi32>
      %eq3A_549 = vector.broadcast %min3A_545 : vector<1x128xi32> to vector<896x128xi32>
      %eq3A_550 = arith.cmpi eq, %eq3A_548, %eq3A_549 : vector<896x128xi32>
      %and3A_551 = arith.andi %eq3A_547, %eq3A_550 : vector<896x128xi1>
      %jit3A_552 = arith.constant 0x7F800000 : f32
      %broadcast_in_dim3A_553 = vector.broadcast %jit3A_552 : f32 to vector<896x128xf32>
      %select_n3A_554 = arith.select %and3A_551, %broadcast_in_dim3A_553, %select_n3A_511 : vector<896x128xi1>, vector<896x128xf32>
      %eq3A_555 = vector.broadcast %min3A_526 : vector<1x128xf32> to vector<16x128xf32>
      %eq3A_556 = arith.cmpf oeq, %select_n3A_519, %eq3A_555 : vector<16x128xf32>
      %eq3A_557 = vector.broadcast %min3A_545 : vector<1x128xi32> to vector<16x128xi32>
      %eq3A_558 = arith.cmpi eq, %get3A_91, %eq3A_557 : vector<16x128xi32>
      %and3A_559 = arith.andi %eq3A_556, %eq3A_558 : vector<16x128xi1>
      %jit3A_560 = arith.constant 0x7F800000 : f32
      %broadcast_in_dim3A_561 = vector.broadcast %jit3A_560 : f32 to vector<16x128xf32>
      %select_n3A_562 = arith.select %and3A_559, %broadcast_in_dim3A_561, %select_n3A_519 : vector<16x128xi1>, vector<16x128xf32>
      %reduce_min3A_563 = arith.constant dense<0x7F800000> : vector<128xf32>
      %reduce_min3A_564 = vector.multi_reduction <minimumf>, %select_n3A_554, %reduce_min3A_563 [0] : vector<896x128xf32> to vector<128xf32>
      %broadcast_in_dim3A_565 = vector.shape_cast %reduce_min3A_564 : vector<128xf32> to vector<1x128xf32>
      %reduce_min3A_566 = arith.constant dense<0x7F800000> : vector<128xf32>
      %reduce_min3A_567 = vector.multi_reduction <minimumf>, %select_n3A_562, %reduce_min3A_566 [0] : vector<16x128xf32> to vector<128xf32>
      %broadcast_in_dim3A_568 = vector.shape_cast %reduce_min3A_567 : vector<128xf32> to vector<1x128xf32>
      %min3A_569 = arith.minimumf %broadcast_in_dim3A_565, %broadcast_in_dim3A_568 : vector<1x128xf32>
      %eq3A_570 = vector.broadcast %min3A_569 : vector<1x128xf32> to vector<896x128xf32>
      %eq3A_571 = arith.cmpf oeq, %select_n3A_554, %eq3A_570 : vector<896x128xf32>
      %jit3A_572 = arith.constant 1073741824 : i32
      %broadcast_in_dim3A_573 = vector.shape_cast %add3A_80 : vector<896x1xi32> to vector<896x1xi32>
      %broadcast_in_dim3A_574 = vector.broadcast %broadcast_in_dim3A_573 : vector<896x1xi32> to vector<896x128xi32>
      %broadcast_in_dim3A_575 = vector.broadcast %jit3A_572 : i32 to vector<896x128xi32>
      %select_n3A_576 = arith.select %eq3A_571, %broadcast_in_dim3A_574, %broadcast_in_dim3A_575 : vector<896x128xi1>, vector<896x128xi32>
      %reduce_min3A_577 = arith.constant dense<2147483647> : vector<128xi32>
      %reduce_min3A_578 = vector.multi_reduction <minsi>, %select_n3A_576, %reduce_min3A_577 [0] : vector<896x128xi32> to vector<128xi32>
      %broadcast_in_dim3A_579 = vector.shape_cast %reduce_min3A_578 : vector<128xi32> to vector<1x128xi32>
      %eq3A_580 = vector.broadcast %min3A_569 : vector<1x128xf32> to vector<16x128xf32>
      %eq3A_581 = arith.cmpf oeq, %select_n3A_562, %eq3A_580 : vector<16x128xf32>
      %jit3A_582 = arith.constant 1073741824 : i32
      %broadcast_in_dim3A_583 = vector.broadcast %jit3A_582 : i32 to vector<16x128xi32>
      %select_n3A_584 = arith.select %eq3A_581, %get3A_91, %broadcast_in_dim3A_583 : vector<16x128xi1>, vector<16x128xi32>
      %reduce_min3A_585 = arith.constant dense<2147483647> : vector<128xi32>
      %reduce_min3A_586 = vector.multi_reduction <minsi>, %select_n3A_584, %reduce_min3A_585 [0] : vector<16x128xi32> to vector<128xi32>
      %broadcast_in_dim3A_587 = vector.shape_cast %reduce_min3A_586 : vector<128xi32> to vector<1x128xi32>
      %min3A_588 = arith.minsi %broadcast_in_dim3A_587, %broadcast_in_dim3A_579 : vector<1x128xi32>
      %eq3A_589 = vector.broadcast %min3A_569 : vector<1x128xf32> to vector<896x128xf32>
      %eq3A_590 = arith.cmpf oeq, %select_n3A_554, %eq3A_589 : vector<896x128xf32>
      %eq3A_591 = vector.broadcast %add3A_80 : vector<896x1xi32> to vector<896x128xi32>
      %eq3A_592 = vector.broadcast %min3A_588 : vector<1x128xi32> to vector<896x128xi32>
      %eq3A_593 = arith.cmpi eq, %eq3A_591, %eq3A_592 : vector<896x128xi32>
      %and3A_594 = arith.andi %eq3A_590, %eq3A_593 : vector<896x128xi1>
      %jit3A_595 = arith.constant 0x7F800000 : f32
      %broadcast_in_dim3A_596 = vector.broadcast %jit3A_595 : f32 to vector<896x128xf32>
      %select_n3A_597 = arith.select %and3A_594, %broadcast_in_dim3A_596, %select_n3A_554 : vector<896x128xi1>, vector<896x128xf32>
      %eq3A_598 = vector.broadcast %min3A_569 : vector<1x128xf32> to vector<16x128xf32>
      %eq3A_599 = arith.cmpf oeq, %select_n3A_562, %eq3A_598 : vector<16x128xf32>
      %eq3A_600 = vector.broadcast %min3A_588 : vector<1x128xi32> to vector<16x128xi32>
      %eq3A_601 = arith.cmpi eq, %get3A_91, %eq3A_600 : vector<16x128xi32>
      %and3A_602 = arith.andi %eq3A_599, %eq3A_601 : vector<16x128xi1>
      %jit3A_603 = arith.constant 0x7F800000 : f32
      %broadcast_in_dim3A_604 = vector.broadcast %jit3A_603 : f32 to vector<16x128xf32>
      %select_n3A_605 = arith.select %and3A_602, %broadcast_in_dim3A_604, %select_n3A_562 : vector<16x128xi1>, vector<16x128xf32>
      %reduce_min3A_606 = arith.constant dense<0x7F800000> : vector<128xf32>
      %reduce_min3A_607 = vector.multi_reduction <minimumf>, %select_n3A_597, %reduce_min3A_606 [0] : vector<896x128xf32> to vector<128xf32>
      %broadcast_in_dim3A_608 = vector.shape_cast %reduce_min3A_607 : vector<128xf32> to vector<1x128xf32>
      %reduce_min3A_609 = arith.constant dense<0x7F800000> : vector<128xf32>
      %reduce_min3A_610 = vector.multi_reduction <minimumf>, %select_n3A_605, %reduce_min3A_609 [0] : vector<16x128xf32> to vector<128xf32>
      %broadcast_in_dim3A_611 = vector.shape_cast %reduce_min3A_610 : vector<128xf32> to vector<1x128xf32>
      %min3A_612 = arith.minimumf %broadcast_in_dim3A_608, %broadcast_in_dim3A_611 : vector<1x128xf32>
      %eq3A_613 = vector.broadcast %min3A_612 : vector<1x128xf32> to vector<896x128xf32>
      %eq3A_614 = arith.cmpf oeq, %select_n3A_597, %eq3A_613 : vector<896x128xf32>
      %jit3A_615 = arith.constant 1073741824 : i32
      %broadcast_in_dim3A_616 = vector.shape_cast %add3A_80 : vector<896x1xi32> to vector<896x1xi32>
      %broadcast_in_dim3A_617 = vector.broadcast %broadcast_in_dim3A_616 : vector<896x1xi32> to vector<896x128xi32>
      %broadcast_in_dim3A_618 = vector.broadcast %jit3A_615 : i32 to vector<896x128xi32>
      %select_n3A_619 = arith.select %eq3A_614, %broadcast_in_dim3A_617, %broadcast_in_dim3A_618 : vector<896x128xi1>, vector<896x128xi32>
      %reduce_min3A_620 = arith.constant dense<2147483647> : vector<128xi32>
      %reduce_min3A_621 = vector.multi_reduction <minsi>, %select_n3A_619, %reduce_min3A_620 [0] : vector<896x128xi32> to vector<128xi32>
      %broadcast_in_dim3A_622 = vector.shape_cast %reduce_min3A_621 : vector<128xi32> to vector<1x128xi32>
      %eq3A_623 = vector.broadcast %min3A_612 : vector<1x128xf32> to vector<16x128xf32>
      %eq3A_624 = arith.cmpf oeq, %select_n3A_605, %eq3A_623 : vector<16x128xf32>
      %jit3A_625 = arith.constant 1073741824 : i32
      %broadcast_in_dim3A_626 = vector.broadcast %jit3A_625 : i32 to vector<16x128xi32>
      %select_n3A_627 = arith.select %eq3A_624, %get3A_91, %broadcast_in_dim3A_626 : vector<16x128xi1>, vector<16x128xi32>
      %reduce_min3A_628 = arith.constant dense<2147483647> : vector<128xi32>
      %reduce_min3A_629 = vector.multi_reduction <minsi>, %select_n3A_627, %reduce_min3A_628 [0] : vector<16x128xi32> to vector<128xi32>
      %broadcast_in_dim3A_630 = vector.shape_cast %reduce_min3A_629 : vector<128xi32> to vector<1x128xi32>
      %min3A_631 = arith.minsi %broadcast_in_dim3A_630, %broadcast_in_dim3A_622 : vector<1x128xi32>
      %eq3A_632 = vector.broadcast %min3A_612 : vector<1x128xf32> to vector<896x128xf32>
      %eq3A_633 = arith.cmpf oeq, %select_n3A_597, %eq3A_632 : vector<896x128xf32>
      %eq3A_634 = vector.broadcast %add3A_80 : vector<896x1xi32> to vector<896x128xi32>
      %eq3A_635 = vector.broadcast %min3A_631 : vector<1x128xi32> to vector<896x128xi32>
      %eq3A_636 = arith.cmpi eq, %eq3A_634, %eq3A_635 : vector<896x128xi32>
      %and3A_637 = arith.andi %eq3A_633, %eq3A_636 : vector<896x128xi1>
      %jit3A_638 = arith.constant 0x7F800000 : f32
      %broadcast_in_dim3A_639 = vector.broadcast %jit3A_638 : f32 to vector<896x128xf32>
      %select_n3A_640 = arith.select %and3A_637, %broadcast_in_dim3A_639, %select_n3A_597 : vector<896x128xi1>, vector<896x128xf32>
      %eq3A_641 = vector.broadcast %min3A_612 : vector<1x128xf32> to vector<16x128xf32>
      %eq3A_642 = arith.cmpf oeq, %select_n3A_605, %eq3A_641 : vector<16x128xf32>
      %eq3A_643 = vector.broadcast %min3A_631 : vector<1x128xi32> to vector<16x128xi32>
      %eq3A_644 = arith.cmpi eq, %get3A_91, %eq3A_643 : vector<16x128xi32>
      %and3A_645 = arith.andi %eq3A_642, %eq3A_644 : vector<16x128xi1>
      %jit3A_646 = arith.constant 0x7F800000 : f32
      %broadcast_in_dim3A_647 = vector.broadcast %jit3A_646 : f32 to vector<16x128xf32>
      %select_n3A_648 = arith.select %and3A_645, %broadcast_in_dim3A_647, %select_n3A_605 : vector<16x128xi1>, vector<16x128xf32>
      %reduce_min3A_649 = arith.constant dense<0x7F800000> : vector<128xf32>
      %reduce_min3A_650 = vector.multi_reduction <minimumf>, %select_n3A_640, %reduce_min3A_649 [0] : vector<896x128xf32> to vector<128xf32>
      %broadcast_in_dim3A_651 = vector.shape_cast %reduce_min3A_650 : vector<128xf32> to vector<1x128xf32>
      %reduce_min3A_652 = arith.constant dense<0x7F800000> : vector<128xf32>
      %reduce_min3A_653 = vector.multi_reduction <minimumf>, %select_n3A_648, %reduce_min3A_652 [0] : vector<16x128xf32> to vector<128xf32>
      %broadcast_in_dim3A_654 = vector.shape_cast %reduce_min3A_653 : vector<128xf32> to vector<1x128xf32>
      %min3A_655 = arith.minimumf %broadcast_in_dim3A_651, %broadcast_in_dim3A_654 : vector<1x128xf32>
      %eq3A_656 = vector.broadcast %min3A_655 : vector<1x128xf32> to vector<896x128xf32>
      %eq3A_657 = arith.cmpf oeq, %select_n3A_640, %eq3A_656 : vector<896x128xf32>
      %jit3A_658 = arith.constant 1073741824 : i32
      %broadcast_in_dim3A_659 = vector.shape_cast %add3A_80 : vector<896x1xi32> to vector<896x1xi32>
      %broadcast_in_dim3A_660 = vector.broadcast %broadcast_in_dim3A_659 : vector<896x1xi32> to vector<896x128xi32>
      %broadcast_in_dim3A_661 = vector.broadcast %jit3A_658 : i32 to vector<896x128xi32>
      %select_n3A_662 = arith.select %eq3A_657, %broadcast_in_dim3A_660, %broadcast_in_dim3A_661 : vector<896x128xi1>, vector<896x128xi32>
      %reduce_min3A_663 = arith.constant dense<2147483647> : vector<128xi32>
      %reduce_min3A_664 = vector.multi_reduction <minsi>, %select_n3A_662, %reduce_min3A_663 [0] : vector<896x128xi32> to vector<128xi32>
      %broadcast_in_dim3A_665 = vector.shape_cast %reduce_min3A_664 : vector<128xi32> to vector<1x128xi32>
      %eq3A_666 = vector.broadcast %min3A_655 : vector<1x128xf32> to vector<16x128xf32>
      %eq3A_667 = arith.cmpf oeq, %select_n3A_648, %eq3A_666 : vector<16x128xf32>
      %jit3A_668 = arith.constant 1073741824 : i32
      %broadcast_in_dim3A_669 = vector.broadcast %jit3A_668 : i32 to vector<16x128xi32>
      %select_n3A_670 = arith.select %eq3A_667, %get3A_91, %broadcast_in_dim3A_669 : vector<16x128xi1>, vector<16x128xi32>
      %reduce_min3A_671 = arith.constant dense<2147483647> : vector<128xi32>
      %reduce_min3A_672 = vector.multi_reduction <minsi>, %select_n3A_670, %reduce_min3A_671 [0] : vector<16x128xi32> to vector<128xi32>
      %broadcast_in_dim3A_673 = vector.shape_cast %reduce_min3A_672 : vector<128xi32> to vector<1x128xi32>
      %min3A_674 = arith.minsi %broadcast_in_dim3A_673, %broadcast_in_dim3A_665 : vector<1x128xi32>
      %eq3A_675 = vector.broadcast %min3A_655 : vector<1x128xf32> to vector<896x128xf32>
      %eq3A_676 = arith.cmpf oeq, %select_n3A_640, %eq3A_675 : vector<896x128xf32>
      %eq3A_677 = vector.broadcast %add3A_80 : vector<896x1xi32> to vector<896x128xi32>
      %eq3A_678 = vector.broadcast %min3A_674 : vector<1x128xi32> to vector<896x128xi32>
      %eq3A_679 = arith.cmpi eq, %eq3A_677, %eq3A_678 : vector<896x128xi32>
      %and3A_680 = arith.andi %eq3A_676, %eq3A_679 : vector<896x128xi1>
      %jit3A_681 = arith.constant 0x7F800000 : f32
      %broadcast_in_dim3A_682 = vector.broadcast %jit3A_681 : f32 to vector<896x128xf32>
      %select_n3A_683 = arith.select %and3A_680, %broadcast_in_dim3A_682, %select_n3A_640 : vector<896x128xi1>, vector<896x128xf32>
      %eq3A_684 = vector.broadcast %min3A_655 : vector<1x128xf32> to vector<16x128xf32>
      %eq3A_685 = arith.cmpf oeq, %select_n3A_648, %eq3A_684 : vector<16x128xf32>
      %eq3A_686 = vector.broadcast %min3A_674 : vector<1x128xi32> to vector<16x128xi32>
      %eq3A_687 = arith.cmpi eq, %get3A_91, %eq3A_686 : vector<16x128xi32>
      %and3A_688 = arith.andi %eq3A_685, %eq3A_687 : vector<16x128xi1>
      %jit3A_689 = arith.constant 0x7F800000 : f32
      %broadcast_in_dim3A_690 = vector.broadcast %jit3A_689 : f32 to vector<16x128xf32>
      %select_n3A_691 = arith.select %and3A_688, %broadcast_in_dim3A_690, %select_n3A_648 : vector<16x128xi1>, vector<16x128xf32>
      %reduce_min3A_692 = arith.constant dense<0x7F800000> : vector<128xf32>
      %reduce_min3A_693 = vector.multi_reduction <minimumf>, %select_n3A_683, %reduce_min3A_692 [0] : vector<896x128xf32> to vector<128xf32>
      %broadcast_in_dim3A_694 = vector.shape_cast %reduce_min3A_693 : vector<128xf32> to vector<1x128xf32>
      %reduce_min3A_695 = arith.constant dense<0x7F800000> : vector<128xf32>
      %reduce_min3A_696 = vector.multi_reduction <minimumf>, %select_n3A_691, %reduce_min3A_695 [0] : vector<16x128xf32> to vector<128xf32>
      %broadcast_in_dim3A_697 = vector.shape_cast %reduce_min3A_696 : vector<128xf32> to vector<1x128xf32>
      %min3A_698 = arith.minimumf %broadcast_in_dim3A_694, %broadcast_in_dim3A_697 : vector<1x128xf32>
      %eq3A_699 = vector.broadcast %min3A_698 : vector<1x128xf32> to vector<896x128xf32>
      %eq3A_700 = arith.cmpf oeq, %select_n3A_683, %eq3A_699 : vector<896x128xf32>
      %jit3A_701 = arith.constant 1073741824 : i32
      %broadcast_in_dim3A_702 = vector.shape_cast %add3A_80 : vector<896x1xi32> to vector<896x1xi32>
      %broadcast_in_dim3A_703 = vector.broadcast %broadcast_in_dim3A_702 : vector<896x1xi32> to vector<896x128xi32>
      %broadcast_in_dim3A_704 = vector.broadcast %jit3A_701 : i32 to vector<896x128xi32>
      %select_n3A_705 = arith.select %eq3A_700, %broadcast_in_dim3A_703, %broadcast_in_dim3A_704 : vector<896x128xi1>, vector<896x128xi32>
      %reduce_min3A_706 = arith.constant dense<2147483647> : vector<128xi32>
      %reduce_min3A_707 = vector.multi_reduction <minsi>, %select_n3A_705, %reduce_min3A_706 [0] : vector<896x128xi32> to vector<128xi32>
      %broadcast_in_dim3A_708 = vector.shape_cast %reduce_min3A_707 : vector<128xi32> to vector<1x128xi32>
      %eq3A_709 = vector.broadcast %min3A_698 : vector<1x128xf32> to vector<16x128xf32>
      %eq3A_710 = arith.cmpf oeq, %select_n3A_691, %eq3A_709 : vector<16x128xf32>
      %jit3A_711 = arith.constant 1073741824 : i32
      %broadcast_in_dim3A_712 = vector.broadcast %jit3A_711 : i32 to vector<16x128xi32>
      %select_n3A_713 = arith.select %eq3A_710, %get3A_91, %broadcast_in_dim3A_712 : vector<16x128xi1>, vector<16x128xi32>
      %reduce_min3A_714 = arith.constant dense<2147483647> : vector<128xi32>
      %reduce_min3A_715 = vector.multi_reduction <minsi>, %select_n3A_713, %reduce_min3A_714 [0] : vector<16x128xi32> to vector<128xi32>
      %broadcast_in_dim3A_716 = vector.shape_cast %reduce_min3A_715 : vector<128xi32> to vector<1x128xi32>
      %min3A_717 = arith.minsi %broadcast_in_dim3A_716, %broadcast_in_dim3A_708 : vector<1x128xi32>
      %eq3A_718 = vector.broadcast %min3A_698 : vector<1x128xf32> to vector<896x128xf32>
      %eq3A_719 = arith.cmpf oeq, %select_n3A_683, %eq3A_718 : vector<896x128xf32>
      %eq3A_720 = vector.broadcast %add3A_80 : vector<896x1xi32> to vector<896x128xi32>
      %eq3A_721 = vector.broadcast %min3A_717 : vector<1x128xi32> to vector<896x128xi32>
      %eq3A_722 = arith.cmpi eq, %eq3A_720, %eq3A_721 : vector<896x128xi32>
      %and3A_723 = arith.andi %eq3A_719, %eq3A_722 : vector<896x128xi1>
      %jit3A_724 = arith.constant 0x7F800000 : f32
      %broadcast_in_dim3A_725 = vector.broadcast %jit3A_724 : f32 to vector<896x128xf32>
      %select_n3A_726 = arith.select %and3A_723, %broadcast_in_dim3A_725, %select_n3A_683 : vector<896x128xi1>, vector<896x128xf32>
      %eq3A_727 = vector.broadcast %min3A_698 : vector<1x128xf32> to vector<16x128xf32>
      %eq3A_728 = arith.cmpf oeq, %select_n3A_691, %eq3A_727 : vector<16x128xf32>
      %eq3A_729 = vector.broadcast %min3A_717 : vector<1x128xi32> to vector<16x128xi32>
      %eq3A_730 = arith.cmpi eq, %get3A_91, %eq3A_729 : vector<16x128xi32>
      %and3A_731 = arith.andi %eq3A_728, %eq3A_730 : vector<16x128xi1>
      %jit3A_732 = arith.constant 0x7F800000 : f32
      %broadcast_in_dim3A_733 = vector.broadcast %jit3A_732 : f32 to vector<16x128xf32>
      %select_n3A_734 = arith.select %and3A_731, %broadcast_in_dim3A_733, %select_n3A_691 : vector<16x128xi1>, vector<16x128xf32>
      %reduce_min3A_735 = arith.constant dense<0x7F800000> : vector<128xf32>
      %reduce_min3A_736 = vector.multi_reduction <minimumf>, %select_n3A_726, %reduce_min3A_735 [0] : vector<896x128xf32> to vector<128xf32>
      %broadcast_in_dim3A_737 = vector.shape_cast %reduce_min3A_736 : vector<128xf32> to vector<1x128xf32>
      %reduce_min3A_738 = arith.constant dense<0x7F800000> : vector<128xf32>
      %reduce_min3A_739 = vector.multi_reduction <minimumf>, %select_n3A_734, %reduce_min3A_738 [0] : vector<16x128xf32> to vector<128xf32>
      %broadcast_in_dim3A_740 = vector.shape_cast %reduce_min3A_739 : vector<128xf32> to vector<1x128xf32>
      %min3A_741 = arith.minimumf %broadcast_in_dim3A_737, %broadcast_in_dim3A_740 : vector<1x128xf32>
      %eq3A_742 = vector.broadcast %min3A_741 : vector<1x128xf32> to vector<896x128xf32>
      %eq3A_743 = arith.cmpf oeq, %select_n3A_726, %eq3A_742 : vector<896x128xf32>
      %jit3A_744 = arith.constant 1073741824 : i32
      %broadcast_in_dim3A_745 = vector.shape_cast %add3A_80 : vector<896x1xi32> to vector<896x1xi32>
      %broadcast_in_dim3A_746 = vector.broadcast %broadcast_in_dim3A_745 : vector<896x1xi32> to vector<896x128xi32>
      %broadcast_in_dim3A_747 = vector.broadcast %jit3A_744 : i32 to vector<896x128xi32>
      %select_n3A_748 = arith.select %eq3A_743, %broadcast_in_dim3A_746, %broadcast_in_dim3A_747 : vector<896x128xi1>, vector<896x128xi32>
      %reduce_min3A_749 = arith.constant dense<2147483647> : vector<128xi32>
      %reduce_min3A_750 = vector.multi_reduction <minsi>, %select_n3A_748, %reduce_min3A_749 [0] : vector<896x128xi32> to vector<128xi32>
      %broadcast_in_dim3A_751 = vector.shape_cast %reduce_min3A_750 : vector<128xi32> to vector<1x128xi32>
      %eq3A_752 = vector.broadcast %min3A_741 : vector<1x128xf32> to vector<16x128xf32>
      %eq3A_753 = arith.cmpf oeq, %select_n3A_734, %eq3A_752 : vector<16x128xf32>
      %jit3A_754 = arith.constant 1073741824 : i32
      %broadcast_in_dim3A_755 = vector.broadcast %jit3A_754 : i32 to vector<16x128xi32>
      %select_n3A_756 = arith.select %eq3A_753, %get3A_91, %broadcast_in_dim3A_755 : vector<16x128xi1>, vector<16x128xi32>
      %reduce_min3A_757 = arith.constant dense<2147483647> : vector<128xi32>
      %reduce_min3A_758 = vector.multi_reduction <minsi>, %select_n3A_756, %reduce_min3A_757 [0] : vector<16x128xi32> to vector<128xi32>
      %broadcast_in_dim3A_759 = vector.shape_cast %reduce_min3A_758 : vector<128xi32> to vector<1x128xi32>
      %min3A_760 = arith.minsi %broadcast_in_dim3A_759, %broadcast_in_dim3A_751 : vector<1x128xi32>
      %eq3A_761 = vector.broadcast %min3A_741 : vector<1x128xf32> to vector<896x128xf32>
      %eq3A_762 = arith.cmpf oeq, %select_n3A_726, %eq3A_761 : vector<896x128xf32>
      %eq3A_763 = vector.broadcast %add3A_80 : vector<896x1xi32> to vector<896x128xi32>
      %eq3A_764 = vector.broadcast %min3A_760 : vector<1x128xi32> to vector<896x128xi32>
      %eq3A_765 = arith.cmpi eq, %eq3A_763, %eq3A_764 : vector<896x128xi32>
      %and3A_766 = arith.andi %eq3A_762, %eq3A_765 : vector<896x128xi1>
      %jit3A_767 = arith.constant 0x7F800000 : f32
      %broadcast_in_dim3A_768 = vector.broadcast %jit3A_767 : f32 to vector<896x128xf32>
      %select_n3A_769 = arith.select %and3A_766, %broadcast_in_dim3A_768, %select_n3A_726 : vector<896x128xi1>, vector<896x128xf32>
      %eq3A_770 = vector.broadcast %min3A_741 : vector<1x128xf32> to vector<16x128xf32>
      %eq3A_771 = arith.cmpf oeq, %select_n3A_734, %eq3A_770 : vector<16x128xf32>
      %eq3A_772 = vector.broadcast %min3A_760 : vector<1x128xi32> to vector<16x128xi32>
      %eq3A_773 = arith.cmpi eq, %get3A_91, %eq3A_772 : vector<16x128xi32>
      %and3A_774 = arith.andi %eq3A_771, %eq3A_773 : vector<16x128xi1>
      %jit3A_775 = arith.constant 0x7F800000 : f32
      %broadcast_in_dim3A_776 = vector.broadcast %jit3A_775 : f32 to vector<16x128xf32>
      %select_n3A_777 = arith.select %and3A_774, %broadcast_in_dim3A_776, %select_n3A_734 : vector<16x128xi1>, vector<16x128xf32>
      %concatenate3A = tpu.concatenate %min3A_97, %min3A_139, %min3A_182, %min3A_225, %min3A_268, %min3A_311, %min3A_354, %min3A_397, %min3A_440, %min3A_483, %min3A_526, %min3A_569, %min3A_612, %min3A_655, %min3A_698, %min3A_741 in 0 : vector<1x128xf32>, vector<1x128xf32>, vector<1x128xf32>, vector<1x128xf32>, vector<1x128xf32>, vector<1x128xf32>, vector<1x128xf32>, vector<1x128xf32>, vector<1x128xf32>, vector<1x128xf32>, vector<1x128xf32>, vector<1x128xf32>, vector<1x128xf32>, vector<1x128xf32>, vector<1x128xf32>, vector<1x128xf32> -> vector<16x128xf32>
      %swap3A_778 = arith.constant 0 : index
      %swap3A_779 = arith.constant 0 : index
      %swap3A_780 = vector.load %arg8[%swap3A_778, %swap3A_779] : memref<16x128xf32, #tpu.memory_space<vmem>>, vector<16x128xf32>
      tpu.vector_store %arg8[%swap3A_778, %swap3A_779], %concatenate3A {strides = array<i32>} : memref<16x128xf32, #tpu.memory_space<vmem>>, vector<16x128xf32>,
      %concatenate3A_781 = tpu.concatenate %min3A_116, %min3A_158, %min3A_201, %min3A_244, %min3A_287, %min3A_330, %min3A_373, %min3A_416, %min3A_459, %min3A_502, %min3A_545, %min3A_588, %min3A_631, %min3A_674, %min3A_717, %min3A_760 in 0 : vector<1x128xi32>, vector<1x128xi32>, vector<1x128xi32>, vector<1x128xi32>, vector<1x128xi32>, vector<1x128xi32>, vector<1x128xi32>, vector<1x128xi32>, vector<1x128xi32>, vector<1x128xi32>, vector<1x128xi32>, vector<1x128xi32>, vector<1x128xi32>, vector<1x128xi32>, vector<1x128xi32>, vector<1x128xi32> -> vector<16x128xi32>
      %swap3A_782 = arith.constant 0 : index
      %swap3A_783 = arith.constant 0 : index
      %swap3A_784 = vector.load %arg9[%swap3A_782, %swap3A_783] : memref<16x128xi32, #tpu.memory_space<vmem>>, vector<16x128xi32>
      tpu.vector_store %arg9[%swap3A_782, %swap3A_783], %concatenate3A_781 {strides = array<i32>} : memref<16x128xi32, #tpu.memory_space<vmem>>, vector<16x128xi32>,
      %while3A_785 = arith.constant 0 : i32
      scf.yield %while3A_785 : i32
    }
    %get3A_29 = arith.constant 0 : index
    %get3A_30 = arith.constant 0 : index
    %get3A_31 = vector.load %arg9[%get3A_29, %get3A_30] : memref<16x128xi32, #tpu.memory_space<vmem>>, vector<16x128xi32>
    %swap3A_32 = arith.constant 0 : index
    %swap3A_33 = arith.constant 0 : index
    %swap3A_34 = vector.load %arg7[%swap3A_32, %swap3A_33] : memref<16x128xi32, #tpu.memory_space<vmem>>, vector<16x128xi32>
    tpu.vector_store %arg7[%swap3A_32, %swap3A_33], %get3A_31 {strides = array<i32>} : memref<16x128xi32, #tpu.memory_space<vmem>>, vector<16x128xi32>,
    return
  }
  func.func @transform_0(%arg0: i32) -> i32 {
    %c0_i32 = arith.constant 0 : i32
    %c0_i32_0 = arith.constant 0 : i32
    return %c0_i32 : i32
  }
  func.func @transform_1(%arg0: i32) -> i32 {
    %c0_i32 = arith.constant 0 : i32
    %c0_i32_0 = arith.constant 0 : i32
    return %c0_i32 : i32
  }
  func.func @transform_2(%arg0: i32) -> (i32, i32) {
    %c0_i32 = arith.constant 0 : i32
    %c0_i32_0 = arith.constant 0 : i32
    %c0_i32_1 = arith.constant 0 : i32
    return %c0_i32, %c0_i32_0 : i32, i32
  }
  func.func @transform_3(%arg0: i32) -> (i32, i32) {
    %add3A = arith.constant 40 : i32
    %add3A_0 = arith.addi %add3A, %arg0 : i32
    %c0_i32 = arith.constant 0 : i32
    %c0_i32_1 = arith.constant 0 : i32
    return %c0_i32, %add3A_0 : i32, i32
  }
  func.func @transform_4(%arg0: i32) -> (i32, i32) {
    %c0_i32 = arith.constant 0 : i32
    %c0_i32_0 = arith.constant 0 : i32
    %c0_i32_1 = arith.constant 0 : i32
    return %c0_i32, %c0_i32_0 : i32, i32
  }
  func.func @transform_5(%arg0: i32) -> (i32, i32) {
    %add3A = arith.constant 40 : i32
    %add3A_0 = arith.addi %add3A, %arg0 : i32
    %c0_i32 = arith.constant 0 : i32
    %c0_i32_1 = arith.constant 0 : i32
    return %c0_i32, %add3A_0 : i32, i32
  }
  func.func @transform_6(%arg0: i32) -> (i32, i32) {
    %c0_i32 = arith.constant 0 : i32
    %c0_i32_0 = arith.constant 0 : i32
    return %c0_i32, %arg0 : i32, i32
  }
}

module attributes {stable_mosaic.version = 14 : i64} {
  func.func @_mm_body(%arg0: i32, %arg1: memref<256x256xf32, #tpu.memory_space<vmem>>, %arg2: memref<256x768xf32, #tpu.memory_space<vmem>>, %arg3: memref<256x512xf32, #tpu.memory_space<vmem>>, %arg4: memref<256x256xf32, #tpu.memory_space<vmem>>) attributes {dimension_semantics = [#tpu.dimension_semantics<arbitrary>], iteration_bounds = array<i64: 40>, scalar_prefetch = 0 : i64, scratch_operands = 0 : i64, tpu.core_type = #tpu.core_type<tc>, window_params = [{transform_indices = @transform_0, window_bounds = array<i64: 256, 256>}, {pipeline_mode = #tpu.pipeline_mode<synchronous>, transform_indices = @transform_1, window_bounds = array<i64: 256, 768>}, {transform_indices = @transform_2, window_bounds = array<i64: 256, 512>}, {transform_indices = @transform_3, window_bounds = array<i64: 256, 256>}]} {
    %get3A = arith.constant 0 : index
    %get3A_0 = arith.constant 0 : index
    %get3A_1 = vector.load %arg1[%get3A, %get3A_0] : memref<256x256xf32, #tpu.memory_space<vmem>>, vector<256x256xf32>
    %get3A_2 = arith.constant 0 : index
    %get3A_3 = arith.constant 0 : index
    %get3A_4 = vector.load %arg2[%get3A_2, %get3A_3] : memref<256x768xf32, #tpu.memory_space<vmem>>, vector<256x768xf32>
    %dot_general3A = arith.constant dense<0.000000e+00> : vector<256x768xf32>
    %dot_general3A_5 = tpu.matmul %get3A_1, %get3A_4, %dot_general3A {dimension_numbers = #tpu.dot_dimension_numbers<[1], [0], [0], [1], [0, 0, 1, 1], [], []>, transpose_lhs_hint = false} : vector<256x256xf32>, vector<256x768xf32>, vector<256x768xf32> -> vector<256x768xf32>
    %slice3A = vector.extract_strided_slice %dot_general3A_5 {offsets = [0, 0], sizes = [256, 512], strides = [1, 1]} : vector<256x768xf32> to vector<256x512xf32>
    %swap3A = arith.constant 0 : index
    %swap3A_6 = arith.constant 0 : index
    %swap3A_7 = vector.load %arg3[%swap3A, %swap3A_6] : memref<256x512xf32, #tpu.memory_space<vmem>>, vector<256x512xf32>
    tpu.vector_store %arg3[%swap3A, %swap3A_6], %slice3A {strides = array<i32>} : memref<256x512xf32, #tpu.memory_space<vmem>>, vector<256x512xf32>,
    %slice3A_8 = vector.extract_strided_slice %dot_general3A_5 {offsets = [0, 512], sizes = [256, 256], strides = [1, 1]} : vector<256x768xf32> to vector<256x256xf32>
    %swap3A_9 = arith.constant 0 : index
    %swap3A_10 = arith.constant 0 : index
    %swap3A_11 = vector.load %arg4[%swap3A_9, %swap3A_10] : memref<256x256xf32, #tpu.memory_space<vmem>>, vector<256x256xf32>
    tpu.vector_store %arg4[%swap3A_9, %swap3A_10], %slice3A_8 {strides = array<i32>} : memref<256x256xf32, #tpu.memory_space<vmem>>, vector<256x256xf32>,
    return
  }
  func.func @transform_0(%arg0: i32) -> (i32, i32) {
    %c0_i32 = arith.constant 0 : i32
    %c0_i32_0 = arith.constant 0 : i32
    return %arg0, %c0_i32 : i32, i32
  }
  func.func @transform_1(%arg0: i32) -> (i32, i32) {
    %c0_i32 = arith.constant 0 : i32
    %c0_i32_0 = arith.constant 0 : i32
    %c0_i32_1 = arith.constant 0 : i32
    return %c0_i32, %c0_i32_0 : i32, i32
  }
  func.func @transform_2(%arg0: i32) -> (i32, i32) {
    %c0_i32 = arith.constant 0 : i32
    %c0_i32_0 = arith.constant 0 : i32
    return %arg0, %c0_i32 : i32, i32
  }
  func.func @transform_3(%arg0: i32) -> (i32, i32) {
    %c0_i32 = arith.constant 0 : i32
    %c0_i32_0 = arith.constant 0 : i32
    return %arg0, %c0_i32 : i32, i32
  }
}

module attributes {stable_mosaic.version = 14 : i64} {
  func.func @_knn_body(%arg0: i32, %arg1: memref<40xi32, #tpu.memory_space<smem>>, %arg2: memref<40xi32, #tpu.memory_space<smem>>, %arg3: memref<10240x4xf32, #tpu.memory_space<vmem>>, %arg4: memref<4x128xf32, #tpu.memory_space<vmem>>, %arg5: memref<10240x1xi32, #tpu.memory_space<vmem>>, %arg6: memref<1x128xi32, #tpu.memory_space<vmem>>, %arg7: memref<16x128xi32, #tpu.memory_space<vmem>>, %arg8: memref<16x128xf32, #tpu.memory_space<vmem>>, %arg9: memref<16x128xi32, #tpu.memory_space<vmem>>) attributes {dimension_semantics = [#tpu.dimension_semantics<arbitrary>], iteration_bounds = array<i64: 40>, scalar_prefetch = 0 : i64, scratch_operands = 2 : i64, tpu.core_type = #tpu.core_type<tc>, window_params = [{transform_indices = @transform_0, window_bounds = array<i64: 40>}, {transform_indices = @transform_1, window_bounds = array<i64: 40>}, {pipeline_mode = #tpu.pipeline_mode<synchronous>, transform_indices = @transform_2, window_bounds = array<i64: 10240, 4>}, {transform_indices = @transform_3, window_bounds = array<i64: 4, 128>}, {pipeline_mode = #tpu.pipeline_mode<synchronous>, transform_indices = @transform_4, window_bounds = array<i64: 10240, 1>}, {transform_indices = @transform_5, window_bounds = array<i64: 1, 128>}, {transform_indices = @transform_6, window_bounds = array<i64: 16, 128>}]} {
    %add3A = arith.constant 0 : i32
    %add3A_0 = arith.addi %add3A, %arg0 : i32
    %get3A = arith.index_cast %arg0 : i32 to index
    %get3A_1 = memref.load %arg1[%get3A] : memref<40xi32, #tpu.memory_space<smem>>
    %get3A_2 = arith.index_cast %arg0 : i32 to index
    %get3A_3 = memref.load %arg2[%get3A_2] : memref<40xi32, #tpu.memory_space<smem>>
    %broadcast_in_dim3A = arith.constant 0x7F800000 : f32
    %broadcast_in_dim3A_4 = vector.broadcast %broadcast_in_dim3A : f32 to vector<16x128xf32>
    %swap3A = arith.constant 0 : index
    %swap3A_5 = arith.constant 0 : index
    %swap3A_6 = vector.load %arg8[%swap3A, %swap3A_5] : memref<16x128xf32, #tpu.memory_space<vmem>>, vector<16x128xf32>
    tpu.vector_store %arg8[%swap3A, %swap3A_5], %broadcast_in_dim3A_4 {strides = array<i32>} : memref<16x128xf32, #tpu.memory_space<vmem>>, vector<16x128xf32>,
    %broadcast_in_dim3A_7 = arith.constant 1073741824 : i32
    %broadcast_in_dim3A_8 = vector.broadcast %broadcast_in_dim3A_7 : i32 to vector<16x128xi32>
    %swap3A_9 = arith.constant 0 : index
    %swap3A_10 = arith.constant 0 : index
    %swap3A_11 = vector.load %arg9[%swap3A_9, %swap3A_10] : memref<16x128xi32, #tpu.memory_space<vmem>>, vector<16x128xi32>
    tpu.vector_store %arg9[%swap3A_9, %swap3A_10], %broadcast_in_dim3A_8 {strides = array<i32>} : memref<16x128xi32, #tpu.memory_space<vmem>>, vector<16x128xi32>,
    %get3A_12 = arith.constant 0 : index
    %get3A_13 = arith.constant 0 : index
    %get3A_14 = vector.load %arg6[%get3A_12, %get3A_13] : memref<1x128xi32, #tpu.memory_space<vmem>>, vector<1x128xi32>
    %mul3A = arith.constant 128 : i32
    %mul3A_15 = arith.muli %add3A_0, %mul3A : i32
    %iota3A = tpu.iota {dimensions = array<i32: 1>} : vector<1x128xi32>
    %add3A_16 = vector.broadcast %mul3A_15 : i32 to vector<1x128xi32>
    %add3A_17 = arith.addi %add3A_16, %iota3A : vector<1x128xi32>
    %while3A = arith.constant 0 : i32
    %while3A_18 = arith.constant 0 : i32
    %while3A_19 = arith.subi %get3A_3, %while3A : i32
    %while3A_20 = arith.addi %while3A, %while3A_19 : i32
    %while3A_21 = arith.constant 1 : i32
    %while3A_22 = arith.divsi %while3A_19, %while3A_21 : i32
    %while3A_23 = arith.muli %while3A_22, %while3A_21 : i32
    %while3A_24 = arith.addi %while3A, %while3A_23 : i32
    %while3A_25 = arith.constant 1 : i32
    %while3A_26 = scf.for %while3A_35 = %while3A to %while3A_24 step %while3A_25 iter_args(%while3A_36 = %while3A_18) -> (i32)  : i32 {
      %mul3A_37 = arith.constant 896 : i32
      %mul3A_38 = arith.muli %while3A_35, %mul3A_37 : i32
      %add3A_39 = arith.addi %get3A_1, %mul3A_38 : i32
      %min3A = arith.constant 9344 : i32
      %min3A_40 = arith.minsi %add3A_39, %min3A : i32
      %multiple_of3A = tpu.assume_multiple %min3A_40, 8 : i32
      %get3A_41 = arith.index_cast %multiple_of3A : i32 to index
      %get3A_42 = arith.constant 0 : index
      %get3A_43 = vector.load %arg5[%get3A_41, %get3A_42] : memref<10240x1xi32, #tpu.memory_space<vmem>>, vector<896x1xi32>
      %broadcast_in_dim3A_44 = arith.constant 0.000000e+00 : f32
      %broadcast_in_dim3A_45 = vector.broadcast %broadcast_in_dim3A_44 : f32 to vector<896x128xf32>
      %get3A_46 = arith.index_cast %multiple_of3A : i32 to index
      %get3A_47 = arith.constant 0 : index
      %get3A_48 = vector.load %arg3[%get3A_46, %get3A_47] : memref<10240x4xf32, #tpu.memory_space<vmem>>, vector<896x1xf32>
      %get3A_49 = arith.constant 0 : index
      %get3A_50 = arith.constant 0 : index
      %get3A_51 = vector.load %arg4[%get3A_49, %get3A_50] : memref<4x128xf32, #tpu.memory_space<vmem>>, vector<1x128xf32>
      %sub3A = vector.broadcast %get3A_48 : vector<896x1xf32> to vector<896x128xf32>
      %sub3A_52 = vector.broadcast %get3A_51 : vector<1x128xf32> to vector<896x128xf32>
      %sub3A_53 = arith.subf %sub3A, %sub3A_52 : vector<896x128xf32>
      %mul3A_54 = arith.mulf %sub3A_53, %sub3A_53 : vector<896x128xf32>
      %add3A_55 = arith.addf %broadcast_in_dim3A_45, %mul3A_54 : vector<896x128xf32>
      %get3A_56 = arith.index_cast %multiple_of3A : i32 to index
      %get3A_57 = arith.constant 1 : index
      %get3A_58 = vector.load %arg3[%get3A_56, %get3A_57] : memref<10240x4xf32, #tpu.memory_space<vmem>>, vector<896x1xf32>
      %get3A_59 = arith.constant 1 : index
      %get3A_60 = arith.constant 0 : index
      %get3A_61 = vector.load %arg4[%get3A_59, %get3A_60] : memref<4x128xf32, #tpu.memory_space<vmem>>, vector<1x128xf32>
      %sub3A_62 = vector.broadcast %get3A_58 : vector<896x1xf32> to vector<896x128xf32>
      %sub3A_63 = vector.broadcast %get3A_61 : vector<1x128xf32> to vector<896x128xf32>
      %sub3A_64 = arith.subf %sub3A_62, %sub3A_63 : vector<896x128xf32>
      %mul3A_65 = arith.mulf %sub3A_64, %sub3A_64 : vector<896x128xf32>
      %add3A_66 = arith.addf %add3A_55, %mul3A_65 : vector<896x128xf32>
      %get3A_67 = arith.index_cast %multiple_of3A : i32 to index
      %get3A_68 = arith.constant 2 : index
      %get3A_69 = vector.load %arg3[%get3A_67, %get3A_68] : memref<10240x4xf32, #tpu.memory_space<vmem>>, vector<896x1xf32>
      %get3A_70 = arith.constant 2 : index
      %get3A_71 = arith.constant 0 : index
      %get3A_72 = vector.load %arg4[%get3A_70, %get3A_71] : memref<4x128xf32, #tpu.memory_space<vmem>>, vector<1x128xf32>
      %sub3A_73 = vector.broadcast %get3A_69 : vector<896x1xf32> to vector<896x128xf32>
      %sub3A_74 = vector.broadcast %get3A_72 : vector<1x128xf32> to vector<896x128xf32>
      %sub3A_75 = arith.subf %sub3A_73, %sub3A_74 : vector<896x128xf32>
      %mul3A_76 = arith.mulf %sub3A_75, %sub3A_75 : vector<896x128xf32>
      %add3A_77 = arith.addf %add3A_66, %mul3A_76 : vector<896x128xf32>
      %iota3A_78 = tpu.iota {dimensions = array<i32: 0>} : vector<896x1xi32>
      %add3A_79 = vector.broadcast %multiple_of3A : i32 to vector<896x1xi32>
      %add3A_80 = arith.addi %add3A_79, %iota3A_78 : vector<896x1xi32>
      %ne3A = vector.broadcast %get3A_43 : vector<896x1xi32> to vector<896x128xi32>
      %ne3A_81 = vector.broadcast %get3A_14 : vector<1x128xi32> to vector<896x128xi32>
      %ne3A_82 = arith.cmpi ne, %ne3A, %ne3A_81 : vector<896x128xi32>
      %eq3A = vector.broadcast %add3A_80 : vector<896x1xi32> to vector<896x128xi32>
      %eq3A_83 = vector.broadcast %add3A_17 : vector<1x128xi32> to vector<896x128xi32>
      %eq3A_84 = arith.cmpi eq, %eq3A, %eq3A_83 : vector<896x128xi32>
      %or3A = arith.ori %ne3A_82, %eq3A_84 : vector<896x128xi1>
      %jit3A = arith.constant 3.000000e+38 : f32
      %broadcast_in_dim3A_85 = vector.broadcast %jit3A : f32 to vector<896x128xf32>
      %select_n3A = arith.select %or3A, %broadcast_in_dim3A_85, %add3A_77 : vector<896x128xi1>, vector<896x128xf32>
      %get3A_86 = arith.constant 0 : index
      %get3A_87 = arith.constant 0 : index
      %get3A_88 = vector.load %arg8[%get3A_86, %get3A_87] : memref<16x128xf32, #tpu.memory_space<vmem>>, vector<16x128xf32>
      %get3A_89 = arith.constant 0 : index
      %get3A_90 = arith.constant 0 : index
      %get3A_91 = vector.load %arg9[%get3A_89, %get3A_90] : memref<16x128xi32, #tpu.memory_space<vmem>>, vector<16x128xi32>
      %reduce_min3A = arith.constant dense<0x7F800000> : vector<128xf32>
      %reduce_min3A_92 = vector.multi_reduction <minimumf>, %select_n3A, %reduce_min3A [0] : vector<896x128xf32> to vector<128xf32>
      %broadcast_in_dim3A_93 = vector.shape_cast %reduce_min3A_92 : vector<128xf32> to vector<1x128xf32>
      %reduce_min3A_94 = arith.constant dense<0x7F800000> : vector<128xf32>
      %reduce_min3A_95 = vector.multi_reduction <minimumf>, %get3A_88, %reduce_min3A_94 [0] : vector<16x128xf32> to vector<128xf32>
      %broadcast_in_dim3A_96 = vector.shape_cast %reduce_min3A_95 : vector<128xf32> to vector<1x128xf32>
      %min3A_97 = arith.minimumf %broadcast_in_dim3A_93, %broadcast_in_dim3A_96 : vector<1x128xf32>
      %eq3A_98 = vector.broadcast %min3A_97 : vector<1x128xf32> to vector<896x128xf32>
      %eq3A_99 = arith.cmpf oeq, %select_n3A, %eq3A_98 : vector<896x128xf32>
      %jit3A_100 = arith.constant 1073741824 : i32
      %broadcast_in_dim3A_101 = vector.shape_cast %add3A_80 : vector<896x1xi32> to vector<896x1xi32>
      %broadcast_in_dim3A_102 = vector.broadcast %broadcast_in_dim3A_101 : vector<896x1xi32> to vector<896x128xi32>
      %broadcast_in_dim3A_103 = vector.broadcast %jit3A_100 : i32 to vector<896x128xi32>
      %select_n3A_104 = arith.select %eq3A_99, %broadcast_in_dim3A_102, %broadcast_in_dim3A_103 : vector<896x128xi1>, vector<896x128xi32>
      %reduce_min3A_105 = arith.constant dense<2147483647> : vector<128xi32>
      %reduce_min3A_106 = vector.multi_reduction <minsi>, %select_n3A_104, %reduce_min3A_105 [0] : vector<896x128xi32> to vector<128xi32>
      %broadcast_in_dim3A_107 = vector.shape_cast %reduce_min3A_106 : vector<128xi32> to vector<1x128xi32>
      %eq3A_108 = vector.broadcast %min3A_97 : vector<1x128xf32> to vector<16x128xf32>
      %eq3A_109 = arith.cmpf oeq, %get3A_88, %eq3A_108 : vector<16x128xf32>
      %jit3A_110 = arith.constant 1073741824 : i32
      %broadcast_in_dim3A_111 = vector.broadcast %jit3A_110 : i32 to vector<16x128xi32>
      %select_n3A_112 = arith.select %eq3A_109, %get3A_91, %broadcast_in_dim3A_111 : vector<16x128xi1>, vector<16x128xi32>
      %reduce_min3A_113 = arith.constant dense<2147483647> : vector<128xi32>
      %reduce_min3A_114 = vector.multi_reduction <minsi>, %select_n3A_112, %reduce_min3A_113 [0] : vector<16x128xi32> to vector<128xi32>
      %broadcast_in_dim3A_115 = vector.shape_cast %reduce_min3A_114 : vector<128xi32> to vector<1x128xi32>
      %min3A_116 = arith.minsi %broadcast_in_dim3A_115, %broadcast_in_dim3A_107 : vector<1x128xi32>
      %eq3A_117 = vector.broadcast %min3A_97 : vector<1x128xf32> to vector<896x128xf32>
      %eq3A_118 = arith.cmpf oeq, %select_n3A, %eq3A_117 : vector<896x128xf32>
      %eq3A_119 = vector.broadcast %add3A_80 : vector<896x1xi32> to vector<896x128xi32>
      %eq3A_120 = vector.broadcast %min3A_116 : vector<1x128xi32> to vector<896x128xi32>
      %eq3A_121 = arith.cmpi eq, %eq3A_119, %eq3A_120 : vector<896x128xi32>
      %and3A = arith.andi %eq3A_118, %eq3A_121 : vector<896x128xi1>
      %jit3A_122 = arith.constant 0x7F800000 : f32
      %broadcast_in_dim3A_123 = vector.broadcast %jit3A_122 : f32 to vector<896x128xf32>
      %select_n3A_124 = arith.select %and3A, %broadcast_in_dim3A_123, %select_n3A : vector<896x128xi1>, vector<896x128xf32>
      %eq3A_125 = vector.broadcast %min3A_97 : vector<1x128xf32> to vector<16x128xf32>
      %eq3A_126 = arith.cmpf oeq, %get3A_88, %eq3A_125 : vector<16x128xf32>
      %eq3A_127 = vector.broadcast %min3A_116 : vector<1x128xi32> to vector<16x128xi32>
      %eq3A_128 = arith.cmpi eq, %get3A_91, %eq3A_127 : vector<16x128xi32>
      %and3A_129 = arith.andi %eq3A_126, %eq3A_128 : vector<16x128xi1>
      %jit3A_130 = arith.constant 0x7F800000 : f32
      %broadcast_in_dim3A_131 = vector.broadcast %jit3A_130 : f32 to vector<16x128xf32>
      %select_n3A_132 = arith.select %and3A_129, %broadcast_in_dim3A_131, %get3A_88 : vector<16x128xi1>, vector<16x128xf32>
      %reduce_min3A_133 = arith.constant dense<0x7F800000> : vector<128xf32>
      %reduce_min3A_134 = vector.multi_reduction <minimumf>, %select_n3A_124, %reduce_min3A_133 [0] : vector<896x128xf32> to vector<128xf32>
      %broadcast_in_dim3A_135 = vector.shape_cast %reduce_min3A_134 : vector<128xf32> to vector<1x128xf32>
      %reduce_min3A_136 = arith.constant dense<0x7F800000> : vector<128xf32>
      %reduce_min3A_137 = vector.multi_reduction <minimumf>, %select_n3A_132, %reduce_min3A_136 [0] : vector<16x128xf32> to vector<128xf32>
      %broadcast_in_dim3A_138 = vector.shape_cast %reduce_min3A_137 : vector<128xf32> to vector<1x128xf32>
      %min3A_139 = arith.minimumf %broadcast_in_dim3A_135, %broadcast_in_dim3A_138 : vector<1x128xf32>
      %eq3A_140 = vector.broadcast %min3A_139 : vector<1x128xf32> to vector<896x128xf32>
      %eq3A_141 = arith.cmpf oeq, %select_n3A_124, %eq3A_140 : vector<896x128xf32>
      %jit3A_142 = arith.constant 1073741824 : i32
      %broadcast_in_dim3A_143 = vector.shape_cast %add3A_80 : vector<896x1xi32> to vector<896x1xi32>
      %broadcast_in_dim3A_144 = vector.broadcast %broadcast_in_dim3A_143 : vector<896x1xi32> to vector<896x128xi32>
      %broadcast_in_dim3A_145 = vector.broadcast %jit3A_142 : i32 to vector<896x128xi32>
      %select_n3A_146 = arith.select %eq3A_141, %broadcast_in_dim3A_144, %broadcast_in_dim3A_145 : vector<896x128xi1>, vector<896x128xi32>
      %reduce_min3A_147 = arith.constant dense<2147483647> : vector<128xi32>
      %reduce_min3A_148 = vector.multi_reduction <minsi>, %select_n3A_146, %reduce_min3A_147 [0] : vector<896x128xi32> to vector<128xi32>
      %broadcast_in_dim3A_149 = vector.shape_cast %reduce_min3A_148 : vector<128xi32> to vector<1x128xi32>
      %eq3A_150 = vector.broadcast %min3A_139 : vector<1x128xf32> to vector<16x128xf32>
      %eq3A_151 = arith.cmpf oeq, %select_n3A_132, %eq3A_150 : vector<16x128xf32>
      %jit3A_152 = arith.constant 1073741824 : i32
      %broadcast_in_dim3A_153 = vector.broadcast %jit3A_152 : i32 to vector<16x128xi32>
      %select_n3A_154 = arith.select %eq3A_151, %get3A_91, %broadcast_in_dim3A_153 : vector<16x128xi1>, vector<16x128xi32>
      %reduce_min3A_155 = arith.constant dense<2147483647> : vector<128xi32>
      %reduce_min3A_156 = vector.multi_reduction <minsi>, %select_n3A_154, %reduce_min3A_155 [0] : vector<16x128xi32> to vector<128xi32>
      %broadcast_in_dim3A_157 = vector.shape_cast %reduce_min3A_156 : vector<128xi32> to vector<1x128xi32>
      %min3A_158 = arith.minsi %broadcast_in_dim3A_157, %broadcast_in_dim3A_149 : vector<1x128xi32>
      %eq3A_159 = vector.broadcast %min3A_139 : vector<1x128xf32> to vector<896x128xf32>
      %eq3A_160 = arith.cmpf oeq, %select_n3A_124, %eq3A_159 : vector<896x128xf32>
      %eq3A_161 = vector.broadcast %add3A_80 : vector<896x1xi32> to vector<896x128xi32>
      %eq3A_162 = vector.broadcast %min3A_158 : vector<1x128xi32> to vector<896x128xi32>
      %eq3A_163 = arith.cmpi eq, %eq3A_161, %eq3A_162 : vector<896x128xi32>
      %and3A_164 = arith.andi %eq3A_160, %eq3A_163 : vector<896x128xi1>
      %jit3A_165 = arith.constant 0x7F800000 : f32
      %broadcast_in_dim3A_166 = vector.broadcast %jit3A_165 : f32 to vector<896x128xf32>
      %select_n3A_167 = arith.select %and3A_164, %broadcast_in_dim3A_166, %select_n3A_124 : vector<896x128xi1>, vector<896x128xf32>
      %eq3A_168 = vector.broadcast %min3A_139 : vector<1x128xf32> to vector<16x128xf32>
      %eq3A_169 = arith.cmpf oeq, %select_n3A_132, %eq3A_168 : vector<16x128xf32>
      %eq3A_170 = vector.broadcast %min3A_158 : vector<1x128xi32> to vector<16x128xi32>
      %eq3A_171 = arith.cmpi eq, %get3A_91, %eq3A_170 : vector<16x128xi32>
      %and3A_172 = arith.andi %eq3A_169, %eq3A_171 : vector<16x128xi1>
      %jit3A_173 = arith.constant 0x7F800000 : f32
      %broadcast_in_dim3A_174 = vector.broadcast %jit3A_173 : f32 to vector<16x128xf32>
      %select_n3A_175 = arith.select %and3A_172, %broadcast_in_dim3A_174, %select_n3A_132 : vector<16x128xi1>, vector<16x128xf32>
      %reduce_min3A_176 = arith.constant dense<0x7F800000> : vector<128xf32>
      %reduce_min3A_177 = vector.multi_reduction <minimumf>, %select_n3A_167, %reduce_min3A_176 [0] : vector<896x128xf32> to vector<128xf32>
      %broadcast_in_dim3A_178 = vector.shape_cast %reduce_min3A_177 : vector<128xf32> to vector<1x128xf32>
      %reduce_min3A_179 = arith.constant dense<0x7F800000> : vector<128xf32>
      %reduce_min3A_180 = vector.multi_reduction <minimumf>, %select_n3A_175, %reduce_min3A_179 [0] : vector<16x128xf32> to vector<128xf32>
      %broadcast_in_dim3A_181 = vector.shape_cast %reduce_min3A_180 : vector<128xf32> to vector<1x128xf32>
      %min3A_182 = arith.minimumf %broadcast_in_dim3A_178, %broadcast_in_dim3A_181 : vector<1x128xf32>
      %eq3A_183 = vector.broadcast %min3A_182 : vector<1x128xf32> to vector<896x128xf32>
      %eq3A_184 = arith.cmpf oeq, %select_n3A_167, %eq3A_183 : vector<896x128xf32>
      %jit3A_185 = arith.constant 1073741824 : i32
      %broadcast_in_dim3A_186 = vector.shape_cast %add3A_80 : vector<896x1xi32> to vector<896x1xi32>
      %broadcast_in_dim3A_187 = vector.broadcast %broadcast_in_dim3A_186 : vector<896x1xi32> to vector<896x128xi32>
      %broadcast_in_dim3A_188 = vector.broadcast %jit3A_185 : i32 to vector<896x128xi32>
      %select_n3A_189 = arith.select %eq3A_184, %broadcast_in_dim3A_187, %broadcast_in_dim3A_188 : vector<896x128xi1>, vector<896x128xi32>
      %reduce_min3A_190 = arith.constant dense<2147483647> : vector<128xi32>
      %reduce_min3A_191 = vector.multi_reduction <minsi>, %select_n3A_189, %reduce_min3A_190 [0] : vector<896x128xi32> to vector<128xi32>
      %broadcast_in_dim3A_192 = vector.shape_cast %reduce_min3A_191 : vector<128xi32> to vector<1x128xi32>
      %eq3A_193 = vector.broadcast %min3A_182 : vector<1x128xf32> to vector<16x128xf32>
      %eq3A_194 = arith.cmpf oeq, %select_n3A_175, %eq3A_193 : vector<16x128xf32>
      %jit3A_195 = arith.constant 1073741824 : i32
      %broadcast_in_dim3A_196 = vector.broadcast %jit3A_195 : i32 to vector<16x128xi32>
      %select_n3A_197 = arith.select %eq3A_194, %get3A_91, %broadcast_in_dim3A_196 : vector<16x128xi1>, vector<16x128xi32>
      %reduce_min3A_198 = arith.constant dense<2147483647> : vector<128xi32>
      %reduce_min3A_199 = vector.multi_reduction <minsi>, %select_n3A_197, %reduce_min3A_198 [0] : vector<16x128xi32> to vector<128xi32>
      %broadcast_in_dim3A_200 = vector.shape_cast %reduce_min3A_199 : vector<128xi32> to vector<1x128xi32>
      %min3A_201 = arith.minsi %broadcast_in_dim3A_200, %broadcast_in_dim3A_192 : vector<1x128xi32>
      %eq3A_202 = vector.broadcast %min3A_182 : vector<1x128xf32> to vector<896x128xf32>
      %eq3A_203 = arith.cmpf oeq, %select_n3A_167, %eq3A_202 : vector<896x128xf32>
      %eq3A_204 = vector.broadcast %add3A_80 : vector<896x1xi32> to vector<896x128xi32>
      %eq3A_205 = vector.broadcast %min3A_201 : vector<1x128xi32> to vector<896x128xi32>
      %eq3A_206 = arith.cmpi eq, %eq3A_204, %eq3A_205 : vector<896x128xi32>
      %and3A_207 = arith.andi %eq3A_203, %eq3A_206 : vector<896x128xi1>
      %jit3A_208 = arith.constant 0x7F800000 : f32
      %broadcast_in_dim3A_209 = vector.broadcast %jit3A_208 : f32 to vector<896x128xf32>
      %select_n3A_210 = arith.select %and3A_207, %broadcast_in_dim3A_209, %select_n3A_167 : vector<896x128xi1>, vector<896x128xf32>
      %eq3A_211 = vector.broadcast %min3A_182 : vector<1x128xf32> to vector<16x128xf32>
      %eq3A_212 = arith.cmpf oeq, %select_n3A_175, %eq3A_211 : vector<16x128xf32>
      %eq3A_213 = vector.broadcast %min3A_201 : vector<1x128xi32> to vector<16x128xi32>
      %eq3A_214 = arith.cmpi eq, %get3A_91, %eq3A_213 : vector<16x128xi32>
      %and3A_215 = arith.andi %eq3A_212, %eq3A_214 : vector<16x128xi1>
      %jit3A_216 = arith.constant 0x7F800000 : f32
      %broadcast_in_dim3A_217 = vector.broadcast %jit3A_216 : f32 to vector<16x128xf32>
      %select_n3A_218 = arith.select %and3A_215, %broadcast_in_dim3A_217, %select_n3A_175 : vector<16x128xi1>, vector<16x128xf32>
      %reduce_min3A_219 = arith.constant dense<0x7F800000> : vector<128xf32>
      %reduce_min3A_220 = vector.multi_reduction <minimumf>, %select_n3A_210, %reduce_min3A_219 [0] : vector<896x128xf32> to vector<128xf32>
      %broadcast_in_dim3A_221 = vector.shape_cast %reduce_min3A_220 : vector<128xf32> to vector<1x128xf32>
      %reduce_min3A_222 = arith.constant dense<0x7F800000> : vector<128xf32>
      %reduce_min3A_223 = vector.multi_reduction <minimumf>, %select_n3A_218, %reduce_min3A_222 [0] : vector<16x128xf32> to vector<128xf32>
      %broadcast_in_dim3A_224 = vector.shape_cast %reduce_min3A_223 : vector<128xf32> to vector<1x128xf32>
      %min3A_225 = arith.minimumf %broadcast_in_dim3A_221, %broadcast_in_dim3A_224 : vector<1x128xf32>
      %eq3A_226 = vector.broadcast %min3A_225 : vector<1x128xf32> to vector<896x128xf32>
      %eq3A_227 = arith.cmpf oeq, %select_n3A_210, %eq3A_226 : vector<896x128xf32>
      %jit3A_228 = arith.constant 1073741824 : i32
      %broadcast_in_dim3A_229 = vector.shape_cast %add3A_80 : vector<896x1xi32> to vector<896x1xi32>
      %broadcast_in_dim3A_230 = vector.broadcast %broadcast_in_dim3A_229 : vector<896x1xi32> to vector<896x128xi32>
      %broadcast_in_dim3A_231 = vector.broadcast %jit3A_228 : i32 to vector<896x128xi32>
      %select_n3A_232 = arith.select %eq3A_227, %broadcast_in_dim3A_230, %broadcast_in_dim3A_231 : vector<896x128xi1>, vector<896x128xi32>
      %reduce_min3A_233 = arith.constant dense<2147483647> : vector<128xi32>
      %reduce_min3A_234 = vector.multi_reduction <minsi>, %select_n3A_232, %reduce_min3A_233 [0] : vector<896x128xi32> to vector<128xi32>
      %broadcast_in_dim3A_235 = vector.shape_cast %reduce_min3A_234 : vector<128xi32> to vector<1x128xi32>
      %eq3A_236 = vector.broadcast %min3A_225 : vector<1x128xf32> to vector<16x128xf32>
      %eq3A_237 = arith.cmpf oeq, %select_n3A_218, %eq3A_236 : vector<16x128xf32>
      %jit3A_238 = arith.constant 1073741824 : i32
      %broadcast_in_dim3A_239 = vector.broadcast %jit3A_238 : i32 to vector<16x128xi32>
      %select_n3A_240 = arith.select %eq3A_237, %get3A_91, %broadcast_in_dim3A_239 : vector<16x128xi1>, vector<16x128xi32>
      %reduce_min3A_241 = arith.constant dense<2147483647> : vector<128xi32>
      %reduce_min3A_242 = vector.multi_reduction <minsi>, %select_n3A_240, %reduce_min3A_241 [0] : vector<16x128xi32> to vector<128xi32>
      %broadcast_in_dim3A_243 = vector.shape_cast %reduce_min3A_242 : vector<128xi32> to vector<1x128xi32>
      %min3A_244 = arith.minsi %broadcast_in_dim3A_243, %broadcast_in_dim3A_235 : vector<1x128xi32>
      %eq3A_245 = vector.broadcast %min3A_225 : vector<1x128xf32> to vector<896x128xf32>
      %eq3A_246 = arith.cmpf oeq, %select_n3A_210, %eq3A_245 : vector<896x128xf32>
      %eq3A_247 = vector.broadcast %add3A_80 : vector<896x1xi32> to vector<896x128xi32>
      %eq3A_248 = vector.broadcast %min3A_244 : vector<1x128xi32> to vector<896x128xi32>
      %eq3A_249 = arith.cmpi eq, %eq3A_247, %eq3A_248 : vector<896x128xi32>
      %and3A_250 = arith.andi %eq3A_246, %eq3A_249 : vector<896x128xi1>
      %jit3A_251 = arith.constant 0x7F800000 : f32
      %broadcast_in_dim3A_252 = vector.broadcast %jit3A_251 : f32 to vector<896x128xf32>
      %select_n3A_253 = arith.select %and3A_250, %broadcast_in_dim3A_252, %select_n3A_210 : vector<896x128xi1>, vector<896x128xf32>
      %eq3A_254 = vector.broadcast %min3A_225 : vector<1x128xf32> to vector<16x128xf32>
      %eq3A_255 = arith.cmpf oeq, %select_n3A_218, %eq3A_254 : vector<16x128xf32>
      %eq3A_256 = vector.broadcast %min3A_244 : vector<1x128xi32> to vector<16x128xi32>
      %eq3A_257 = arith.cmpi eq, %get3A_91, %eq3A_256 : vector<16x128xi32>
      %and3A_258 = arith.andi %eq3A_255, %eq3A_257 : vector<16x128xi1>
      %jit3A_259 = arith.constant 0x7F800000 : f32
      %broadcast_in_dim3A_260 = vector.broadcast %jit3A_259 : f32 to vector<16x128xf32>
      %select_n3A_261 = arith.select %and3A_258, %broadcast_in_dim3A_260, %select_n3A_218 : vector<16x128xi1>, vector<16x128xf32>
      %reduce_min3A_262 = arith.constant dense<0x7F800000> : vector<128xf32>
      %reduce_min3A_263 = vector.multi_reduction <minimumf>, %select_n3A_253, %reduce_min3A_262 [0] : vector<896x128xf32> to vector<128xf32>
      %broadcast_in_dim3A_264 = vector.shape_cast %reduce_min3A_263 : vector<128xf32> to vector<1x128xf32>
      %reduce_min3A_265 = arith.constant dense<0x7F800000> : vector<128xf32>
      %reduce_min3A_266 = vector.multi_reduction <minimumf>, %select_n3A_261, %reduce_min3A_265 [0] : vector<16x128xf32> to vector<128xf32>
      %broadcast_in_dim3A_267 = vector.shape_cast %reduce_min3A_266 : vector<128xf32> to vector<1x128xf32>
      %min3A_268 = arith.minimumf %broadcast_in_dim3A_264, %broadcast_in_dim3A_267 : vector<1x128xf32>
      %eq3A_269 = vector.broadcast %min3A_268 : vector<1x128xf32> to vector<896x128xf32>
      %eq3A_270 = arith.cmpf oeq, %select_n3A_253, %eq3A_269 : vector<896x128xf32>
      %jit3A_271 = arith.constant 1073741824 : i32
      %broadcast_in_dim3A_272 = vector.shape_cast %add3A_80 : vector<896x1xi32> to vector<896x1xi32>
      %broadcast_in_dim3A_273 = vector.broadcast %broadcast_in_dim3A_272 : vector<896x1xi32> to vector<896x128xi32>
      %broadcast_in_dim3A_274 = vector.broadcast %jit3A_271 : i32 to vector<896x128xi32>
      %select_n3A_275 = arith.select %eq3A_270, %broadcast_in_dim3A_273, %broadcast_in_dim3A_274 : vector<896x128xi1>, vector<896x128xi32>
      %reduce_min3A_276 = arith.constant dense<2147483647> : vector<128xi32>
      %reduce_min3A_277 = vector.multi_reduction <minsi>, %select_n3A_275, %reduce_min3A_276 [0] : vector<896x128xi32> to vector<128xi32>
      %broadcast_in_dim3A_278 = vector.shape_cast %reduce_min3A_277 : vector<128xi32> to vector<1x128xi32>
      %eq3A_279 = vector.broadcast %min3A_268 : vector<1x128xf32> to vector<16x128xf32>
      %eq3A_280 = arith.cmpf oeq, %select_n3A_261, %eq3A_279 : vector<16x128xf32>
      %jit3A_281 = arith.constant 1073741824 : i32
      %broadcast_in_dim3A_282 = vector.broadcast %jit3A_281 : i32 to vector<16x128xi32>
      %select_n3A_283 = arith.select %eq3A_280, %get3A_91, %broadcast_in_dim3A_282 : vector<16x128xi1>, vector<16x128xi32>
      %reduce_min3A_284 = arith.constant dense<2147483647> : vector<128xi32>
      %reduce_min3A_285 = vector.multi_reduction <minsi>, %select_n3A_283, %reduce_min3A_284 [0] : vector<16x128xi32> to vector<128xi32>
      %broadcast_in_dim3A_286 = vector.shape_cast %reduce_min3A_285 : vector<128xi32> to vector<1x128xi32>
      %min3A_287 = arith.minsi %broadcast_in_dim3A_286, %broadcast_in_dim3A_278 : vector<1x128xi32>
      %eq3A_288 = vector.broadcast %min3A_268 : vector<1x128xf32> to vector<896x128xf32>
      %eq3A_289 = arith.cmpf oeq, %select_n3A_253, %eq3A_288 : vector<896x128xf32>
      %eq3A_290 = vector.broadcast %add3A_80 : vector<896x1xi32> to vector<896x128xi32>
      %eq3A_291 = vector.broadcast %min3A_287 : vector<1x128xi32> to vector<896x128xi32>
      %eq3A_292 = arith.cmpi eq, %eq3A_290, %eq3A_291 : vector<896x128xi32>
      %and3A_293 = arith.andi %eq3A_289, %eq3A_292 : vector<896x128xi1>
      %jit3A_294 = arith.constant 0x7F800000 : f32
      %broadcast_in_dim3A_295 = vector.broadcast %jit3A_294 : f32 to vector<896x128xf32>
      %select_n3A_296 = arith.select %and3A_293, %broadcast_in_dim3A_295, %select_n3A_253 : vector<896x128xi1>, vector<896x128xf32>
      %eq3A_297 = vector.broadcast %min3A_268 : vector<1x128xf32> to vector<16x128xf32>
      %eq3A_298 = arith.cmpf oeq, %select_n3A_261, %eq3A_297 : vector<16x128xf32>
      %eq3A_299 = vector.broadcast %min3A_287 : vector<1x128xi32> to vector<16x128xi32>
      %eq3A_300 = arith.cmpi eq, %get3A_91, %eq3A_299 : vector<16x128xi32>
      %and3A_301 = arith.andi %eq3A_298, %eq3A_300 : vector<16x128xi1>
      %jit3A_302 = arith.constant 0x7F800000 : f32
      %broadcast_in_dim3A_303 = vector.broadcast %jit3A_302 : f32 to vector<16x128xf32>
      %select_n3A_304 = arith.select %and3A_301, %broadcast_in_dim3A_303, %select_n3A_261 : vector<16x128xi1>, vector<16x128xf32>
      %reduce_min3A_305 = arith.constant dense<0x7F800000> : vector<128xf32>
      %reduce_min3A_306 = vector.multi_reduction <minimumf>, %select_n3A_296, %reduce_min3A_305 [0] : vector<896x128xf32> to vector<128xf32>
      %broadcast_in_dim3A_307 = vector.shape_cast %reduce_min3A_306 : vector<128xf32> to vector<1x128xf32>
      %reduce_min3A_308 = arith.constant dense<0x7F800000> : vector<128xf32>
      %reduce_min3A_309 = vector.multi_reduction <minimumf>, %select_n3A_304, %reduce_min3A_308 [0] : vector<16x128xf32> to vector<128xf32>
      %broadcast_in_dim3A_310 = vector.shape_cast %reduce_min3A_309 : vector<128xf32> to vector<1x128xf32>
      %min3A_311 = arith.minimumf %broadcast_in_dim3A_307, %broadcast_in_dim3A_310 : vector<1x128xf32>
      %eq3A_312 = vector.broadcast %min3A_311 : vector<1x128xf32> to vector<896x128xf32>
      %eq3A_313 = arith.cmpf oeq, %select_n3A_296, %eq3A_312 : vector<896x128xf32>
      %jit3A_314 = arith.constant 1073741824 : i32
      %broadcast_in_dim3A_315 = vector.shape_cast %add3A_80 : vector<896x1xi32> to vector<896x1xi32>
      %broadcast_in_dim3A_316 = vector.broadcast %broadcast_in_dim3A_315 : vector<896x1xi32> to vector<896x128xi32>
      %broadcast_in_dim3A_317 = vector.broadcast %jit3A_314 : i32 to vector<896x128xi32>
      %select_n3A_318 = arith.select %eq3A_313, %broadcast_in_dim3A_316, %broadcast_in_dim3A_317 : vector<896x128xi1>, vector<896x128xi32>
      %reduce_min3A_319 = arith.constant dense<2147483647> : vector<128xi32>
      %reduce_min3A_320 = vector.multi_reduction <minsi>, %select_n3A_318, %reduce_min3A_319 [0] : vector<896x128xi32> to vector<128xi32>
      %broadcast_in_dim3A_321 = vector.shape_cast %reduce_min3A_320 : vector<128xi32> to vector<1x128xi32>
      %eq3A_322 = vector.broadcast %min3A_311 : vector<1x128xf32> to vector<16x128xf32>
      %eq3A_323 = arith.cmpf oeq, %select_n3A_304, %eq3A_322 : vector<16x128xf32>
      %jit3A_324 = arith.constant 1073741824 : i32
      %broadcast_in_dim3A_325 = vector.broadcast %jit3A_324 : i32 to vector<16x128xi32>
      %select_n3A_326 = arith.select %eq3A_323, %get3A_91, %broadcast_in_dim3A_325 : vector<16x128xi1>, vector<16x128xi32>
      %reduce_min3A_327 = arith.constant dense<2147483647> : vector<128xi32>
      %reduce_min3A_328 = vector.multi_reduction <minsi>, %select_n3A_326, %reduce_min3A_327 [0] : vector<16x128xi32> to vector<128xi32>
      %broadcast_in_dim3A_329 = vector.shape_cast %reduce_min3A_328 : vector<128xi32> to vector<1x128xi32>
      %min3A_330 = arith.minsi %broadcast_in_dim3A_329, %broadcast_in_dim3A_321 : vector<1x128xi32>
      %eq3A_331 = vector.broadcast %min3A_311 : vector<1x128xf32> to vector<896x128xf32>
      %eq3A_332 = arith.cmpf oeq, %select_n3A_296, %eq3A_331 : vector<896x128xf32>
      %eq3A_333 = vector.broadcast %add3A_80 : vector<896x1xi32> to vector<896x128xi32>
      %eq3A_334 = vector.broadcast %min3A_330 : vector<1x128xi32> to vector<896x128xi32>
      %eq3A_335 = arith.cmpi eq, %eq3A_333, %eq3A_334 : vector<896x128xi32>
      %and3A_336 = arith.andi %eq3A_332, %eq3A_335 : vector<896x128xi1>
      %jit3A_337 = arith.constant 0x7F800000 : f32
      %broadcast_in_dim3A_338 = vector.broadcast %jit3A_337 : f32 to vector<896x128xf32>
      %select_n3A_339 = arith.select %and3A_336, %broadcast_in_dim3A_338, %select_n3A_296 : vector<896x128xi1>, vector<896x128xf32>
      %eq3A_340 = vector.broadcast %min3A_311 : vector<1x128xf32> to vector<16x128xf32>
      %eq3A_341 = arith.cmpf oeq, %select_n3A_304, %eq3A_340 : vector<16x128xf32>
      %eq3A_342 = vector.broadcast %min3A_330 : vector<1x128xi32> to vector<16x128xi32>
      %eq3A_343 = arith.cmpi eq, %get3A_91, %eq3A_342 : vector<16x128xi32>
      %and3A_344 = arith.andi %eq3A_341, %eq3A_343 : vector<16x128xi1>
      %jit3A_345 = arith.constant 0x7F800000 : f32
      %broadcast_in_dim3A_346 = vector.broadcast %jit3A_345 : f32 to vector<16x128xf32>
      %select_n3A_347 = arith.select %and3A_344, %broadcast_in_dim3A_346, %select_n3A_304 : vector<16x128xi1>, vector<16x128xf32>
      %reduce_min3A_348 = arith.constant dense<0x7F800000> : vector<128xf32>
      %reduce_min3A_349 = vector.multi_reduction <minimumf>, %select_n3A_339, %reduce_min3A_348 [0] : vector<896x128xf32> to vector<128xf32>
      %broadcast_in_dim3A_350 = vector.shape_cast %reduce_min3A_349 : vector<128xf32> to vector<1x128xf32>
      %reduce_min3A_351 = arith.constant dense<0x7F800000> : vector<128xf32>
      %reduce_min3A_352 = vector.multi_reduction <minimumf>, %select_n3A_347, %reduce_min3A_351 [0] : vector<16x128xf32> to vector<128xf32>
      %broadcast_in_dim3A_353 = vector.shape_cast %reduce_min3A_352 : vector<128xf32> to vector<1x128xf32>
      %min3A_354 = arith.minimumf %broadcast_in_dim3A_350, %broadcast_in_dim3A_353 : vector<1x128xf32>
      %eq3A_355 = vector.broadcast %min3A_354 : vector<1x128xf32> to vector<896x128xf32>
      %eq3A_356 = arith.cmpf oeq, %select_n3A_339, %eq3A_355 : vector<896x128xf32>
      %jit3A_357 = arith.constant 1073741824 : i32
      %broadcast_in_dim3A_358 = vector.shape_cast %add3A_80 : vector<896x1xi32> to vector<896x1xi32>
      %broadcast_in_dim3A_359 = vector.broadcast %broadcast_in_dim3A_358 : vector<896x1xi32> to vector<896x128xi32>
      %broadcast_in_dim3A_360 = vector.broadcast %jit3A_357 : i32 to vector<896x128xi32>
      %select_n3A_361 = arith.select %eq3A_356, %broadcast_in_dim3A_359, %broadcast_in_dim3A_360 : vector<896x128xi1>, vector<896x128xi32>
      %reduce_min3A_362 = arith.constant dense<2147483647> : vector<128xi32>
      %reduce_min3A_363 = vector.multi_reduction <minsi>, %select_n3A_361, %reduce_min3A_362 [0] : vector<896x128xi32> to vector<128xi32>
      %broadcast_in_dim3A_364 = vector.shape_cast %reduce_min3A_363 : vector<128xi32> to vector<1x128xi32>
      %eq3A_365 = vector.broadcast %min3A_354 : vector<1x128xf32> to vector<16x128xf32>
      %eq3A_366 = arith.cmpf oeq, %select_n3A_347, %eq3A_365 : vector<16x128xf32>
      %jit3A_367 = arith.constant 1073741824 : i32
      %broadcast_in_dim3A_368 = vector.broadcast %jit3A_367 : i32 to vector<16x128xi32>
      %select_n3A_369 = arith.select %eq3A_366, %get3A_91, %broadcast_in_dim3A_368 : vector<16x128xi1>, vector<16x128xi32>
      %reduce_min3A_370 = arith.constant dense<2147483647> : vector<128xi32>
      %reduce_min3A_371 = vector.multi_reduction <minsi>, %select_n3A_369, %reduce_min3A_370 [0] : vector<16x128xi32> to vector<128xi32>
      %broadcast_in_dim3A_372 = vector.shape_cast %reduce_min3A_371 : vector<128xi32> to vector<1x128xi32>
      %min3A_373 = arith.minsi %broadcast_in_dim3A_372, %broadcast_in_dim3A_364 : vector<1x128xi32>
      %eq3A_374 = vector.broadcast %min3A_354 : vector<1x128xf32> to vector<896x128xf32>
      %eq3A_375 = arith.cmpf oeq, %select_n3A_339, %eq3A_374 : vector<896x128xf32>
      %eq3A_376 = vector.broadcast %add3A_80 : vector<896x1xi32> to vector<896x128xi32>
      %eq3A_377 = vector.broadcast %min3A_373 : vector<1x128xi32> to vector<896x128xi32>
      %eq3A_378 = arith.cmpi eq, %eq3A_376, %eq3A_377 : vector<896x128xi32>
      %and3A_379 = arith.andi %eq3A_375, %eq3A_378 : vector<896x128xi1>
      %jit3A_380 = arith.constant 0x7F800000 : f32
      %broadcast_in_dim3A_381 = vector.broadcast %jit3A_380 : f32 to vector<896x128xf32>
      %select_n3A_382 = arith.select %and3A_379, %broadcast_in_dim3A_381, %select_n3A_339 : vector<896x128xi1>, vector<896x128xf32>
      %eq3A_383 = vector.broadcast %min3A_354 : vector<1x128xf32> to vector<16x128xf32>
      %eq3A_384 = arith.cmpf oeq, %select_n3A_347, %eq3A_383 : vector<16x128xf32>
      %eq3A_385 = vector.broadcast %min3A_373 : vector<1x128xi32> to vector<16x128xi32>
      %eq3A_386 = arith.cmpi eq, %get3A_91, %eq3A_385 : vector<16x128xi32>
      %and3A_387 = arith.andi %eq3A_384, %eq3A_386 : vector<16x128xi1>
      %jit3A_388 = arith.constant 0x7F800000 : f32
      %broadcast_in_dim3A_389 = vector.broadcast %jit3A_388 : f32 to vector<16x128xf32>
      %select_n3A_390 = arith.select %and3A_387, %broadcast_in_dim3A_389, %select_n3A_347 : vector<16x128xi1>, vector<16x128xf32>
      %reduce_min3A_391 = arith.constant dense<0x7F800000> : vector<128xf32>
      %reduce_min3A_392 = vector.multi_reduction <minimumf>, %select_n3A_382, %reduce_min3A_391 [0] : vector<896x128xf32> to vector<128xf32>
      %broadcast_in_dim3A_393 = vector.shape_cast %reduce_min3A_392 : vector<128xf32> to vector<1x128xf32>
      %reduce_min3A_394 = arith.constant dense<0x7F800000> : vector<128xf32>
      %reduce_min3A_395 = vector.multi_reduction <minimumf>, %select_n3A_390, %reduce_min3A_394 [0] : vector<16x128xf32> to vector<128xf32>
      %broadcast_in_dim3A_396 = vector.shape_cast %reduce_min3A_395 : vector<128xf32> to vector<1x128xf32>
      %min3A_397 = arith.minimumf %broadcast_in_dim3A_393, %broadcast_in_dim3A_396 : vector<1x128xf32>
      %eq3A_398 = vector.broadcast %min3A_397 : vector<1x128xf32> to vector<896x128xf32>
      %eq3A_399 = arith.cmpf oeq, %select_n3A_382, %eq3A_398 : vector<896x128xf32>
      %jit3A_400 = arith.constant 1073741824 : i32
      %broadcast_in_dim3A_401 = vector.shape_cast %add3A_80 : vector<896x1xi32> to vector<896x1xi32>
      %broadcast_in_dim3A_402 = vector.broadcast %broadcast_in_dim3A_401 : vector<896x1xi32> to vector<896x128xi32>
      %broadcast_in_dim3A_403 = vector.broadcast %jit3A_400 : i32 to vector<896x128xi32>
      %select_n3A_404 = arith.select %eq3A_399, %broadcast_in_dim3A_402, %broadcast_in_dim3A_403 : vector<896x128xi1>, vector<896x128xi32>
      %reduce_min3A_405 = arith.constant dense<2147483647> : vector<128xi32>
      %reduce_min3A_406 = vector.multi_reduction <minsi>, %select_n3A_404, %reduce_min3A_405 [0] : vector<896x128xi32> to vector<128xi32>
      %broadcast_in_dim3A_407 = vector.shape_cast %reduce_min3A_406 : vector<128xi32> to vector<1x128xi32>
      %eq3A_408 = vector.broadcast %min3A_397 : vector<1x128xf32> to vector<16x128xf32>
      %eq3A_409 = arith.cmpf oeq, %select_n3A_390, %eq3A_408 : vector<16x128xf32>
      %jit3A_410 = arith.constant 1073741824 : i32
      %broadcast_in_dim3A_411 = vector.broadcast %jit3A_410 : i32 to vector<16x128xi32>
      %select_n3A_412 = arith.select %eq3A_409, %get3A_91, %broadcast_in_dim3A_411 : vector<16x128xi1>, vector<16x128xi32>
      %reduce_min3A_413 = arith.constant dense<2147483647> : vector<128xi32>
      %reduce_min3A_414 = vector.multi_reduction <minsi>, %select_n3A_412, %reduce_min3A_413 [0] : vector<16x128xi32> to vector<128xi32>
      %broadcast_in_dim3A_415 = vector.shape_cast %reduce_min3A_414 : vector<128xi32> to vector<1x128xi32>
      %min3A_416 = arith.minsi %broadcast_in_dim3A_415, %broadcast_in_dim3A_407 : vector<1x128xi32>
      %eq3A_417 = vector.broadcast %min3A_397 : vector<1x128xf32> to vector<896x128xf32>
      %eq3A_418 = arith.cmpf oeq, %select_n3A_382, %eq3A_417 : vector<896x128xf32>
      %eq3A_419 = vector.broadcast %add3A_80 : vector<896x1xi32> to vector<896x128xi32>
      %eq3A_420 = vector.broadcast %min3A_416 : vector<1x128xi32> to vector<896x128xi32>
      %eq3A_421 = arith.cmpi eq, %eq3A_419, %eq3A_420 : vector<896x128xi32>
      %and3A_422 = arith.andi %eq3A_418, %eq3A_421 : vector<896x128xi1>
      %jit3A_423 = arith.constant 0x7F800000 : f32
      %broadcast_in_dim3A_424 = vector.broadcast %jit3A_423 : f32 to vector<896x128xf32>
      %select_n3A_425 = arith.select %and3A_422, %broadcast_in_dim3A_424, %select_n3A_382 : vector<896x128xi1>, vector<896x128xf32>
      %eq3A_426 = vector.broadcast %min3A_397 : vector<1x128xf32> to vector<16x128xf32>
      %eq3A_427 = arith.cmpf oeq, %select_n3A_390, %eq3A_426 : vector<16x128xf32>
      %eq3A_428 = vector.broadcast %min3A_416 : vector<1x128xi32> to vector<16x128xi32>
      %eq3A_429 = arith.cmpi eq, %get3A_91, %eq3A_428 : vector<16x128xi32>
      %and3A_430 = arith.andi %eq3A_427, %eq3A_429 : vector<16x128xi1>
      %jit3A_431 = arith.constant 0x7F800000 : f32
      %broadcast_in_dim3A_432 = vector.broadcast %jit3A_431 : f32 to vector<16x128xf32>
      %select_n3A_433 = arith.select %and3A_430, %broadcast_in_dim3A_432, %select_n3A_390 : vector<16x128xi1>, vector<16x128xf32>
      %reduce_min3A_434 = arith.constant dense<0x7F800000> : vector<128xf32>
      %reduce_min3A_435 = vector.multi_reduction <minimumf>, %select_n3A_425, %reduce_min3A_434 [0] : vector<896x128xf32> to vector<128xf32>
      %broadcast_in_dim3A_436 = vector.shape_cast %reduce_min3A_435 : vector<128xf32> to vector<1x128xf32>
      %reduce_min3A_437 = arith.constant dense<0x7F800000> : vector<128xf32>
      %reduce_min3A_438 = vector.multi_reduction <minimumf>, %select_n3A_433, %reduce_min3A_437 [0] : vector<16x128xf32> to vector<128xf32>
      %broadcast_in_dim3A_439 = vector.shape_cast %reduce_min3A_438 : vector<128xf32> to vector<1x128xf32>
      %min3A_440 = arith.minimumf %broadcast_in_dim3A_436, %broadcast_in_dim3A_439 : vector<1x128xf32>
      %eq3A_441 = vector.broadcast %min3A_440 : vector<1x128xf32> to vector<896x128xf32>
      %eq3A_442 = arith.cmpf oeq, %select_n3A_425, %eq3A_441 : vector<896x128xf32>
      %jit3A_443 = arith.constant 1073741824 : i32
      %broadcast_in_dim3A_444 = vector.shape_cast %add3A_80 : vector<896x1xi32> to vector<896x1xi32>
      %broadcast_in_dim3A_445 = vector.broadcast %broadcast_in_dim3A_444 : vector<896x1xi32> to vector<896x128xi32>
      %broadcast_in_dim3A_446 = vector.broadcast %jit3A_443 : i32 to vector<896x128xi32>
      %select_n3A_447 = arith.select %eq3A_442, %broadcast_in_dim3A_445, %broadcast_in_dim3A_446 : vector<896x128xi1>, vector<896x128xi32>
      %reduce_min3A_448 = arith.constant dense<2147483647> : vector<128xi32>
      %reduce_min3A_449 = vector.multi_reduction <minsi>, %select_n3A_447, %reduce_min3A_448 [0] : vector<896x128xi32> to vector<128xi32>
      %broadcast_in_dim3A_450 = vector.shape_cast %reduce_min3A_449 : vector<128xi32> to vector<1x128xi32>
      %eq3A_451 = vector.broadcast %min3A_440 : vector<1x128xf32> to vector<16x128xf32>
      %eq3A_452 = arith.cmpf oeq, %select_n3A_433, %eq3A_451 : vector<16x128xf32>
      %jit3A_453 = arith.constant 1073741824 : i32
      %broadcast_in_dim3A_454 = vector.broadcast %jit3A_453 : i32 to vector<16x128xi32>
      %select_n3A_455 = arith.select %eq3A_452, %get3A_91, %broadcast_in_dim3A_454 : vector<16x128xi1>, vector<16x128xi32>
      %reduce_min3A_456 = arith.constant dense<2147483647> : vector<128xi32>
      %reduce_min3A_457 = vector.multi_reduction <minsi>, %select_n3A_455, %reduce_min3A_456 [0] : vector<16x128xi32> to vector<128xi32>
      %broadcast_in_dim3A_458 = vector.shape_cast %reduce_min3A_457 : vector<128xi32> to vector<1x128xi32>
      %min3A_459 = arith.minsi %broadcast_in_dim3A_458, %broadcast_in_dim3A_450 : vector<1x128xi32>
      %eq3A_460 = vector.broadcast %min3A_440 : vector<1x128xf32> to vector<896x128xf32>
      %eq3A_461 = arith.cmpf oeq, %select_n3A_425, %eq3A_460 : vector<896x128xf32>
      %eq3A_462 = vector.broadcast %add3A_80 : vector<896x1xi32> to vector<896x128xi32>
      %eq3A_463 = vector.broadcast %min3A_459 : vector<1x128xi32> to vector<896x128xi32>
      %eq3A_464 = arith.cmpi eq, %eq3A_462, %eq3A_463 : vector<896x128xi32>
      %and3A_465 = arith.andi %eq3A_461, %eq3A_464 : vector<896x128xi1>
      %jit3A_466 = arith.constant 0x7F800000 : f32
      %broadcast_in_dim3A_467 = vector.broadcast %jit3A_466 : f32 to vector<896x128xf32>
      %select_n3A_468 = arith.select %and3A_465, %broadcast_in_dim3A_467, %select_n3A_425 : vector<896x128xi1>, vector<896x128xf32>
      %eq3A_469 = vector.broadcast %min3A_440 : vector<1x128xf32> to vector<16x128xf32>
      %eq3A_470 = arith.cmpf oeq, %select_n3A_433, %eq3A_469 : vector<16x128xf32>
      %eq3A_471 = vector.broadcast %min3A_459 : vector<1x128xi32> to vector<16x128xi32>
      %eq3A_472 = arith.cmpi eq, %get3A_91, %eq3A_471 : vector<16x128xi32>
      %and3A_473 = arith.andi %eq3A_470, %eq3A_472 : vector<16x128xi1>
      %jit3A_474 = arith.constant 0x7F800000 : f32
      %broadcast_in_dim3A_475 = vector.broadcast %jit3A_474 : f32 to vector<16x128xf32>
      %select_n3A_476 = arith.select %and3A_473, %broadcast_in_dim3A_475, %select_n3A_433 : vector<16x128xi1>, vector<16x128xf32>
      %reduce_min3A_477 = arith.constant dense<0x7F800000> : vector<128xf32>
      %reduce_min3A_478 = vector.multi_reduction <minimumf>, %select_n3A_468, %reduce_min3A_477 [0] : vector<896x128xf32> to vector<128xf32>
      %broadcast_in_dim3A_479 = vector.shape_cast %reduce_min3A_478 : vector<128xf32> to vector<1x128xf32>
      %reduce_min3A_480 = arith.constant dense<0x7F800000> : vector<128xf32>
      %reduce_min3A_481 = vector.multi_reduction <minimumf>, %select_n3A_476, %reduce_min3A_480 [0] : vector<16x128xf32> to vector<128xf32>
      %broadcast_in_dim3A_482 = vector.shape_cast %reduce_min3A_481 : vector<128xf32> to vector<1x128xf32>
      %min3A_483 = arith.minimumf %broadcast_in_dim3A_479, %broadcast_in_dim3A_482 : vector<1x128xf32>
      %eq3A_484 = vector.broadcast %min3A_483 : vector<1x128xf32> to vector<896x128xf32>
      %eq3A_485 = arith.cmpf oeq, %select_n3A_468, %eq3A_484 : vector<896x128xf32>
      %jit3A_486 = arith.constant 1073741824 : i32
      %broadcast_in_dim3A_487 = vector.shape_cast %add3A_80 : vector<896x1xi32> to vector<896x1xi32>
      %broadcast_in_dim3A_488 = vector.broadcast %broadcast_in_dim3A_487 : vector<896x1xi32> to vector<896x128xi32>
      %broadcast_in_dim3A_489 = vector.broadcast %jit3A_486 : i32 to vector<896x128xi32>
      %select_n3A_490 = arith.select %eq3A_485, %broadcast_in_dim3A_488, %broadcast_in_dim3A_489 : vector<896x128xi1>, vector<896x128xi32>
      %reduce_min3A_491 = arith.constant dense<2147483647> : vector<128xi32>
      %reduce_min3A_492 = vector.multi_reduction <minsi>, %select_n3A_490, %reduce_min3A_491 [0] : vector<896x128xi32> to vector<128xi32>
      %broadcast_in_dim3A_493 = vector.shape_cast %reduce_min3A_492 : vector<128xi32> to vector<1x128xi32>
      %eq3A_494 = vector.broadcast %min3A_483 : vector<1x128xf32> to vector<16x128xf32>
      %eq3A_495 = arith.cmpf oeq, %select_n3A_476, %eq3A_494 : vector<16x128xf32>
      %jit3A_496 = arith.constant 1073741824 : i32
      %broadcast_in_dim3A_497 = vector.broadcast %jit3A_496 : i32 to vector<16x128xi32>
      %select_n3A_498 = arith.select %eq3A_495, %get3A_91, %broadcast_in_dim3A_497 : vector<16x128xi1>, vector<16x128xi32>
      %reduce_min3A_499 = arith.constant dense<2147483647> : vector<128xi32>
      %reduce_min3A_500 = vector.multi_reduction <minsi>, %select_n3A_498, %reduce_min3A_499 [0] : vector<16x128xi32> to vector<128xi32>
      %broadcast_in_dim3A_501 = vector.shape_cast %reduce_min3A_500 : vector<128xi32> to vector<1x128xi32>
      %min3A_502 = arith.minsi %broadcast_in_dim3A_501, %broadcast_in_dim3A_493 : vector<1x128xi32>
      %eq3A_503 = vector.broadcast %min3A_483 : vector<1x128xf32> to vector<896x128xf32>
      %eq3A_504 = arith.cmpf oeq, %select_n3A_468, %eq3A_503 : vector<896x128xf32>
      %eq3A_505 = vector.broadcast %add3A_80 : vector<896x1xi32> to vector<896x128xi32>
      %eq3A_506 = vector.broadcast %min3A_502 : vector<1x128xi32> to vector<896x128xi32>
      %eq3A_507 = arith.cmpi eq, %eq3A_505, %eq3A_506 : vector<896x128xi32>
      %and3A_508 = arith.andi %eq3A_504, %eq3A_507 : vector<896x128xi1>
      %jit3A_509 = arith.constant 0x7F800000 : f32
      %broadcast_in_dim3A_510 = vector.broadcast %jit3A_509 : f32 to vector<896x128xf32>
      %select_n3A_511 = arith.select %and3A_508, %broadcast_in_dim3A_510, %select_n3A_468 : vector<896x128xi1>, vector<896x128xf32>
      %eq3A_512 = vector.broadcast %min3A_483 : vector<1x128xf32> to vector<16x128xf32>
      %eq3A_513 = arith.cmpf oeq, %select_n3A_476, %eq3A_512 : vector<16x128xf32>
      %eq3A_514 = vector.broadcast %min3A_502 : vector<1x128xi32> to vector<16x128xi32>
      %eq3A_515 = arith.cmpi eq, %get3A_91, %eq3A_514 : vector<16x128xi32>
      %and3A_516 = arith.andi %eq3A_513, %eq3A_515 : vector<16x128xi1>
      %jit3A_517 = arith.constant 0x7F800000 : f32
      %broadcast_in_dim3A_518 = vector.broadcast %jit3A_517 : f32 to vector<16x128xf32>
      %select_n3A_519 = arith.select %and3A_516, %broadcast_in_dim3A_518, %select_n3A_476 : vector<16x128xi1>, vector<16x128xf32>
      %reduce_min3A_520 = arith.constant dense<0x7F800000> : vector<128xf32>
      %reduce_min3A_521 = vector.multi_reduction <minimumf>, %select_n3A_511, %reduce_min3A_520 [0] : vector<896x128xf32> to vector<128xf32>
      %broadcast_in_dim3A_522 = vector.shape_cast %reduce_min3A_521 : vector<128xf32> to vector<1x128xf32>
      %reduce_min3A_523 = arith.constant dense<0x7F800000> : vector<128xf32>
      %reduce_min3A_524 = vector.multi_reduction <minimumf>, %select_n3A_519, %reduce_min3A_523 [0] : vector<16x128xf32> to vector<128xf32>
      %broadcast_in_dim3A_525 = vector.shape_cast %reduce_min3A_524 : vector<128xf32> to vector<1x128xf32>
      %min3A_526 = arith.minimumf %broadcast_in_dim3A_522, %broadcast_in_dim3A_525 : vector<1x128xf32>
      %eq3A_527 = vector.broadcast %min3A_526 : vector<1x128xf32> to vector<896x128xf32>
      %eq3A_528 = arith.cmpf oeq, %select_n3A_511, %eq3A_527 : vector<896x128xf32>
      %jit3A_529 = arith.constant 1073741824 : i32
      %broadcast_in_dim3A_530 = vector.shape_cast %add3A_80 : vector<896x1xi32> to vector<896x1xi32>
      %broadcast_in_dim3A_531 = vector.broadcast %broadcast_in_dim3A_530 : vector<896x1xi32> to vector<896x128xi32>
      %broadcast_in_dim3A_532 = vector.broadcast %jit3A_529 : i32 to vector<896x128xi32>
      %select_n3A_533 = arith.select %eq3A_528, %broadcast_in_dim3A_531, %broadcast_in_dim3A_532 : vector<896x128xi1>, vector<896x128xi32>
      %reduce_min3A_534 = arith.constant dense<2147483647> : vector<128xi32>
      %reduce_min3A_535 = vector.multi_reduction <minsi>, %select_n3A_533, %reduce_min3A_534 [0] : vector<896x128xi32> to vector<128xi32>
      %broadcast_in_dim3A_536 = vector.shape_cast %reduce_min3A_535 : vector<128xi32> to vector<1x128xi32>
      %eq3A_537 = vector.broadcast %min3A_526 : vector<1x128xf32> to vector<16x128xf32>
      %eq3A_538 = arith.cmpf oeq, %select_n3A_519, %eq3A_537 : vector<16x128xf32>
      %jit3A_539 = arith.constant 1073741824 : i32
      %broadcast_in_dim3A_540 = vector.broadcast %jit3A_539 : i32 to vector<16x128xi32>
      %select_n3A_541 = arith.select %eq3A_538, %get3A_91, %broadcast_in_dim3A_540 : vector<16x128xi1>, vector<16x128xi32>
      %reduce_min3A_542 = arith.constant dense<2147483647> : vector<128xi32>
      %reduce_min3A_543 = vector.multi_reduction <minsi>, %select_n3A_541, %reduce_min3A_542 [0] : vector<16x128xi32> to vector<128xi32>
      %broadcast_in_dim3A_544 = vector.shape_cast %reduce_min3A_543 : vector<128xi32> to vector<1x128xi32>
      %min3A_545 = arith.minsi %broadcast_in_dim3A_544, %broadcast_in_dim3A_536 : vector<1x128xi32>
      %eq3A_546 = vector.broadcast %min3A_526 : vector<1x128xf32> to vector<896x128xf32>
      %eq3A_547 = arith.cmpf oeq, %select_n3A_511, %eq3A_546 : vector<896x128xf32>
      %eq3A_548 = vector.broadcast %add3A_80 : vector<896x1xi32> to vector<896x128xi32>
      %eq3A_549 = vector.broadcast %min3A_545 : vector<1x128xi32> to vector<896x128xi32>
      %eq3A_550 = arith.cmpi eq, %eq3A_548, %eq3A_549 : vector<896x128xi32>
      %and3A_551 = arith.andi %eq3A_547, %eq3A_550 : vector<896x128xi1>
      %jit3A_552 = arith.constant 0x7F800000 : f32
      %broadcast_in_dim3A_553 = vector.broadcast %jit3A_552 : f32 to vector<896x128xf32>
      %select_n3A_554 = arith.select %and3A_551, %broadcast_in_dim3A_553, %select_n3A_511 : vector<896x128xi1>, vector<896x128xf32>
      %eq3A_555 = vector.broadcast %min3A_526 : vector<1x128xf32> to vector<16x128xf32>
      %eq3A_556 = arith.cmpf oeq, %select_n3A_519, %eq3A_555 : vector<16x128xf32>
      %eq3A_557 = vector.broadcast %min3A_545 : vector<1x128xi32> to vector<16x128xi32>
      %eq3A_558 = arith.cmpi eq, %get3A_91, %eq3A_557 : vector<16x128xi32>
      %and3A_559 = arith.andi %eq3A_556, %eq3A_558 : vector<16x128xi1>
      %jit3A_560 = arith.constant 0x7F800000 : f32
      %broadcast_in_dim3A_561 = vector.broadcast %jit3A_560 : f32 to vector<16x128xf32>
      %select_n3A_562 = arith.select %and3A_559, %broadcast_in_dim3A_561, %select_n3A_519 : vector<16x128xi1>, vector<16x128xf32>
      %reduce_min3A_563 = arith.constant dense<0x7F800000> : vector<128xf32>
      %reduce_min3A_564 = vector.multi_reduction <minimumf>, %select_n3A_554, %reduce_min3A_563 [0] : vector<896x128xf32> to vector<128xf32>
      %broadcast_in_dim3A_565 = vector.shape_cast %reduce_min3A_564 : vector<128xf32> to vector<1x128xf32>
      %reduce_min3A_566 = arith.constant dense<0x7F800000> : vector<128xf32>
      %reduce_min3A_567 = vector.multi_reduction <minimumf>, %select_n3A_562, %reduce_min3A_566 [0] : vector<16x128xf32> to vector<128xf32>
      %broadcast_in_dim3A_568 = vector.shape_cast %reduce_min3A_567 : vector<128xf32> to vector<1x128xf32>
      %min3A_569 = arith.minimumf %broadcast_in_dim3A_565, %broadcast_in_dim3A_568 : vector<1x128xf32>
      %eq3A_570 = vector.broadcast %min3A_569 : vector<1x128xf32> to vector<896x128xf32>
      %eq3A_571 = arith.cmpf oeq, %select_n3A_554, %eq3A_570 : vector<896x128xf32>
      %jit3A_572 = arith.constant 1073741824 : i32
      %broadcast_in_dim3A_573 = vector.shape_cast %add3A_80 : vector<896x1xi32> to vector<896x1xi32>
      %broadcast_in_dim3A_574 = vector.broadcast %broadcast_in_dim3A_573 : vector<896x1xi32> to vector<896x128xi32>
      %broadcast_in_dim3A_575 = vector.broadcast %jit3A_572 : i32 to vector<896x128xi32>
      %select_n3A_576 = arith.select %eq3A_571, %broadcast_in_dim3A_574, %broadcast_in_dim3A_575 : vector<896x128xi1>, vector<896x128xi32>
      %reduce_min3A_577 = arith.constant dense<2147483647> : vector<128xi32>
      %reduce_min3A_578 = vector.multi_reduction <minsi>, %select_n3A_576, %reduce_min3A_577 [0] : vector<896x128xi32> to vector<128xi32>
      %broadcast_in_dim3A_579 = vector.shape_cast %reduce_min3A_578 : vector<128xi32> to vector<1x128xi32>
      %eq3A_580 = vector.broadcast %min3A_569 : vector<1x128xf32> to vector<16x128xf32>
      %eq3A_581 = arith.cmpf oeq, %select_n3A_562, %eq3A_580 : vector<16x128xf32>
      %jit3A_582 = arith.constant 1073741824 : i32
      %broadcast_in_dim3A_583 = vector.broadcast %jit3A_582 : i32 to vector<16x128xi32>
      %select_n3A_584 = arith.select %eq3A_581, %get3A_91, %broadcast_in_dim3A_583 : vector<16x128xi1>, vector<16x128xi32>
      %reduce_min3A_585 = arith.constant dense<2147483647> : vector<128xi32>
      %reduce_min3A_586 = vector.multi_reduction <minsi>, %select_n3A_584, %reduce_min3A_585 [0] : vector<16x128xi32> to vector<128xi32>
      %broadcast_in_dim3A_587 = vector.shape_cast %reduce_min3A_586 : vector<128xi32> to vector<1x128xi32>
      %min3A_588 = arith.minsi %broadcast_in_dim3A_587, %broadcast_in_dim3A_579 : vector<1x128xi32>
      %eq3A_589 = vector.broadcast %min3A_569 : vector<1x128xf32> to vector<896x128xf32>
      %eq3A_590 = arith.cmpf oeq, %select_n3A_554, %eq3A_589 : vector<896x128xf32>
      %eq3A_591 = vector.broadcast %add3A_80 : vector<896x1xi32> to vector<896x128xi32>
      %eq3A_592 = vector.broadcast %min3A_588 : vector<1x128xi32> to vector<896x128xi32>
      %eq3A_593 = arith.cmpi eq, %eq3A_591, %eq3A_592 : vector<896x128xi32>
      %and3A_594 = arith.andi %eq3A_590, %eq3A_593 : vector<896x128xi1>
      %jit3A_595 = arith.constant 0x7F800000 : f32
      %broadcast_in_dim3A_596 = vector.broadcast %jit3A_595 : f32 to vector<896x128xf32>
      %select_n3A_597 = arith.select %and3A_594, %broadcast_in_dim3A_596, %select_n3A_554 : vector<896x128xi1>, vector<896x128xf32>
      %eq3A_598 = vector.broadcast %min3A_569 : vector<1x128xf32> to vector<16x128xf32>
      %eq3A_599 = arith.cmpf oeq, %select_n3A_562, %eq3A_598 : vector<16x128xf32>
      %eq3A_600 = vector.broadcast %min3A_588 : vector<1x128xi32> to vector<16x128xi32>
      %eq3A_601 = arith.cmpi eq, %get3A_91, %eq3A_600 : vector<16x128xi32>
      %and3A_602 = arith.andi %eq3A_599, %eq3A_601 : vector<16x128xi1>
      %jit3A_603 = arith.constant 0x7F800000 : f32
      %broadcast_in_dim3A_604 = vector.broadcast %jit3A_603 : f32 to vector<16x128xf32>
      %select_n3A_605 = arith.select %and3A_602, %broadcast_in_dim3A_604, %select_n3A_562 : vector<16x128xi1>, vector<16x128xf32>
      %reduce_min3A_606 = arith.constant dense<0x7F800000> : vector<128xf32>
      %reduce_min3A_607 = vector.multi_reduction <minimumf>, %select_n3A_597, %reduce_min3A_606 [0] : vector<896x128xf32> to vector<128xf32>
      %broadcast_in_dim3A_608 = vector.shape_cast %reduce_min3A_607 : vector<128xf32> to vector<1x128xf32>
      %reduce_min3A_609 = arith.constant dense<0x7F800000> : vector<128xf32>
      %reduce_min3A_610 = vector.multi_reduction <minimumf>, %select_n3A_605, %reduce_min3A_609 [0] : vector<16x128xf32> to vector<128xf32>
      %broadcast_in_dim3A_611 = vector.shape_cast %reduce_min3A_610 : vector<128xf32> to vector<1x128xf32>
      %min3A_612 = arith.minimumf %broadcast_in_dim3A_608, %broadcast_in_dim3A_611 : vector<1x128xf32>
      %eq3A_613 = vector.broadcast %min3A_612 : vector<1x128xf32> to vector<896x128xf32>
      %eq3A_614 = arith.cmpf oeq, %select_n3A_597, %eq3A_613 : vector<896x128xf32>
      %jit3A_615 = arith.constant 1073741824 : i32
      %broadcast_in_dim3A_616 = vector.shape_cast %add3A_80 : vector<896x1xi32> to vector<896x1xi32>
      %broadcast_in_dim3A_617 = vector.broadcast %broadcast_in_dim3A_616 : vector<896x1xi32> to vector<896x128xi32>
      %broadcast_in_dim3A_618 = vector.broadcast %jit3A_615 : i32 to vector<896x128xi32>
      %select_n3A_619 = arith.select %eq3A_614, %broadcast_in_dim3A_617, %broadcast_in_dim3A_618 : vector<896x128xi1>, vector<896x128xi32>
      %reduce_min3A_620 = arith.constant dense<2147483647> : vector<128xi32>
      %reduce_min3A_621 = vector.multi_reduction <minsi>, %select_n3A_619, %reduce_min3A_620 [0] : vector<896x128xi32> to vector<128xi32>
      %broadcast_in_dim3A_622 = vector.shape_cast %reduce_min3A_621 : vector<128xi32> to vector<1x128xi32>
      %eq3A_623 = vector.broadcast %min3A_612 : vector<1x128xf32> to vector<16x128xf32>
      %eq3A_624 = arith.cmpf oeq, %select_n3A_605, %eq3A_623 : vector<16x128xf32>
      %jit3A_625 = arith.constant 1073741824 : i32
      %broadcast_in_dim3A_626 = vector.broadcast %jit3A_625 : i32 to vector<16x128xi32>
      %select_n3A_627 = arith.select %eq3A_624, %get3A_91, %broadcast_in_dim3A_626 : vector<16x128xi1>, vector<16x128xi32>
      %reduce_min3A_628 = arith.constant dense<2147483647> : vector<128xi32>
      %reduce_min3A_629 = vector.multi_reduction <minsi>, %select_n3A_627, %reduce_min3A_628 [0] : vector<16x128xi32> to vector<128xi32>
      %broadcast_in_dim3A_630 = vector.shape_cast %reduce_min3A_629 : vector<128xi32> to vector<1x128xi32>
      %min3A_631 = arith.minsi %broadcast_in_dim3A_630, %broadcast_in_dim3A_622 : vector<1x128xi32>
      %eq3A_632 = vector.broadcast %min3A_612 : vector<1x128xf32> to vector<896x128xf32>
      %eq3A_633 = arith.cmpf oeq, %select_n3A_597, %eq3A_632 : vector<896x128xf32>
      %eq3A_634 = vector.broadcast %add3A_80 : vector<896x1xi32> to vector<896x128xi32>
      %eq3A_635 = vector.broadcast %min3A_631 : vector<1x128xi32> to vector<896x128xi32>
      %eq3A_636 = arith.cmpi eq, %eq3A_634, %eq3A_635 : vector<896x128xi32>
      %and3A_637 = arith.andi %eq3A_633, %eq3A_636 : vector<896x128xi1>
      %jit3A_638 = arith.constant 0x7F800000 : f32
      %broadcast_in_dim3A_639 = vector.broadcast %jit3A_638 : f32 to vector<896x128xf32>
      %select_n3A_640 = arith.select %and3A_637, %broadcast_in_dim3A_639, %select_n3A_597 : vector<896x128xi1>, vector<896x128xf32>
      %eq3A_641 = vector.broadcast %min3A_612 : vector<1x128xf32> to vector<16x128xf32>
      %eq3A_642 = arith.cmpf oeq, %select_n3A_605, %eq3A_641 : vector<16x128xf32>
      %eq3A_643 = vector.broadcast %min3A_631 : vector<1x128xi32> to vector<16x128xi32>
      %eq3A_644 = arith.cmpi eq, %get3A_91, %eq3A_643 : vector<16x128xi32>
      %and3A_645 = arith.andi %eq3A_642, %eq3A_644 : vector<16x128xi1>
      %jit3A_646 = arith.constant 0x7F800000 : f32
      %broadcast_in_dim3A_647 = vector.broadcast %jit3A_646 : f32 to vector<16x128xf32>
      %select_n3A_648 = arith.select %and3A_645, %broadcast_in_dim3A_647, %select_n3A_605 : vector<16x128xi1>, vector<16x128xf32>
      %reduce_min3A_649 = arith.constant dense<0x7F800000> : vector<128xf32>
      %reduce_min3A_650 = vector.multi_reduction <minimumf>, %select_n3A_640, %reduce_min3A_649 [0] : vector<896x128xf32> to vector<128xf32>
      %broadcast_in_dim3A_651 = vector.shape_cast %reduce_min3A_650 : vector<128xf32> to vector<1x128xf32>
      %reduce_min3A_652 = arith.constant dense<0x7F800000> : vector<128xf32>
      %reduce_min3A_653 = vector.multi_reduction <minimumf>, %select_n3A_648, %reduce_min3A_652 [0] : vector<16x128xf32> to vector<128xf32>
      %broadcast_in_dim3A_654 = vector.shape_cast %reduce_min3A_653 : vector<128xf32> to vector<1x128xf32>
      %min3A_655 = arith.minimumf %broadcast_in_dim3A_651, %broadcast_in_dim3A_654 : vector<1x128xf32>
      %eq3A_656 = vector.broadcast %min3A_655 : vector<1x128xf32> to vector<896x128xf32>
      %eq3A_657 = arith.cmpf oeq, %select_n3A_640, %eq3A_656 : vector<896x128xf32>
      %jit3A_658 = arith.constant 1073741824 : i32
      %broadcast_in_dim3A_659 = vector.shape_cast %add3A_80 : vector<896x1xi32> to vector<896x1xi32>
      %broadcast_in_dim3A_660 = vector.broadcast %broadcast_in_dim3A_659 : vector<896x1xi32> to vector<896x128xi32>
      %broadcast_in_dim3A_661 = vector.broadcast %jit3A_658 : i32 to vector<896x128xi32>
      %select_n3A_662 = arith.select %eq3A_657, %broadcast_in_dim3A_660, %broadcast_in_dim3A_661 : vector<896x128xi1>, vector<896x128xi32>
      %reduce_min3A_663 = arith.constant dense<2147483647> : vector<128xi32>
      %reduce_min3A_664 = vector.multi_reduction <minsi>, %select_n3A_662, %reduce_min3A_663 [0] : vector<896x128xi32> to vector<128xi32>
      %broadcast_in_dim3A_665 = vector.shape_cast %reduce_min3A_664 : vector<128xi32> to vector<1x128xi32>
      %eq3A_666 = vector.broadcast %min3A_655 : vector<1x128xf32> to vector<16x128xf32>
      %eq3A_667 = arith.cmpf oeq, %select_n3A_648, %eq3A_666 : vector<16x128xf32>
      %jit3A_668 = arith.constant 1073741824 : i32
      %broadcast_in_dim3A_669 = vector.broadcast %jit3A_668 : i32 to vector<16x128xi32>
      %select_n3A_670 = arith.select %eq3A_667, %get3A_91, %broadcast_in_dim3A_669 : vector<16x128xi1>, vector<16x128xi32>
      %reduce_min3A_671 = arith.constant dense<2147483647> : vector<128xi32>
      %reduce_min3A_672 = vector.multi_reduction <minsi>, %select_n3A_670, %reduce_min3A_671 [0] : vector<16x128xi32> to vector<128xi32>
      %broadcast_in_dim3A_673 = vector.shape_cast %reduce_min3A_672 : vector<128xi32> to vector<1x128xi32>
      %min3A_674 = arith.minsi %broadcast_in_dim3A_673, %broadcast_in_dim3A_665 : vector<1x128xi32>
      %eq3A_675 = vector.broadcast %min3A_655 : vector<1x128xf32> to vector<896x128xf32>
      %eq3A_676 = arith.cmpf oeq, %select_n3A_640, %eq3A_675 : vector<896x128xf32>
      %eq3A_677 = vector.broadcast %add3A_80 : vector<896x1xi32> to vector<896x128xi32>
      %eq3A_678 = vector.broadcast %min3A_674 : vector<1x128xi32> to vector<896x128xi32>
      %eq3A_679 = arith.cmpi eq, %eq3A_677, %eq3A_678 : vector<896x128xi32>
      %and3A_680 = arith.andi %eq3A_676, %eq3A_679 : vector<896x128xi1>
      %jit3A_681 = arith.constant 0x7F800000 : f32
      %broadcast_in_dim3A_682 = vector.broadcast %jit3A_681 : f32 to vector<896x128xf32>
      %select_n3A_683 = arith.select %and3A_680, %broadcast_in_dim3A_682, %select_n3A_640 : vector<896x128xi1>, vector<896x128xf32>
      %eq3A_684 = vector.broadcast %min3A_655 : vector<1x128xf32> to vector<16x128xf32>
      %eq3A_685 = arith.cmpf oeq, %select_n3A_648, %eq3A_684 : vector<16x128xf32>
      %eq3A_686 = vector.broadcast %min3A_674 : vector<1x128xi32> to vector<16x128xi32>
      %eq3A_687 = arith.cmpi eq, %get3A_91, %eq3A_686 : vector<16x128xi32>
      %and3A_688 = arith.andi %eq3A_685, %eq3A_687 : vector<16x128xi1>
      %jit3A_689 = arith.constant 0x7F800000 : f32
      %broadcast_in_dim3A_690 = vector.broadcast %jit3A_689 : f32 to vector<16x128xf32>
      %select_n3A_691 = arith.select %and3A_688, %broadcast_in_dim3A_690, %select_n3A_648 : vector<16x128xi1>, vector<16x128xf32>
      %reduce_min3A_692 = arith.constant dense<0x7F800000> : vector<128xf32>
      %reduce_min3A_693 = vector.multi_reduction <minimumf>, %select_n3A_683, %reduce_min3A_692 [0] : vector<896x128xf32> to vector<128xf32>
      %broadcast_in_dim3A_694 = vector.shape_cast %reduce_min3A_693 : vector<128xf32> to vector<1x128xf32>
      %reduce_min3A_695 = arith.constant dense<0x7F800000> : vector<128xf32>
      %reduce_min3A_696 = vector.multi_reduction <minimumf>, %select_n3A_691, %reduce_min3A_695 [0] : vector<16x128xf32> to vector<128xf32>
      %broadcast_in_dim3A_697 = vector.shape_cast %reduce_min3A_696 : vector<128xf32> to vector<1x128xf32>
      %min3A_698 = arith.minimumf %broadcast_in_dim3A_694, %broadcast_in_dim3A_697 : vector<1x128xf32>
      %eq3A_699 = vector.broadcast %min3A_698 : vector<1x128xf32> to vector<896x128xf32>
      %eq3A_700 = arith.cmpf oeq, %select_n3A_683, %eq3A_699 : vector<896x128xf32>
      %jit3A_701 = arith.constant 1073741824 : i32
      %broadcast_in_dim3A_702 = vector.shape_cast %add3A_80 : vector<896x1xi32> to vector<896x1xi32>
      %broadcast_in_dim3A_703 = vector.broadcast %broadcast_in_dim3A_702 : vector<896x1xi32> to vector<896x128xi32>
      %broadcast_in_dim3A_704 = vector.broadcast %jit3A_701 : i32 to vector<896x128xi32>
      %select_n3A_705 = arith.select %eq3A_700, %broadcast_in_dim3A_703, %broadcast_in_dim3A_704 : vector<896x128xi1>, vector<896x128xi32>
      %reduce_min3A_706 = arith.constant dense<2147483647> : vector<128xi32>
      %reduce_min3A_707 = vector.multi_reduction <minsi>, %select_n3A_705, %reduce_min3A_706 [0] : vector<896x128xi32> to vector<128xi32>
      %broadcast_in_dim3A_708 = vector.shape_cast %reduce_min3A_707 : vector<128xi32> to vector<1x128xi32>
      %eq3A_709 = vector.broadcast %min3A_698 : vector<1x128xf32> to vector<16x128xf32>
      %eq3A_710 = arith.cmpf oeq, %select_n3A_691, %eq3A_709 : vector<16x128xf32>
      %jit3A_711 = arith.constant 1073741824 : i32
      %broadcast_in_dim3A_712 = vector.broadcast %jit3A_711 : i32 to vector<16x128xi32>
      %select_n3A_713 = arith.select %eq3A_710, %get3A_91, %broadcast_in_dim3A_712 : vector<16x128xi1>, vector<16x128xi32>
      %reduce_min3A_714 = arith.constant dense<2147483647> : vector<128xi32>
      %reduce_min3A_715 = vector.multi_reduction <minsi>, %select_n3A_713, %reduce_min3A_714 [0] : vector<16x128xi32> to vector<128xi32>
      %broadcast_in_dim3A_716 = vector.shape_cast %reduce_min3A_715 : vector<128xi32> to vector<1x128xi32>
      %min3A_717 = arith.minsi %broadcast_in_dim3A_716, %broadcast_in_dim3A_708 : vector<1x128xi32>
      %eq3A_718 = vector.broadcast %min3A_698 : vector<1x128xf32> to vector<896x128xf32>
      %eq3A_719 = arith.cmpf oeq, %select_n3A_683, %eq3A_718 : vector<896x128xf32>
      %eq3A_720 = vector.broadcast %add3A_80 : vector<896x1xi32> to vector<896x128xi32>
      %eq3A_721 = vector.broadcast %min3A_717 : vector<1x128xi32> to vector<896x128xi32>
      %eq3A_722 = arith.cmpi eq, %eq3A_720, %eq3A_721 : vector<896x128xi32>
      %and3A_723 = arith.andi %eq3A_719, %eq3A_722 : vector<896x128xi1>
      %jit3A_724 = arith.constant 0x7F800000 : f32
      %broadcast_in_dim3A_725 = vector.broadcast %jit3A_724 : f32 to vector<896x128xf32>
      %select_n3A_726 = arith.select %and3A_723, %broadcast_in_dim3A_725, %select_n3A_683 : vector<896x128xi1>, vector<896x128xf32>
      %eq3A_727 = vector.broadcast %min3A_698 : vector<1x128xf32> to vector<16x128xf32>
      %eq3A_728 = arith.cmpf oeq, %select_n3A_691, %eq3A_727 : vector<16x128xf32>
      %eq3A_729 = vector.broadcast %min3A_717 : vector<1x128xi32> to vector<16x128xi32>
      %eq3A_730 = arith.cmpi eq, %get3A_91, %eq3A_729 : vector<16x128xi32>
      %and3A_731 = arith.andi %eq3A_728, %eq3A_730 : vector<16x128xi1>
      %jit3A_732 = arith.constant 0x7F800000 : f32
      %broadcast_in_dim3A_733 = vector.broadcast %jit3A_732 : f32 to vector<16x128xf32>
      %select_n3A_734 = arith.select %and3A_731, %broadcast_in_dim3A_733, %select_n3A_691 : vector<16x128xi1>, vector<16x128xf32>
      %reduce_min3A_735 = arith.constant dense<0x7F800000> : vector<128xf32>
      %reduce_min3A_736 = vector.multi_reduction <minimumf>, %select_n3A_726, %reduce_min3A_735 [0] : vector<896x128xf32> to vector<128xf32>
      %broadcast_in_dim3A_737 = vector.shape_cast %reduce_min3A_736 : vector<128xf32> to vector<1x128xf32>
      %reduce_min3A_738 = arith.constant dense<0x7F800000> : vector<128xf32>
      %reduce_min3A_739 = vector.multi_reduction <minimumf>, %select_n3A_734, %reduce_min3A_738 [0] : vector<16x128xf32> to vector<128xf32>
      %broadcast_in_dim3A_740 = vector.shape_cast %reduce_min3A_739 : vector<128xf32> to vector<1x128xf32>
      %min3A_741 = arith.minimumf %broadcast_in_dim3A_737, %broadcast_in_dim3A_740 : vector<1x128xf32>
      %eq3A_742 = vector.broadcast %min3A_741 : vector<1x128xf32> to vector<896x128xf32>
      %eq3A_743 = arith.cmpf oeq, %select_n3A_726, %eq3A_742 : vector<896x128xf32>
      %jit3A_744 = arith.constant 1073741824 : i32
      %broadcast_in_dim3A_745 = vector.shape_cast %add3A_80 : vector<896x1xi32> to vector<896x1xi32>
      %broadcast_in_dim3A_746 = vector.broadcast %broadcast_in_dim3A_745 : vector<896x1xi32> to vector<896x128xi32>
      %broadcast_in_dim3A_747 = vector.broadcast %jit3A_744 : i32 to vector<896x128xi32>
      %select_n3A_748 = arith.select %eq3A_743, %broadcast_in_dim3A_746, %broadcast_in_dim3A_747 : vector<896x128xi1>, vector<896x128xi32>
      %reduce_min3A_749 = arith.constant dense<2147483647> : vector<128xi32>
      %reduce_min3A_750 = vector.multi_reduction <minsi>, %select_n3A_748, %reduce_min3A_749 [0] : vector<896x128xi32> to vector<128xi32>
      %broadcast_in_dim3A_751 = vector.shape_cast %reduce_min3A_750 : vector<128xi32> to vector<1x128xi32>
      %eq3A_752 = vector.broadcast %min3A_741 : vector<1x128xf32> to vector<16x128xf32>
      %eq3A_753 = arith.cmpf oeq, %select_n3A_734, %eq3A_752 : vector<16x128xf32>
      %jit3A_754 = arith.constant 1073741824 : i32
      %broadcast_in_dim3A_755 = vector.broadcast %jit3A_754 : i32 to vector<16x128xi32>
      %select_n3A_756 = arith.select %eq3A_753, %get3A_91, %broadcast_in_dim3A_755 : vector<16x128xi1>, vector<16x128xi32>
      %reduce_min3A_757 = arith.constant dense<2147483647> : vector<128xi32>
      %reduce_min3A_758 = vector.multi_reduction <minsi>, %select_n3A_756, %reduce_min3A_757 [0] : vector<16x128xi32> to vector<128xi32>
      %broadcast_in_dim3A_759 = vector.shape_cast %reduce_min3A_758 : vector<128xi32> to vector<1x128xi32>
      %min3A_760 = arith.minsi %broadcast_in_dim3A_759, %broadcast_in_dim3A_751 : vector<1x128xi32>
      %eq3A_761 = vector.broadcast %min3A_741 : vector<1x128xf32> to vector<896x128xf32>
      %eq3A_762 = arith.cmpf oeq, %select_n3A_726, %eq3A_761 : vector<896x128xf32>
      %eq3A_763 = vector.broadcast %add3A_80 : vector<896x1xi32> to vector<896x128xi32>
      %eq3A_764 = vector.broadcast %min3A_760 : vector<1x128xi32> to vector<896x128xi32>
      %eq3A_765 = arith.cmpi eq, %eq3A_763, %eq3A_764 : vector<896x128xi32>
      %and3A_766 = arith.andi %eq3A_762, %eq3A_765 : vector<896x128xi1>
      %jit3A_767 = arith.constant 0x7F800000 : f32
      %broadcast_in_dim3A_768 = vector.broadcast %jit3A_767 : f32 to vector<896x128xf32>
      %select_n3A_769 = arith.select %and3A_766, %broadcast_in_dim3A_768, %select_n3A_726 : vector<896x128xi1>, vector<896x128xf32>
      %eq3A_770 = vector.broadcast %min3A_741 : vector<1x128xf32> to vector<16x128xf32>
      %eq3A_771 = arith.cmpf oeq, %select_n3A_734, %eq3A_770 : vector<16x128xf32>
      %eq3A_772 = vector.broadcast %min3A_760 : vector<1x128xi32> to vector<16x128xi32>
      %eq3A_773 = arith.cmpi eq, %get3A_91, %eq3A_772 : vector<16x128xi32>
      %and3A_774 = arith.andi %eq3A_771, %eq3A_773 : vector<16x128xi1>
      %jit3A_775 = arith.constant 0x7F800000 : f32
      %broadcast_in_dim3A_776 = vector.broadcast %jit3A_775 : f32 to vector<16x128xf32>
      %select_n3A_777 = arith.select %and3A_774, %broadcast_in_dim3A_776, %select_n3A_734 : vector<16x128xi1>, vector<16x128xf32>
      %concatenate3A = tpu.concatenate %min3A_97, %min3A_139, %min3A_182, %min3A_225, %min3A_268, %min3A_311, %min3A_354, %min3A_397, %min3A_440, %min3A_483, %min3A_526, %min3A_569, %min3A_612, %min3A_655, %min3A_698, %min3A_741 in 0 : vector<1x128xf32>, vector<1x128xf32>, vector<1x128xf32>, vector<1x128xf32>, vector<1x128xf32>, vector<1x128xf32>, vector<1x128xf32>, vector<1x128xf32>, vector<1x128xf32>, vector<1x128xf32>, vector<1x128xf32>, vector<1x128xf32>, vector<1x128xf32>, vector<1x128xf32>, vector<1x128xf32>, vector<1x128xf32> -> vector<16x128xf32>
      %swap3A_778 = arith.constant 0 : index
      %swap3A_779 = arith.constant 0 : index
      %swap3A_780 = vector.load %arg8[%swap3A_778, %swap3A_779] : memref<16x128xf32, #tpu.memory_space<vmem>>, vector<16x128xf32>
      tpu.vector_store %arg8[%swap3A_778, %swap3A_779], %concatenate3A {strides = array<i32>} : memref<16x128xf32, #tpu.memory_space<vmem>>, vector<16x128xf32>,
      %concatenate3A_781 = tpu.concatenate %min3A_116, %min3A_158, %min3A_201, %min3A_244, %min3A_287, %min3A_330, %min3A_373, %min3A_416, %min3A_459, %min3A_502, %min3A_545, %min3A_588, %min3A_631, %min3A_674, %min3A_717, %min3A_760 in 0 : vector<1x128xi32>, vector<1x128xi32>, vector<1x128xi32>, vector<1x128xi32>, vector<1x128xi32>, vector<1x128xi32>, vector<1x128xi32>, vector<1x128xi32>, vector<1x128xi32>, vector<1x128xi32>, vector<1x128xi32>, vector<1x128xi32>, vector<1x128xi32>, vector<1x128xi32>, vector<1x128xi32>, vector<1x128xi32> -> vector<16x128xi32>
      %swap3A_782 = arith.constant 0 : index
      %swap3A_783 = arith.constant 0 : index
      %swap3A_784 = vector.load %arg9[%swap3A_782, %swap3A_783] : memref<16x128xi32, #tpu.memory_space<vmem>>, vector<16x128xi32>
      tpu.vector_store %arg9[%swap3A_782, %swap3A_783], %concatenate3A_781 {strides = array<i32>} : memref<16x128xi32, #tpu.memory_space<vmem>>, vector<16x128xi32>,
      %while3A_785 = arith.constant 0 : i32
      scf.yield %while3A_785 : i32
    }
    %while3A_27 = arith.constant 1 : i32
    %while3A_28 = scf.for %while3A_35 = %while3A_24 to %while3A_20 step %while3A_27 iter_args(%while3A_36 = %while3A_26) -> (i32)  : i32 {
      %mul3A_37 = arith.constant 896 : i32
      %mul3A_38 = arith.muli %while3A_35, %mul3A_37 : i32
      %add3A_39 = arith.addi %get3A_1, %mul3A_38 : i32
      %min3A = arith.constant 9344 : i32
      %min3A_40 = arith.minsi %add3A_39, %min3A : i32
      %multiple_of3A = tpu.assume_multiple %min3A_40, 8 : i32
      %get3A_41 = arith.index_cast %multiple_of3A : i32 to index
      %get3A_42 = arith.constant 0 : index
      %get3A_43 = vector.load %arg5[%get3A_41, %get3A_42] : memref<10240x1xi32, #tpu.memory_space<vmem>>, vector<896x1xi32>
      %broadcast_in_dim3A_44 = arith.constant 0.000000e+00 : f32
      %broadcast_in_dim3A_45 = vector.broadcast %broadcast_in_dim3A_44 : f32 to vector<896x128xf32>
      %get3A_46 = arith.index_cast %multiple_of3A : i32 to index
      %get3A_47 = arith.constant 0 : index
      %get3A_48 = vector.load %arg3[%get3A_46, %get3A_47] : memref<10240x4xf32, #tpu.memory_space<vmem>>, vector<896x1xf32>
      %get3A_49 = arith.constant 0 : index
      %get3A_50 = arith.constant 0 : index
      %get3A_51 = vector.load %arg4[%get3A_49, %get3A_50] : memref<4x128xf32, #tpu.memory_space<vmem>>, vector<1x128xf32>
      %sub3A = vector.broadcast %get3A_48 : vector<896x1xf32> to vector<896x128xf32>
      %sub3A_52 = vector.broadcast %get3A_51 : vector<1x128xf32> to vector<896x128xf32>
      %sub3A_53 = arith.subf %sub3A, %sub3A_52 : vector<896x128xf32>
      %mul3A_54 = arith.mulf %sub3A_53, %sub3A_53 : vector<896x128xf32>
      %add3A_55 = arith.addf %broadcast_in_dim3A_45, %mul3A_54 : vector<896x128xf32>
      %get3A_56 = arith.index_cast %multiple_of3A : i32 to index
      %get3A_57 = arith.constant 1 : index
      %get3A_58 = vector.load %arg3[%get3A_56, %get3A_57] : memref<10240x4xf32, #tpu.memory_space<vmem>>, vector<896x1xf32>
      %get3A_59 = arith.constant 1 : index
      %get3A_60 = arith.constant 0 : index
      %get3A_61 = vector.load %arg4[%get3A_59, %get3A_60] : memref<4x128xf32, #tpu.memory_space<vmem>>, vector<1x128xf32>
      %sub3A_62 = vector.broadcast %get3A_58 : vector<896x1xf32> to vector<896x128xf32>
      %sub3A_63 = vector.broadcast %get3A_61 : vector<1x128xf32> to vector<896x128xf32>
      %sub3A_64 = arith.subf %sub3A_62, %sub3A_63 : vector<896x128xf32>
      %mul3A_65 = arith.mulf %sub3A_64, %sub3A_64 : vector<896x128xf32>
      %add3A_66 = arith.addf %add3A_55, %mul3A_65 : vector<896x128xf32>
      %get3A_67 = arith.index_cast %multiple_of3A : i32 to index
      %get3A_68 = arith.constant 2 : index
      %get3A_69 = vector.load %arg3[%get3A_67, %get3A_68] : memref<10240x4xf32, #tpu.memory_space<vmem>>, vector<896x1xf32>
      %get3A_70 = arith.constant 2 : index
      %get3A_71 = arith.constant 0 : index
      %get3A_72 = vector.load %arg4[%get3A_70, %get3A_71] : memref<4x128xf32, #tpu.memory_space<vmem>>, vector<1x128xf32>
      %sub3A_73 = vector.broadcast %get3A_69 : vector<896x1xf32> to vector<896x128xf32>
      %sub3A_74 = vector.broadcast %get3A_72 : vector<1x128xf32> to vector<896x128xf32>
      %sub3A_75 = arith.subf %sub3A_73, %sub3A_74 : vector<896x128xf32>
      %mul3A_76 = arith.mulf %sub3A_75, %sub3A_75 : vector<896x128xf32>
      %add3A_77 = arith.addf %add3A_66, %mul3A_76 : vector<896x128xf32>
      %iota3A_78 = tpu.iota {dimensions = array<i32: 0>} : vector<896x1xi32>
      %add3A_79 = vector.broadcast %multiple_of3A : i32 to vector<896x1xi32>
      %add3A_80 = arith.addi %add3A_79, %iota3A_78 : vector<896x1xi32>
      %ne3A = vector.broadcast %get3A_43 : vector<896x1xi32> to vector<896x128xi32>
      %ne3A_81 = vector.broadcast %get3A_14 : vector<1x128xi32> to vector<896x128xi32>
      %ne3A_82 = arith.cmpi ne, %ne3A, %ne3A_81 : vector<896x128xi32>
      %eq3A = vector.broadcast %add3A_80 : vector<896x1xi32> to vector<896x128xi32>
      %eq3A_83 = vector.broadcast %add3A_17 : vector<1x128xi32> to vector<896x128xi32>
      %eq3A_84 = arith.cmpi eq, %eq3A, %eq3A_83 : vector<896x128xi32>
      %or3A = arith.ori %ne3A_82, %eq3A_84 : vector<896x128xi1>
      %jit3A = arith.constant 3.000000e+38 : f32
      %broadcast_in_dim3A_85 = vector.broadcast %jit3A : f32 to vector<896x128xf32>
      %select_n3A = arith.select %or3A, %broadcast_in_dim3A_85, %add3A_77 : vector<896x128xi1>, vector<896x128xf32>
      %get3A_86 = arith.constant 0 : index
      %get3A_87 = arith.constant 0 : index
      %get3A_88 = vector.load %arg8[%get3A_86, %get3A_87] : memref<16x128xf32, #tpu.memory_space<vmem>>, vector<16x128xf32>
      %get3A_89 = arith.constant 0 : index
      %get3A_90 = arith.constant 0 : index
      %get3A_91 = vector.load %arg9[%get3A_89, %get3A_90] : memref<16x128xi32, #tpu.memory_space<vmem>>, vector<16x128xi32>
      %reduce_min3A = arith.constant dense<0x7F800000> : vector<128xf32>
      %reduce_min3A_92 = vector.multi_reduction <minimumf>, %select_n3A, %reduce_min3A [0] : vector<896x128xf32> to vector<128xf32>
      %broadcast_in_dim3A_93 = vector.shape_cast %reduce_min3A_92 : vector<128xf32> to vector<1x128xf32>
      %reduce_min3A_94 = arith.constant dense<0x7F800000> : vector<128xf32>
      %reduce_min3A_95 = vector.multi_reduction <minimumf>, %get3A_88, %reduce_min3A_94 [0] : vector<16x128xf32> to vector<128xf32>
      %broadcast_in_dim3A_96 = vector.shape_cast %reduce_min3A_95 : vector<128xf32> to vector<1x128xf32>
      %min3A_97 = arith.minimumf %broadcast_in_dim3A_93, %broadcast_in_dim3A_96 : vector<1x128xf32>
      %eq3A_98 = vector.broadcast %min3A_97 : vector<1x128xf32> to vector<896x128xf32>
      %eq3A_99 = arith.cmpf oeq, %select_n3A, %eq3A_98 : vector<896x128xf32>
      %jit3A_100 = arith.constant 1073741824 : i32
      %broadcast_in_dim3A_101 = vector.shape_cast %add3A_80 : vector<896x1xi32> to vector<896x1xi32>
      %broadcast_in_dim3A_102 = vector.broadcast %broadcast_in_dim3A_101 : vector<896x1xi32> to vector<896x128xi32>
      %broadcast_in_dim3A_103 = vector.broadcast %jit3A_100 : i32 to vector<896x128xi32>
      %select_n3A_104 = arith.select %eq3A_99, %broadcast_in_dim3A_102, %broadcast_in_dim3A_103 : vector<896x128xi1>, vector<896x128xi32>
      %reduce_min3A_105 = arith.constant dense<2147483647> : vector<128xi32>
      %reduce_min3A_106 = vector.multi_reduction <minsi>, %select_n3A_104, %reduce_min3A_105 [0] : vector<896x128xi32> to vector<128xi32>
      %broadcast_in_dim3A_107 = vector.shape_cast %reduce_min3A_106 : vector<128xi32> to vector<1x128xi32>
      %eq3A_108 = vector.broadcast %min3A_97 : vector<1x128xf32> to vector<16x128xf32>
      %eq3A_109 = arith.cmpf oeq, %get3A_88, %eq3A_108 : vector<16x128xf32>
      %jit3A_110 = arith.constant 1073741824 : i32
      %broadcast_in_dim3A_111 = vector.broadcast %jit3A_110 : i32 to vector<16x128xi32>
      %select_n3A_112 = arith.select %eq3A_109, %get3A_91, %broadcast_in_dim3A_111 : vector<16x128xi1>, vector<16x128xi32>
      %reduce_min3A_113 = arith.constant dense<2147483647> : vector<128xi32>
      %reduce_min3A_114 = vector.multi_reduction <minsi>, %select_n3A_112, %reduce_min3A_113 [0] : vector<16x128xi32> to vector<128xi32>
      %broadcast_in_dim3A_115 = vector.shape_cast %reduce_min3A_114 : vector<128xi32> to vector<1x128xi32>
      %min3A_116 = arith.minsi %broadcast_in_dim3A_115, %broadcast_in_dim3A_107 : vector<1x128xi32>
      %eq3A_117 = vector.broadcast %min3A_97 : vector<1x128xf32> to vector<896x128xf32>
      %eq3A_118 = arith.cmpf oeq, %select_n3A, %eq3A_117 : vector<896x128xf32>
      %eq3A_119 = vector.broadcast %add3A_80 : vector<896x1xi32> to vector<896x128xi32>
      %eq3A_120 = vector.broadcast %min3A_116 : vector<1x128xi32> to vector<896x128xi32>
      %eq3A_121 = arith.cmpi eq, %eq3A_119, %eq3A_120 : vector<896x128xi32>
      %and3A = arith.andi %eq3A_118, %eq3A_121 : vector<896x128xi1>
      %jit3A_122 = arith.constant 0x7F800000 : f32
      %broadcast_in_dim3A_123 = vector.broadcast %jit3A_122 : f32 to vector<896x128xf32>
      %select_n3A_124 = arith.select %and3A, %broadcast_in_dim3A_123, %select_n3A : vector<896x128xi1>, vector<896x128xf32>
      %eq3A_125 = vector.broadcast %min3A_97 : vector<1x128xf32> to vector<16x128xf32>
      %eq3A_126 = arith.cmpf oeq, %get3A_88, %eq3A_125 : vector<16x128xf32>
      %eq3A_127 = vector.broadcast %min3A_116 : vector<1x128xi32> to vector<16x128xi32>
      %eq3A_128 = arith.cmpi eq, %get3A_91, %eq3A_127 : vector<16x128xi32>
      %and3A_129 = arith.andi %eq3A_126, %eq3A_128 : vector<16x128xi1>
      %jit3A_130 = arith.constant 0x7F800000 : f32
      %broadcast_in_dim3A_131 = vector.broadcast %jit3A_130 : f32 to vector<16x128xf32>
      %select_n3A_132 = arith.select %and3A_129, %broadcast_in_dim3A_131, %get3A_88 : vector<16x128xi1>, vector<16x128xf32>
      %reduce_min3A_133 = arith.constant dense<0x7F800000> : vector<128xf32>
      %reduce_min3A_134 = vector.multi_reduction <minimumf>, %select_n3A_124, %reduce_min3A_133 [0] : vector<896x128xf32> to vector<128xf32>
      %broadcast_in_dim3A_135 = vector.shape_cast %reduce_min3A_134 : vector<128xf32> to vector<1x128xf32>
      %reduce_min3A_136 = arith.constant dense<0x7F800000> : vector<128xf32>
      %reduce_min3A_137 = vector.multi_reduction <minimumf>, %select_n3A_132, %reduce_min3A_136 [0] : vector<16x128xf32> to vector<128xf32>
      %broadcast_in_dim3A_138 = vector.shape_cast %reduce_min3A_137 : vector<128xf32> to vector<1x128xf32>
      %min3A_139 = arith.minimumf %broadcast_in_dim3A_135, %broadcast_in_dim3A_138 : vector<1x128xf32>
      %eq3A_140 = vector.broadcast %min3A_139 : vector<1x128xf32> to vector<896x128xf32>
      %eq3A_141 = arith.cmpf oeq, %select_n3A_124, %eq3A_140 : vector<896x128xf32>
      %jit3A_142 = arith.constant 1073741824 : i32
      %broadcast_in_dim3A_143 = vector.shape_cast %add3A_80 : vector<896x1xi32> to vector<896x1xi32>
      %broadcast_in_dim3A_144 = vector.broadcast %broadcast_in_dim3A_143 : vector<896x1xi32> to vector<896x128xi32>
      %broadcast_in_dim3A_145 = vector.broadcast %jit3A_142 : i32 to vector<896x128xi32>
      %select_n3A_146 = arith.select %eq3A_141, %broadcast_in_dim3A_144, %broadcast_in_dim3A_145 : vector<896x128xi1>, vector<896x128xi32>
      %reduce_min3A_147 = arith.constant dense<2147483647> : vector<128xi32>
      %reduce_min3A_148 = vector.multi_reduction <minsi>, %select_n3A_146, %reduce_min3A_147 [0] : vector<896x128xi32> to vector<128xi32>
      %broadcast_in_dim3A_149 = vector.shape_cast %reduce_min3A_148 : vector<128xi32> to vector<1x128xi32>
      %eq3A_150 = vector.broadcast %min3A_139 : vector<1x128xf32> to vector<16x128xf32>
      %eq3A_151 = arith.cmpf oeq, %select_n3A_132, %eq3A_150 : vector<16x128xf32>
      %jit3A_152 = arith.constant 1073741824 : i32
      %broadcast_in_dim3A_153 = vector.broadcast %jit3A_152 : i32 to vector<16x128xi32>
      %select_n3A_154 = arith.select %eq3A_151, %get3A_91, %broadcast_in_dim3A_153 : vector<16x128xi1>, vector<16x128xi32>
      %reduce_min3A_155 = arith.constant dense<2147483647> : vector<128xi32>
      %reduce_min3A_156 = vector.multi_reduction <minsi>, %select_n3A_154, %reduce_min3A_155 [0] : vector<16x128xi32> to vector<128xi32>
      %broadcast_in_dim3A_157 = vector.shape_cast %reduce_min3A_156 : vector<128xi32> to vector<1x128xi32>
      %min3A_158 = arith.minsi %broadcast_in_dim3A_157, %broadcast_in_dim3A_149 : vector<1x128xi32>
      %eq3A_159 = vector.broadcast %min3A_139 : vector<1x128xf32> to vector<896x128xf32>
      %eq3A_160 = arith.cmpf oeq, %select_n3A_124, %eq3A_159 : vector<896x128xf32>
      %eq3A_161 = vector.broadcast %add3A_80 : vector<896x1xi32> to vector<896x128xi32>
      %eq3A_162 = vector.broadcast %min3A_158 : vector<1x128xi32> to vector<896x128xi32>
      %eq3A_163 = arith.cmpi eq, %eq3A_161, %eq3A_162 : vector<896x128xi32>
      %and3A_164 = arith.andi %eq3A_160, %eq3A_163 : vector<896x128xi1>
      %jit3A_165 = arith.constant 0x7F800000 : f32
      %broadcast_in_dim3A_166 = vector.broadcast %jit3A_165 : f32 to vector<896x128xf32>
      %select_n3A_167 = arith.select %and3A_164, %broadcast_in_dim3A_166, %select_n3A_124 : vector<896x128xi1>, vector<896x128xf32>
      %eq3A_168 = vector.broadcast %min3A_139 : vector<1x128xf32> to vector<16x128xf32>
      %eq3A_169 = arith.cmpf oeq, %select_n3A_132, %eq3A_168 : vector<16x128xf32>
      %eq3A_170 = vector.broadcast %min3A_158 : vector<1x128xi32> to vector<16x128xi32>
      %eq3A_171 = arith.cmpi eq, %get3A_91, %eq3A_170 : vector<16x128xi32>
      %and3A_172 = arith.andi %eq3A_169, %eq3A_171 : vector<16x128xi1>
      %jit3A_173 = arith.constant 0x7F800000 : f32
      %broadcast_in_dim3A_174 = vector.broadcast %jit3A_173 : f32 to vector<16x128xf32>
      %select_n3A_175 = arith.select %and3A_172, %broadcast_in_dim3A_174, %select_n3A_132 : vector<16x128xi1>, vector<16x128xf32>
      %reduce_min3A_176 = arith.constant dense<0x7F800000> : vector<128xf32>
      %reduce_min3A_177 = vector.multi_reduction <minimumf>, %select_n3A_167, %reduce_min3A_176 [0] : vector<896x128xf32> to vector<128xf32>
      %broadcast_in_dim3A_178 = vector.shape_cast %reduce_min3A_177 : vector<128xf32> to vector<1x128xf32>
      %reduce_min3A_179 = arith.constant dense<0x7F800000> : vector<128xf32>
      %reduce_min3A_180 = vector.multi_reduction <minimumf>, %select_n3A_175, %reduce_min3A_179 [0] : vector<16x128xf32> to vector<128xf32>
      %broadcast_in_dim3A_181 = vector.shape_cast %reduce_min3A_180 : vector<128xf32> to vector<1x128xf32>
      %min3A_182 = arith.minimumf %broadcast_in_dim3A_178, %broadcast_in_dim3A_181 : vector<1x128xf32>
      %eq3A_183 = vector.broadcast %min3A_182 : vector<1x128xf32> to vector<896x128xf32>
      %eq3A_184 = arith.cmpf oeq, %select_n3A_167, %eq3A_183 : vector<896x128xf32>
      %jit3A_185 = arith.constant 1073741824 : i32
      %broadcast_in_dim3A_186 = vector.shape_cast %add3A_80 : vector<896x1xi32> to vector<896x1xi32>
      %broadcast_in_dim3A_187 = vector.broadcast %broadcast_in_dim3A_186 : vector<896x1xi32> to vector<896x128xi32>
      %broadcast_in_dim3A_188 = vector.broadcast %jit3A_185 : i32 to vector<896x128xi32>
      %select_n3A_189 = arith.select %eq3A_184, %broadcast_in_dim3A_187, %broadcast_in_dim3A_188 : vector<896x128xi1>, vector<896x128xi32>
      %reduce_min3A_190 = arith.constant dense<2147483647> : vector<128xi32>
      %reduce_min3A_191 = vector.multi_reduction <minsi>, %select_n3A_189, %reduce_min3A_190 [0] : vector<896x128xi32> to vector<128xi32>
      %broadcast_in_dim3A_192 = vector.shape_cast %reduce_min3A_191 : vector<128xi32> to vector<1x128xi32>
      %eq3A_193 = vector.broadcast %min3A_182 : vector<1x128xf32> to vector<16x128xf32>
      %eq3A_194 = arith.cmpf oeq, %select_n3A_175, %eq3A_193 : vector<16x128xf32>
      %jit3A_195 = arith.constant 1073741824 : i32
      %broadcast_in_dim3A_196 = vector.broadcast %jit3A_195 : i32 to vector<16x128xi32>
      %select_n3A_197 = arith.select %eq3A_194, %get3A_91, %broadcast_in_dim3A_196 : vector<16x128xi1>, vector<16x128xi32>
      %reduce_min3A_198 = arith.constant dense<2147483647> : vector<128xi32>
      %reduce_min3A_199 = vector.multi_reduction <minsi>, %select_n3A_197, %reduce_min3A_198 [0] : vector<16x128xi32> to vector<128xi32>
      %broadcast_in_dim3A_200 = vector.shape_cast %reduce_min3A_199 : vector<128xi32> to vector<1x128xi32>
      %min3A_201 = arith.minsi %broadcast_in_dim3A_200, %broadcast_in_dim3A_192 : vector<1x128xi32>
      %eq3A_202 = vector.broadcast %min3A_182 : vector<1x128xf32> to vector<896x128xf32>
      %eq3A_203 = arith.cmpf oeq, %select_n3A_167, %eq3A_202 : vector<896x128xf32>
      %eq3A_204 = vector.broadcast %add3A_80 : vector<896x1xi32> to vector<896x128xi32>
      %eq3A_205 = vector.broadcast %min3A_201 : vector<1x128xi32> to vector<896x128xi32>
      %eq3A_206 = arith.cmpi eq, %eq3A_204, %eq3A_205 : vector<896x128xi32>
      %and3A_207 = arith.andi %eq3A_203, %eq3A_206 : vector<896x128xi1>
      %jit3A_208 = arith.constant 0x7F800000 : f32
      %broadcast_in_dim3A_209 = vector.broadcast %jit3A_208 : f32 to vector<896x128xf32>
      %select_n3A_210 = arith.select %and3A_207, %broadcast_in_dim3A_209, %select_n3A_167 : vector<896x128xi1>, vector<896x128xf32>
      %eq3A_211 = vector.broadcast %min3A_182 : vector<1x128xf32> to vector<16x128xf32>
      %eq3A_212 = arith.cmpf oeq, %select_n3A_175, %eq3A_211 : vector<16x128xf32>
      %eq3A_213 = vector.broadcast %min3A_201 : vector<1x128xi32> to vector<16x128xi32>
      %eq3A_214 = arith.cmpi eq, %get3A_91, %eq3A_213 : vector<16x128xi32>
      %and3A_215 = arith.andi %eq3A_212, %eq3A_214 : vector<16x128xi1>
      %jit3A_216 = arith.constant 0x7F800000 : f32
      %broadcast_in_dim3A_217 = vector.broadcast %jit3A_216 : f32 to vector<16x128xf32>
      %select_n3A_218 = arith.select %and3A_215, %broadcast_in_dim3A_217, %select_n3A_175 : vector<16x128xi1>, vector<16x128xf32>
      %reduce_min3A_219 = arith.constant dense<0x7F800000> : vector<128xf32>
      %reduce_min3A_220 = vector.multi_reduction <minimumf>, %select_n3A_210, %reduce_min3A_219 [0] : vector<896x128xf32> to vector<128xf32>
      %broadcast_in_dim3A_221 = vector.shape_cast %reduce_min3A_220 : vector<128xf32> to vector<1x128xf32>
      %reduce_min3A_222 = arith.constant dense<0x7F800000> : vector<128xf32>
      %reduce_min3A_223 = vector.multi_reduction <minimumf>, %select_n3A_218, %reduce_min3A_222 [0] : vector<16x128xf32> to vector<128xf32>
      %broadcast_in_dim3A_224 = vector.shape_cast %reduce_min3A_223 : vector<128xf32> to vector<1x128xf32>
      %min3A_225 = arith.minimumf %broadcast_in_dim3A_221, %broadcast_in_dim3A_224 : vector<1x128xf32>
      %eq3A_226 = vector.broadcast %min3A_225 : vector<1x128xf32> to vector<896x128xf32>
      %eq3A_227 = arith.cmpf oeq, %select_n3A_210, %eq3A_226 : vector<896x128xf32>
      %jit3A_228 = arith.constant 1073741824 : i32
      %broadcast_in_dim3A_229 = vector.shape_cast %add3A_80 : vector<896x1xi32> to vector<896x1xi32>
      %broadcast_in_dim3A_230 = vector.broadcast %broadcast_in_dim3A_229 : vector<896x1xi32> to vector<896x128xi32>
      %broadcast_in_dim3A_231 = vector.broadcast %jit3A_228 : i32 to vector<896x128xi32>
      %select_n3A_232 = arith.select %eq3A_227, %broadcast_in_dim3A_230, %broadcast_in_dim3A_231 : vector<896x128xi1>, vector<896x128xi32>
      %reduce_min3A_233 = arith.constant dense<2147483647> : vector<128xi32>
      %reduce_min3A_234 = vector.multi_reduction <minsi>, %select_n3A_232, %reduce_min3A_233 [0] : vector<896x128xi32> to vector<128xi32>
      %broadcast_in_dim3A_235 = vector.shape_cast %reduce_min3A_234 : vector<128xi32> to vector<1x128xi32>
      %eq3A_236 = vector.broadcast %min3A_225 : vector<1x128xf32> to vector<16x128xf32>
      %eq3A_237 = arith.cmpf oeq, %select_n3A_218, %eq3A_236 : vector<16x128xf32>
      %jit3A_238 = arith.constant 1073741824 : i32
      %broadcast_in_dim3A_239 = vector.broadcast %jit3A_238 : i32 to vector<16x128xi32>
      %select_n3A_240 = arith.select %eq3A_237, %get3A_91, %broadcast_in_dim3A_239 : vector<16x128xi1>, vector<16x128xi32>
      %reduce_min3A_241 = arith.constant dense<2147483647> : vector<128xi32>
      %reduce_min3A_242 = vector.multi_reduction <minsi>, %select_n3A_240, %reduce_min3A_241 [0] : vector<16x128xi32> to vector<128xi32>
      %broadcast_in_dim3A_243 = vector.shape_cast %reduce_min3A_242 : vector<128xi32> to vector<1x128xi32>
      %min3A_244 = arith.minsi %broadcast_in_dim3A_243, %broadcast_in_dim3A_235 : vector<1x128xi32>
      %eq3A_245 = vector.broadcast %min3A_225 : vector<1x128xf32> to vector<896x128xf32>
      %eq3A_246 = arith.cmpf oeq, %select_n3A_210, %eq3A_245 : vector<896x128xf32>
      %eq3A_247 = vector.broadcast %add3A_80 : vector<896x1xi32> to vector<896x128xi32>
      %eq3A_248 = vector.broadcast %min3A_244 : vector<1x128xi32> to vector<896x128xi32>
      %eq3A_249 = arith.cmpi eq, %eq3A_247, %eq3A_248 : vector<896x128xi32>
      %and3A_250 = arith.andi %eq3A_246, %eq3A_249 : vector<896x128xi1>
      %jit3A_251 = arith.constant 0x7F800000 : f32
      %broadcast_in_dim3A_252 = vector.broadcast %jit3A_251 : f32 to vector<896x128xf32>
      %select_n3A_253 = arith.select %and3A_250, %broadcast_in_dim3A_252, %select_n3A_210 : vector<896x128xi1>, vector<896x128xf32>
      %eq3A_254 = vector.broadcast %min3A_225 : vector<1x128xf32> to vector<16x128xf32>
      %eq3A_255 = arith.cmpf oeq, %select_n3A_218, %eq3A_254 : vector<16x128xf32>
      %eq3A_256 = vector.broadcast %min3A_244 : vector<1x128xi32> to vector<16x128xi32>
      %eq3A_257 = arith.cmpi eq, %get3A_91, %eq3A_256 : vector<16x128xi32>
      %and3A_258 = arith.andi %eq3A_255, %eq3A_257 : vector<16x128xi1>
      %jit3A_259 = arith.constant 0x7F800000 : f32
      %broadcast_in_dim3A_260 = vector.broadcast %jit3A_259 : f32 to vector<16x128xf32>
      %select_n3A_261 = arith.select %and3A_258, %broadcast_in_dim3A_260, %select_n3A_218 : vector<16x128xi1>, vector<16x128xf32>
      %reduce_min3A_262 = arith.constant dense<0x7F800000> : vector<128xf32>
      %reduce_min3A_263 = vector.multi_reduction <minimumf>, %select_n3A_253, %reduce_min3A_262 [0] : vector<896x128xf32> to vector<128xf32>
      %broadcast_in_dim3A_264 = vector.shape_cast %reduce_min3A_263 : vector<128xf32> to vector<1x128xf32>
      %reduce_min3A_265 = arith.constant dense<0x7F800000> : vector<128xf32>
      %reduce_min3A_266 = vector.multi_reduction <minimumf>, %select_n3A_261, %reduce_min3A_265 [0] : vector<16x128xf32> to vector<128xf32>
      %broadcast_in_dim3A_267 = vector.shape_cast %reduce_min3A_266 : vector<128xf32> to vector<1x128xf32>
      %min3A_268 = arith.minimumf %broadcast_in_dim3A_264, %broadcast_in_dim3A_267 : vector<1x128xf32>
      %eq3A_269 = vector.broadcast %min3A_268 : vector<1x128xf32> to vector<896x128xf32>
      %eq3A_270 = arith.cmpf oeq, %select_n3A_253, %eq3A_269 : vector<896x128xf32>
      %jit3A_271 = arith.constant 1073741824 : i32
      %broadcast_in_dim3A_272 = vector.shape_cast %add3A_80 : vector<896x1xi32> to vector<896x1xi32>
      %broadcast_in_dim3A_273 = vector.broadcast %broadcast_in_dim3A_272 : vector<896x1xi32> to vector<896x128xi32>
      %broadcast_in_dim3A_274 = vector.broadcast %jit3A_271 : i32 to vector<896x128xi32>
      %select_n3A_275 = arith.select %eq3A_270, %broadcast_in_dim3A_273, %broadcast_in_dim3A_274 : vector<896x128xi1>, vector<896x128xi32>
      %reduce_min3A_276 = arith.constant dense<2147483647> : vector<128xi32>
      %reduce_min3A_277 = vector.multi_reduction <minsi>, %select_n3A_275, %reduce_min3A_276 [0] : vector<896x128xi32> to vector<128xi32>
      %broadcast_in_dim3A_278 = vector.shape_cast %reduce_min3A_277 : vector<128xi32> to vector<1x128xi32>
      %eq3A_279 = vector.broadcast %min3A_268 : vector<1x128xf32> to vector<16x128xf32>
      %eq3A_280 = arith.cmpf oeq, %select_n3A_261, %eq3A_279 : vector<16x128xf32>
      %jit3A_281 = arith.constant 1073741824 : i32
      %broadcast_in_dim3A_282 = vector.broadcast %jit3A_281 : i32 to vector<16x128xi32>
      %select_n3A_283 = arith.select %eq3A_280, %get3A_91, %broadcast_in_dim3A_282 : vector<16x128xi1>, vector<16x128xi32>
      %reduce_min3A_284 = arith.constant dense<2147483647> : vector<128xi32>
      %reduce_min3A_285 = vector.multi_reduction <minsi>, %select_n3A_283, %reduce_min3A_284 [0] : vector<16x128xi32> to vector<128xi32>
      %broadcast_in_dim3A_286 = vector.shape_cast %reduce_min3A_285 : vector<128xi32> to vector<1x128xi32>
      %min3A_287 = arith.minsi %broadcast_in_dim3A_286, %broadcast_in_dim3A_278 : vector<1x128xi32>
      %eq3A_288 = vector.broadcast %min3A_268 : vector<1x128xf32> to vector<896x128xf32>
      %eq3A_289 = arith.cmpf oeq, %select_n3A_253, %eq3A_288 : vector<896x128xf32>
      %eq3A_290 = vector.broadcast %add3A_80 : vector<896x1xi32> to vector<896x128xi32>
      %eq3A_291 = vector.broadcast %min3A_287 : vector<1x128xi32> to vector<896x128xi32>
      %eq3A_292 = arith.cmpi eq, %eq3A_290, %eq3A_291 : vector<896x128xi32>
      %and3A_293 = arith.andi %eq3A_289, %eq3A_292 : vector<896x128xi1>
      %jit3A_294 = arith.constant 0x7F800000 : f32
      %broadcast_in_dim3A_295 = vector.broadcast %jit3A_294 : f32 to vector<896x128xf32>
      %select_n3A_296 = arith.select %and3A_293, %broadcast_in_dim3A_295, %select_n3A_253 : vector<896x128xi1>, vector<896x128xf32>
      %eq3A_297 = vector.broadcast %min3A_268 : vector<1x128xf32> to vector<16x128xf32>
      %eq3A_298 = arith.cmpf oeq, %select_n3A_261, %eq3A_297 : vector<16x128xf32>
      %eq3A_299 = vector.broadcast %min3A_287 : vector<1x128xi32> to vector<16x128xi32>
      %eq3A_300 = arith.cmpi eq, %get3A_91, %eq3A_299 : vector<16x128xi32>
      %and3A_301 = arith.andi %eq3A_298, %eq3A_300 : vector<16x128xi1>
      %jit3A_302 = arith.constant 0x7F800000 : f32
      %broadcast_in_dim3A_303 = vector.broadcast %jit3A_302 : f32 to vector<16x128xf32>
      %select_n3A_304 = arith.select %and3A_301, %broadcast_in_dim3A_303, %select_n3A_261 : vector<16x128xi1>, vector<16x128xf32>
      %reduce_min3A_305 = arith.constant dense<0x7F800000> : vector<128xf32>
      %reduce_min3A_306 = vector.multi_reduction <minimumf>, %select_n3A_296, %reduce_min3A_305 [0] : vector<896x128xf32> to vector<128xf32>
      %broadcast_in_dim3A_307 = vector.shape_cast %reduce_min3A_306 : vector<128xf32> to vector<1x128xf32>
      %reduce_min3A_308 = arith.constant dense<0x7F800000> : vector<128xf32>
      %reduce_min3A_309 = vector.multi_reduction <minimumf>, %select_n3A_304, %reduce_min3A_308 [0] : vector<16x128xf32> to vector<128xf32>
      %broadcast_in_dim3A_310 = vector.shape_cast %reduce_min3A_309 : vector<128xf32> to vector<1x128xf32>
      %min3A_311 = arith.minimumf %broadcast_in_dim3A_307, %broadcast_in_dim3A_310 : vector<1x128xf32>
      %eq3A_312 = vector.broadcast %min3A_311 : vector<1x128xf32> to vector<896x128xf32>
      %eq3A_313 = arith.cmpf oeq, %select_n3A_296, %eq3A_312 : vector<896x128xf32>
      %jit3A_314 = arith.constant 1073741824 : i32
      %broadcast_in_dim3A_315 = vector.shape_cast %add3A_80 : vector<896x1xi32> to vector<896x1xi32>
      %broadcast_in_dim3A_316 = vector.broadcast %broadcast_in_dim3A_315 : vector<896x1xi32> to vector<896x128xi32>
      %broadcast_in_dim3A_317 = vector.broadcast %jit3A_314 : i32 to vector<896x128xi32>
      %select_n3A_318 = arith.select %eq3A_313, %broadcast_in_dim3A_316, %broadcast_in_dim3A_317 : vector<896x128xi1>, vector<896x128xi32>
      %reduce_min3A_319 = arith.constant dense<2147483647> : vector<128xi32>
      %reduce_min3A_320 = vector.multi_reduction <minsi>, %select_n3A_318, %reduce_min3A_319 [0] : vector<896x128xi32> to vector<128xi32>
      %broadcast_in_dim3A_321 = vector.shape_cast %reduce_min3A_320 : vector<128xi32> to vector<1x128xi32>
      %eq3A_322 = vector.broadcast %min3A_311 : vector<1x128xf32> to vector<16x128xf32>
      %eq3A_323 = arith.cmpf oeq, %select_n3A_304, %eq3A_322 : vector<16x128xf32>
      %jit3A_324 = arith.constant 1073741824 : i32
      %broadcast_in_dim3A_325 = vector.broadcast %jit3A_324 : i32 to vector<16x128xi32>
      %select_n3A_326 = arith.select %eq3A_323, %get3A_91, %broadcast_in_dim3A_325 : vector<16x128xi1>, vector<16x128xi32>
      %reduce_min3A_327 = arith.constant dense<2147483647> : vector<128xi32>
      %reduce_min3A_328 = vector.multi_reduction <minsi>, %select_n3A_326, %reduce_min3A_327 [0] : vector<16x128xi32> to vector<128xi32>
      %broadcast_in_dim3A_329 = vector.shape_cast %reduce_min3A_328 : vector<128xi32> to vector<1x128xi32>
      %min3A_330 = arith.minsi %broadcast_in_dim3A_329, %broadcast_in_dim3A_321 : vector<1x128xi32>
      %eq3A_331 = vector.broadcast %min3A_311 : vector<1x128xf32> to vector<896x128xf32>
      %eq3A_332 = arith.cmpf oeq, %select_n3A_296, %eq3A_331 : vector<896x128xf32>
      %eq3A_333 = vector.broadcast %add3A_80 : vector<896x1xi32> to vector<896x128xi32>
      %eq3A_334 = vector.broadcast %min3A_330 : vector<1x128xi32> to vector<896x128xi32>
      %eq3A_335 = arith.cmpi eq, %eq3A_333, %eq3A_334 : vector<896x128xi32>
      %and3A_336 = arith.andi %eq3A_332, %eq3A_335 : vector<896x128xi1>
      %jit3A_337 = arith.constant 0x7F800000 : f32
      %broadcast_in_dim3A_338 = vector.broadcast %jit3A_337 : f32 to vector<896x128xf32>
      %select_n3A_339 = arith.select %and3A_336, %broadcast_in_dim3A_338, %select_n3A_296 : vector<896x128xi1>, vector<896x128xf32>
      %eq3A_340 = vector.broadcast %min3A_311 : vector<1x128xf32> to vector<16x128xf32>
      %eq3A_341 = arith.cmpf oeq, %select_n3A_304, %eq3A_340 : vector<16x128xf32>
      %eq3A_342 = vector.broadcast %min3A_330 : vector<1x128xi32> to vector<16x128xi32>
      %eq3A_343 = arith.cmpi eq, %get3A_91, %eq3A_342 : vector<16x128xi32>
      %and3A_344 = arith.andi %eq3A_341, %eq3A_343 : vector<16x128xi1>
      %jit3A_345 = arith.constant 0x7F800000 : f32
      %broadcast_in_dim3A_346 = vector.broadcast %jit3A_345 : f32 to vector<16x128xf32>
      %select_n3A_347 = arith.select %and3A_344, %broadcast_in_dim3A_346, %select_n3A_304 : vector<16x128xi1>, vector<16x128xf32>
      %reduce_min3A_348 = arith.constant dense<0x7F800000> : vector<128xf32>
      %reduce_min3A_349 = vector.multi_reduction <minimumf>, %select_n3A_339, %reduce_min3A_348 [0] : vector<896x128xf32> to vector<128xf32>
      %broadcast_in_dim3A_350 = vector.shape_cast %reduce_min3A_349 : vector<128xf32> to vector<1x128xf32>
      %reduce_min3A_351 = arith.constant dense<0x7F800000> : vector<128xf32>
      %reduce_min3A_352 = vector.multi_reduction <minimumf>, %select_n3A_347, %reduce_min3A_351 [0] : vector<16x128xf32> to vector<128xf32>
      %broadcast_in_dim3A_353 = vector.shape_cast %reduce_min3A_352 : vector<128xf32> to vector<1x128xf32>
      %min3A_354 = arith.minimumf %broadcast_in_dim3A_350, %broadcast_in_dim3A_353 : vector<1x128xf32>
      %eq3A_355 = vector.broadcast %min3A_354 : vector<1x128xf32> to vector<896x128xf32>
      %eq3A_356 = arith.cmpf oeq, %select_n3A_339, %eq3A_355 : vector<896x128xf32>
      %jit3A_357 = arith.constant 1073741824 : i32
      %broadcast_in_dim3A_358 = vector.shape_cast %add3A_80 : vector<896x1xi32> to vector<896x1xi32>
      %broadcast_in_dim3A_359 = vector.broadcast %broadcast_in_dim3A_358 : vector<896x1xi32> to vector<896x128xi32>
      %broadcast_in_dim3A_360 = vector.broadcast %jit3A_357 : i32 to vector<896x128xi32>
      %select_n3A_361 = arith.select %eq3A_356, %broadcast_in_dim3A_359, %broadcast_in_dim3A_360 : vector<896x128xi1>, vector<896x128xi32>
      %reduce_min3A_362 = arith.constant dense<2147483647> : vector<128xi32>
      %reduce_min3A_363 = vector.multi_reduction <minsi>, %select_n3A_361, %reduce_min3A_362 [0] : vector<896x128xi32> to vector<128xi32>
      %broadcast_in_dim3A_364 = vector.shape_cast %reduce_min3A_363 : vector<128xi32> to vector<1x128xi32>
      %eq3A_365 = vector.broadcast %min3A_354 : vector<1x128xf32> to vector<16x128xf32>
      %eq3A_366 = arith.cmpf oeq, %select_n3A_347, %eq3A_365 : vector<16x128xf32>
      %jit3A_367 = arith.constant 1073741824 : i32
      %broadcast_in_dim3A_368 = vector.broadcast %jit3A_367 : i32 to vector<16x128xi32>
      %select_n3A_369 = arith.select %eq3A_366, %get3A_91, %broadcast_in_dim3A_368 : vector<16x128xi1>, vector<16x128xi32>
      %reduce_min3A_370 = arith.constant dense<2147483647> : vector<128xi32>
      %reduce_min3A_371 = vector.multi_reduction <minsi>, %select_n3A_369, %reduce_min3A_370 [0] : vector<16x128xi32> to vector<128xi32>
      %broadcast_in_dim3A_372 = vector.shape_cast %reduce_min3A_371 : vector<128xi32> to vector<1x128xi32>
      %min3A_373 = arith.minsi %broadcast_in_dim3A_372, %broadcast_in_dim3A_364 : vector<1x128xi32>
      %eq3A_374 = vector.broadcast %min3A_354 : vector<1x128xf32> to vector<896x128xf32>
      %eq3A_375 = arith.cmpf oeq, %select_n3A_339, %eq3A_374 : vector<896x128xf32>
      %eq3A_376 = vector.broadcast %add3A_80 : vector<896x1xi32> to vector<896x128xi32>
      %eq3A_377 = vector.broadcast %min3A_373 : vector<1x128xi32> to vector<896x128xi32>
      %eq3A_378 = arith.cmpi eq, %eq3A_376, %eq3A_377 : vector<896x128xi32>
      %and3A_379 = arith.andi %eq3A_375, %eq3A_378 : vector<896x128xi1>
      %jit3A_380 = arith.constant 0x7F800000 : f32
      %broadcast_in_dim3A_381 = vector.broadcast %jit3A_380 : f32 to vector<896x128xf32>
      %select_n3A_382 = arith.select %and3A_379, %broadcast_in_dim3A_381, %select_n3A_339 : vector<896x128xi1>, vector<896x128xf32>
      %eq3A_383 = vector.broadcast %min3A_354 : vector<1x128xf32> to vector<16x128xf32>
      %eq3A_384 = arith.cmpf oeq, %select_n3A_347, %eq3A_383 : vector<16x128xf32>
      %eq3A_385 = vector.broadcast %min3A_373 : vector<1x128xi32> to vector<16x128xi32>
      %eq3A_386 = arith.cmpi eq, %get3A_91, %eq3A_385 : vector<16x128xi32>
      %and3A_387 = arith.andi %eq3A_384, %eq3A_386 : vector<16x128xi1>
      %jit3A_388 = arith.constant 0x7F800000 : f32
      %broadcast_in_dim3A_389 = vector.broadcast %jit3A_388 : f32 to vector<16x128xf32>
      %select_n3A_390 = arith.select %and3A_387, %broadcast_in_dim3A_389, %select_n3A_347 : vector<16x128xi1>, vector<16x128xf32>
      %reduce_min3A_391 = arith.constant dense<0x7F800000> : vector<128xf32>
      %reduce_min3A_392 = vector.multi_reduction <minimumf>, %select_n3A_382, %reduce_min3A_391 [0] : vector<896x128xf32> to vector<128xf32>
      %broadcast_in_dim3A_393 = vector.shape_cast %reduce_min3A_392 : vector<128xf32> to vector<1x128xf32>
      %reduce_min3A_394 = arith.constant dense<0x7F800000> : vector<128xf32>
      %reduce_min3A_395 = vector.multi_reduction <minimumf>, %select_n3A_390, %reduce_min3A_394 [0] : vector<16x128xf32> to vector<128xf32>
      %broadcast_in_dim3A_396 = vector.shape_cast %reduce_min3A_395 : vector<128xf32> to vector<1x128xf32>
      %min3A_397 = arith.minimumf %broadcast_in_dim3A_393, %broadcast_in_dim3A_396 : vector<1x128xf32>
      %eq3A_398 = vector.broadcast %min3A_397 : vector<1x128xf32> to vector<896x128xf32>
      %eq3A_399 = arith.cmpf oeq, %select_n3A_382, %eq3A_398 : vector<896x128xf32>
      %jit3A_400 = arith.constant 1073741824 : i32
      %broadcast_in_dim3A_401 = vector.shape_cast %add3A_80 : vector<896x1xi32> to vector<896x1xi32>
      %broadcast_in_dim3A_402 = vector.broadcast %broadcast_in_dim3A_401 : vector<896x1xi32> to vector<896x128xi32>
      %broadcast_in_dim3A_403 = vector.broadcast %jit3A_400 : i32 to vector<896x128xi32>
      %select_n3A_404 = arith.select %eq3A_399, %broadcast_in_dim3A_402, %broadcast_in_dim3A_403 : vector<896x128xi1>, vector<896x128xi32>
      %reduce_min3A_405 = arith.constant dense<2147483647> : vector<128xi32>
      %reduce_min3A_406 = vector.multi_reduction <minsi>, %select_n3A_404, %reduce_min3A_405 [0] : vector<896x128xi32> to vector<128xi32>
      %broadcast_in_dim3A_407 = vector.shape_cast %reduce_min3A_406 : vector<128xi32> to vector<1x128xi32>
      %eq3A_408 = vector.broadcast %min3A_397 : vector<1x128xf32> to vector<16x128xf32>
      %eq3A_409 = arith.cmpf oeq, %select_n3A_390, %eq3A_408 : vector<16x128xf32>
      %jit3A_410 = arith.constant 1073741824 : i32
      %broadcast_in_dim3A_411 = vector.broadcast %jit3A_410 : i32 to vector<16x128xi32>
      %select_n3A_412 = arith.select %eq3A_409, %get3A_91, %broadcast_in_dim3A_411 : vector<16x128xi1>, vector<16x128xi32>
      %reduce_min3A_413 = arith.constant dense<2147483647> : vector<128xi32>
      %reduce_min3A_414 = vector.multi_reduction <minsi>, %select_n3A_412, %reduce_min3A_413 [0] : vector<16x128xi32> to vector<128xi32>
      %broadcast_in_dim3A_415 = vector.shape_cast %reduce_min3A_414 : vector<128xi32> to vector<1x128xi32>
      %min3A_416 = arith.minsi %broadcast_in_dim3A_415, %broadcast_in_dim3A_407 : vector<1x128xi32>
      %eq3A_417 = vector.broadcast %min3A_397 : vector<1x128xf32> to vector<896x128xf32>
      %eq3A_418 = arith.cmpf oeq, %select_n3A_382, %eq3A_417 : vector<896x128xf32>
      %eq3A_419 = vector.broadcast %add3A_80 : vector<896x1xi32> to vector<896x128xi32>
      %eq3A_420 = vector.broadcast %min3A_416 : vector<1x128xi32> to vector<896x128xi32>
      %eq3A_421 = arith.cmpi eq, %eq3A_419, %eq3A_420 : vector<896x128xi32>
      %and3A_422 = arith.andi %eq3A_418, %eq3A_421 : vector<896x128xi1>
      %jit3A_423 = arith.constant 0x7F800000 : f32
      %broadcast_in_dim3A_424 = vector.broadcast %jit3A_423 : f32 to vector<896x128xf32>
      %select_n3A_425 = arith.select %and3A_422, %broadcast_in_dim3A_424, %select_n3A_382 : vector<896x128xi1>, vector<896x128xf32>
      %eq3A_426 = vector.broadcast %min3A_397 : vector<1x128xf32> to vector<16x128xf32>
      %eq3A_427 = arith.cmpf oeq, %select_n3A_390, %eq3A_426 : vector<16x128xf32>
      %eq3A_428 = vector.broadcast %min3A_416 : vector<1x128xi32> to vector<16x128xi32>
      %eq3A_429 = arith.cmpi eq, %get3A_91, %eq3A_428 : vector<16x128xi32>
      %and3A_430 = arith.andi %eq3A_427, %eq3A_429 : vector<16x128xi1>
      %jit3A_431 = arith.constant 0x7F800000 : f32
      %broadcast_in_dim3A_432 = vector.broadcast %jit3A_431 : f32 to vector<16x128xf32>
      %select_n3A_433 = arith.select %and3A_430, %broadcast_in_dim3A_432, %select_n3A_390 : vector<16x128xi1>, vector<16x128xf32>
      %reduce_min3A_434 = arith.constant dense<0x7F800000> : vector<128xf32>
      %reduce_min3A_435 = vector.multi_reduction <minimumf>, %select_n3A_425, %reduce_min3A_434 [0] : vector<896x128xf32> to vector<128xf32>
      %broadcast_in_dim3A_436 = vector.shape_cast %reduce_min3A_435 : vector<128xf32> to vector<1x128xf32>
      %reduce_min3A_437 = arith.constant dense<0x7F800000> : vector<128xf32>
      %reduce_min3A_438 = vector.multi_reduction <minimumf>, %select_n3A_433, %reduce_min3A_437 [0] : vector<16x128xf32> to vector<128xf32>
      %broadcast_in_dim3A_439 = vector.shape_cast %reduce_min3A_438 : vector<128xf32> to vector<1x128xf32>
      %min3A_440 = arith.minimumf %broadcast_in_dim3A_436, %broadcast_in_dim3A_439 : vector<1x128xf32>
      %eq3A_441 = vector.broadcast %min3A_440 : vector<1x128xf32> to vector<896x128xf32>
      %eq3A_442 = arith.cmpf oeq, %select_n3A_425, %eq3A_441 : vector<896x128xf32>
      %jit3A_443 = arith.constant 1073741824 : i32
      %broadcast_in_dim3A_444 = vector.shape_cast %add3A_80 : vector<896x1xi32> to vector<896x1xi32>
      %broadcast_in_dim3A_445 = vector.broadcast %broadcast_in_dim3A_444 : vector<896x1xi32> to vector<896x128xi32>
      %broadcast_in_dim3A_446 = vector.broadcast %jit3A_443 : i32 to vector<896x128xi32>
      %select_n3A_447 = arith.select %eq3A_442, %broadcast_in_dim3A_445, %broadcast_in_dim3A_446 : vector<896x128xi1>, vector<896x128xi32>
      %reduce_min3A_448 = arith.constant dense<2147483647> : vector<128xi32>
      %reduce_min3A_449 = vector.multi_reduction <minsi>, %select_n3A_447, %reduce_min3A_448 [0] : vector<896x128xi32> to vector<128xi32>
      %broadcast_in_dim3A_450 = vector.shape_cast %reduce_min3A_449 : vector<128xi32> to vector<1x128xi32>
      %eq3A_451 = vector.broadcast %min3A_440 : vector<1x128xf32> to vector<16x128xf32>
      %eq3A_452 = arith.cmpf oeq, %select_n3A_433, %eq3A_451 : vector<16x128xf32>
      %jit3A_453 = arith.constant 1073741824 : i32
      %broadcast_in_dim3A_454 = vector.broadcast %jit3A_453 : i32 to vector<16x128xi32>
      %select_n3A_455 = arith.select %eq3A_452, %get3A_91, %broadcast_in_dim3A_454 : vector<16x128xi1>, vector<16x128xi32>
      %reduce_min3A_456 = arith.constant dense<2147483647> : vector<128xi32>
      %reduce_min3A_457 = vector.multi_reduction <minsi>, %select_n3A_455, %reduce_min3A_456 [0] : vector<16x128xi32> to vector<128xi32>
      %broadcast_in_dim3A_458 = vector.shape_cast %reduce_min3A_457 : vector<128xi32> to vector<1x128xi32>
      %min3A_459 = arith.minsi %broadcast_in_dim3A_458, %broadcast_in_dim3A_450 : vector<1x128xi32>
      %eq3A_460 = vector.broadcast %min3A_440 : vector<1x128xf32> to vector<896x128xf32>
      %eq3A_461 = arith.cmpf oeq, %select_n3A_425, %eq3A_460 : vector<896x128xf32>
      %eq3A_462 = vector.broadcast %add3A_80 : vector<896x1xi32> to vector<896x128xi32>
      %eq3A_463 = vector.broadcast %min3A_459 : vector<1x128xi32> to vector<896x128xi32>
      %eq3A_464 = arith.cmpi eq, %eq3A_462, %eq3A_463 : vector<896x128xi32>
      %and3A_465 = arith.andi %eq3A_461, %eq3A_464 : vector<896x128xi1>
      %jit3A_466 = arith.constant 0x7F800000 : f32
      %broadcast_in_dim3A_467 = vector.broadcast %jit3A_466 : f32 to vector<896x128xf32>
      %select_n3A_468 = arith.select %and3A_465, %broadcast_in_dim3A_467, %select_n3A_425 : vector<896x128xi1>, vector<896x128xf32>
      %eq3A_469 = vector.broadcast %min3A_440 : vector<1x128xf32> to vector<16x128xf32>
      %eq3A_470 = arith.cmpf oeq, %select_n3A_433, %eq3A_469 : vector<16x128xf32>
      %eq3A_471 = vector.broadcast %min3A_459 : vector<1x128xi32> to vector<16x128xi32>
      %eq3A_472 = arith.cmpi eq, %get3A_91, %eq3A_471 : vector<16x128xi32>
      %and3A_473 = arith.andi %eq3A_470, %eq3A_472 : vector<16x128xi1>
      %jit3A_474 = arith.constant 0x7F800000 : f32
      %broadcast_in_dim3A_475 = vector.broadcast %jit3A_474 : f32 to vector<16x128xf32>
      %select_n3A_476 = arith.select %and3A_473, %broadcast_in_dim3A_475, %select_n3A_433 : vector<16x128xi1>, vector<16x128xf32>
      %reduce_min3A_477 = arith.constant dense<0x7F800000> : vector<128xf32>
      %reduce_min3A_478 = vector.multi_reduction <minimumf>, %select_n3A_468, %reduce_min3A_477 [0] : vector<896x128xf32> to vector<128xf32>
      %broadcast_in_dim3A_479 = vector.shape_cast %reduce_min3A_478 : vector<128xf32> to vector<1x128xf32>
      %reduce_min3A_480 = arith.constant dense<0x7F800000> : vector<128xf32>
      %reduce_min3A_481 = vector.multi_reduction <minimumf>, %select_n3A_476, %reduce_min3A_480 [0] : vector<16x128xf32> to vector<128xf32>
      %broadcast_in_dim3A_482 = vector.shape_cast %reduce_min3A_481 : vector<128xf32> to vector<1x128xf32>
      %min3A_483 = arith.minimumf %broadcast_in_dim3A_479, %broadcast_in_dim3A_482 : vector<1x128xf32>
      %eq3A_484 = vector.broadcast %min3A_483 : vector<1x128xf32> to vector<896x128xf32>
      %eq3A_485 = arith.cmpf oeq, %select_n3A_468, %eq3A_484 : vector<896x128xf32>
      %jit3A_486 = arith.constant 1073741824 : i32
      %broadcast_in_dim3A_487 = vector.shape_cast %add3A_80 : vector<896x1xi32> to vector<896x1xi32>
      %broadcast_in_dim3A_488 = vector.broadcast %broadcast_in_dim3A_487 : vector<896x1xi32> to vector<896x128xi32>
      %broadcast_in_dim3A_489 = vector.broadcast %jit3A_486 : i32 to vector<896x128xi32>
      %select_n3A_490 = arith.select %eq3A_485, %broadcast_in_dim3A_488, %broadcast_in_dim3A_489 : vector<896x128xi1>, vector<896x128xi32>
      %reduce_min3A_491 = arith.constant dense<2147483647> : vector<128xi32>
      %reduce_min3A_492 = vector.multi_reduction <minsi>, %select_n3A_490, %reduce_min3A_491 [0] : vector<896x128xi32> to vector<128xi32>
      %broadcast_in_dim3A_493 = vector.shape_cast %reduce_min3A_492 : vector<128xi32> to vector<1x128xi32>
      %eq3A_494 = vector.broadcast %min3A_483 : vector<1x128xf32> to vector<16x128xf32>
      %eq3A_495 = arith.cmpf oeq, %select_n3A_476, %eq3A_494 : vector<16x128xf32>
      %jit3A_496 = arith.constant 1073741824 : i32
      %broadcast_in_dim3A_497 = vector.broadcast %jit3A_496 : i32 to vector<16x128xi32>
      %select_n3A_498 = arith.select %eq3A_495, %get3A_91, %broadcast_in_dim3A_497 : vector<16x128xi1>, vector<16x128xi32>
      %reduce_min3A_499 = arith.constant dense<2147483647> : vector<128xi32>
      %reduce_min3A_500 = vector.multi_reduction <minsi>, %select_n3A_498, %reduce_min3A_499 [0] : vector<16x128xi32> to vector<128xi32>
      %broadcast_in_dim3A_501 = vector.shape_cast %reduce_min3A_500 : vector<128xi32> to vector<1x128xi32>
      %min3A_502 = arith.minsi %broadcast_in_dim3A_501, %broadcast_in_dim3A_493 : vector<1x128xi32>
      %eq3A_503 = vector.broadcast %min3A_483 : vector<1x128xf32> to vector<896x128xf32>
      %eq3A_504 = arith.cmpf oeq, %select_n3A_468, %eq3A_503 : vector<896x128xf32>
      %eq3A_505 = vector.broadcast %add3A_80 : vector<896x1xi32> to vector<896x128xi32>
      %eq3A_506 = vector.broadcast %min3A_502 : vector<1x128xi32> to vector<896x128xi32>
      %eq3A_507 = arith.cmpi eq, %eq3A_505, %eq3A_506 : vector<896x128xi32>
      %and3A_508 = arith.andi %eq3A_504, %eq3A_507 : vector<896x128xi1>
      %jit3A_509 = arith.constant 0x7F800000 : f32
      %broadcast_in_dim3A_510 = vector.broadcast %jit3A_509 : f32 to vector<896x128xf32>
      %select_n3A_511 = arith.select %and3A_508, %broadcast_in_dim3A_510, %select_n3A_468 : vector<896x128xi1>, vector<896x128xf32>
      %eq3A_512 = vector.broadcast %min3A_483 : vector<1x128xf32> to vector<16x128xf32>
      %eq3A_513 = arith.cmpf oeq, %select_n3A_476, %eq3A_512 : vector<16x128xf32>
      %eq3A_514 = vector.broadcast %min3A_502 : vector<1x128xi32> to vector<16x128xi32>
      %eq3A_515 = arith.cmpi eq, %get3A_91, %eq3A_514 : vector<16x128xi32>
      %and3A_516 = arith.andi %eq3A_513, %eq3A_515 : vector<16x128xi1>
      %jit3A_517 = arith.constant 0x7F800000 : f32
      %broadcast_in_dim3A_518 = vector.broadcast %jit3A_517 : f32 to vector<16x128xf32>
      %select_n3A_519 = arith.select %and3A_516, %broadcast_in_dim3A_518, %select_n3A_476 : vector<16x128xi1>, vector<16x128xf32>
      %reduce_min3A_520 = arith.constant dense<0x7F800000> : vector<128xf32>
      %reduce_min3A_521 = vector.multi_reduction <minimumf>, %select_n3A_511, %reduce_min3A_520 [0] : vector<896x128xf32> to vector<128xf32>
      %broadcast_in_dim3A_522 = vector.shape_cast %reduce_min3A_521 : vector<128xf32> to vector<1x128xf32>
      %reduce_min3A_523 = arith.constant dense<0x7F800000> : vector<128xf32>
      %reduce_min3A_524 = vector.multi_reduction <minimumf>, %select_n3A_519, %reduce_min3A_523 [0] : vector<16x128xf32> to vector<128xf32>
      %broadcast_in_dim3A_525 = vector.shape_cast %reduce_min3A_524 : vector<128xf32> to vector<1x128xf32>
      %min3A_526 = arith.minimumf %broadcast_in_dim3A_522, %broadcast_in_dim3A_525 : vector<1x128xf32>
      %eq3A_527 = vector.broadcast %min3A_526 : vector<1x128xf32> to vector<896x128xf32>
      %eq3A_528 = arith.cmpf oeq, %select_n3A_511, %eq3A_527 : vector<896x128xf32>
      %jit3A_529 = arith.constant 1073741824 : i32
      %broadcast_in_dim3A_530 = vector.shape_cast %add3A_80 : vector<896x1xi32> to vector<896x1xi32>
      %broadcast_in_dim3A_531 = vector.broadcast %broadcast_in_dim3A_530 : vector<896x1xi32> to vector<896x128xi32>
      %broadcast_in_dim3A_532 = vector.broadcast %jit3A_529 : i32 to vector<896x128xi32>
      %select_n3A_533 = arith.select %eq3A_528, %broadcast_in_dim3A_531, %broadcast_in_dim3A_532 : vector<896x128xi1>, vector<896x128xi32>
      %reduce_min3A_534 = arith.constant dense<2147483647> : vector<128xi32>
      %reduce_min3A_535 = vector.multi_reduction <minsi>, %select_n3A_533, %reduce_min3A_534 [0] : vector<896x128xi32> to vector<128xi32>
      %broadcast_in_dim3A_536 = vector.shape_cast %reduce_min3A_535 : vector<128xi32> to vector<1x128xi32>
      %eq3A_537 = vector.broadcast %min3A_526 : vector<1x128xf32> to vector<16x128xf32>
      %eq3A_538 = arith.cmpf oeq, %select_n3A_519, %eq3A_537 : vector<16x128xf32>
      %jit3A_539 = arith.constant 1073741824 : i32
      %broadcast_in_dim3A_540 = vector.broadcast %jit3A_539 : i32 to vector<16x128xi32>
      %select_n3A_541 = arith.select %eq3A_538, %get3A_91, %broadcast_in_dim3A_540 : vector<16x128xi1>, vector<16x128xi32>
      %reduce_min3A_542 = arith.constant dense<2147483647> : vector<128xi32>
      %reduce_min3A_543 = vector.multi_reduction <minsi>, %select_n3A_541, %reduce_min3A_542 [0] : vector<16x128xi32> to vector<128xi32>
      %broadcast_in_dim3A_544 = vector.shape_cast %reduce_min3A_543 : vector<128xi32> to vector<1x128xi32>
      %min3A_545 = arith.minsi %broadcast_in_dim3A_544, %broadcast_in_dim3A_536 : vector<1x128xi32>
      %eq3A_546 = vector.broadcast %min3A_526 : vector<1x128xf32> to vector<896x128xf32>
      %eq3A_547 = arith.cmpf oeq, %select_n3A_511, %eq3A_546 : vector<896x128xf32>
      %eq3A_548 = vector.broadcast %add3A_80 : vector<896x1xi32> to vector<896x128xi32>
      %eq3A_549 = vector.broadcast %min3A_545 : vector<1x128xi32> to vector<896x128xi32>
      %eq3A_550 = arith.cmpi eq, %eq3A_548, %eq3A_549 : vector<896x128xi32>
      %and3A_551 = arith.andi %eq3A_547, %eq3A_550 : vector<896x128xi1>
      %jit3A_552 = arith.constant 0x7F800000 : f32
      %broadcast_in_dim3A_553 = vector.broadcast %jit3A_552 : f32 to vector<896x128xf32>
      %select_n3A_554 = arith.select %and3A_551, %broadcast_in_dim3A_553, %select_n3A_511 : vector<896x128xi1>, vector<896x128xf32>
      %eq3A_555 = vector.broadcast %min3A_526 : vector<1x128xf32> to vector<16x128xf32>
      %eq3A_556 = arith.cmpf oeq, %select_n3A_519, %eq3A_555 : vector<16x128xf32>
      %eq3A_557 = vector.broadcast %min3A_545 : vector<1x128xi32> to vector<16x128xi32>
      %eq3A_558 = arith.cmpi eq, %get3A_91, %eq3A_557 : vector<16x128xi32>
      %and3A_559 = arith.andi %eq3A_556, %eq3A_558 : vector<16x128xi1>
      %jit3A_560 = arith.constant 0x7F800000 : f32
      %broadcast_in_dim3A_561 = vector.broadcast %jit3A_560 : f32 to vector<16x128xf32>
      %select_n3A_562 = arith.select %and3A_559, %broadcast_in_dim3A_561, %select_n3A_519 : vector<16x128xi1>, vector<16x128xf32>
      %reduce_min3A_563 = arith.constant dense<0x7F800000> : vector<128xf32>
      %reduce_min3A_564 = vector.multi_reduction <minimumf>, %select_n3A_554, %reduce_min3A_563 [0] : vector<896x128xf32> to vector<128xf32>
      %broadcast_in_dim3A_565 = vector.shape_cast %reduce_min3A_564 : vector<128xf32> to vector<1x128xf32>
      %reduce_min3A_566 = arith.constant dense<0x7F800000> : vector<128xf32>
      %reduce_min3A_567 = vector.multi_reduction <minimumf>, %select_n3A_562, %reduce_min3A_566 [0] : vector<16x128xf32> to vector<128xf32>
      %broadcast_in_dim3A_568 = vector.shape_cast %reduce_min3A_567 : vector<128xf32> to vector<1x128xf32>
      %min3A_569 = arith.minimumf %broadcast_in_dim3A_565, %broadcast_in_dim3A_568 : vector<1x128xf32>
      %eq3A_570 = vector.broadcast %min3A_569 : vector<1x128xf32> to vector<896x128xf32>
      %eq3A_571 = arith.cmpf oeq, %select_n3A_554, %eq3A_570 : vector<896x128xf32>
      %jit3A_572 = arith.constant 1073741824 : i32
      %broadcast_in_dim3A_573 = vector.shape_cast %add3A_80 : vector<896x1xi32> to vector<896x1xi32>
      %broadcast_in_dim3A_574 = vector.broadcast %broadcast_in_dim3A_573 : vector<896x1xi32> to vector<896x128xi32>
      %broadcast_in_dim3A_575 = vector.broadcast %jit3A_572 : i32 to vector<896x128xi32>
      %select_n3A_576 = arith.select %eq3A_571, %broadcast_in_dim3A_574, %broadcast_in_dim3A_575 : vector<896x128xi1>, vector<896x128xi32>
      %reduce_min3A_577 = arith.constant dense<2147483647> : vector<128xi32>
      %reduce_min3A_578 = vector.multi_reduction <minsi>, %select_n3A_576, %reduce_min3A_577 [0] : vector<896x128xi32> to vector<128xi32>
      %broadcast_in_dim3A_579 = vector.shape_cast %reduce_min3A_578 : vector<128xi32> to vector<1x128xi32>
      %eq3A_580 = vector.broadcast %min3A_569 : vector<1x128xf32> to vector<16x128xf32>
      %eq3A_581 = arith.cmpf oeq, %select_n3A_562, %eq3A_580 : vector<16x128xf32>
      %jit3A_582 = arith.constant 1073741824 : i32
      %broadcast_in_dim3A_583 = vector.broadcast %jit3A_582 : i32 to vector<16x128xi32>
      %select_n3A_584 = arith.select %eq3A_581, %get3A_91, %broadcast_in_dim3A_583 : vector<16x128xi1>, vector<16x128xi32>
      %reduce_min3A_585 = arith.constant dense<2147483647> : vector<128xi32>
      %reduce_min3A_586 = vector.multi_reduction <minsi>, %select_n3A_584, %reduce_min3A_585 [0] : vector<16x128xi32> to vector<128xi32>
      %broadcast_in_dim3A_587 = vector.shape_cast %reduce_min3A_586 : vector<128xi32> to vector<1x128xi32>
      %min3A_588 = arith.minsi %broadcast_in_dim3A_587, %broadcast_in_dim3A_579 : vector<1x128xi32>
      %eq3A_589 = vector.broadcast %min3A_569 : vector<1x128xf32> to vector<896x128xf32>
      %eq3A_590 = arith.cmpf oeq, %select_n3A_554, %eq3A_589 : vector<896x128xf32>
      %eq3A_591 = vector.broadcast %add3A_80 : vector<896x1xi32> to vector<896x128xi32>
      %eq3A_592 = vector.broadcast %min3A_588 : vector<1x128xi32> to vector<896x128xi32>
      %eq3A_593 = arith.cmpi eq, %eq3A_591, %eq3A_592 : vector<896x128xi32>
      %and3A_594 = arith.andi %eq3A_590, %eq3A_593 : vector<896x128xi1>
      %jit3A_595 = arith.constant 0x7F800000 : f32
      %broadcast_in_dim3A_596 = vector.broadcast %jit3A_595 : f32 to vector<896x128xf32>
      %select_n3A_597 = arith.select %and3A_594, %broadcast_in_dim3A_596, %select_n3A_554 : vector<896x128xi1>, vector<896x128xf32>
      %eq3A_598 = vector.broadcast %min3A_569 : vector<1x128xf32> to vector<16x128xf32>
      %eq3A_599 = arith.cmpf oeq, %select_n3A_562, %eq3A_598 : vector<16x128xf32>
      %eq3A_600 = vector.broadcast %min3A_588 : vector<1x128xi32> to vector<16x128xi32>
      %eq3A_601 = arith.cmpi eq, %get3A_91, %eq3A_600 : vector<16x128xi32>
      %and3A_602 = arith.andi %eq3A_599, %eq3A_601 : vector<16x128xi1>
      %jit3A_603 = arith.constant 0x7F800000 : f32
      %broadcast_in_dim3A_604 = vector.broadcast %jit3A_603 : f32 to vector<16x128xf32>
      %select_n3A_605 = arith.select %and3A_602, %broadcast_in_dim3A_604, %select_n3A_562 : vector<16x128xi1>, vector<16x128xf32>
      %reduce_min3A_606 = arith.constant dense<0x7F800000> : vector<128xf32>
      %reduce_min3A_607 = vector.multi_reduction <minimumf>, %select_n3A_597, %reduce_min3A_606 [0] : vector<896x128xf32> to vector<128xf32>
      %broadcast_in_dim3A_608 = vector.shape_cast %reduce_min3A_607 : vector<128xf32> to vector<1x128xf32>
      %reduce_min3A_609 = arith.constant dense<0x7F800000> : vector<128xf32>
      %reduce_min3A_610 = vector.multi_reduction <minimumf>, %select_n3A_605, %reduce_min3A_609 [0] : vector<16x128xf32> to vector<128xf32>
      %broadcast_in_dim3A_611 = vector.shape_cast %reduce_min3A_610 : vector<128xf32> to vector<1x128xf32>
      %min3A_612 = arith.minimumf %broadcast_in_dim3A_608, %broadcast_in_dim3A_611 : vector<1x128xf32>
      %eq3A_613 = vector.broadcast %min3A_612 : vector<1x128xf32> to vector<896x128xf32>
      %eq3A_614 = arith.cmpf oeq, %select_n3A_597, %eq3A_613 : vector<896x128xf32>
      %jit3A_615 = arith.constant 1073741824 : i32
      %broadcast_in_dim3A_616 = vector.shape_cast %add3A_80 : vector<896x1xi32> to vector<896x1xi32>
      %broadcast_in_dim3A_617 = vector.broadcast %broadcast_in_dim3A_616 : vector<896x1xi32> to vector<896x128xi32>
      %broadcast_in_dim3A_618 = vector.broadcast %jit3A_615 : i32 to vector<896x128xi32>
      %select_n3A_619 = arith.select %eq3A_614, %broadcast_in_dim3A_617, %broadcast_in_dim3A_618 : vector<896x128xi1>, vector<896x128xi32>
      %reduce_min3A_620 = arith.constant dense<2147483647> : vector<128xi32>
      %reduce_min3A_621 = vector.multi_reduction <minsi>, %select_n3A_619, %reduce_min3A_620 [0] : vector<896x128xi32> to vector<128xi32>
      %broadcast_in_dim3A_622 = vector.shape_cast %reduce_min3A_621 : vector<128xi32> to vector<1x128xi32>
      %eq3A_623 = vector.broadcast %min3A_612 : vector<1x128xf32> to vector<16x128xf32>
      %eq3A_624 = arith.cmpf oeq, %select_n3A_605, %eq3A_623 : vector<16x128xf32>
      %jit3A_625 = arith.constant 1073741824 : i32
      %broadcast_in_dim3A_626 = vector.broadcast %jit3A_625 : i32 to vector<16x128xi32>
      %select_n3A_627 = arith.select %eq3A_624, %get3A_91, %broadcast_in_dim3A_626 : vector<16x128xi1>, vector<16x128xi32>
      %reduce_min3A_628 = arith.constant dense<2147483647> : vector<128xi32>
      %reduce_min3A_629 = vector.multi_reduction <minsi>, %select_n3A_627, %reduce_min3A_628 [0] : vector<16x128xi32> to vector<128xi32>
      %broadcast_in_dim3A_630 = vector.shape_cast %reduce_min3A_629 : vector<128xi32> to vector<1x128xi32>
      %min3A_631 = arith.minsi %broadcast_in_dim3A_630, %broadcast_in_dim3A_622 : vector<1x128xi32>
      %eq3A_632 = vector.broadcast %min3A_612 : vector<1x128xf32> to vector<896x128xf32>
      %eq3A_633 = arith.cmpf oeq, %select_n3A_597, %eq3A_632 : vector<896x128xf32>
      %eq3A_634 = vector.broadcast %add3A_80 : vector<896x1xi32> to vector<896x128xi32>
      %eq3A_635 = vector.broadcast %min3A_631 : vector<1x128xi32> to vector<896x128xi32>
      %eq3A_636 = arith.cmpi eq, %eq3A_634, %eq3A_635 : vector<896x128xi32>
      %and3A_637 = arith.andi %eq3A_633, %eq3A_636 : vector<896x128xi1>
      %jit3A_638 = arith.constant 0x7F800000 : f32
      %broadcast_in_dim3A_639 = vector.broadcast %jit3A_638 : f32 to vector<896x128xf32>
      %select_n3A_640 = arith.select %and3A_637, %broadcast_in_dim3A_639, %select_n3A_597 : vector<896x128xi1>, vector<896x128xf32>
      %eq3A_641 = vector.broadcast %min3A_612 : vector<1x128xf32> to vector<16x128xf32>
      %eq3A_642 = arith.cmpf oeq, %select_n3A_605, %eq3A_641 : vector<16x128xf32>
      %eq3A_643 = vector.broadcast %min3A_631 : vector<1x128xi32> to vector<16x128xi32>
      %eq3A_644 = arith.cmpi eq, %get3A_91, %eq3A_643 : vector<16x128xi32>
      %and3A_645 = arith.andi %eq3A_642, %eq3A_644 : vector<16x128xi1>
      %jit3A_646 = arith.constant 0x7F800000 : f32
      %broadcast_in_dim3A_647 = vector.broadcast %jit3A_646 : f32 to vector<16x128xf32>
      %select_n3A_648 = arith.select %and3A_645, %broadcast_in_dim3A_647, %select_n3A_605 : vector<16x128xi1>, vector<16x128xf32>
      %reduce_min3A_649 = arith.constant dense<0x7F800000> : vector<128xf32>
      %reduce_min3A_650 = vector.multi_reduction <minimumf>, %select_n3A_640, %reduce_min3A_649 [0] : vector<896x128xf32> to vector<128xf32>
      %broadcast_in_dim3A_651 = vector.shape_cast %reduce_min3A_650 : vector<128xf32> to vector<1x128xf32>
      %reduce_min3A_652 = arith.constant dense<0x7F800000> : vector<128xf32>
      %reduce_min3A_653 = vector.multi_reduction <minimumf>, %select_n3A_648, %reduce_min3A_652 [0] : vector<16x128xf32> to vector<128xf32>
      %broadcast_in_dim3A_654 = vector.shape_cast %reduce_min3A_653 : vector<128xf32> to vector<1x128xf32>
      %min3A_655 = arith.minimumf %broadcast_in_dim3A_651, %broadcast_in_dim3A_654 : vector<1x128xf32>
      %eq3A_656 = vector.broadcast %min3A_655 : vector<1x128xf32> to vector<896x128xf32>
      %eq3A_657 = arith.cmpf oeq, %select_n3A_640, %eq3A_656 : vector<896x128xf32>
      %jit3A_658 = arith.constant 1073741824 : i32
      %broadcast_in_dim3A_659 = vector.shape_cast %add3A_80 : vector<896x1xi32> to vector<896x1xi32>
      %broadcast_in_dim3A_660 = vector.broadcast %broadcast_in_dim3A_659 : vector<896x1xi32> to vector<896x128xi32>
      %broadcast_in_dim3A_661 = vector.broadcast %jit3A_658 : i32 to vector<896x128xi32>
      %select_n3A_662 = arith.select %eq3A_657, %broadcast_in_dim3A_660, %broadcast_in_dim3A_661 : vector<896x128xi1>, vector<896x128xi32>
      %reduce_min3A_663 = arith.constant dense<2147483647> : vector<128xi32>
      %reduce_min3A_664 = vector.multi_reduction <minsi>, %select_n3A_662, %reduce_min3A_663 [0] : vector<896x128xi32> to vector<128xi32>
      %broadcast_in_dim3A_665 = vector.shape_cast %reduce_min3A_664 : vector<128xi32> to vector<1x128xi32>
      %eq3A_666 = vector.broadcast %min3A_655 : vector<1x128xf32> to vector<16x128xf32>
      %eq3A_667 = arith.cmpf oeq, %select_n3A_648, %eq3A_666 : vector<16x128xf32>
      %jit3A_668 = arith.constant 1073741824 : i32
      %broadcast_in_dim3A_669 = vector.broadcast %jit3A_668 : i32 to vector<16x128xi32>
      %select_n3A_670 = arith.select %eq3A_667, %get3A_91, %broadcast_in_dim3A_669 : vector<16x128xi1>, vector<16x128xi32>
      %reduce_min3A_671 = arith.constant dense<2147483647> : vector<128xi32>
      %reduce_min3A_672 = vector.multi_reduction <minsi>, %select_n3A_670, %reduce_min3A_671 [0] : vector<16x128xi32> to vector<128xi32>
      %broadcast_in_dim3A_673 = vector.shape_cast %reduce_min3A_672 : vector<128xi32> to vector<1x128xi32>
      %min3A_674 = arith.minsi %broadcast_in_dim3A_673, %broadcast_in_dim3A_665 : vector<1x128xi32>
      %eq3A_675 = vector.broadcast %min3A_655 : vector<1x128xf32> to vector<896x128xf32>
      %eq3A_676 = arith.cmpf oeq, %select_n3A_640, %eq3A_675 : vector<896x128xf32>
      %eq3A_677 = vector.broadcast %add3A_80 : vector<896x1xi32> to vector<896x128xi32>
      %eq3A_678 = vector.broadcast %min3A_674 : vector<1x128xi32> to vector<896x128xi32>
      %eq3A_679 = arith.cmpi eq, %eq3A_677, %eq3A_678 : vector<896x128xi32>
      %and3A_680 = arith.andi %eq3A_676, %eq3A_679 : vector<896x128xi1>
      %jit3A_681 = arith.constant 0x7F800000 : f32
      %broadcast_in_dim3A_682 = vector.broadcast %jit3A_681 : f32 to vector<896x128xf32>
      %select_n3A_683 = arith.select %and3A_680, %broadcast_in_dim3A_682, %select_n3A_640 : vector<896x128xi1>, vector<896x128xf32>
      %eq3A_684 = vector.broadcast %min3A_655 : vector<1x128xf32> to vector<16x128xf32>
      %eq3A_685 = arith.cmpf oeq, %select_n3A_648, %eq3A_684 : vector<16x128xf32>
      %eq3A_686 = vector.broadcast %min3A_674 : vector<1x128xi32> to vector<16x128xi32>
      %eq3A_687 = arith.cmpi eq, %get3A_91, %eq3A_686 : vector<16x128xi32>
      %and3A_688 = arith.andi %eq3A_685, %eq3A_687 : vector<16x128xi1>
      %jit3A_689 = arith.constant 0x7F800000 : f32
      %broadcast_in_dim3A_690 = vector.broadcast %jit3A_689 : f32 to vector<16x128xf32>
      %select_n3A_691 = arith.select %and3A_688, %broadcast_in_dim3A_690, %select_n3A_648 : vector<16x128xi1>, vector<16x128xf32>
      %reduce_min3A_692 = arith.constant dense<0x7F800000> : vector<128xf32>
      %reduce_min3A_693 = vector.multi_reduction <minimumf>, %select_n3A_683, %reduce_min3A_692 [0] : vector<896x128xf32> to vector<128xf32>
      %broadcast_in_dim3A_694 = vector.shape_cast %reduce_min3A_693 : vector<128xf32> to vector<1x128xf32>
      %reduce_min3A_695 = arith.constant dense<0x7F800000> : vector<128xf32>
      %reduce_min3A_696 = vector.multi_reduction <minimumf>, %select_n3A_691, %reduce_min3A_695 [0] : vector<16x128xf32> to vector<128xf32>
      %broadcast_in_dim3A_697 = vector.shape_cast %reduce_min3A_696 : vector<128xf32> to vector<1x128xf32>
      %min3A_698 = arith.minimumf %broadcast_in_dim3A_694, %broadcast_in_dim3A_697 : vector<1x128xf32>
      %eq3A_699 = vector.broadcast %min3A_698 : vector<1x128xf32> to vector<896x128xf32>
      %eq3A_700 = arith.cmpf oeq, %select_n3A_683, %eq3A_699 : vector<896x128xf32>
      %jit3A_701 = arith.constant 1073741824 : i32
      %broadcast_in_dim3A_702 = vector.shape_cast %add3A_80 : vector<896x1xi32> to vector<896x1xi32>
      %broadcast_in_dim3A_703 = vector.broadcast %broadcast_in_dim3A_702 : vector<896x1xi32> to vector<896x128xi32>
      %broadcast_in_dim3A_704 = vector.broadcast %jit3A_701 : i32 to vector<896x128xi32>
      %select_n3A_705 = arith.select %eq3A_700, %broadcast_in_dim3A_703, %broadcast_in_dim3A_704 : vector<896x128xi1>, vector<896x128xi32>
      %reduce_min3A_706 = arith.constant dense<2147483647> : vector<128xi32>
      %reduce_min3A_707 = vector.multi_reduction <minsi>, %select_n3A_705, %reduce_min3A_706 [0] : vector<896x128xi32> to vector<128xi32>
      %broadcast_in_dim3A_708 = vector.shape_cast %reduce_min3A_707 : vector<128xi32> to vector<1x128xi32>
      %eq3A_709 = vector.broadcast %min3A_698 : vector<1x128xf32> to vector<16x128xf32>
      %eq3A_710 = arith.cmpf oeq, %select_n3A_691, %eq3A_709 : vector<16x128xf32>
      %jit3A_711 = arith.constant 1073741824 : i32
      %broadcast_in_dim3A_712 = vector.broadcast %jit3A_711 : i32 to vector<16x128xi32>
      %select_n3A_713 = arith.select %eq3A_710, %get3A_91, %broadcast_in_dim3A_712 : vector<16x128xi1>, vector<16x128xi32>
      %reduce_min3A_714 = arith.constant dense<2147483647> : vector<128xi32>
      %reduce_min3A_715 = vector.multi_reduction <minsi>, %select_n3A_713, %reduce_min3A_714 [0] : vector<16x128xi32> to vector<128xi32>
      %broadcast_in_dim3A_716 = vector.shape_cast %reduce_min3A_715 : vector<128xi32> to vector<1x128xi32>
      %min3A_717 = arith.minsi %broadcast_in_dim3A_716, %broadcast_in_dim3A_708 : vector<1x128xi32>
      %eq3A_718 = vector.broadcast %min3A_698 : vector<1x128xf32> to vector<896x128xf32>
      %eq3A_719 = arith.cmpf oeq, %select_n3A_683, %eq3A_718 : vector<896x128xf32>
      %eq3A_720 = vector.broadcast %add3A_80 : vector<896x1xi32> to vector<896x128xi32>
      %eq3A_721 = vector.broadcast %min3A_717 : vector<1x128xi32> to vector<896x128xi32>
      %eq3A_722 = arith.cmpi eq, %eq3A_720, %eq3A_721 : vector<896x128xi32>
      %and3A_723 = arith.andi %eq3A_719, %eq3A_722 : vector<896x128xi1>
      %jit3A_724 = arith.constant 0x7F800000 : f32
      %broadcast_in_dim3A_725 = vector.broadcast %jit3A_724 : f32 to vector<896x128xf32>
      %select_n3A_726 = arith.select %and3A_723, %broadcast_in_dim3A_725, %select_n3A_683 : vector<896x128xi1>, vector<896x128xf32>
      %eq3A_727 = vector.broadcast %min3A_698 : vector<1x128xf32> to vector<16x128xf32>
      %eq3A_728 = arith.cmpf oeq, %select_n3A_691, %eq3A_727 : vector<16x128xf32>
      %eq3A_729 = vector.broadcast %min3A_717 : vector<1x128xi32> to vector<16x128xi32>
      %eq3A_730 = arith.cmpi eq, %get3A_91, %eq3A_729 : vector<16x128xi32>
      %and3A_731 = arith.andi %eq3A_728, %eq3A_730 : vector<16x128xi1>
      %jit3A_732 = arith.constant 0x7F800000 : f32
      %broadcast_in_dim3A_733 = vector.broadcast %jit3A_732 : f32 to vector<16x128xf32>
      %select_n3A_734 = arith.select %and3A_731, %broadcast_in_dim3A_733, %select_n3A_691 : vector<16x128xi1>, vector<16x128xf32>
      %reduce_min3A_735 = arith.constant dense<0x7F800000> : vector<128xf32>
      %reduce_min3A_736 = vector.multi_reduction <minimumf>, %select_n3A_726, %reduce_min3A_735 [0] : vector<896x128xf32> to vector<128xf32>
      %broadcast_in_dim3A_737 = vector.shape_cast %reduce_min3A_736 : vector<128xf32> to vector<1x128xf32>
      %reduce_min3A_738 = arith.constant dense<0x7F800000> : vector<128xf32>
      %reduce_min3A_739 = vector.multi_reduction <minimumf>, %select_n3A_734, %reduce_min3A_738 [0] : vector<16x128xf32> to vector<128xf32>
      %broadcast_in_dim3A_740 = vector.shape_cast %reduce_min3A_739 : vector<128xf32> to vector<1x128xf32>
      %min3A_741 = arith.minimumf %broadcast_in_dim3A_737, %broadcast_in_dim3A_740 : vector<1x128xf32>
      %eq3A_742 = vector.broadcast %min3A_741 : vector<1x128xf32> to vector<896x128xf32>
      %eq3A_743 = arith.cmpf oeq, %select_n3A_726, %eq3A_742 : vector<896x128xf32>
      %jit3A_744 = arith.constant 1073741824 : i32
      %broadcast_in_dim3A_745 = vector.shape_cast %add3A_80 : vector<896x1xi32> to vector<896x1xi32>
      %broadcast_in_dim3A_746 = vector.broadcast %broadcast_in_dim3A_745 : vector<896x1xi32> to vector<896x128xi32>
      %broadcast_in_dim3A_747 = vector.broadcast %jit3A_744 : i32 to vector<896x128xi32>
      %select_n3A_748 = arith.select %eq3A_743, %broadcast_in_dim3A_746, %broadcast_in_dim3A_747 : vector<896x128xi1>, vector<896x128xi32>
      %reduce_min3A_749 = arith.constant dense<2147483647> : vector<128xi32>
      %reduce_min3A_750 = vector.multi_reduction <minsi>, %select_n3A_748, %reduce_min3A_749 [0] : vector<896x128xi32> to vector<128xi32>
      %broadcast_in_dim3A_751 = vector.shape_cast %reduce_min3A_750 : vector<128xi32> to vector<1x128xi32>
      %eq3A_752 = vector.broadcast %min3A_741 : vector<1x128xf32> to vector<16x128xf32>
      %eq3A_753 = arith.cmpf oeq, %select_n3A_734, %eq3A_752 : vector<16x128xf32>
      %jit3A_754 = arith.constant 1073741824 : i32
      %broadcast_in_dim3A_755 = vector.broadcast %jit3A_754 : i32 to vector<16x128xi32>
      %select_n3A_756 = arith.select %eq3A_753, %get3A_91, %broadcast_in_dim3A_755 : vector<16x128xi1>, vector<16x128xi32>
      %reduce_min3A_757 = arith.constant dense<2147483647> : vector<128xi32>
      %reduce_min3A_758 = vector.multi_reduction <minsi>, %select_n3A_756, %reduce_min3A_757 [0] : vector<16x128xi32> to vector<128xi32>
      %broadcast_in_dim3A_759 = vector.shape_cast %reduce_min3A_758 : vector<128xi32> to vector<1x128xi32>
      %min3A_760 = arith.minsi %broadcast_in_dim3A_759, %broadcast_in_dim3A_751 : vector<1x128xi32>
      %eq3A_761 = vector.broadcast %min3A_741 : vector<1x128xf32> to vector<896x128xf32>
      %eq3A_762 = arith.cmpf oeq, %select_n3A_726, %eq3A_761 : vector<896x128xf32>
      %eq3A_763 = vector.broadcast %add3A_80 : vector<896x1xi32> to vector<896x128xi32>
      %eq3A_764 = vector.broadcast %min3A_760 : vector<1x128xi32> to vector<896x128xi32>
      %eq3A_765 = arith.cmpi eq, %eq3A_763, %eq3A_764 : vector<896x128xi32>
      %and3A_766 = arith.andi %eq3A_762, %eq3A_765 : vector<896x128xi1>
      %jit3A_767 = arith.constant 0x7F800000 : f32
      %broadcast_in_dim3A_768 = vector.broadcast %jit3A_767 : f32 to vector<896x128xf32>
      %select_n3A_769 = arith.select %and3A_766, %broadcast_in_dim3A_768, %select_n3A_726 : vector<896x128xi1>, vector<896x128xf32>
      %eq3A_770 = vector.broadcast %min3A_741 : vector<1x128xf32> to vector<16x128xf32>
      %eq3A_771 = arith.cmpf oeq, %select_n3A_734, %eq3A_770 : vector<16x128xf32>
      %eq3A_772 = vector.broadcast %min3A_760 : vector<1x128xi32> to vector<16x128xi32>
      %eq3A_773 = arith.cmpi eq, %get3A_91, %eq3A_772 : vector<16x128xi32>
      %and3A_774 = arith.andi %eq3A_771, %eq3A_773 : vector<16x128xi1>
      %jit3A_775 = arith.constant 0x7F800000 : f32
      %broadcast_in_dim3A_776 = vector.broadcast %jit3A_775 : f32 to vector<16x128xf32>
      %select_n3A_777 = arith.select %and3A_774, %broadcast_in_dim3A_776, %select_n3A_734 : vector<16x128xi1>, vector<16x128xf32>
      %concatenate3A = tpu.concatenate %min3A_97, %min3A_139, %min3A_182, %min3A_225, %min3A_268, %min3A_311, %min3A_354, %min3A_397, %min3A_440, %min3A_483, %min3A_526, %min3A_569, %min3A_612, %min3A_655, %min3A_698, %min3A_741 in 0 : vector<1x128xf32>, vector<1x128xf32>, vector<1x128xf32>, vector<1x128xf32>, vector<1x128xf32>, vector<1x128xf32>, vector<1x128xf32>, vector<1x128xf32>, vector<1x128xf32>, vector<1x128xf32>, vector<1x128xf32>, vector<1x128xf32>, vector<1x128xf32>, vector<1x128xf32>, vector<1x128xf32>, vector<1x128xf32> -> vector<16x128xf32>
      %swap3A_778 = arith.constant 0 : index
      %swap3A_779 = arith.constant 0 : index
      %swap3A_780 = vector.load %arg8[%swap3A_778, %swap3A_779] : memref<16x128xf32, #tpu.memory_space<vmem>>, vector<16x128xf32>
      tpu.vector_store %arg8[%swap3A_778, %swap3A_779], %concatenate3A {strides = array<i32>} : memref<16x128xf32, #tpu.memory_space<vmem>>, vector<16x128xf32>,
      %concatenate3A_781 = tpu.concatenate %min3A_116, %min3A_158, %min3A_201, %min3A_244, %min3A_287, %min3A_330, %min3A_373, %min3A_416, %min3A_459, %min3A_502, %min3A_545, %min3A_588, %min3A_631, %min3A_674, %min3A_717, %min3A_760 in 0 : vector<1x128xi32>, vector<1x128xi32>, vector<1x128xi32>, vector<1x128xi32>, vector<1x128xi32>, vector<1x128xi32>, vector<1x128xi32>, vector<1x128xi32>, vector<1x128xi32>, vector<1x128xi32>, vector<1x128xi32>, vector<1x128xi32>, vector<1x128xi32>, vector<1x128xi32>, vector<1x128xi32>, vector<1x128xi32> -> vector<16x128xi32>
      %swap3A_782 = arith.constant 0 : index
      %swap3A_783 = arith.constant 0 : index
      %swap3A_784 = vector.load %arg9[%swap3A_782, %swap3A_783] : memref<16x128xi32, #tpu.memory_space<vmem>>, vector<16x128xi32>
      tpu.vector_store %arg9[%swap3A_782, %swap3A_783], %concatenate3A_781 {strides = array<i32>} : memref<16x128xi32, #tpu.memory_space<vmem>>, vector<16x128xi32>,
      %while3A_785 = arith.constant 0 : i32
      scf.yield %while3A_785 : i32
    }
    %get3A_29 = arith.constant 0 : index
    %get3A_30 = arith.constant 0 : index
    %get3A_31 = vector.load %arg9[%get3A_29, %get3A_30] : memref<16x128xi32, #tpu.memory_space<vmem>>, vector<16x128xi32>
    %swap3A_32 = arith.constant 0 : index
    %swap3A_33 = arith.constant 0 : index
    %swap3A_34 = vector.load %arg7[%swap3A_32, %swap3A_33] : memref<16x128xi32, #tpu.memory_space<vmem>>, vector<16x128xi32>
    tpu.vector_store %arg7[%swap3A_32, %swap3A_33], %get3A_31 {strides = array<i32>} : memref<16x128xi32, #tpu.memory_space<vmem>>, vector<16x128xi32>,
    return
  }
  func.func @transform_0(%arg0: i32) -> i32 {
    %c0_i32 = arith.constant 0 : i32
    %c0_i32_0 = arith.constant 0 : i32
    return %c0_i32 : i32
  }
  func.func @transform_1(%arg0: i32) -> i32 {
    %c0_i32 = arith.constant 0 : i32
    %c0_i32_0 = arith.constant 0 : i32
    return %c0_i32 : i32
  }
  func.func @transform_2(%arg0: i32) -> (i32, i32) {
    %c0_i32 = arith.constant 0 : i32
    %c0_i32_0 = arith.constant 0 : i32
    %c0_i32_1 = arith.constant 0 : i32
    return %c0_i32, %c0_i32_0 : i32, i32
  }
  func.func @transform_3(%arg0: i32) -> (i32, i32) {
    %add3A = arith.constant 0 : i32
    %add3A_0 = arith.addi %add3A, %arg0 : i32
    %c0_i32 = arith.constant 0 : i32
    %c0_i32_1 = arith.constant 0 : i32
    return %c0_i32, %add3A_0 : i32, i32
  }
  func.func @transform_4(%arg0: i32) -> (i32, i32) {
    %c0_i32 = arith.constant 0 : i32
    %c0_i32_0 = arith.constant 0 : i32
    %c0_i32_1 = arith.constant 0 : i32
    return %c0_i32, %c0_i32_0 : i32, i32
  }
  func.func @transform_5(%arg0: i32) -> (i32, i32) {
    %add3A = arith.constant 0 : i32
    %add3A_0 = arith.addi %add3A, %arg0 : i32
    %c0_i32 = arith.constant 0 : i32
    %c0_i32_1 = arith.constant 0 : i32
    return %c0_i32, %add3A_0 : i32, i32
  }
  func.func @transform_6(%arg0: i32) -> (i32, i32) {
    %c0_i32 = arith.constant 0 : i32
    %c0_i32_0 = arith.constant 0 : i32
    return %c0_i32, %arg0 : i32, i32
  }
}

module attributes {stable_mosaic.version = 14 : i64} {
  func.func @_mlp_body(%arg0: i32, %arg1: memref<128x512xf32, #tpu.memory_space<vmem>>, %arg2: memref<16x128x256xf32, #tpu.memory_space<vmem>>, %arg3: memref<256x256xf32, #tpu.memory_space<vmem>>, %arg4: memref<1x256xf32, #tpu.memory_space<vmem>>, %arg5: memref<1x256xf32, #tpu.memory_space<vmem>>, %arg6: memref<1x256xf32, #tpu.memory_space<vmem>>, %arg7: memref<128x256xf32, #tpu.memory_space<vmem>>) attributes {dimension_semantics = [#tpu.dimension_semantics<arbitrary>], iteration_bounds = array<i64: 40>, scalar_prefetch = 0 : i64, scratch_operands = 0 : i64, tpu.core_type = #tpu.core_type<tc>, window_params = [{transform_indices = @transform_0, window_bounds = array<i64: 128, 512>}, {transform_indices = @transform_1, window_bounds = array<i64: 16, 128, 256>}, {pipeline_mode = #tpu.pipeline_mode<synchronous>, transform_indices = @transform_2, window_bounds = array<i64: 256, 256>}, {pipeline_mode = #tpu.pipeline_mode<synchronous>, transform_indices = @transform_3, window_bounds = array<i64: 1, 256>}, {pipeline_mode = #tpu.pipeline_mode<synchronous>, transform_indices = @transform_4, window_bounds = array<i64: 1, 256>}, {pipeline_mode = #tpu.pipeline_mode<synchronous>, transform_indices = @transform_5, window_bounds = array<i64: 1, 256>}, {transform_indices = @transform_6, window_bounds = array<i64: 128, 256>}]} {
    %get3A = arith.constant 0 : index
    %get3A_0 = arith.constant 0 : index
    %get3A_1 = vector.load %arg1[%get3A, %get3A_0] : memref<128x512xf32, #tpu.memory_space<vmem>>, vector<128x256xf32>
    %get3A_2 = arith.constant 0 : index
    %get3A_3 = arith.constant 0 : index
    %get3A_4 = vector.load %arg4[%get3A_2, %get3A_3] : memref<1x256xf32, #tpu.memory_space<vmem>>, vector<1x256xf32>
    %add3A = vector.broadcast %get3A_4 : vector<1x256xf32> to vector<128x256xf32>
    %add3A_5 = arith.addf %get3A_1, %add3A : vector<128x256xf32>
    %broadcast_in_dim3A = arith.constant 0xFF800000 : f32
    %broadcast_in_dim3A_6 = vector.broadcast %broadcast_in_dim3A : f32 to vector<128x256xf32>
    %get3A_7 = arith.constant 0 : index
    %get3A_8 = arith.constant 0 : index
    %get3A_9 = arith.constant 0 : index
    %get3A_10 = vector.load %arg2[%get3A_7, %get3A_8, %get3A_9] : memref<16x128x256xf32, #tpu.memory_space<vmem>>, vector<1x128x256xf32>
    %get3A_11 = vector.shape_cast %get3A_10 : vector<1x128x256xf32> to vector<128x256xf32>
    %add3A_12 = arith.addf %add3A_5, %get3A_11 : vector<128x256xf32>
    %max3A = arith.constant 0.000000e+00 : f32
    %max3A_13 = vector.broadcast %max3A : f32 to vector<128x256xf32>
    %max3A_14 = arith.maximumf %add3A_12, %max3A_13 : vector<128x256xf32>
    %get3A_15 = arith.constant 0 : index
    %get3A_16 = arith.constant 0 : index
    %get3A_17 = vector.load %arg3[%get3A_15, %get3A_16] : memref<256x256xf32, #tpu.memory_space<vmem>>, vector<256x256xf32>
    %dot_general3A = arith.constant dense<0.000000e+00> : vector<128x256xf32>
    %dot_general3A_18 = tpu.matmul %max3A_14, %get3A_17, %dot_general3A {dimension_numbers = #tpu.dot_dimension_numbers<[1], [0], [0], [1], [0, 0, 1, 1], [], []>, transpose_lhs_hint = false} : vector<128x256xf32>, vector<256x256xf32>, vector<128x256xf32> -> vector<128x256xf32>
    %max3A_19 = arith.maximumf %broadcast_in_dim3A_6, %dot_general3A_18 : vector<128x256xf32>
    %get3A_20 = arith.constant 1 : index
    %get3A_21 = arith.constant 0 : index
    %get3A_22 = arith.constant 0 : index
    %get3A_23 = vector.load %arg2[%get3A_20, %get3A_21, %get3A_22] : memref<16x128x256xf32, #tpu.memory_space<vmem>>, vector<1x128x256xf32>
    %get3A_24 = vector.shape_cast %get3A_23 : vector<1x128x256xf32> to vector<128x256xf32>
    %add3A_25 = arith.addf %add3A_5, %get3A_24 : vector<128x256xf32>
    %max3A_26 = arith.constant 0.000000e+00 : f32
    %max3A_27 = vector.broadcast %max3A_26 : f32 to vector<128x256xf32>
    %max3A_28 = arith.maximumf %add3A_25, %max3A_27 : vector<128x256xf32>
    %get3A_29 = arith.constant 0 : index
    %get3A_30 = arith.constant 0 : index
    %get3A_31 = vector.load %arg3[%get3A_29, %get3A_30] : memref<256x256xf32, #tpu.memory_space<vmem>>, vector<256x256xf32>
    %dot_general3A_32 = arith.constant dense<0.000000e+00> : vector<128x256xf32>
    %dot_general3A_33 = tpu.matmul %max3A_28, %get3A_31, %dot_general3A_32 {dimension_numbers = #tpu.dot_dimension_numbers<[1], [0], [0], [1], [0, 0, 1, 1], [], []>, transpose_lhs_hint = false} : vector<128x256xf32>, vector<256x256xf32>, vector<128x256xf32> -> vector<128x256xf32>
    %max3A_34 = arith.maximumf %max3A_19, %dot_general3A_33 : vector<128x256xf32>
    %get3A_35 = arith.constant 2 : index
    %get3A_36 = arith.constant 0 : index
    %get3A_37 = arith.constant 0 : index
    %get3A_38 = vector.load %arg2[%get3A_35, %get3A_36, %get3A_37] : memref<16x128x256xf32, #tpu.memory_space<vmem>>, vector<1x128x256xf32>
    %get3A_39 = vector.shape_cast %get3A_38 : vector<1x128x256xf32> to vector<128x256xf32>
    %add3A_40 = arith.addf %add3A_5, %get3A_39 : vector<128x256xf32>
    %max3A_41 = arith.constant 0.000000e+00 : f32
    %max3A_42 = vector.broadcast %max3A_41 : f32 to vector<128x256xf32>
    %max3A_43 = arith.maximumf %add3A_40, %max3A_42 : vector<128x256xf32>
    %get3A_44 = arith.constant 0 : index
    %get3A_45 = arith.constant 0 : index
    %get3A_46 = vector.load %arg3[%get3A_44, %get3A_45] : memref<256x256xf32, #tpu.memory_space<vmem>>, vector<256x256xf32>
    %dot_general3A_47 = arith.constant dense<0.000000e+00> : vector<128x256xf32>
    %dot_general3A_48 = tpu.matmul %max3A_43, %get3A_46, %dot_general3A_47 {dimension_numbers = #tpu.dot_dimension_numbers<[1], [0], [0], [1], [0, 0, 1, 1], [], []>, transpose_lhs_hint = false} : vector<128x256xf32>, vector<256x256xf32>, vector<128x256xf32> -> vector<128x256xf32>
    %max3A_49 = arith.maximumf %max3A_34, %dot_general3A_48 : vector<128x256xf32>
    %get3A_50 = arith.constant 3 : index
    %get3A_51 = arith.constant 0 : index
    %get3A_52 = arith.constant 0 : index
    %get3A_53 = vector.load %arg2[%get3A_50, %get3A_51, %get3A_52] : memref<16x128x256xf32, #tpu.memory_space<vmem>>, vector<1x128x256xf32>
    %get3A_54 = vector.shape_cast %get3A_53 : vector<1x128x256xf32> to vector<128x256xf32>
    %add3A_55 = arith.addf %add3A_5, %get3A_54 : vector<128x256xf32>
    %max3A_56 = arith.constant 0.000000e+00 : f32
    %max3A_57 = vector.broadcast %max3A_56 : f32 to vector<128x256xf32>
    %max3A_58 = arith.maximumf %add3A_55, %max3A_57 : vector<128x256xf32>
    %get3A_59 = arith.constant 0 : index
    %get3A_60 = arith.constant 0 : index
    %get3A_61 = vector.load %arg3[%get3A_59, %get3A_60] : memref<256x256xf32, #tpu.memory_space<vmem>>, vector<256x256xf32>
    %dot_general3A_62 = arith.constant dense<0.000000e+00> : vector<128x256xf32>
    %dot_general3A_63 = tpu.matmul %max3A_58, %get3A_61, %dot_general3A_62 {dimension_numbers = #tpu.dot_dimension_numbers<[1], [0], [0], [1], [0, 0, 1, 1], [], []>, transpose_lhs_hint = false} : vector<128x256xf32>, vector<256x256xf32>, vector<128x256xf32> -> vector<128x256xf32>
    %max3A_64 = arith.maximumf %max3A_49, %dot_general3A_63 : vector<128x256xf32>
    %get3A_65 = arith.constant 4 : index
    %get3A_66 = arith.constant 0 : index
    %get3A_67 = arith.constant 0 : index
    %get3A_68 = vector.load %arg2[%get3A_65, %get3A_66, %get3A_67] : memref<16x128x256xf32, #tpu.memory_space<vmem>>, vector<1x128x256xf32>
    %get3A_69 = vector.shape_cast %get3A_68 : vector<1x128x256xf32> to vector<128x256xf32>
    %add3A_70 = arith.addf %add3A_5, %get3A_69 : vector<128x256xf32>
    %max3A_71 = arith.constant 0.000000e+00 : f32
    %max3A_72 = vector.broadcast %max3A_71 : f32 to vector<128x256xf32>
    %max3A_73 = arith.maximumf %add3A_70, %max3A_72 : vector<128x256xf32>
    %get3A_74 = arith.constant 0 : index
    %get3A_75 = arith.constant 0 : index
    %get3A_76 = vector.load %arg3[%get3A_74, %get3A_75] : memref<256x256xf32, #tpu.memory_space<vmem>>, vector<256x256xf32>
    %dot_general3A_77 = arith.constant dense<0.000000e+00> : vector<128x256xf32>
    %dot_general3A_78 = tpu.matmul %max3A_73, %get3A_76, %dot_general3A_77 {dimension_numbers = #tpu.dot_dimension_numbers<[1], [0], [0], [1], [0, 0, 1, 1], [], []>, transpose_lhs_hint = false} : vector<128x256xf32>, vector<256x256xf32>, vector<128x256xf32> -> vector<128x256xf32>
    %max3A_79 = arith.maximumf %max3A_64, %dot_general3A_78 : vector<128x256xf32>
    %get3A_80 = arith.constant 5 : index
    %get3A_81 = arith.constant 0 : index
    %get3A_82 = arith.constant 0 : index
    %get3A_83 = vector.load %arg2[%get3A_80, %get3A_81, %get3A_82] : memref<16x128x256xf32, #tpu.memory_space<vmem>>, vector<1x128x256xf32>
    %get3A_84 = vector.shape_cast %get3A_83 : vector<1x128x256xf32> to vector<128x256xf32>
    %add3A_85 = arith.addf %add3A_5, %get3A_84 : vector<128x256xf32>
    %max3A_86 = arith.constant 0.000000e+00 : f32
    %max3A_87 = vector.broadcast %max3A_86 : f32 to vector<128x256xf32>
    %max3A_88 = arith.maximumf %add3A_85, %max3A_87 : vector<128x256xf32>
    %get3A_89 = arith.constant 0 : index
    %get3A_90 = arith.constant 0 : index
    %get3A_91 = vector.load %arg3[%get3A_89, %get3A_90] : memref<256x256xf32, #tpu.memory_space<vmem>>, vector<256x256xf32>
    %dot_general3A_92 = arith.constant dense<0.000000e+00> : vector<128x256xf32>
    %dot_general3A_93 = tpu.matmul %max3A_88, %get3A_91, %dot_general3A_92 {dimension_numbers = #tpu.dot_dimension_numbers<[1], [0], [0], [1], [0, 0, 1, 1], [], []>, transpose_lhs_hint = false} : vector<128x256xf32>, vector<256x256xf32>, vector<128x256xf32> -> vector<128x256xf32>
    %max3A_94 = arith.maximumf %max3A_79, %dot_general3A_93 : vector<128x256xf32>
    %get3A_95 = arith.constant 6 : index
    %get3A_96 = arith.constant 0 : index
    %get3A_97 = arith.constant 0 : index
    %get3A_98 = vector.load %arg2[%get3A_95, %get3A_96, %get3A_97] : memref<16x128x256xf32, #tpu.memory_space<vmem>>, vector<1x128x256xf32>
    %get3A_99 = vector.shape_cast %get3A_98 : vector<1x128x256xf32> to vector<128x256xf32>
    %add3A_100 = arith.addf %add3A_5, %get3A_99 : vector<128x256xf32>
    %max3A_101 = arith.constant 0.000000e+00 : f32
    %max3A_102 = vector.broadcast %max3A_101 : f32 to vector<128x256xf32>
    %max3A_103 = arith.maximumf %add3A_100, %max3A_102 : vector<128x256xf32>
    %get3A_104 = arith.constant 0 : index
    %get3A_105 = arith.constant 0 : index
    %get3A_106 = vector.load %arg3[%get3A_104, %get3A_105] : memref<256x256xf32, #tpu.memory_space<vmem>>, vector<256x256xf32>
    %dot_general3A_107 = arith.constant dense<0.000000e+00> : vector<128x256xf32>
    %dot_general3A_108 = tpu.matmul %max3A_103, %get3A_106, %dot_general3A_107 {dimension_numbers = #tpu.dot_dimension_numbers<[1], [0], [0], [1], [0, 0, 1, 1], [], []>, transpose_lhs_hint = false} : vector<128x256xf32>, vector<256x256xf32>, vector<128x256xf32> -> vector<128x256xf32>
    %max3A_109 = arith.maximumf %max3A_94, %dot_general3A_108 : vector<128x256xf32>
    %get3A_110 = arith.constant 7 : index
    %get3A_111 = arith.constant 0 : index
    %get3A_112 = arith.constant 0 : index
    %get3A_113 = vector.load %arg2[%get3A_110, %get3A_111, %get3A_112] : memref<16x128x256xf32, #tpu.memory_space<vmem>>, vector<1x128x256xf32>
    %get3A_114 = vector.shape_cast %get3A_113 : vector<1x128x256xf32> to vector<128x256xf32>
    %add3A_115 = arith.addf %add3A_5, %get3A_114 : vector<128x256xf32>
    %max3A_116 = arith.constant 0.000000e+00 : f32
    %max3A_117 = vector.broadcast %max3A_116 : f32 to vector<128x256xf32>
    %max3A_118 = arith.maximumf %add3A_115, %max3A_117 : vector<128x256xf32>
    %get3A_119 = arith.constant 0 : index
    %get3A_120 = arith.constant 0 : index
    %get3A_121 = vector.load %arg3[%get3A_119, %get3A_120] : memref<256x256xf32, #tpu.memory_space<vmem>>, vector<256x256xf32>
    %dot_general3A_122 = arith.constant dense<0.000000e+00> : vector<128x256xf32>
    %dot_general3A_123 = tpu.matmul %max3A_118, %get3A_121, %dot_general3A_122 {dimension_numbers = #tpu.dot_dimension_numbers<[1], [0], [0], [1], [0, 0, 1, 1], [], []>, transpose_lhs_hint = false} : vector<128x256xf32>, vector<256x256xf32>, vector<128x256xf32> -> vector<128x256xf32>
    %max3A_124 = arith.maximumf %max3A_109, %dot_general3A_123 : vector<128x256xf32>
    %get3A_125 = arith.constant 8 : index
    %get3A_126 = arith.constant 0 : index
    %get3A_127 = arith.constant 0 : index
    %get3A_128 = vector.load %arg2[%get3A_125, %get3A_126, %get3A_127] : memref<16x128x256xf32, #tpu.memory_space<vmem>>, vector<1x128x256xf32>
    %get3A_129 = vector.shape_cast %get3A_128 : vector<1x128x256xf32> to vector<128x256xf32>
    %add3A_130 = arith.addf %add3A_5, %get3A_129 : vector<128x256xf32>
    %max3A_131 = arith.constant 0.000000e+00 : f32
    %max3A_132 = vector.broadcast %max3A_131 : f32 to vector<128x256xf32>
    %max3A_133 = arith.maximumf %add3A_130, %max3A_132 : vector<128x256xf32>
    %get3A_134 = arith.constant 0 : index
    %get3A_135 = arith.constant 0 : index
    %get3A_136 = vector.load %arg3[%get3A_134, %get3A_135] : memref<256x256xf32, #tpu.memory_space<vmem>>, vector<256x256xf32>
    %dot_general3A_137 = arith.constant dense<0.000000e+00> : vector<128x256xf32>
    %dot_general3A_138 = tpu.matmul %max3A_133, %get3A_136, %dot_general3A_137 {dimension_numbers = #tpu.dot_dimension_numbers<[1], [0], [0], [1], [0, 0, 1, 1], [], []>, transpose_lhs_hint = false} : vector<128x256xf32>, vector<256x256xf32>, vector<128x256xf32> -> vector<128x256xf32>
    %max3A_139 = arith.maximumf %max3A_124, %dot_general3A_138 : vector<128x256xf32>
    %get3A_140 = arith.constant 9 : index
    %get3A_141 = arith.constant 0 : index
    %get3A_142 = arith.constant 0 : index
    %get3A_143 = vector.load %arg2[%get3A_140, %get3A_141, %get3A_142] : memref<16x128x256xf32, #tpu.memory_space<vmem>>, vector<1x128x256xf32>
    %get3A_144 = vector.shape_cast %get3A_143 : vector<1x128x256xf32> to vector<128x256xf32>
    %add3A_145 = arith.addf %add3A_5, %get3A_144 : vector<128x256xf32>
    %max3A_146 = arith.constant 0.000000e+00 : f32
    %max3A_147 = vector.broadcast %max3A_146 : f32 to vector<128x256xf32>
    %max3A_148 = arith.maximumf %add3A_145, %max3A_147 : vector<128x256xf32>
    %get3A_149 = arith.constant 0 : index
    %get3A_150 = arith.constant 0 : index
    %get3A_151 = vector.load %arg3[%get3A_149, %get3A_150] : memref<256x256xf32, #tpu.memory_space<vmem>>, vector<256x256xf32>
    %dot_general3A_152 = arith.constant dense<0.000000e+00> : vector<128x256xf32>
    %dot_general3A_153 = tpu.matmul %max3A_148, %get3A_151, %dot_general3A_152 {dimension_numbers = #tpu.dot_dimension_numbers<[1], [0], [0], [1], [0, 0, 1, 1], [], []>, transpose_lhs_hint = false} : vector<128x256xf32>, vector<256x256xf32>, vector<128x256xf32> -> vector<128x256xf32>
    %max3A_154 = arith.maximumf %max3A_139, %dot_general3A_153 : vector<128x256xf32>
    %get3A_155 = arith.constant 10 : index
    %get3A_156 = arith.constant 0 : index
    %get3A_157 = arith.constant 0 : index
    %get3A_158 = vector.load %arg2[%get3A_155, %get3A_156, %get3A_157] : memref<16x128x256xf32, #tpu.memory_space<vmem>>, vector<1x128x256xf32>
    %get3A_159 = vector.shape_cast %get3A_158 : vector<1x128x256xf32> to vector<128x256xf32>
    %add3A_160 = arith.addf %add3A_5, %get3A_159 : vector<128x256xf32>
    %max3A_161 = arith.constant 0.000000e+00 : f32
    %max3A_162 = vector.broadcast %max3A_161 : f32 to vector<128x256xf32>
    %max3A_163 = arith.maximumf %add3A_160, %max3A_162 : vector<128x256xf32>
    %get3A_164 = arith.constant 0 : index
    %get3A_165 = arith.constant 0 : index
    %get3A_166 = vector.load %arg3[%get3A_164, %get3A_165] : memref<256x256xf32, #tpu.memory_space<vmem>>, vector<256x256xf32>
    %dot_general3A_167 = arith.constant dense<0.000000e+00> : vector<128x256xf32>
    %dot_general3A_168 = tpu.matmul %max3A_163, %get3A_166, %dot_general3A_167 {dimension_numbers = #tpu.dot_dimension_numbers<[1], [0], [0], [1], [0, 0, 1, 1], [], []>, transpose_lhs_hint = false} : vector<128x256xf32>, vector<256x256xf32>, vector<128x256xf32> -> vector<128x256xf32>
    %max3A_169 = arith.maximumf %max3A_154, %dot_general3A_168 : vector<128x256xf32>
    %get3A_170 = arith.constant 11 : index
    %get3A_171 = arith.constant 0 : index
    %get3A_172 = arith.constant 0 : index
    %get3A_173 = vector.load %arg2[%get3A_170, %get3A_171, %get3A_172] : memref<16x128x256xf32, #tpu.memory_space<vmem>>, vector<1x128x256xf32>
    %get3A_174 = vector.shape_cast %get3A_173 : vector<1x128x256xf32> to vector<128x256xf32>
    %add3A_175 = arith.addf %add3A_5, %get3A_174 : vector<128x256xf32>
    %max3A_176 = arith.constant 0.000000e+00 : f32
    %max3A_177 = vector.broadcast %max3A_176 : f32 to vector<128x256xf32>
    %max3A_178 = arith.maximumf %add3A_175, %max3A_177 : vector<128x256xf32>
    %get3A_179 = arith.constant 0 : index
    %get3A_180 = arith.constant 0 : index
    %get3A_181 = vector.load %arg3[%get3A_179, %get3A_180] : memref<256x256xf32, #tpu.memory_space<vmem>>, vector<256x256xf32>
    %dot_general3A_182 = arith.constant dense<0.000000e+00> : vector<128x256xf32>
    %dot_general3A_183 = tpu.matmul %max3A_178, %get3A_181, %dot_general3A_182 {dimension_numbers = #tpu.dot_dimension_numbers<[1], [0], [0], [1], [0, 0, 1, 1], [], []>, transpose_lhs_hint = false} : vector<128x256xf32>, vector<256x256xf32>, vector<128x256xf32> -> vector<128x256xf32>
    %max3A_184 = arith.maximumf %max3A_169, %dot_general3A_183 : vector<128x256xf32>
    %get3A_185 = arith.constant 12 : index
    %get3A_186 = arith.constant 0 : index
    %get3A_187 = arith.constant 0 : index
    %get3A_188 = vector.load %arg2[%get3A_185, %get3A_186, %get3A_187] : memref<16x128x256xf32, #tpu.memory_space<vmem>>, vector<1x128x256xf32>
    %get3A_189 = vector.shape_cast %get3A_188 : vector<1x128x256xf32> to vector<128x256xf32>
    %add3A_190 = arith.addf %add3A_5, %get3A_189 : vector<128x256xf32>
    %max3A_191 = arith.constant 0.000000e+00 : f32
    %max3A_192 = vector.broadcast %max3A_191 : f32 to vector<128x256xf32>
    %max3A_193 = arith.maximumf %add3A_190, %max3A_192 : vector<128x256xf32>
    %get3A_194 = arith.constant 0 : index
    %get3A_195 = arith.constant 0 : index
    %get3A_196 = vector.load %arg3[%get3A_194, %get3A_195] : memref<256x256xf32, #tpu.memory_space<vmem>>, vector<256x256xf32>
    %dot_general3A_197 = arith.constant dense<0.000000e+00> : vector<128x256xf32>
    %dot_general3A_198 = tpu.matmul %max3A_193, %get3A_196, %dot_general3A_197 {dimension_numbers = #tpu.dot_dimension_numbers<[1], [0], [0], [1], [0, 0, 1, 1], [], []>, transpose_lhs_hint = false} : vector<128x256xf32>, vector<256x256xf32>, vector<128x256xf32> -> vector<128x256xf32>
    %max3A_199 = arith.maximumf %max3A_184, %dot_general3A_198 : vector<128x256xf32>
    %get3A_200 = arith.constant 13 : index
    %get3A_201 = arith.constant 0 : index
    %get3A_202 = arith.constant 0 : index
    %get3A_203 = vector.load %arg2[%get3A_200, %get3A_201, %get3A_202] : memref<16x128x256xf32, #tpu.memory_space<vmem>>, vector<1x128x256xf32>
    %get3A_204 = vector.shape_cast %get3A_203 : vector<1x128x256xf32> to vector<128x256xf32>
    %add3A_205 = arith.addf %add3A_5, %get3A_204 : vector<128x256xf32>
    %max3A_206 = arith.constant 0.000000e+00 : f32
    %max3A_207 = vector.broadcast %max3A_206 : f32 to vector<128x256xf32>
    %max3A_208 = arith.maximumf %add3A_205, %max3A_207 : vector<128x256xf32>
    %get3A_209 = arith.constant 0 : index
    %get3A_210 = arith.constant 0 : index
    %get3A_211 = vector.load %arg3[%get3A_209, %get3A_210] : memref<256x256xf32, #tpu.memory_space<vmem>>, vector<256x256xf32>
    %dot_general3A_212 = arith.constant dense<0.000000e+00> : vector<128x256xf32>
    %dot_general3A_213 = tpu.matmul %max3A_208, %get3A_211, %dot_general3A_212 {dimension_numbers = #tpu.dot_dimension_numbers<[1], [0], [0], [1], [0, 0, 1, 1], [], []>, transpose_lhs_hint = false} : vector<128x256xf32>, vector<256x256xf32>, vector<128x256xf32> -> vector<128x256xf32>
    %max3A_214 = arith.maximumf %max3A_199, %dot_general3A_213 : vector<128x256xf32>
    %get3A_215 = arith.constant 14 : index
    %get3A_216 = arith.constant 0 : index
    %get3A_217 = arith.constant 0 : index
    %get3A_218 = vector.load %arg2[%get3A_215, %get3A_216, %get3A_217] : memref<16x128x256xf32, #tpu.memory_space<vmem>>, vector<1x128x256xf32>
    %get3A_219 = vector.shape_cast %get3A_218 : vector<1x128x256xf32> to vector<128x256xf32>
    %add3A_220 = arith.addf %add3A_5, %get3A_219 : vector<128x256xf32>
    %max3A_221 = arith.constant 0.000000e+00 : f32
    %max3A_222 = vector.broadcast %max3A_221 : f32 to vector<128x256xf32>
    %max3A_223 = arith.maximumf %add3A_220, %max3A_222 : vector<128x256xf32>
    %get3A_224 = arith.constant 0 : index
    %get3A_225 = arith.constant 0 : index
    %get3A_226 = vector.load %arg3[%get3A_224, %get3A_225] : memref<256x256xf32, #tpu.memory_space<vmem>>, vector<256x256xf32>
    %dot_general3A_227 = arith.constant dense<0.000000e+00> : vector<128x256xf32>
    %dot_general3A_228 = tpu.matmul %max3A_223, %get3A_226, %dot_general3A_227 {dimension_numbers = #tpu.dot_dimension_numbers<[1], [0], [0], [1], [0, 0, 1, 1], [], []>, transpose_lhs_hint = false} : vector<128x256xf32>, vector<256x256xf32>, vector<128x256xf32> -> vector<128x256xf32>
    %max3A_229 = arith.maximumf %max3A_214, %dot_general3A_228 : vector<128x256xf32>
    %get3A_230 = arith.constant 15 : index
    %get3A_231 = arith.constant 0 : index
    %get3A_232 = arith.constant 0 : index
    %get3A_233 = vector.load %arg2[%get3A_230, %get3A_231, %get3A_232] : memref<16x128x256xf32, #tpu.memory_space<vmem>>, vector<1x128x256xf32>
    %get3A_234 = vector.shape_cast %get3A_233 : vector<1x128x256xf32> to vector<128x256xf32>
    %add3A_235 = arith.addf %add3A_5, %get3A_234 : vector<128x256xf32>
    %max3A_236 = arith.constant 0.000000e+00 : f32
    %max3A_237 = vector.broadcast %max3A_236 : f32 to vector<128x256xf32>
    %max3A_238 = arith.maximumf %add3A_235, %max3A_237 : vector<128x256xf32>
    %get3A_239 = arith.constant 0 : index
    %get3A_240 = arith.constant 0 : index
    %get3A_241 = vector.load %arg3[%get3A_239, %get3A_240] : memref<256x256xf32, #tpu.memory_space<vmem>>, vector<256x256xf32>
    %dot_general3A_242 = arith.constant dense<0.000000e+00> : vector<128x256xf32>
    %dot_general3A_243 = tpu.matmul %max3A_238, %get3A_241, %dot_general3A_242 {dimension_numbers = #tpu.dot_dimension_numbers<[1], [0], [0], [1], [0, 0, 1, 1], [], []>, transpose_lhs_hint = false} : vector<128x256xf32>, vector<256x256xf32>, vector<128x256xf32> -> vector<128x256xf32>
    %max3A_244 = arith.maximumf %max3A_229, %dot_general3A_243 : vector<128x256xf32>
    %get3A_245 = arith.constant 0 : index
    %get3A_246 = arith.constant 0 : index
    %get3A_247 = vector.load %arg5[%get3A_245, %get3A_246] : memref<1x256xf32, #tpu.memory_space<vmem>>, vector<1x256xf32>
    %add3A_248 = vector.broadcast %get3A_247 : vector<1x256xf32> to vector<128x256xf32>
    %add3A_249 = arith.addf %max3A_244, %add3A_248 : vector<128x256xf32>
    %get3A_250 = arith.constant 0 : index
    %get3A_251 = arith.constant 256 : index
    %get3A_252 = vector.load %arg1[%get3A_250, %get3A_251] : memref<128x512xf32, #tpu.memory_space<vmem>>, vector<128x256xf32>
    %add3A_253 = arith.addf %add3A_249, %get3A_252 : vector<128x256xf32>
    %get3A_254 = arith.constant 0 : index
    %get3A_255 = arith.constant 0 : index
    %get3A_256 = vector.load %arg6[%get3A_254, %get3A_255] : memref<1x256xf32, #tpu.memory_space<vmem>>, vector<1x256xf32>
    %add3A_257 = vector.broadcast %get3A_256 : vector<1x256xf32> to vector<128x256xf32>
    %add3A_258 = arith.addf %add3A_253, %add3A_257 : vector<128x256xf32>
    %swap3A = arith.constant 0 : index
    %swap3A_259 = arith.constant 0 : index
    %swap3A_260 = vector.load %arg7[%swap3A, %swap3A_259] : memref<128x256xf32, #tpu.memory_space<vmem>>, vector<128x256xf32>
    tpu.vector_store %arg7[%swap3A, %swap3A_259], %add3A_258 {strides = array<i32>} : memref<128x256xf32, #tpu.memory_space<vmem>>, vector<128x256xf32>,
    return
  }
  func.func @transform_0(%arg0: i32) -> (i32, i32) {
    %c0_i32 = arith.constant 0 : i32
    %c0_i32_0 = arith.constant 0 : i32
    return %arg0, %c0_i32 : i32, i32
  }
  func.func @transform_1(%arg0: i32) -> (i32, i32, i32) {
    %c0_i32 = arith.constant 0 : i32
    %c0_i32_0 = arith.constant 0 : i32
    %c0_i32_1 = arith.constant 0 : i32
    return %c0_i32, %arg0, %c0_i32_0 : i32, i32, i32
  }
  func.func @transform_2(%arg0: i32) -> (i32, i32) {
    %c0_i32 = arith.constant 0 : i32
    %c0_i32_0 = arith.constant 0 : i32
    %c0_i32_1 = arith.constant 0 : i32
    return %c0_i32, %c0_i32_0 : i32, i32
  }
  func.func @transform_3(%arg0: i32) -> (i32, i32) {
    %c0_i32 = arith.constant 0 : i32
    %c0_i32_0 = arith.constant 0 : i32
    %c0_i32_1 = arith.constant 0 : i32
    return %c0_i32, %c0_i32_0 : i32, i32
  }
  func.func @transform_4(%arg0: i32) -> (i32, i32) {
    %c0_i32 = arith.constant 0 : i32
    %c0_i32_0 = arith.constant 0 : i32
    %c0_i32_1 = arith.constant 0 : i32
    return %c0_i32, %c0_i32_0 : i32, i32
  }
  func.func @transform_5(%arg0: i32) -> (i32, i32) {
    %c0_i32 = arith.constant 0 : i32
    %c0_i32_0 = arith.constant 0 : i32
    %c0_i32_1 = arith.constant 0 : i32
    return %c0_i32, %c0_i32_0 : i32, i32
  }
  func.func @transform_6(%arg0: i32) -> (i32, i32) {
    %c0_i32 = arith.constant 0 : i32
    %c0_i32_0 = arith.constant 0 : i32
    return %arg0, %c0_i32 : i32, i32
  }
}

</mosaic_0001>

<sc_bundles>
// kernel: kernel.12.cloned.1.call-start
scs
__scs_entry_jumppad:
0x0: {  	(pc) =	sbr.rel $0x88, $3  }
0x1: {  	(tag) =	ssettag $0x0;
	lr =	simm.s32 $0x1  }
0x2: {  	[smem:$0x3F98] =	sst lr;
	_ =	strace $0xD0000000  }
0x3: {  	_ = 	snop  }
0x4: {  	_ = 	snop  }
0x5: {  	_ = 	snop  }
0x6: {  	_ = 	snop  }
0x7: {  	_ = 	snop  }
__scs_overlays_trampoline_lowered:
0x8: {  	[smem:$0x3FA7] =	sst s0  }
0x9: {  	[smem:$0x3FA8] =	sst s1  }
0xa: {  	[smem:$0x3FA9] =	sst s2  }
0xb: {  	[smem:$0x3FAA] =	sst s3  }
0xc: {  	[smem:$0x3FAB] =	sst s4  }
0xd: {  	[smem:$0x3FAC] =	sst s5  }
0xe: {  	[smem:$0x3FAD] =	sst s6  }
0xf: {  	[smem:$0x3FAE] =	sst s7  }
0x10: {  	[smem:$0x3FAF] =	sst s8  }
0x11: {  	[smem:$0x3FB0] =	sst s9;
	s0 =	simm.s32 @!p0 $0x0  }
0x12: {  	s1 =	sld [smem:$0x3F96];
	s0 =	simm.s32 @p0 $0x1  }
0x13: {  	[smem:$0x3FB1] =	sst s0;
	s0 =	simm.s32 @!p1 $0x0  }
0x14: {  	s2 =	sld [smem:$0x3F95];
	s0 =	simm.s32 @p1 $0x1  }
0x15: {  	[smem:$0x3FB2] =	sst s0;
	s0 =	simm.s32 @!p2 $0x0  }
0x16: {  	s3 =	sld [smem:$0x3FDB];
	s0 =	simm.s32 @p2 $0x1  }
0x17: {  	s4 =	simm.s32 $0x1BF5;
	[smem:$0x3FB4] =	sst s0  }
0x18: {  	s0 =	sld [smem:$0x3F97];
	_ =	swait.ge [sflag:s4], $0x0  }
0x19: {  	s7 =	sld [smem:$0x3F98]  }
0x1a: {  	s8 =	sadd.s32 $0xFFFFE003, lr  }
0x1b: {  	s9 =	sadd.s32 $0xFFFFFEF7, lr;
	s5 =	simm.s32 $0xFFFFFFFF;
	p2 =	slt.u32 s8, $0xFFFFF086  }
0x1c: {  	p1 =	slt.u32 s9, $0xF7A;
	s5 =	simm.s32 @!p2 $0x0  }
0x1d: {  	s5 =	simm.s32 @p1 $0x1;
	p0 =	seq.s32 s7, s2  }
0x1e: {  	s7 =	smul.u32 @!p0 $0xF7A, s2;
	p2 =	seq.s32 @!p0 s5, $0x0  }
0x1f: {  	s9 =	smul.u32 $0xF7A, s1;
	s8 =	simm.s32 @!p0 $0x1BF5;
	p2 =	por !p2, p0  }
0x20: {  	[sflag:s8] =	ssyncset.s32 @!p0 $0xFFFFF086;
	s6 =	sadd.s32 @!p0 s3, s7;
	s7 =	simm.s32 @!p0 $0x108  }
0x21: {  	s3 =	sadd.s32 s3, s9;
	s6 =	sadd.s32 @!p0 $0x88, s6;
	s7 =	simm.s32 @p2 $0x1082  }
0x22: {  	[simem:s7], [sflag:s8] =	dma.local @!p0 [hbm:s6], $0xF7A  }
0x23: {  	s9 =	sor.u32 $0xD0000000, s2;
	s6 =	simm.s32 $0x108;
	_ =	swait.ge @!p0 [sflag:s8], $0x0  }
0x24: {  	s3 =	sadd.s32 $0x88, s3;
	s6 =	simm.s32 @!p1 $0x1082;
	[sflag:s4] =	ssyncset.s32 $0xFFFFF086  }
0x25: {  	[simem:s6], [sflag:s4] =	dma.local [hbm:s3], $0xF7A  }
0x26: {  	[smem:$0x3F98] =	sst s1;
	(tag) =	ssettag s2;
	_ =	strace s9  }
0x27: {  	s1 =	sld [smem:$0x3FA8]  }
0x28: {  	s2 =	sld [smem:$0x3FA9]  }
0x29: {  	s4 =	sld [smem:$0x3FAB]  }
0x2a: {  	p0 =	seq.s32 s5, $0x0;
	s5 =	sld [smem:$0x3FAC]  }
0x2b: {  	s6 =	sld [smem:$0x3FAD]  }
0x2c: {  	s7 =	sld [smem:$0x3FAE]  }
0x2d: {  	s3 =	simm.s32 $0x108;
	s8 =	sld [smem:$0x3FAF]  }
0x2e: {  	s3 =	simm.s32 @!p0 $0x1082;
	s9 =	sld [smem:$0x3FB0]  }
0x2f: {  	lr =	sadd.s32 s0, s3;
	s0 =	sld [smem:$0x3FA7]  }
0x30: {  	s3 =	sld [smem:$0x3FAA]  }
0x31: {  	[smem:$0x3FB3] =	sst s10  }
0x32: {  	s10 =	sld [smem:$0x3FB1];
	_ =	sdelay $0x3  }
0x33: {  	p0 =	seq.s32 s10, $0x1;
	s10 =	sld [smem:$0x3FB3];
	_ =	sdelay $0x3  }
0x34: {  	[smem:$0x3FB3] =	sst s10  }
0x35: {  	s10 =	sld [smem:$0x3FB2];
	_ =	sdelay $0x3  }
0x36: {  	p1 =	seq.s32 s10, $0x1;
	s10 =	sld [smem:$0x3FB3];
	_ =	sdelay $0x3  }
0x37: {  	[smem:$0x3FB3] =	sst s10  }
0x38: {  	s10 =	sld [smem:$0x3FB4]  }
0x39: {  	_ = 	snop;
	(pc) =	sbr.ind lr, $3  }
0x3a: {  	_ = 	snop  }
0x3b: {  	_ = 	snop  }
0x3c: {  	p2 =	seq.s32 s10, $0x1;
	s10 =	sld [smem:$0x3FB3]  }
0x3d: {  	_ =	shalt  }
0x3e: {  	_ =	shalt  }
0x3f: {  	_ =	shalt  }
0x40: {  	_ =	shalt  }
0x41: {  	_ =	shalt  }
0x42: {  	_ =	shalt  }
0x43: {  	_ =	shalt  }
0x44: {  	_ =	shalt  }
0x45: {  	_ =	shalt  }
0x46: {  	_ =	shalt  }
0x47: {  	_ =	shalt  }
0x48: {  	_ =	shalt  }
0x49: {  	_ =	shalt  }
0x4a: {  	_ =	shalt  }
0x4b: {  	_ =	shalt  }
0x4c: {  	_ =	shalt  }
0x4d: {  	_ =	shalt  }
0x4e: {  	_ =	shalt  }
0x4f: {  	_ =	shalt  }
0x50: {  	_ =	shalt  }
0x51: {  	_ =	shalt  }
0x52: {  	_ =	shalt  }
0x53: {  	_ =	shalt  }
0x54: {  	_ =	shalt  }
0x55: {  	_ =	shalt  }
0x56: {  	_ =	shalt  }
0x57: {  	_ =	shalt  }
0x58: {  	_ =	shalt  }
0x59: {  	_ =	shalt  }
0x5a: {  	_ =	shalt  }
0x5b: {  	_ =	shalt  }
0x5c: {  	_ =	shalt  }
0x5d: {  	_ =	shalt  }
0x5e: {  	_ =	shalt  }
0x5f: {  	_ =	shalt  }
0x60: {  	_ =	shalt  }
0x61: {  	_ =	shalt  }
0x62: {  	_ =	shalt  }
0x63: {  	_ =	shalt  }
0x64: {  	_ =	shalt  }
0x65: {  	_ =	shalt  }
0x66: {  	_ =	shalt  }
0x67: {  	_ =	shalt  }
0x68: {  	_ =	shalt  }
0x69: {  	_ =	shalt  }
0x6a: {  	_ =	shalt  }
0x6b: {  	_ =	shalt  }
0x6c: {  	_ =	shalt  }
0x6d: {  	_ =	shalt  }
0x6e: {  	_ =	shalt  }
0x6f: {  	_ =	shalt  }
0x70: {  	_ =	shalt  }
0x71: {  	_ =	shalt  }
0x72: {  	_ =	shalt  }
0x73: {  	_ =	shalt  }
0x74: {  	_ =	shalt  }
0x75: {  	_ =	shalt  }
0x76: {  	_ =	shalt  }
0x77: {  	_ =	shalt  }
0x78: {  	_ =	shalt  }
0x79: {  	_ =	shalt  }
0x7a: {  	_ =	shalt  }
0x7b: {  	_ =	shalt  }
0x7c: {  	_ =	shalt  }
0x7d: {  	_ =	shalt  }
0x7e: {  	_ =	shalt  }
0x7f: {  	_ =	shalt  }
0x80: {  	_ =	shalt  }
0x81: {  	_ =	shalt  }
0x82: {  	_ =	shalt  }
0x83: {  	_ =	shalt  }
0x84: {  	_ =	shalt  }
0x85: {  	_ =	shalt  }
0x86: {  	_ =	shalt  }
0x87: {  	_ =	shalt  }
.Lfunc_end0:
.L_simem_size_0:
called_computation.1_lowered:
.L_overlay_start_0:
0x88: {  	s2 =	sld [smem:$0x3FD9]  }
0x89: {  	s3 =	sld [smem:$0x3FFE];
	_ =	sdelay $0x1  }
0x8a: {  	s1 =	srdreg.scid  }
0x8b: {  	s0 =	sand.u32 $0x1, s1  }
0x8c: {  	s17 =	sshll.u32 s0, $0xA;
	s2 =	sadd.s32 s3, s2  }
0x8d: {  	s2 =	sadd.s32 s2, s17  }
0x8e: {  	[smem:$0x3FBF] =	sst s2  }
0x8f: {  	_ = 	snop  }
0x90: {  	s2 =	sld [smem:$0x3FD0];
	(tm) =	ssettm $0x1  }
0x91: {  	s18 =	sld [smem:$0x3FFB];
	_ =	sdelay $0x3  }
0x92: {  	_ =	strace s18  }
0x93: {  	s3 =	sld [smem:$0x3FFC];
	_ =	sdelay $0x3  }
0x94: {  	_ =	strace s3  }
0x95: {  	s3 =	sld [smem:$0x3FFD];
	_ =	sdelay $0x3  }
0x96: {  	_ =	strace s3  }
0x97: {  	_ =	strace $0x8FFFFFFF  }
0x98: {  	s19 =	sld [smem:$0x3FDB];
	_ =	sdelay $0x1  }
0x99: {  	s4 =	simm.s32 $_scs_section_size  }
0x9a: {  	s5 =	simm.s32 $_size__tile_overlayer_lowered;
	s6 =	simm.s32 $_tile_overlayer_lowered  }
0x9b: {  	s22 =	simm.s32 $0x1BFF;
	s21 =	sshll.u32 s6, $0x1;
	s3 =	sadd.s32 s4, s19  }
0x9c: {  	s7 =	simm.s32 $0x0;
	s20 =	sshll.u32 s5, $0x1;
	s5 =	sadd.s32 s21, s3  }
0x9d: {  	[timem:s7], [sflag:s22] =	dma.local [hbm:s5], s20  }
0x9e: {  	_ =	swait.ge [sflag:s22], s20  }
0x9f: {  	s4 =	ssub.s32 $0x0, s20;
	[sflag:s22] =	ssyncset.done $0x0  }
0xa0: {  	[sflag:s22] =	ssyncadd.s32 s4;
	_ =	sdelay $0x1  }
0xa1: {  	s23 =	simm.s32 $0x1B8B  }
0xa2: {  	_ =	swait.ge [sflag:s23], $0x1  }
0xa3: {  	[sflag:s23] =	ssyncset.done $0x0  }
0xa4: {  	s25 =	simm.s32 $0x1B8E;
	s24 =	sld [smem:$0x3FFE];
	[sflag:s23] =	ssyncadd.s32 $0xFFFFFFFF  }
0xa5: {  	s26 =	simm.s32 $execute0_lowered;
	[smem:$0x3FD2] =	sst s25  }
0xa6: {  	s5 =	sshll.u32 s26, $0x1;
	_ =	strace $0x80000046;
	[dreg:$0x1] =	wrdreg $0xFFFFFFFF  }
0xa7: {  	s28 =	simm.s32 $_size_execute0_lowered;
	s3 =	sadd.s32 s3, s5;
	[dreg:$0x0] =	wrdreg $0x0  }
0xa8: {  	s5 =	sshll.u32 s28, $0x1;
	[dreg:$0x2] =	wrdreg s3  }
0xa9: {  	[dreg:$0x3] =	wrdreg s5  }
0xaa: {  	[dreg:$0x4] =	wrdreg $0xC0  }
0xab: {  	_ =	task [dreg:s7], $0x5FFFF  }
0xac: {  	[dreg:$0x1] =	wrdreg $0xFFFFFFFF  }
0xad: {  	[dreg:$0x0] =	wrdreg $0x60  }
0xae: {  	[dreg:$0x2] =	wrdreg s24  }
0xaf: {  	[dreg:$0x3] =	wrdreg s2  }
0xb0: {  	[dreg:$0x4] =	wrdreg $0xA  }
0xb1: {  	_ =	task.clear_ibuf [dreg:s7], $0x5FFFF;
	_ =	strace $0x90000046  }
0xb2: {  	s29 =	simm.s32 $0xA;
	_ =	strace $0x80000048  }
0xb3: {  	_ =	swait.ge [sflag:s29], $0x1  }
0xb4: {  	[sflag:s29] =	ssyncadd.s32 $0xFFFFFFFF  }
0xb5: {  	_ =	strace $0x90000048  }
0xb6: {  	_ =	sfence  }
0xb7: {  	s30 =	sld [smem:$0x0];
	_ =	sdelay $0x2  }
0xb8: {  	s31 =	sshll.u32 s1, $0xD;
	s1 =	sshrl.u32 s1, $0x2  }
0xb9: {  	s3 =	sand.u32 $0x4000, s31;
	s1 =	sadd.s32 s1, s30  }
0xba: {  	s0 =	sor.u32 s3, s0;
	s1 =	sshll.u32 s1, $0x11  }
0xbb: {  	s0 =	sor.u32 s1, s0  }
0xbc: {  	s0 =	sadd.s32 $0x8F2B, s0  }
0xbd: {  	[sflag:s0] =	ssyncadd.remote.s32 $0x1  }
0xbe: {  	_ =	sfence.sel $0xFFFF  }
0xbf: {  	[dreg:$0x0] =	wrdreg $0xFFFFFFFF;
	(pc) =	sbr.abs _section_cstart, $3  }
0xc0: {  	[dreg:$0x1] =	wrdreg $0xFFFFFFFF  }
0xc1: {  	_ =	task.clear_ibuf [dreg:s7], $0x2FFFF;
	_ =	strace $0x9FFFFFFF  }
0xc2: {  	(tm) =	ssettm $0x7FFFFFFF  }
0xc3: {  	_ =	shalt  }
tec
execute0_lowered:
.L_overlay_start_1:
0x0: {  	(tag) =	ssettag $0x1  }
0x1: {  	s6 =	stileid.u32;
	s4 =	rddreg [dreg:$0x0]  }
0x2: {  	s0 =	srdreg.scid;
	s5 =	rddreg [dreg:$0x1];
	s2 =	simm.s32 $0x0  }
0x3: {  	s15 =	simm.s32 $0x900;
	s17 =	simm.s32 $0x1100;
	s19 =	simm.s32 $0x1900  }
0x4: {  	s20 =	simm.s32 $0x2100;
	s21 =	simm.s32 $0x2900;
	s22 =	simm.s32 $0x3100  }
0x5: {  	s23 =	simm.s32 $0x3900;
	s24 =	simm.s32 $0x4100;
	[smem:$0x7FF] =	sst s2  }
0x6: {  	s25 =	simm.s32 $0x4900;
	_ =	strace $0x80000047;
	[dreg:$0x4] =	wrdreg s15  }
0x7: {  	s7 =	simm.s32 $0x100;
	s26 =	simm.s32 $0x5100;
	[dreg:$0x5] =	wrdreg s17  }
0x8: {  	s8 =	simm.s32 $0x5900;
	s9 =	simm.s32 $0x6100;
	[dreg:$0x6] =	wrdreg s19  }
0x9: {  	s10 =	simm.s32 $0x6900;
	s11 =	simm.s32 $0x7100;
	[dreg:$0x7] =	wrdreg s20  }
0xa: {  	s12 =	simm.s32 $0x7900;
	s13 =	simm.s32 $0x8100;
	[dreg:$0x8] =	wrdreg s21  }
0xb: {  	s28 =	simm.s32 $0xF100;
	s29 =	simm.s32 $0xF900;
	[dreg:$0x9] =	wrdreg s22  }
0xc: {  	s30 =	simm.s32 $0x1;
	s1 =	smul.u32 $0x1400, s6;
	[dreg:$0xa] =	wrdreg s23  }
0xd: {  	s0 =	sand.u32 $0x1, s0;
	s6 =	smul.u32 $0x28000, s6;
	[dreg:$0xb] =	wrdreg s24  }
0xe: {  	s31 =	simm.s32 $0x0;
	s3 =	smul.u32 $0xA00, s0;
	[dreg:$0xc] =	wrdreg s25  }
0xf: {  	s16 =	ssub.s32 $0x2, s0;
	s0 =	smul.u32 $0x14000, s0;
	[dreg:$0xd] =	wrdreg s26  }
0x10: {  	s15 =	simm.s32 $0x9100;
	s17 =	simm.s32 $0xA100;
	s19 =	simm.s32 $0xB100  }
0x11: {  	s20 =	simm.s32 $0xB900;
	s21 =	simm.s32 $0xC100;
	s22 =	simm.s32 $0xC900  }
0x12: {  	s23 =	simm.s32 $0xD100;
	s24 =	simm.s32 $0xD900;
	s25 =	simm.s32 $0xE100  }
0x13: {  	s26 =	simm.s32 $0xE900;
	s14 =	sadd.s32 s6, s4;
	s18 =	sshrl.u32 s16, $0x1  }
0x14: {  	s1 =	sadd.s32 s3, s1;
	s3 =	sadd.s32 $0xA0000, s4;
	s4 =	ssub.s32 s16, s18  }
0x15: {  	s6 =	simm.s32 $0x2;
	s0 =	sadd.s32 s0, s14;
	s4 =	smax.u32 s4, $0x1  }
0x16: {  	v2 =	vlaneseq.u32;
	s1 =	sshrl.u32 s1, $0x3;
	s0 =	sadd.s32 $0xF0000, s0;
	[dreg:$0xe] =	wrdreg s4  }
0x17: {  	vm0 =	vmmov $0xffff;
	v1 =	vshrl.u32 v2, $0x3;
	s14 =	simm.s32 $0x8900;
	s1 =	sadd.s32 s1, s5;
	[dreg:$0xf] =	wrdreg s0  }
0x18: {  	v0 =	vand.u32 $0x7, v2;
	v2 =	vor.u32 $0x8, v2;
	v1 =	vmul.u32 $0x8, v1;
	s16 =	simm.s32 $0x9900;
	s18 =	simm.s32 $0xA900;
	[dreg:$0x3] =	wrdreg s1  }
.LBB2_1:
0x19: {  	s5 =	rddreg [dreg:$0xf];
	s0 =	simm.s32 $0x0  }
.LBB2_2:
0x1a: {  	s4 =	rddreg [dreg:$0x3]  }
0x1b: {  	s4 =	sadd.s32 s0, s4  }
0x1c: {  	[tilespmem:s2], [sflag:$0x2] =	stream.linear.gather [hbm4b:s4+s2], $0x100, $0x38;
	[tilespmem:$0x10100] =	vst v63  }
0x1d: {  	_ =	swait.ge [sflag:s6], $0x100  }
0x1e: {  	[sflag:s6] =	ssyncset.done $0x0  }
0x1f: {  	[sflag:s6] =	ssyncadd.s32 $0xFFFFFF00  }
0x20: {  	v3 =	vld [tilespmem:$0x0];
	_ =	sdelay $0x4  }
0x21: {  	v4 =	vshll.u32 v3, $0x1  }
0x22: {  	v3 =	vand.u32 $0x7, v3;
	v4 =	vand.u32 $0xFFFFFFF0, v4  }
0x23: {  	v3 =	vor.u32 v3, v4  }
0x24: {  	v4 =	vperm.xlane v3, v0;
	_ =	sdelay $0x1  }
0x25: {  	v3 =	vperm.xlane v3, v2;
	v4 =	vadd.s32 v1, v4;
	_ =	sdelay $0x1  }
0x26: {  	v3 =	vadd.s32 v1, v3;
	_ =	sdelay $0x2  }
0x27: {  	[tilespmem:s7], [sflag:$0x1] =	stream.indirect_vreg.gather [hbm4b:s3+s2], $0x80, v4, vm0, $0xb8;
	[tilespmem:$0x10100] =	vst v63  }
0x28: {  	s1 =	rddreg [dreg:$0x4]  }
0x29: {  	[tilespmem:s1], [sflag:$0x1] =	stream.indirect_vreg.gather [hbm4b:s3+s2], $0x80, v3, vm0, $0xb8;
	[tilespmem:$0x10100] =	vst v63  }
0x2a: {  	v3 =	vld [tilespmem:$0x10];
	_ =	sdelay $0x4  }
0x2b: {  	v49 =	vshll.u32 v3, $0x1  }
0x2c: {  	v3 =	vand.u32 $0x7, v3;
	v4 =	vand.u32 $0xFFFFFFF0, v49  }
0x2d: {  	v3 =	vor.u32 v3, v4  }
0x2e: {  	v4 =	vperm.xlane v3, v0;
	_ =	sdelay $0x1  }
0x2f: {  	v3 =	vperm.xlane v3, v2;
	v4 =	vadd.s32 v1, v4;
	_ =	sdelay $0x1  }
0x30: {  	v3 =	vadd.s32 v1, v3;
	_ =	sdelay $0x1  }
0x31: {  	s4 =	rddreg [dreg:$0x5]  }
0x32: {  	[tilespmem:s4], [sflag:$0x1] =	stream.indirect_vreg.gather [hbm4b:s3+s2], $0x80, v4, vm0, $0xb8;
	[tilespmem:$0x10100] =	vst v63  }
0x33: {  	s1 =	rddreg [dreg:$0x6]  }
0x34: {  	[tilespmem:s1], [sflag:$0x1] =	stream.indirect_vreg.gather [hbm4b:s3+s2], $0x80, v3, vm0, $0xb8;
	[tilespmem:$0x10100] =	vst v63  }
0x35: {  	v3 =	vld [tilespmem:$0x20];
	_ =	sdelay $0x4  }
0x36: {  	v50 =	vshll.u32 v3, $0x1  }
0x37: {  	v3 =	vand.u32 $0x7, v3;
	v4 =	vand.u32 $0xFFFFFFF0, v50  }
0x38: {  	v3 =	vor.u32 v3, v4  }
0x39: {  	v4 =	vperm.xlane v3, v0;
	_ =	sdelay $0x1  }
0x3a: {  	v3 =	vperm.xlane v3, v2;
	v4 =	vadd.s32 v1, v4;
	_ =	sdelay $0x1  }
0x3b: {  	v3 =	vadd.s32 v1, v3;
	_ =	sdelay $0x1  }
0x3c: {  	s1 =	rddreg [dreg:$0x7]  }
0x3d: {  	[tilespmem:s1], [sflag:$0x1] =	stream.indirect_vreg.gather [hbm4b:s3+s2], $0x80, v4, vm0, $0xb8;
	[tilespmem:$0x10100] =	vst v63  }
0x3e: {  	s4 =	rddreg [dreg:$0x8]  }
0x3f: {  	[tilespmem:s4], [sflag:$0x1] =	stream.indirect_vreg.gather [hbm4b:s3+s2], $0x80, v3, vm0, $0xb8;
	[tilespmem:$0x10100] =	vst v63  }
0x40: {  	v3 =	vld [tilespmem:$0x30];
	_ =	sdelay $0x4  }
0x41: {  	v51 =	vshll.u32 v3, $0x1  }
0x42: {  	v3 =	vand.u32 $0x7, v3;
	v4 =	vand.u32 $0xFFFFFFF0, v51  }
0x43: {  	v3 =	vor.u32 v3, v4  }
0x44: {  	v4 =	vperm.xlane v3, v0;
	_ =	sdelay $0x1  }
0x45: {  	v3 =	vperm.xlane v3, v2;
	v4 =	vadd.s32 v1, v4;
	_ =	sdelay $0x1  }
0x46: {  	v3 =	vadd.s32 v1, v3;
	_ =	sdelay $0x1  }
0x47: {  	s1 =	rddreg [dreg:$0x9]  }
0x48: {  	[tilespmem:s1], [sflag:$0x1] =	stream.indirect_vreg.gather [hbm4b:s3+s2], $0x80, v4, vm0, $0xb8;
	[tilespmem:$0x10100] =	vst v63  }
0x49: {  	s4 =	rddreg [dreg:$0xa]  }
0x4a: {  	[tilespmem:s4], [sflag:$0x1] =	stream.indirect_vreg.gather [hbm4b:s3+s2], $0x80, v3, vm0, $0xb8;
	[tilespmem:$0x10100] =	vst v63  }
0x4b: {  	v3 =	vld [tilespmem:$0x40];
	_ =	sdelay $0x4  }
0x4c: {  	v52 =	vshll.u32 v3, $0x1  }
0x4d: {  	v3 =	vand.u32 $0x7, v3;
	v4 =	vand.u32 $0xFFFFFFF0, v52  }
0x4e: {  	v3 =	vor.u32 v3, v4  }
0x4f: {  	v4 =	vperm.xlane v3, v0;
	_ =	sdelay $0x1  }
0x50: {  	v3 =	vperm.xlane v3, v2;
	v4 =	vadd.s32 v1, v4;
	_ =	sdelay $0x1  }
0x51: {  	v3 =	vadd.s32 v1, v3;
	_ =	sdelay $0x1  }
0x52: {  	s1 =	rddreg [dreg:$0xb]  }
0x53: {  	[tilespmem:s1], [sflag:$0x1] =	stream.indirect_vreg.gather [hbm4b:s3+s2], $0x80, v4, vm0, $0xb8;
	[tilespmem:$0x10100] =	vst v63  }
0x54: {  	s4 =	rddreg [dreg:$0xc]  }
0x55: {  	[tilespmem:s4], [sflag:$0x1] =	stream.indirect_vreg.gather [hbm4b:s3+s2], $0x80, v3, vm0, $0xb8;
	[tilespmem:$0x10100] =	vst v63  }
0x56: {  	v3 =	vld [tilespmem:$0x50];
	_ =	sdelay $0x4  }
0x57: {  	v53 =	vshll.u32 v3, $0x1  }
0x58: {  	v3 =	vand.u32 $0x7, v3;
	v4 =	vand.u32 $0xFFFFFFF0, v53  }
0x59: {  	v3 =	vor.u32 v3, v4  }
0x5a: {  	v4 =	vperm.xlane v3, v0;
	_ =	sdelay $0x1  }
0x5b: {  	v3 =	vperm.xlane v3, v2;
	v4 =	vadd.s32 v1, v4;
	_ =	sdelay $0x1  }
0x5c: {  	v3 =	vadd.s32 v1, v3;
	_ =	sdelay $0x1  }
0x5d: {  	s4 =	rddreg [dreg:$0xd]  }
0x5e: {  	[tilespmem:s4], [sflag:$0x1] =	stream.indirect_vreg.gather [hbm4b:s3+s2], $0x80, v4, vm0, $0xb8;
	[tilespmem:$0x10100] =	vst v63  }
0x5f: {  	_ = 	snop  }
0x60: {  	[tilespmem:s8], [sflag:$0x1] =	stream.indirect_vreg.gather [hbm4b:s3+s2], $0x80, v3, vm0, $0xb8;
	[tilespmem:$0x10100] =	vst v63  }
0x61: {  	v3 =	vld [tilespmem:$0x60];
	_ =	sdelay $0x4  }
0x62: {  	v54 =	vshll.u32 v3, $0x1  }
0x63: {  	v3 =	vand.u32 $0x7, v3;
	v4 =	vand.u32 $0xFFFFFFF0, v54  }
0x64: {  	v3 =	vor.u32 v3, v4  }
0x65: {  	v4 =	vperm.xlane v3, v0;
	_ =	sdelay $0x1  }
0x66: {  	v3 =	vperm.xlane v3, v2;
	v4 =	vadd.s32 v1, v4;
	_ =	sdelay $0x1  }
0x67: {  	v3 =	vadd.s32 v1, v3;
	_ =	sdelay $0x2  }
0x68: {  	[tilespmem:s9], [sflag:$0x1] =	stream.indirect_vreg.gather [hbm4b:s3+s2], $0x80, v4, vm0, $0xb8;
	[tilespmem:$0x10100] =	vst v63  }
0x69: {  	_ = 	snop  }
0x6a: {  	[tilespmem:s10], [sflag:$0x1] =	stream.indirect_vreg.gather [hbm4b:s3+s2], $0x80, v3, vm0, $0xb8;
	[tilespmem:$0x10100] =	vst v63  }
0x6b: {  	v3 =	vld [tilespmem:$0x70];
	_ =	sdelay $0x4  }
0x6c: {  	v55 =	vshll.u32 v3, $0x1  }
0x6d: {  	v3 =	vand.u32 $0x7, v3;
	v4 =	vand.u32 $0xFFFFFFF0, v55  }
0x6e: {  	v3 =	vor.u32 v3, v4  }
0x6f: {  	v4 =	vperm.xlane v3, v0;
	_ =	sdelay $0x1  }
0x70: {  	v3 =	vperm.xlane v3, v2;
	v4 =	vadd.s32 v1, v4;
	_ =	sdelay $0x1  }
0x71: {  	v3 =	vadd.s32 v1, v3;
	_ =	sdelay $0x2  }
0x72: {  	[tilespmem:s11], [sflag:$0x1] =	stream.indirect_vreg.gather [hbm4b:s3+s2], $0x80, v4, vm0, $0xb8;
	[tilespmem:$0x10100] =	vst v63  }
0x73: {  	_ = 	snop  }
0x74: {  	[tilespmem:s12], [sflag:$0x1] =	stream.indirect_vreg.gather [hbm4b:s3+s2], $0x80, v3, vm0, $0xb8;
	[tilespmem:$0x10100] =	vst v63  }
0x75: {  	v3 =	vld [tilespmem:$0x80];
	_ =	sdelay $0x4  }
0x76: {  	v56 =	vshll.u32 v3, $0x1  }
0x77: {  	v3 =	vand.u32 $0x7, v3;
	v4 =	vand.u32 $0xFFFFFFF0, v56  }
0x78: {  	v3 =	vor.u32 v3, v4  }
0x79: {  	v4 =	vperm.xlane v3, v0;
	_ =	sdelay $0x1  }
0x7a: {  	v3 =	vperm.xlane v3, v2;
	v4 =	vadd.s32 v1, v4;
	_ =	sdelay $0x1  }
0x7b: {  	v3 =	vadd.s32 v1, v3;
	_ =	sdelay $0x2  }
0x7c: {  	[tilespmem:s13], [sflag:$0x1] =	stream.indirect_vreg.gather [hbm4b:s3+s2], $0x80, v4, vm0, $0xb8;
	[tilespmem:$0x10100] =	vst v63  }
0x7d: {  	_ = 	snop  }
0x7e: {  	[tilespmem:s14], [sflag:$0x1] =	stream.indirect_vreg.gather [hbm4b:s3+s2], $0x80, v3, vm0, $0xb8;
	[tilespmem:$0x10100] =	vst v63  }
0x7f: {  	v3 =	vld [tilespmem:$0x90];
	_ =	sdelay $0x4  }
0x80: {  	v57 =	vshll.u32 v3, $0x1  }
0x81: {  	v3 =	vand.u32 $0x7, v3;
	v4 =	vand.u32 $0xFFFFFFF0, v57  }
0x82: {  	v3 =	vor.u32 v3, v4  }
0x83: {  	v4 =	vperm.xlane v3, v0;
	_ =	sdelay $0x1  }
0x84: {  	v3 =	vperm.xlane v3, v2;
	v4 =	vadd.s32 v1, v4;
	_ =	sdelay $0x1  }
0x85: {  	v3 =	vadd.s32 v1, v3;
	_ =	sdelay $0x2  }
0x86: {  	[tilespmem:s15], [sflag:$0x1] =	stream.indirect_vreg.gather [hbm4b:s3+s2], $0x80, v4, vm0, $0xb8;
	[tilespmem:$0x10100] =	vst v63  }
0x87: {  	_ = 	snop  }
0x88: {  	[tilespmem:s16], [sflag:$0x1] =	stream.indirect_vreg.gather [hbm4b:s3+s2], $0x80, v3, vm0, $0xb8;
	[tilespmem:$0x10100] =	vst v63  }
0x89: {  	v3 =	vld [tilespmem:$0xA0];
	_ =	sdelay $0x4  }
0x8a: {  	v58 =	vshll.u32 v3, $0x1  }
0x8b: {  	v3 =	vand.u32 $0x7, v3;
	v4 =	vand.u32 $0xFFFFFFF0, v58  }
0x8c: {  	v3 =	vor.u32 v3, v4  }
0x8d: {  	v4 =	vperm.xlane v3, v0;
	_ =	sdelay $0x1  }
0x8e: {  	v3 =	vperm.xlane v3, v2;
	v4 =	vadd.s32 v1, v4;
	_ =	sdelay $0x1  }
0x8f: {  	v3 =	vadd.s32 v1, v3;
	_ =	sdelay $0x2  }
0x90: {  	[tilespmem:s17], [sflag:$0x1] =	stream.indirect_vreg.gather [hbm4b:s3+s2], $0x80, v4, vm0, $0xb8;
	[tilespmem:$0x10100] =	vst v63  }
0x91: {  	_ = 	snop  }
0x92: {  	[tilespmem:s18], [sflag:$0x1] =	stream.indirect_vreg.gather [hbm4b:s3+s2], $0x80, v3, vm0, $0xb8;
	[tilespmem:$0x10100] =	vst v63  }
0x93: {  	v3 =	vld [tilespmem:$0xB0];
	_ =	sdelay $0x4  }
0x94: {  	v59 =	vshll.u32 v3, $0x1  }
0x95: {  	v3 =	vand.u32 $0x7, v3;
	v4 =	vand.u32 $0xFFFFFFF0, v59  }
0x96: {  	v3 =	vor.u32 v3, v4  }
0x97: {  	v4 =	vperm.xlane v3, v0;
	_ =	sdelay $0x1  }
0x98: {  	v3 =	vperm.xlane v3, v2;
	v4 =	vadd.s32 v1, v4;
	_ =	sdelay $0x1  }
0x99: {  	v3 =	vadd.s32 v1, v3;
	_ =	sdelay $0x2  }
0x9a: {  	[tilespmem:s19], [sflag:$0x1] =	stream.indirect_vreg.gather [hbm4b:s3+s2], $0x80, v4, vm0, $0xb8;
	[tilespmem:$0x10100] =	vst v63  }
0x9b: {  	_ = 	snop  }
0x9c: {  	[tilespmem:s20], [sflag:$0x1] =	stream.indirect_vreg.gather [hbm4b:s3+s2], $0x80, v3, vm0, $0xb8;
	[tilespmem:$0x10100] =	vst v63  }
0x9d: {  	v3 =	vld [tilespmem:$0xC0];
	_ =	sdelay $0x4  }
0x9e: {  	v60 =	vshll.u32 v3, $0x1  }
0x9f: {  	v3 =	vand.u32 $0x7, v3;
	v4 =	vand.u32 $0xFFFFFFF0, v60  }
0xa0: {  	v3 =	vor.u32 v3, v4  }
0xa1: {  	v4 =	vperm.xlane v3, v0;
	_ =	sdelay $0x1  }
0xa2: {  	v3 =	vperm.xlane v3, v2;
	v4 =	vadd.s32 v1, v4;
	_ =	sdelay $0x1  }
0xa3: {  	v3 =	vadd.s32 v1, v3;
	_ =	sdelay $0x2  }
0xa4: {  	[tilespmem:s21], [sflag:$0x1] =	stream.indirect_vreg.gather [hbm4b:s3+s2], $0x80, v4, vm0, $0xb8;
	[tilespmem:$0x10100] =	vst v63  }
0xa5: {  	_ = 	snop  }
0xa6: {  	[tilespmem:s22], [sflag:$0x1] =	stream.indirect_vreg.gather [hbm4b:s3+s2], $0x80, v3, vm0, $0xb8;
	[tilespmem:$0x10100] =	vst v63  }
0xa7: {  	v3 =	vld [tilespmem:$0xD0];
	_ =	sdelay $0x4  }
0xa8: {  	v61 =	vshll.u32 v3, $0x1  }
0xa9: {  	v3 =	vand.u32 $0x7, v3;
	v4 =	vand.u32 $0xFFFFFFF0, v61  }
0xaa: {  	v3 =	vor.u32 v3, v4  }
0xab: {  	v4 =	vperm.xlane v3, v0;
	_ =	sdelay $0x1  }
0xac: {  	v3 =	vperm.xlane v3, v2;
	v4 =	vadd.s32 v1, v4;
	_ =	sdelay $0x1  }
0xad: {  	v3 =	vadd.s32 v1, v3;
	_ =	sdelay $0x2  }
0xae: {  	[tilespmem:s23], [sflag:$0x1] =	stream.indirect_vreg.gather [hbm4b:s3+s2], $0x80, v4, vm0, $0xb8;
	[tilespmem:$0x10100] =	vst v63  }
0xaf: {  	_ = 	snop  }
0xb0: {  	[tilespmem:s24], [sflag:$0x1] =	stream.indirect_vreg.gather [hbm4b:s3+s2], $0x80, v3, vm0, $0xb8;
	[tilespmem:$0x10100] =	vst v63  }
0xb1: {  	v3 =	vld [tilespmem:$0xE0];
	_ =	sdelay $0x4  }
0xb2: {  	v62 =	vshll.u32 v3, $0x1  }
0xb3: {  	v3 =	vand.u32 $0x7, v3;
	v4 =	vand.u32 $0xFFFFFFF0, v62  }
0xb4: {  	v3 =	vor.u32 v3, v4  }
0xb5: {  	v4 =	vperm.xlane v3, v0;
	_ =	sdelay $0x1  }
0xb6: {  	v3 =	vperm.xlane v3, v2;
	v4 =	vadd.s32 v1, v4;
	_ =	sdelay $0x1  }
0xb7: {  	v3 =	vadd.s32 v1, v3;
	_ =	sdelay $0x2  }
0xb8: {  	[tilespmem:s25], [sflag:$0x1] =	stream.indirect_vreg.gather [hbm4b:s3+s2], $0x80, v4, vm0, $0xb8;
	[tilespmem:$0x10100] =	vst v63  }
0xb9: {  	_ = 	snop  }
0xba: {  	[tilespmem:s26], [sflag:$0x1] =	stream.indirect_vreg.gather [hbm4b:s3+s2], $0x80, v3, vm0, $0xb8;
	[tilespmem:$0x10100] =	vst v63  }
0xbb: {  	v3 =	vld [tilespmem:$0xF0];
	_ =	sdelay $0x4  }
0xbc: {  	v63 =	vshll.u32 v3, $0x1  }
0xbd: {  	v3 =	vand.u32 $0x7, v3;
	v4 =	vand.u32 $0xFFFFFFF0, v63  }
0xbe: {  	v3 =	vor.u32 v3, v4  }
0xbf: {  	v4 =	vperm.xlane v3, v0;
	_ =	sdelay $0x1  }
0xc0: {  	v3 =	vperm.xlane v3, v2;
	v4 =	vadd.s32 v1, v4;
	_ =	sdelay $0x1  }
0xc1: {  	v3 =	vadd.s32 v1, v3;
	_ =	sdelay $0x2  }
0xc2: {  	[tilespmem:s28], [sflag:$0x1] =	stream.indirect_vreg.gather [hbm4b:s3+s2], $0x80, v4, vm0, $0xb8;
	[tilespmem:$0x10100] =	vst v63  }
0xc3: {  	_ = 	snop  }
0xc4: {  	[tilespmem:s29], [sflag:$0x1] =	stream.indirect_vreg.gather [hbm4b:s3+s2], $0x80, v3, vm0, $0xb8;
	[tilespmem:$0x10100] =	vst v63  }
0xc5: {  	_ =	swait.ge [sflag:s30], $0x10000  }
0xc6: {  	p0 =	sne.s32 s0, $0x120;
	[sflag:s30] =	ssyncset.done $0x0  }
.Ltmp0:
0xc7: {  	[sflag:s30] =	ssyncadd.s32 $0xFFFF0000;
	(pc) =	sbr.rel @p0 .LBB2_2-.Ltmp0, $4  }
0xc8: {  	[hbm4b:s5+s2] =	stream.linear.scatter [tilespmem:s7], [sflag:$0x2], $0x10000, $0x38;
	[tilespmem:$0x10100] =	vst v63  }
0xc9: {  	_ =	swait.ge [sflag:s6], $0x10000  }
0xca: {  	[sflag:s6] =	ssyncset.done $0x0  }
0xcb: {  	s0 =	sadd.s32 $0x20, s0;
	s5 =	sadd.s32 $0x2000, s5;
	[sflag:s6] =	ssyncadd.s32 $0xFFFF0000  }
0xcc: {  	s31 =	sadd.s32 $0x1, s31;
	s0 =	rddreg [dreg:$0xe]  }
0xcd: {  	p0 =	sne.s32 s31, s0  }
.Ltmp1:
0xce: {  	_ = 	snop;
	(pc) =	sbr.rel @p0 .LBB2_1-.Ltmp1, $1  }
0xcf: {  	_ =	sdelay $0x3  }
0xd0: {  	_ =	sfence.sel $0x180000  }
0xd1: {  	[bflag:$0x0] =	sbarrier.arrive $0xFFFF  }
0xd2: {  	_ =	strace $0x90000047  }
0xd3: {  	s0 =	stileid.u32;
	[bflag:$0x2] =	sbarrier.arrive $0xFFFF  }
0xd4: {  	p0 =	sne.s32 s0, $0x0;
	s0 =	rddreg [dreg:$0x2]  }
0xd5: {  	s0 =	sadd.s32 @!p0 $0x100000, s0  }
0xd6: {  	[sflag:s0] =	ssyncadd.tile.s32 @!p0 $0x1;
	_ =	shalt  }
.Lfunc_end2:
_tile_overlayer_lowered:
.L_overlay_start_2:
0xd7: {  	(tag) =	ssettag $0x2  }
0xd8: {  	s0 =	rddreg [dreg:$0x0];
	s2 =	stileid.u32  }
0xd9: {  	s1 =	rddreg [dreg:$0x1];
	p0 =	sne.s32 s2, $0x0  }
0xda: {  	s3 =	rddreg [dreg:$0x2];
	[bflag:$0x3] =	sbarrier.arrive $0xFFFF;
	s2 =	simm.s32 @!p0 $0x1C02  }
0xdb: {  	[timem:s3], [sflag:s2] =	dma.local @!p0 [hbm:s0], s1  }
0xdc: {  	s0 =	simm.s32 @!p0 $0x2  }
0xdd: {  	_ =	swait.ge @!p0 [sflag:s0], s1  }
0xde: {  	s1 =	ssub.s32 @!p0 $0x0, s1;
	[sflag:s0] =	ssyncset.done @!p0 $0x0  }
0xdf: {  	[sflag:s0] =	ssyncadd.s32 @!p0 s1  }
0xe0: {  	[bflag:$0x3] =	sbarrier.arrive $0xFFFF  }
0xe1: {  	_ =	shalt  }

// kernel: kernel.9.cloned.1.call-start
scs
__scs_entry_jumppad:
0x0: {  	(pc) =	sbr.rel $0x88, $3  }
0x1: {  	(tag) =	ssettag $0x0;
	lr =	simm.s32 $0x1  }
0x2: {  	[smem:$0x3F98] =	sst lr;
	_ =	strace $0xD0000000  }
0x3: {  	_ = 	snop  }
0x4: {  	_ = 	snop  }
0x5: {  	_ = 	snop  }
0x6: {  	_ = 	snop  }
0x7: {  	_ = 	snop  }
__scs_overlays_trampoline_lowered:
0x8: {  	[smem:$0x3FA7] =	sst s0  }
0x9: {  	[smem:$0x3FA8] =	sst s1  }
0xa: {  	[smem:$0x3FA9] =	sst s2  }
0xb: {  	[smem:$0x3FAA] =	sst s3  }
0xc: {  	[smem:$0x3FAB] =	sst s4  }
0xd: {  	[smem:$0x3FAC] =	sst s5  }
0xe: {  	[smem:$0x3FAD] =	sst s6  }
0xf: {  	[smem:$0x3FAE] =	sst s7  }
0x10: {  	[smem:$0x3FAF] =	sst s8  }
0x11: {  	[smem:$0x3FB0] =	sst s9;
	s0 =	simm.s32 @!p0 $0x0  }
0x12: {  	s1 =	sld [smem:$0x3F96];
	s0 =	simm.s32 @p0 $0x1  }
0x13: {  	[smem:$0x3FB1] =	sst s0;
	s0 =	simm.s32 @!p1 $0x0  }
0x14: {  	s2 =	sld [smem:$0x3F95];
	s0 =	simm.s32 @p1 $0x1  }
0x15: {  	[smem:$0x3FB2] =	sst s0;
	s0 =	simm.s32 @!p2 $0x0  }
0x16: {  	s3 =	sld [smem:$0x3FDB];
	s0 =	simm.s32 @p2 $0x1  }
0x17: {  	s4 =	simm.s32 $0x1BF5;
	[smem:$0x3FB4] =	sst s0  }
0x18: {  	s0 =	sld [smem:$0x3F97];
	_ =	swait.ge [sflag:s4], $0x0  }
0x19: {  	s7 =	sld [smem:$0x3F98]  }
0x1a: {  	s8 =	sadd.s32 $0xFFFFE003, lr  }
0x1b: {  	s9 =	sadd.s32 $0xFFFFFEF7, lr;
	s5 =	simm.s32 $0xFFFFFFFF;
	p2 =	slt.u32 s8, $0xFFFFF086  }
0x1c: {  	p1 =	slt.u32 s9, $0xF7A;
	s5 =	simm.s32 @!p2 $0x0  }
0x1d: {  	s5 =	simm.s32 @p1 $0x1;
	p0 =	seq.s32 s7, s2  }
0x1e: {  	s7 =	smul.u32 @!p0 $0xF7A, s2;
	p2 =	seq.s32 @!p0 s5, $0x0  }
0x1f: {  	s9 =	smul.u32 $0xF7A, s1;
	s8 =	simm.s32 @!p0 $0x1BF5;
	p2 =	por !p2, p0  }
0x20: {  	[sflag:s8] =	ssyncset.s32 @!p0 $0xFFFFF086;
	s6 =	sadd.s32 @!p0 s3, s7;
	s7 =	simm.s32 @!p0 $0x108  }
0x21: {  	s3 =	sadd.s32 s3, s9;
	s6 =	sadd.s32 @!p0 $0x88, s6;
	s7 =	simm.s32 @p2 $0x1082  }
0x22: {  	[simem:s7], [sflag:s8] =	dma.local @!p0 [hbm:s6], $0xF7A  }
0x23: {  	s9 =	sor.u32 $0xD0000000, s2;
	s6 =	simm.s32 $0x108;
	_ =	swait.ge @!p0 [sflag:s8], $0x0  }
0x24: {  	s3 =	sadd.s32 $0x88, s3;
	s6 =	simm.s32 @!p1 $0x1082;
	[sflag:s4] =	ssyncset.s32 $0xFFFFF086  }
0x25: {  	[simem:s6], [sflag:s4] =	dma.local [hbm:s3], $0xF7A  }
0x26: {  	[smem:$0x3F98] =	sst s1;
	(tag) =	ssettag s2;
	_ =	strace s9  }
0x27: {  	s1 =	sld [smem:$0x3FA8]  }
0x28: {  	s2 =	sld [smem:$0x3FA9]  }
0x29: {  	s4 =	sld [smem:$0x3FAB]  }
0x2a: {  	p0 =	seq.s32 s5, $0x0;
	s5 =	sld [smem:$0x3FAC]  }
0x2b: {  	s6 =	sld [smem:$0x3FAD]  }
0x2c: {  	s7 =	sld [smem:$0x3FAE]  }
0x2d: {  	s3 =	simm.s32 $0x108;
	s8 =	sld [smem:$0x3FAF]  }
0x2e: {  	s3 =	simm.s32 @!p0 $0x1082;
	s9 =	sld [smem:$0x3FB0]  }
0x2f: {  	lr =	sadd.s32 s0, s3;
	s0 =	sld [smem:$0x3FA7]  }
0x30: {  	s3 =	sld [smem:$0x3FAA]  }
0x31: {  	[smem:$0x3FB3] =	sst s10  }
0x32: {  	s10 =	sld [smem:$0x3FB1];
	_ =	sdelay $0x3  }
0x33: {  	p0 =	seq.s32 s10, $0x1;
	s10 =	sld [smem:$0x3FB3];
	_ =	sdelay $0x3  }
0x34: {  	[smem:$0x3FB3] =	sst s10  }
0x35: {  	s10 =	sld [smem:$0x3FB2];
	_ =	sdelay $0x3  }
0x36: {  	p1 =	seq.s32 s10, $0x1;
	s10 =	sld [smem:$0x3FB3];
	_ =	sdelay $0x3  }
0x37: {  	[smem:$0x3FB3] =	sst s10  }
0x38: {  	s10 =	sld [smem:$0x3FB4]  }
0x39: {  	_ = 	snop;
	(pc) =	sbr.ind lr, $3  }
0x3a: {  	_ = 	snop  }
0x3b: {  	_ = 	snop  }
0x3c: {  	p2 =	seq.s32 s10, $0x1;
	s10 =	sld [smem:$0x3FB3]  }
0x3d: {  	_ =	shalt  }
0x3e: {  	_ =	shalt  }
0x3f: {  	_ =	shalt  }
0x40: {  	_ =	shalt  }
0x41: {  	_ =	shalt  }
0x42: {  	_ =	shalt  }
0x43: {  	_ =	shalt  }
0x44: {  	_ =	shalt  }
0x45: {  	_ =	shalt  }
0x46: {  	_ =	shalt  }
0x47: {  	_ =	shalt  }
0x48: {  	_ =	shalt  }
0x49: {  	_ =	shalt  }
0x4a: {  	_ =	shalt  }
0x4b: {  	_ =	shalt  }
0x4c: {  	_ =	shalt  }
0x4d: {  	_ =	shalt  }
0x4e: {  	_ =	shalt  }
0x4f: {  	_ =	shalt  }
0x50: {  	_ =	shalt  }
0x51: {  	_ =	shalt  }
0x52: {  	_ =	shalt  }
0x53: {  	_ =	shalt  }
0x54: {  	_ =	shalt  }
0x55: {  	_ =	shalt  }
0x56: {  	_ =	shalt  }
0x57: {  	_ =	shalt  }
0x58: {  	_ =	shalt  }
0x59: {  	_ =	shalt  }
0x5a: {  	_ =	shalt  }
0x5b: {  	_ =	shalt  }
0x5c: {  	_ =	shalt  }
0x5d: {  	_ =	shalt  }
0x5e: {  	_ =	shalt  }
0x5f: {  	_ =	shalt  }
0x60: {  	_ =	shalt  }
0x61: {  	_ =	shalt  }
0x62: {  	_ =	shalt  }
0x63: {  	_ =	shalt  }
0x64: {  	_ =	shalt  }
0x65: {  	_ =	shalt  }
0x66: {  	_ =	shalt  }
0x67: {  	_ =	shalt  }
0x68: {  	_ =	shalt  }
0x69: {  	_ =	shalt  }
0x6a: {  	_ =	shalt  }
0x6b: {  	_ =	shalt  }
0x6c: {  	_ =	shalt  }
0x6d: {  	_ =	shalt  }
0x6e: {  	_ =	shalt  }
0x6f: {  	_ =	shalt  }
0x70: {  	_ =	shalt  }
0x71: {  	_ =	shalt  }
0x72: {  	_ =	shalt  }
0x73: {  	_ =	shalt  }
0x74: {  	_ =	shalt  }
0x75: {  	_ =	shalt  }
0x76: {  	_ =	shalt  }
0x77: {  	_ =	shalt  }
0x78: {  	_ =	shalt  }
0x79: {  	_ =	shalt  }
0x7a: {  	_ =	shalt  }
0x7b: {  	_ =	shalt  }
0x7c: {  	_ =	shalt  }
0x7d: {  	_ =	shalt  }
0x7e: {  	_ =	shalt  }
0x7f: {  	_ =	shalt  }
0x80: {  	_ =	shalt  }
0x81: {  	_ =	shalt  }
0x82: {  	_ =	shalt  }
0x83: {  	_ =	shalt  }
0x84: {  	_ =	shalt  }
0x85: {  	_ =	shalt  }
0x86: {  	_ =	shalt  }
0x87: {  	_ =	shalt  }
.Lfunc_end0:
.L_simem_size_0:
called_computation_lowered:
.L_overlay_start_0:
0x88: {  	s2 =	sld [smem:$0x3FD9]  }
0x89: {  	s3 =	sld [smem:$0x3FFE];
	_ =	sdelay $0x1  }
0x8a: {  	s1 =	srdreg.scid  }
0x8b: {  	s0 =	sand.u32 $0x1, s1  }
0x8c: {  	s17 =	sshll.u32 s0, $0xA;
	s2 =	sadd.s32 s3, s2  }
0x8d: {  	s2 =	sadd.s32 s2, s17  }
0x8e: {  	[smem:$0x3FBF] =	sst s2  }
0x8f: {  	_ = 	snop  }
0x90: {  	(tm) =	ssettm $0x1  }
0x91: {  	s18 =	sld [smem:$0x3FFB];
	_ =	sdelay $0x3  }
0x92: {  	_ =	strace s18  }
0x93: {  	s2 =	sld [smem:$0x3FFC];
	_ =	sdelay $0x3  }
0x94: {  	_ =	strace s2  }
0x95: {  	s2 =	sld [smem:$0x3FFD];
	_ =	sdelay $0x3  }
0x96: {  	_ =	strace s2  }
0x97: {  	_ =	strace $0x8FFFFFFF  }
0x98: {  	s19 =	sld [smem:$0x3FDB];
	_ =	sdelay $0x1  }
0x99: {  	s20 =	simm.s32 $_scs_section_size  }
0x9a: {  	s4 =	simm.s32 $_size__tile_overlayer_lowered;
	s5 =	simm.s32 $_tile_overlayer_lowered  }
0x9b: {  	s6 =	simm.s32 $0x1BFF;
	s21 =	sshll.u32 s5, $0x1;
	s3 =	sadd.s32 s20, s19  }
0x9c: {  	s22 =	simm.s32 $0x0;
	s4 =	sshll.u32 s4, $0x1;
	s5 =	sadd.s32 s21, s3  }
0x9d: {  	[timem:s22], [sflag:s6] =	dma.local [hbm:s5], s4  }
0x9e: {  	_ =	swait.ge [sflag:s6], s4  }
0x9f: {  	s4 =	ssub.s32 $0x0, s4;
	[sflag:s6] =	ssyncset.done $0x0  }
0xa0: {  	[sflag:s6] =	ssyncadd.s32 s4;
	_ =	sdelay $0x1  }
0xa1: {  	s23 =	simm.s32 $0x1B8B  }
0xa2: {  	_ =	swait.ge [sflag:s23], $0x1  }
0xa3: {  	[sflag:s23] =	ssyncset.done $0x0  }
0xa4: {  	[sflag:s23] =	ssyncadd.s32 $0xFFFFFFFF  }
0xa5: {  	s4 =	sld [smem:$0x0]  }
0xa6: {  	s5 =	sand.u32 $0xFFFFFFFE, s1  }
0xa7: {  	p0 =	sne.s32 s1, s5  }
0xa8: {  	s5 =	sshll.u32 @p0 s5, $0xE  }
0xa9: {  	s5 =	sadd.s32 @p0 $0x11B8D, s5;
	s6 =	sshll.u32 @p0 s4, $0x11  }
0xaa: {  	s5 =	sor.u32 @p0 s6, s5  }
0xab: {  	[sflag:s5] =	ssyncadd.remote.s32 @p0 $0x1;
	_ =	sdelay $0x1  }
0xac: {  	s5 =	simm.s32 @p0 $0x1B8D  }
0xad: {  	_ =	swait.eq @p0 [sflag:s5], $0x1  }
0xae: {  	[sflag:s5] =	ssyncadd.s32 @p0 $0xFFFFFFFF  }
0xaf: {  	s6 =	sshll.u32 @!p0 s1, $0xE  }
0xb0: {  	s6 =	sor.u32 @!p0 $0x4000, s6;
	s5 =	simm.s32 @!p0 $0x1B8D  }
0xb1: {  	s4 =	sshll.u32 @!p0 s4, $0x11;
	s6 =	sadd.s32 @!p0 $0x11B8D, s6;
	_ =	swait.eq @!p0 [sflag:s5], $0x1  }
0xb2: {  	s4 =	sor.u32 @!p0 s4, s6;
	[sflag:s5] =	ssyncadd.s32 @!p0 $0xFFFFFFFF  }
0xb3: {  	s25 =	simm.s32 $0x1B8E;
	s24 =	sld [smem:$0x3FFE];
	[sflag:s4] =	ssyncadd.remote.s32 @!p0 $0x1  }
0xb4: {  	s26 =	simm.s32 $execute0_lowered;
	[smem:$0x3FD2] =	sst s25  }
0xb5: {  	s5 =	sshll.u32 s26, $0x1;
	_ =	strace $0x80000049;
	[dreg:$0x1] =	wrdreg $0xFFFFFFFF  }
0xb6: {  	s28 =	simm.s32 $_size_execute0_lowered;
	s3 =	sadd.s32 s3, s5;
	[dreg:$0x0] =	wrdreg $0x0  }
0xb7: {  	s5 =	sshll.u32 s28, $0x1;
	[dreg:$0x2] =	wrdreg s3  }
0xb8: {  	[dreg:$0x3] =	wrdreg s5  }
0xb9: {  	[dreg:$0x4] =	wrdreg $0xC0  }
0xba: {  	_ =	task [dreg:s22], $0x5FFFF  }
0xbb: {  	[dreg:$0x1] =	wrdreg $0xFFFFFFFF  }
0xbc: {  	[dreg:$0x0] =	wrdreg $0x60  }
0xbd: {  	[dreg:$0x2] =	wrdreg s24  }
0xbe: {  	[dreg:$0x3] =	wrdreg $0x9  }
0xbf: {  	_ =	task.clear_ibuf [dreg:s22], $0x4FFFF;
	_ =	strace $0x90000049  }
0xc0: {  	s29 =	simm.s32 $0x9;
	_ =	strace $0x8000004B  }
0xc1: {  	_ =	swait.ge [sflag:s29], $0x1  }
0xc2: {  	[sflag:s29] =	ssyncadd.s32 $0xFFFFFFFF  }
0xc3: {  	_ =	strace $0x9000004B  }
0xc4: {  	_ =	sfence  }
0xc5: {  	s30 =	sld [smem:$0x0];
	_ =	sdelay $0x2  }
0xc6: {  	s31 =	sshll.u32 s1, $0xD;
	s1 =	sshrl.u32 s1, $0x2  }
0xc7: {  	s4 =	sand.u32 $0x4000, s31;
	s1 =	sadd.s32 s1, s30  }
0xc8: {  	s0 =	sor.u32 s4, s0;
	s1 =	sshll.u32 s1, $0x11  }
0xc9: {  	s0 =	sor.u32 s1, s0  }
0xca: {  	s0 =	sadd.s32 $0x8F2B, s0  }
0xcb: {  	[sflag:s0] =	ssyncadd.remote.s32 $0x1  }
0xcc: {  	_ =	sfence.sel $0xFFFF  }
0xcd: {  	[dreg:$0x0] =	wrdreg $0xFFFFFFFF;
	(pc) =	sbr.abs _section_cstart, $3  }
0xce: {  	[dreg:$0x1] =	wrdreg $0xFFFFFFFF  }
0xcf: {  	_ =	task.clear_ibuf [dreg:s22], $0x2FFFF;
	_ =	strace $0x9FFFFFFF  }
0xd0: {  	(tm) =	ssettm $0x7FFFFFFF  }
0xd1: {  	_ =	shalt  }
tec
execute0_lowered:
.L_overlay_start_1:
0x0: {  	(tag) =	ssettag $0x1  }
0x1: {  	s0 =	srdreg.scid;
	s3 =	stileid.u32  }
0x2: {  	s4 =	rddreg [dreg:$0x0];
	s16 =	simm.s32 $0x900;
	s18 =	simm.s32 $0x1100  }
0x3: {  	s19 =	simm.s32 $0x1900;
	s20 =	simm.s32 $0x2100;
	s21 =	simm.s32 $0x2900  }
0x4: {  	s22 =	simm.s32 $0x3100;
	s0 =	sand.u32 $0x1, s0;
	s1 =	smul.u32 $0x1400, s3  }
0x5: {  	s23 =	simm.s32 $0x3900;
	s24 =	simm.s32 $0x4100;
	s2 =	smul.u32 $0xA00, s0  }
0x6: {  	s25 =	simm.s32 $0x4900;
	s7 =	simm.s32 $0x100;
	s26 =	simm.s32 $0x5100  }
0x7: {  	s8 =	simm.s32 $0x5900;
	s1 =	sadd.s32 s2, s1;
	s2 =	simm.s32 $0x0  }
0x8: {  	s9 =	simm.s32 $0x6100;
	s10 =	simm.s32 $0x6900;
	[smem:$0x7FF] =	sst s2  }
0x9: {  	s11 =	simm.s32 $0x7100;
	_ =	strace $0x8000004A;
	[dreg:$0x3] =	wrdreg s16  }
0xa: {  	s12 =	simm.s32 $0x7900;
	s5 =	smul.u32 $0x28000, s3;
	[dreg:$0x4] =	wrdreg s18  }
0xb: {  	s17 =	ssub.s32 $0x2, s0;
	s0 =	smul.u32 $0x14000, s0;
	[dreg:$0x5] =	wrdreg s19  }
0xc: {  	s13 =	simm.s32 $0x8100;
	s5 =	sadd.s32 s5, s4;
	[dreg:$0x6] =	wrdreg s20  }
0xd: {  	s14 =	simm.s32 $0x8900;
	s0 =	sadd.s32 s0, s5;
	[dreg:$0x7] =	wrdreg s21  }
0xe: {  	s15 =	simm.s32 $0x9100;
	s0 =	sadd.s32 $0x372800, s0;
	[dreg:$0x8] =	wrdreg s22  }
0xf: {  	s28 =	simm.s32 $0xF100;
	s29 =	simm.s32 $0xF900;
	[dreg:$0xe] =	wrdreg s0  }
0x10: {  	s30 =	simm.s32 $0x1;
	s31 =	simm.s32 $0x0;
	[dreg:$0x9] =	wrdreg s23  }
0x11: {  	s3 =	sadd.s32 $0xA0000, s4;
	s1 =	sshrl.u32 s1, $0x3;
	[dreg:$0xa] =	wrdreg s24  }
0x12: {  	s6 =	sshrl.u32 s17, $0x1;
	s1 =	sadd.s32 s1, s4;
	[dreg:$0xb] =	wrdreg s25  }
0x13: {  	s4 =	ssub.s32 s17, s6;
	s6 =	simm.s32 $0x2;
	[dreg:$0xc] =	wrdreg s26  }
0x14: {  	s16 =	simm.s32 $0x9900;
	s17 =	simm.s32 $0xA100;
	s18 =	simm.s32 $0xA900  }
0x15: {  	s19 =	simm.s32 $0xB100;
	s20 =	simm.s32 $0xB900;
	s21 =	simm.s32 $0xC100  }
0x16: {  	v2 =	vlaneseq.u32;
	s22 =	simm.s32 $0xC900;
	s23 =	simm.s32 $0xD100;
	s1 =	sadd.s32 $0x370000, s1  }
0x17: {  	vm0 =	vmmov $0xffff;
	v1 =	vshrl.u32 v2, $0x3;
	s24 =	simm.s32 $0xD900;
	s4 =	smax.u32 s4, $0x1;
	[dreg:$0x2] =	wrdreg s1  }
0x18: {  	v0 =	vand.u32 $0x7, v2;
	v2 =	vor.u32 $0x8, v2;
	v1 =	vmul.u32 $0x8, v1;
	s25 =	simm.s32 $0xE100;
	s26 =	simm.s32 $0xE900;
	[dreg:$0xd] =	wrdreg s4  }
.LBB2_1:
0x19: {  	s5 =	rddreg [dreg:$0xe];
	s0 =	simm.s32 $0x0  }
.LBB2_2:
0x1a: {  	s4 =	rddreg [dreg:$0x2]  }
0x1b: {  	s4 =	sadd.s32 s0, s4  }
0x1c: {  	[tilespmem:s2], [sflag:$0x2] =	stream.linear.gather [hbm4b:s4+s2], $0x100, $0x38;
	[tilespmem:$0x10100] =	vst v63  }
0x1d: {  	_ =	swait.ge [sflag:s6], $0x100  }
0x1e: {  	[sflag:s6] =	ssyncset.done $0x0  }
0x1f: {  	[sflag:s6] =	ssyncadd.s32 $0xFFFFFF00  }
0x20: {  	v3 =	vld [tilespmem:$0x0];
	_ =	sdelay $0x4  }
0x21: {  	v4 =	vshll.u32 v3, $0x1  }
0x22: {  	v3 =	vand.u32 $0x7, v3;
	v4 =	vand.u32 $0xFFFFFFF0, v4  }
0x23: {  	v3 =	vor.u32 v3, v4  }
0x24: {  	v4 =	vperm.xlane v3, v0;
	_ =	sdelay $0x1  }
0x25: {  	v3 =	vperm.xlane v3, v2;
	v4 =	vadd.s32 v1, v4;
	_ =	sdelay $0x1  }
0x26: {  	v3 =	vadd.s32 v1, v3;
	_ =	sdelay $0x2  }
0x27: {  	[tilespmem:s7], [sflag:$0x1] =	stream.indirect_vreg.gather [hbm4b:s3+s2], $0x80, v4, vm0, $0xb8;
	[tilespmem:$0x10100] =	vst v63  }
0x28: {  	s1 =	rddreg [dreg:$0x3]  }
0x29: {  	[tilespmem:s1], [sflag:$0x1] =	stream.indirect_vreg.gather [hbm4b:s3+s2], $0x80, v3, vm0, $0xb8;
	[tilespmem:$0x10100] =	vst v63  }
0x2a: {  	v3 =	vld [tilespmem:$0x10];
	_ =	sdelay $0x4  }
0x2b: {  	v49 =	vshll.u32 v3, $0x1  }
0x2c: {  	v3 =	vand.u32 $0x7, v3;
	v4 =	vand.u32 $0xFFFFFFF0, v49  }
0x2d: {  	v3 =	vor.u32 v3, v4  }
0x2e: {  	v4 =	vperm.xlane v3, v0;
	_ =	sdelay $0x1  }
0x2f: {  	v3 =	vperm.xlane v3, v2;
	v4 =	vadd.s32 v1, v4;
	_ =	sdelay $0x1  }
0x30: {  	v3 =	vadd.s32 v1, v3;
	_ =	sdelay $0x1  }
0x31: {  	s4 =	rddreg [dreg:$0x4]  }
0x32: {  	[tilespmem:s4], [sflag:$0x1] =	stream.indirect_vreg.gather [hbm4b:s3+s2], $0x80, v4, vm0, $0xb8;
	[tilespmem:$0x10100] =	vst v63  }
0x33: {  	s1 =	rddreg [dreg:$0x5]  }
0x34: {  	[tilespmem:s1], [sflag:$0x1] =	stream.indirect_vreg.gather [hbm4b:s3+s2], $0x80, v3, vm0, $0xb8;
	[tilespmem:$0x10100] =	vst v63  }
0x35: {  	v3 =	vld [tilespmem:$0x20];
	_ =	sdelay $0x4  }
0x36: {  	v50 =	vshll.u32 v3, $0x1  }
0x37: {  	v3 =	vand.u32 $0x7, v3;
	v4 =	vand.u32 $0xFFFFFFF0, v50  }
0x38: {  	v3 =	vor.u32 v3, v4  }
0x39: {  	v4 =	vperm.xlane v3, v0;
	_ =	sdelay $0x1  }
0x3a: {  	v3 =	vperm.xlane v3, v2;
	v4 =	vadd.s32 v1, v4;
	_ =	sdelay $0x1  }
0x3b: {  	v3 =	vadd.s32 v1, v3;
	_ =	sdelay $0x1  }
0x3c: {  	s1 =	rddreg [dreg:$0x6]  }
0x3d: {  	[tilespmem:s1], [sflag:$0x1] =	stream.indirect_vreg.gather [hbm4b:s3+s2], $0x80, v4, vm0, $0xb8;
	[tilespmem:$0x10100] =	vst v63  }
0x3e: {  	s4 =	rddreg [dreg:$0x7]  }
0x3f: {  	[tilespmem:s4], [sflag:$0x1] =	stream.indirect_vreg.gather [hbm4b:s3+s2], $0x80, v3, vm0, $0xb8;
	[tilespmem:$0x10100] =	vst v63  }
0x40: {  	v3 =	vld [tilespmem:$0x30];
	_ =	sdelay $0x4  }
0x41: {  	v51 =	vshll.u32 v3, $0x1  }
0x42: {  	v3 =	vand.u32 $0x7, v3;
	v4 =	vand.u32 $0xFFFFFFF0, v51  }
0x43: {  	v3 =	vor.u32 v3, v4  }
0x44: {  	v4 =	vperm.xlane v3, v0;
	_ =	sdelay $0x1  }
0x45: {  	v3 =	vperm.xlane v3, v2;
	v4 =	vadd.s32 v1, v4;
	_ =	sdelay $0x1  }
0x46: {  	v3 =	vadd.s32 v1, v3;
	_ =	sdelay $0x1  }
0x47: {  	s1 =	rddreg [dreg:$0x8]  }
0x48: {  	[tilespmem:s1], [sflag:$0x1] =	stream.indirect_vreg.gather [hbm4b:s3+s2], $0x80, v4, vm0, $0xb8;
	[tilespmem:$0x10100] =	vst v63  }
0x49: {  	s4 =	rddreg [dreg:$0x9]  }
0x4a: {  	[tilespmem:s4], [sflag:$0x1] =	stream.indirect_vreg.gather [hbm4b:s3+s2], $0x80, v3, vm0, $0xb8;
	[tilespmem:$0x10100] =	vst v63  }
0x4b: {  	v3 =	vld [tilespmem:$0x40];
	_ =	sdelay $0x4  }
0x4c: {  	v52 =	vshll.u32 v3, $0x1  }
0x4d: {  	v3 =	vand.u32 $0x7, v3;
	v4 =	vand.u32 $0xFFFFFFF0, v52  }
0x4e: {  	v3 =	vor.u32 v3, v4  }
0x4f: {  	v4 =	vperm.xlane v3, v0;
	_ =	sdelay $0x1  }
0x50: {  	v3 =	vperm.xlane v3, v2;
	v4 =	vadd.s32 v1, v4;
	_ =	sdelay $0x1  }
0x51: {  	v3 =	vadd.s32 v1, v3;
	_ =	sdelay $0x1  }
0x52: {  	s1 =	rddreg [dreg:$0xa]  }
0x53: {  	[tilespmem:s1], [sflag:$0x1] =	stream.indirect_vreg.gather [hbm4b:s3+s2], $0x80, v4, vm0, $0xb8;
	[tilespmem:$0x10100] =	vst v63  }
0x54: {  	s4 =	rddreg [dreg:$0xb]  }
0x55: {  	[tilespmem:s4], [sflag:$0x1] =	stream.indirect_vreg.gather [hbm4b:s3+s2], $0x80, v3, vm0, $0xb8;
	[tilespmem:$0x10100] =	vst v63  }
0x56: {  	v3 =	vld [tilespmem:$0x50];
	_ =	sdelay $0x4  }
0x57: {  	v53 =	vshll.u32 v3, $0x1  }
0x58: {  	v3 =	vand.u32 $0x7, v3;
	v4 =	vand.u32 $0xFFFFFFF0, v53  }
0x59: {  	v3 =	vor.u32 v3, v4  }
0x5a: {  	v4 =	vperm.xlane v3, v0;
	_ =	sdelay $0x1  }
0x5b: {  	v3 =	vperm.xlane v3, v2;
	v4 =	vadd.s32 v1, v4;
	_ =	sdelay $0x1  }
0x5c: {  	v3 =	vadd.s32 v1, v3;
	_ =	sdelay $0x1  }
0x5d: {  	s4 =	rddreg [dreg:$0xc]  }
0x5e: {  	[tilespmem:s4], [sflag:$0x1] =	stream.indirect_vreg.gather [hbm4b:s3+s2], $0x80, v4, vm0, $0xb8;
	[tilespmem:$0x10100] =	vst v63  }
0x5f: {  	_ = 	snop  }
0x60: {  	[tilespmem:s8], [sflag:$0x1] =	stream.indirect_vreg.gather [hbm4b:s3+s2], $0x80, v3, vm0, $0xb8;
	[tilespmem:$0x10100] =	vst v63  }
0x61: {  	v3 =	vld [tilespmem:$0x60];
	_ =	sdelay $0x4  }
0x62: {  	v54 =	vshll.u32 v3, $0x1  }
0x63: {  	v3 =	vand.u32 $0x7, v3;
	v4 =	vand.u32 $0xFFFFFFF0, v54  }
0x64: {  	v3 =	vor.u32 v3, v4  }
0x65: {  	v4 =	vperm.xlane v3, v0;
	_ =	sdelay $0x1  }
0x66: {  	v3 =	vperm.xlane v3, v2;
	v4 =	vadd.s32 v1, v4;
	_ =	sdelay $0x1  }
0x67: {  	v3 =	vadd.s32 v1, v3;
	_ =	sdelay $0x2  }
0x68: {  	[tilespmem:s9], [sflag:$0x1] =	stream.indirect_vreg.gather [hbm4b:s3+s2], $0x80, v4, vm0, $0xb8;
	[tilespmem:$0x10100] =	vst v63  }
0x69: {  	_ = 	snop  }
0x6a: {  	[tilespmem:s10], [sflag:$0x1] =	stream.indirect_vreg.gather [hbm4b:s3+s2], $0x80, v3, vm0, $0xb8;
	[tilespmem:$0x10100] =	vst v63  }
0x6b: {  	v3 =	vld [tilespmem:$0x70];
	_ =	sdelay $0x4  }
0x6c: {  	v55 =	vshll.u32 v3, $0x1  }
0x6d: {  	v3 =	vand.u32 $0x7, v3;
	v4 =	vand.u32 $0xFFFFFFF0, v55  }
0x6e: {  	v3 =	vor.u32 v3, v4  }
0x6f: {  	v4 =	vperm.xlane v3, v0;
	_ =	sdelay $0x1  }
0x70: {  	v3 =	vperm.xlane v3, v2;
	v4 =	vadd.s32 v1, v4;
	_ =	sdelay $0x1  }
0x71: {  	v3 =	vadd.s32 v1, v3;
	_ =	sdelay $0x2  }
0x72: {  	[tilespmem:s11], [sflag:$0x1] =	stream.indirect_vreg.gather [hbm4b:s3+s2], $0x80, v4, vm0, $0xb8;
	[tilespmem:$0x10100] =	vst v63  }
0x73: {  	_ = 	snop  }
0x74: {  	[tilespmem:s12], [sflag:$0x1] =	stream.indirect_vreg.gather [hbm4b:s3+s2], $0x80, v3, vm0, $0xb8;
	[tilespmem:$0x10100] =	vst v63  }
0x75: {  	v3 =	vld [tilespmem:$0x80];
	_ =	sdelay $0x4  }
0x76: {  	v56 =	vshll.u32 v3, $0x1  }
0x77: {  	v3 =	vand.u32 $0x7, v3;
	v4 =	vand.u32 $0xFFFFFFF0, v56  }
0x78: {  	v3 =	vor.u32 v3, v4  }
0x79: {  	v4 =	vperm.xlane v3, v0;
	_ =	sdelay $0x1  }
0x7a: {  	v3 =	vperm.xlane v3, v2;
	v4 =	vadd.s32 v1, v4;
	_ =	sdelay $0x1  }
0x7b: {  	v3 =	vadd.s32 v1, v3;
	_ =	sdelay $0x2  }
0x7c: {  	[tilespmem:s13], [sflag:$0x1] =	stream.indirect_vreg.gather [hbm4b:s3+s2], $0x80, v4, vm0, $0xb8;
	[tilespmem:$0x10100] =	vst v63  }
0x7d: {  	_ = 	snop  }
0x7e: {  	[tilespmem:s14], [sflag:$0x1] =	stream.indirect_vreg.gather [hbm4b:s3+s2], $0x80, v3, vm0, $0xb8;
	[tilespmem:$0x10100] =	vst v63  }
0x7f: {  	v3 =	vld [tilespmem:$0x90];
	_ =	sdelay $0x4  }
0x80: {  	v57 =	vshll.u32 v3, $0x1  }
0x81: {  	v3 =	vand.u32 $0x7, v3;
	v4 =	vand.u32 $0xFFFFFFF0, v57  }
0x82: {  	v3 =	vor.u32 v3, v4  }
0x83: {  	v4 =	vperm.xlane v3, v0;
	_ =	sdelay $0x1  }
0x84: {  	v3 =	vperm.xlane v3, v2;
	v4 =	vadd.s32 v1, v4;
	_ =	sdelay $0x1  }
0x85: {  	v3 =	vadd.s32 v1, v3;
	_ =	sdelay $0x2  }
0x86: {  	[tilespmem:s15], [sflag:$0x1] =	stream.indirect_vreg.gather [hbm4b:s3+s2], $0x80, v4, vm0, $0xb8;
	[tilespmem:$0x10100] =	vst v63  }
0x87: {  	_ = 	snop  }
0x88: {  	[tilespmem:s16], [sflag:$0x1] =	stream.indirect_vreg.gather [hbm4b:s3+s2], $0x80, v3, vm0, $0xb8;
	[tilespmem:$0x10100] =	vst v63  }
0x89: {  	v3 =	vld [tilespmem:$0xA0];
	_ =	sdelay $0x4  }
0x8a: {  	v58 =	vshll.u32 v3, $0x1  }
0x8b: {  	v3 =	vand.u32 $0x7, v3;
	v4 =	vand.u32 $0xFFFFFFF0, v58  }
0x8c: {  	v3 =	vor.u32 v3, v4  }
0x8d: {  	v4 =	vperm.xlane v3, v0;
	_ =	sdelay $0x1  }
0x8e: {  	v3 =	vperm.xlane v3, v2;
	v4 =	vadd.s32 v1, v4;
	_ =	sdelay $0x1  }
0x8f: {  	v3 =	vadd.s32 v1, v3;
	_ =	sdelay $0x2  }
0x90: {  	[tilespmem:s17], [sflag:$0x1] =	stream.indirect_vreg.gather [hbm4b:s3+s2], $0x80, v4, vm0, $0xb8;
	[tilespmem:$0x10100] =	vst v63  }
0x91: {  	_ = 	snop  }
0x92: {  	[tilespmem:s18], [sflag:$0x1] =	stream.indirect_vreg.gather [hbm4b:s3+s2], $0x80, v3, vm0, $0xb8;
	[tilespmem:$0x10100] =	vst v63  }
0x93: {  	v3 =	vld [tilespmem:$0xB0];
	_ =	sdelay $0x4  }
0x94: {  	v59 =	vshll.u32 v3, $0x1  }
0x95: {  	v3 =	vand.u32 $0x7, v3;
	v4 =	vand.u32 $0xFFFFFFF0, v59  }
0x96: {  	v3 =	vor.u32 v3, v4  }
0x97: {  	v4 =	vperm.xlane v3, v0;
	_ =	sdelay $0x1  }
0x98: {  	v3 =	vperm.xlane v3, v2;
	v4 =	vadd.s32 v1, v4;
	_ =	sdelay $0x1  }
0x99: {  	v3 =	vadd.s32 v1, v3;
	_ =	sdelay $0x2  }
0x9a: {  	[tilespmem:s19], [sflag:$0x1] =	stream.indirect_vreg.gather [hbm4b:s3+s2], $0x80, v4, vm0, $0xb8;
	[tilespmem:$0x10100] =	vst v63  }
0x9b: {  	_ = 	snop  }
0x9c: {  	[tilespmem:s20], [sflag:$0x1] =	stream.indirect_vreg.gather [hbm4b:s3+s2], $0x80, v3, vm0, $0xb8;
	[tilespmem:$0x10100] =	vst v63  }
0x9d: {  	v3 =	vld [tilespmem:$0xC0];
	_ =	sdelay $0x4  }
0x9e: {  	v60 =	vshll.u32 v3, $0x1  }
0x9f: {  	v3 =	vand.u32 $0x7, v3;
	v4 =	vand.u32 $0xFFFFFFF0, v60  }
0xa0: {  	v3 =	vor.u32 v3, v4  }
0xa1: {  	v4 =	vperm.xlane v3, v0;
	_ =	sdelay $0x1  }
0xa2: {  	v3 =	vperm.xlane v3, v2;
	v4 =	vadd.s32 v1, v4;
	_ =	sdelay $0x1  }
0xa3: {  	v3 =	vadd.s32 v1, v3;
	_ =	sdelay $0x2  }
0xa4: {  	[tilespmem:s21], [sflag:$0x1] =	stream.indirect_vreg.gather [hbm4b:s3+s2], $0x80, v4, vm0, $0xb8;
	[tilespmem:$0x10100] =	vst v63  }
0xa5: {  	_ = 	snop  }
0xa6: {  	[tilespmem:s22], [sflag:$0x1] =	stream.indirect_vreg.gather [hbm4b:s3+s2], $0x80, v3, vm0, $0xb8;
	[tilespmem:$0x10100] =	vst v63  }
0xa7: {  	v3 =	vld [tilespmem:$0xD0];
	_ =	sdelay $0x4  }
0xa8: {  	v61 =	vshll.u32 v3, $0x1  }
0xa9: {  	v3 =	vand.u32 $0x7, v3;
	v4 =	vand.u32 $0xFFFFFFF0, v61  }
0xaa: {  	v3 =	vor.u32 v3, v4  }
0xab: {  	v4 =	vperm.xlane v3, v0;
	_ =	sdelay $0x1  }
0xac: {  	v3 =	vperm.xlane v3, v2;
	v4 =	vadd.s32 v1, v4;
	_ =	sdelay $0x1  }
0xad: {  	v3 =	vadd.s32 v1, v3;
	_ =	sdelay $0x2  }
0xae: {  	[tilespmem:s23], [sflag:$0x1] =	stream.indirect_vreg.gather [hbm4b:s3+s2], $0x80, v4, vm0, $0xb8;
	[tilespmem:$0x10100] =	vst v63  }
0xaf: {  	_ = 	snop  }
0xb0: {  	[tilespmem:s24], [sflag:$0x1] =	stream.indirect_vreg.gather [hbm4b:s3+s2], $0x80, v3, vm0, $0xb8;
	[tilespmem:$0x10100] =	vst v63  }
0xb1: {  	v3 =	vld [tilespmem:$0xE0];
	_ =	sdelay $0x4  }
0xb2: {  	v62 =	vshll.u32 v3, $0x1  }
0xb3: {  	v3 =	vand.u32 $0x7, v3;
	v4 =	vand.u32 $0xFFFFFFF0, v62  }
0xb4: {  	v3 =	vor.u32 v3, v4  }
0xb5: {  	v4 =	vperm.xlane v3, v0;
	_ =	sdelay $0x1  }
0xb6: {  	v3 =	vperm.xlane v3, v2;
	v4 =	vadd.s32 v1, v4;
	_ =	sdelay $0x1  }
0xb7: {  	v3 =	vadd.s32 v1, v3;
	_ =	sdelay $0x2  }
0xb8: {  	[tilespmem:s25], [sflag:$0x1] =	stream.indirect_vreg.gather [hbm4b:s3+s2], $0x80, v4, vm0, $0xb8;
	[tilespmem:$0x10100] =	vst v63  }
0xb9: {  	_ = 	snop  }
0xba: {  	[tilespmem:s26], [sflag:$0x1] =	stream.indirect_vreg.gather [hbm4b:s3+s2], $0x80, v3, vm0, $0xb8;
	[tilespmem:$0x10100] =	vst v63  }
0xbb: {  	v3 =	vld [tilespmem:$0xF0];
	_ =	sdelay $0x4  }
0xbc: {  	v63 =	vshll.u32 v3, $0x1  }
0xbd: {  	v3 =	vand.u32 $0x7, v3;
	v4 =	vand.u32 $0xFFFFFFF0, v63  }
0xbe: {  	v3 =	vor.u32 v3, v4  }
0xbf: {  	v4 =	vperm.xlane v3, v0;
	_ =	sdelay $0x1  }
0xc0: {  	v3 =	vperm.xlane v3, v2;
	v4 =	vadd.s32 v1, v4;
	_ =	sdelay $0x1  }
0xc1: {  	v3 =	vadd.s32 v1, v3;
	_ =	sdelay $0x2  }
0xc2: {  	[tilespmem:s28], [sflag:$0x1] =	stream.indirect_vreg.gather [hbm4b:s3+s2], $0x80, v4, vm0, $0xb8;
	[tilespmem:$0x10100] =	vst v63  }
0xc3: {  	_ = 	snop  }
0xc4: {  	[tilespmem:s29], [sflag:$0x1] =	stream.indirect_vreg.gather [hbm4b:s3+s2], $0x80, v3, vm0, $0xb8;
	[tilespmem:$0x10100] =	vst v63  }
0xc5: {  	_ =	swait.ge [sflag:s30], $0x10000  }
0xc6: {  	p0 =	sne.s32 s0, $0x120;
	[sflag:s30] =	ssyncset.done $0x0  }
.Ltmp0:
0xc7: {  	[sflag:s30] =	ssyncadd.s32 $0xFFFF0000;
	(pc) =	sbr.rel @p0 .LBB2_2-.Ltmp0, $4  }
0xc8: {  	[hbm4b:s5+s2] =	stream.linear.scatter [tilespmem:s7], [sflag:$0x2], $0x10000, $0x38;
	[tilespmem:$0x10100] =	vst v63  }
0xc9: {  	_ =	swait.ge [sflag:s6], $0x10000  }
0xca: {  	[sflag:s6] =	ssyncset.done $0x0  }
0xcb: {  	s0 =	sadd.s32 $0x20, s0;
	s5 =	sadd.s32 $0x2000, s5;
	[sflag:s6] =	ssyncadd.s32 $0xFFFF0000  }
0xcc: {  	s31 =	sadd.s32 $0x1, s31;
	s0 =	rddreg [dreg:$0xd]  }
0xcd: {  	p0 =	sne.s32 s31, s0  }
.Ltmp1:
0xce: {  	_ = 	snop;
	(pc) =	sbr.rel @p0 .LBB2_1-.Ltmp1, $1  }
0xcf: {  	_ =	sdelay $0x3  }
0xd0: {  	_ =	sfence.sel $0x180000  }
0xd1: {  	[bflag:$0x0] =	sbarrier.arrive $0xFFFF  }
0xd2: {  	_ =	strace $0x9000004A  }
0xd3: {  	s0 =	stileid.u32;
	[bflag:$0x2] =	sbarrier.arrive $0xFFFF  }
0xd4: {  	p0 =	sne.s32 s0, $0x0;
	s0 =	rddreg [dreg:$0x1]  }
0xd5: {  	s0 =	sadd.s32 @!p0 $0x100000, s0  }
0xd6: {  	[sflag:s0] =	ssyncadd.tile.s32 @!p0 $0x1;
	_ =	shalt  }
.Lfunc_end2:
_tile_overlayer_lowered:
.L_overlay_start_2:
0xd7: {  	(tag) =	ssettag $0x2  }
0xd8: {  	s0 =	rddreg [dreg:$0x0];
	s2 =	stileid.u32  }
0xd9: {  	s1 =	rddreg [dreg:$0x1];
	p0 =	sne.s32 s2, $0x0  }
0xda: {  	s3 =	rddreg [dreg:$0x2];
	[bflag:$0x3] =	sbarrier.arrive $0xFFFF;
	s2 =	simm.s32 @!p0 $0x1C02  }
0xdb: {  	[timem:s3], [sflag:s2] =	dma.local @!p0 [hbm:s0], s1  }
0xdc: {  	s0 =	simm.s32 @!p0 $0x2  }
0xdd: {  	_ =	swait.ge @!p0 [sflag:s0], s1  }
0xde: {  	s1 =	ssub.s32 @!p0 $0x0, s1;
	[sflag:s0] =	ssyncset.done @!p0 $0x0  }
0xdf: {  	[sflag:s0] =	ssyncadd.s32 @!p0 s1  }
0xe0: {  	[bflag:$0x3] =	sbarrier.arrive $0xFFFF  }
0xe1: {  	_ =	shalt  }

</sc_bundles>
